<compile_context>
chip_gen: v7x
topology: tpu7x:2x2x1
jax: 0.10.2.dev20260603
libtpu: 0.0.44.dev20260713+nightly
codegen_flags: <defaults>
</compile_context>

<pallas_src>
import numpy as np
import jax
import jax.numpy as jnp
from jax.experimental import pallas as pl

_NODES_PER_DIALOGUE = 20
_NUM_SAMPLES = 20
_NUM_LAYERS = 2


def _sample_pairs(batch_np):
    rng = np.random.default_rng(0)
    src_list, dst_list, path_labels, turn_labels = [], [], [], []
    for b in np.unique(batch_np):
        idxs = np.nonzero(batch_np == b)[0]
        start = int(idxs[0]); n = int(idxs.size)
        num_samples = min(_NUM_SAMPLES, n * (n - 1) // 2)
        if num_samples <= 0:
            continue
        pairs = [(i, j) for i in range(start, start + n) for j in range(i + 1, start + n)]
        sel = rng.choice(len(pairs), size=num_samples, replace=False)
        for s in sel:
            i, j = pairs[int(s)]
            src_list.append(i); dst_list.append(j)
            d = abs((i - start) - (j - start))
            path_labels.append(float(d))
            turn_labels.append(float(d == 1))
    return (np.array([src_list, dst_list], dtype=np.int32),
            np.array(path_labels, dtype=np.float32)[:, None],
            np.array(turn_labels, dtype=np.float32)[:, None])


def _hht_block(a_ref, b_ref, o_ref):
    o_ref[...] = jax.lax.dot_general(
        a_ref[...], b_ref[...], (((1,), (1,)), ((), ())),
        preferred_element_type=jnp.float32)


def _hht(h):
    n, d = h.shape
    B = 400
    return pl.pallas_call(
        _hht_block,
        grid=(n // B,),
        in_specs=[pl.BlockSpec((B, d), lambda i: (i, 0)),
                  pl.BlockSpec((n, d), lambda i: (0, 0))],
        out_specs=pl.BlockSpec((B, n), lambda i: (i, 0)),
        out_shape=jax.ShapeDtypeStruct((n, n), jnp.float32),
    )(h, h)


def _gat_layer(x, src, dst, edge_attr, W, We, a_src, a_dst, a_e, b):
    h = x @ W
    e = edge_attr @ We
    alpha = jax.nn.leaky_relu(
        (h[src] * a_src).sum(-1) + (h[dst] * a_dst).sum(-1) + (e * a_e).sum(-1),
        negative_slope=0.2)
    amax = jax.ops.segment_max(alpha, dst, num_segments=x.shape[0])
    amax = jnp.where(jnp.isfinite(amax), amax, 0.0)
    ex = jnp.exp(alpha - amax[dst])
    denom = jax.ops.segment_sum(ex, dst, num_segments=x.shape[0])
    coef = ex / (denom[dst] + 1e-16)
    msg = (h[src] + e) * coef[:, None]
    return jax.ops.segment_sum(msg, dst, num_segments=x.shape[0]) + b


def kernel(x, edge_index, batch, edge_attr, params):
    n_nodes = x.shape[0]
    n_dialogues = batch.shape[0] // _NODES_PER_DIALOGUE
    batch_np = np.repeat(np.arange(n_dialogues, dtype=np.int32), _NODES_PER_DIALOGUE)
    pairs_np, path_labels_np, turn_labels_np = _sample_pairs(batch_np)
    pairs = jnp.asarray(pairs_np)
    same_dialogue = (batch[pairs[0]] == batch[pairs[1]]).astype(jnp.float32)[:, None]

    src, dst = edge_index[0], edge_index[1]
    h = x
    for l in range(_NUM_LAYERS):
        h = _gat_layer(h, src, dst, edge_attr,
                       params[f"W{l}"], params[f"We{l}"],
                       params[f"a_src{l}"], params[f"a_dst{l}"], params[f"a_e{l}"],
                       params[f"b{l}"])
        if l < _NUM_LAYERS - 1:
            h = jax.nn.elu(h)

    def pair_mlp(h, W1, b1, W2, b2):
        z = jnp.concatenate([h[pairs[0]], h[pairs[1]]], axis=-1)
        z = jax.nn.relu(z @ W1 + b1)
        return z @ W2 + b2

    path_logits = pair_mlp(h, params["Wp1"], params["bp1"], params["Wp2"], params["bp2"])
    turn_logits = pair_mlp(h, params["Wt1"], params["bt1"], params["Wt2"], params["bt2"])

    adj_recon_logits = _hht(h)
    adj_recon_labels = jnp.zeros((n_nodes, n_nodes), jnp.float32).at[
        edge_index[0], edge_index[1]].add(1.0)

    return (path_logits, turn_logits, adj_recon_logits,
            jnp.asarray(path_labels_np) * same_dialogue,
            jnp.asarray(turn_labels_np) * same_dialogue, adj_recon_labels)

# --- scband reference (transcript-rebuilt; emitter-appended) ---
"""Pipeline reference for scband-dgat-for-pre-training-82884278878924 (READ-ONLY COPY).

The authoritative reference and input builder live on the scoring server;
editing this copy changes nothing except your own understanding.
"""

import jax, jax.numpy as jnp
import numpy as np

N_NODES = 10000
N_EDGES = 160000
INPUT_DIM = 128
HIDDEN_DIM = 256
OUTPUT_DIM = 128
EDGE_DIM = 16
NUM_LAYERS = 2
N_DIALOGUES = 500
NODES_PER_DIALOGUE = 20
NUM_SAMPLES = 20


def make_params(key):
    ks = jax.random.split(key, 32)
    def g(k, shape):
        return jax.random.normal(k, shape, dtype=jnp.float32) * (1.0 / np.sqrt(shape[0]))
    dims = [INPUT_DIM, HIDDEN_DIM, OUTPUT_DIM]
    params = {}
    i = 0
    for l in range(NUM_LAYERS):
        d_in, d_out = dims[l], dims[l + 1]
        params[f"W{l}"] = g(ks[i], (d_in, d_out)); i += 1
        params[f"We{l}"] = g(ks[i], (EDGE_DIM, d_out)); i += 1
        params[f"a_src{l}"] = g(ks[i], (d_out,)); i += 1
        params[f"a_dst{l}"] = g(ks[i], (d_out,)); i += 1
        params[f"a_e{l}"] = g(ks[i], (d_out,)); i += 1
        params[f"b{l}"] = jnp.zeros((d_out,), jnp.float32)
    params["Wp1"] = g(ks[i], (2 * OUTPUT_DIM, OUTPUT_DIM)); i += 1
    params["bp1"] = jnp.zeros((OUTPUT_DIM,), jnp.float32)
    params["Wp2"] = g(ks[i], (OUTPUT_DIM, 1)); i += 1
    params["bp2"] = jnp.zeros((1,), jnp.float32)
    params["Wt1"] = g(ks[i], (2 * OUTPUT_DIM, OUTPUT_DIM)); i += 1
    params["bt1"] = jnp.zeros((OUTPUT_DIM,), jnp.float32)
    params["Wt2"] = g(ks[i], (OUTPUT_DIM, 1)); i += 1
    params["bt2"] = jnp.zeros((1,), jnp.float32)
    return params


def sample_pairs(batch_np):
    rng = np.random.default_rng(0)
    src_list, dst_list, path_labels, turn_labels = [], [], [], []
    for b in np.unique(batch_np):
        idxs = np.nonzero(batch_np == b)[0]
        start = int(idxs[0]); n = int(idxs.size)
        num_samples = min(NUM_SAMPLES, n * (n - 1) // 2)
        if num_samples <= 0:
            continue
        pairs = [(i, j) for i in range(start, start + n) for j in range(i + 1, start + n)]
        sel = rng.choice(len(pairs), size=num_samples, replace=False)
        for s in sel:
            i, j = pairs[int(s)]
            src_list.append(i); dst_list.append(j)
            d = abs((i - start) - (j - start))
            path_labels.append(float(d))
            turn_labels.append(float(d == 1))
    return (np.array([src_list, dst_list], dtype=np.int32),
            np.array(path_labels, dtype=np.float32)[:, None],
            np.array(turn_labels, dtype=np.float32)[:, None])


def gat_layer(x, src, dst, edge_attr, W, We, a_src, a_dst, a_e, b):
    h = x @ W
    e = edge_attr @ We
    alpha = jax.nn.leaky_relu(
        (h[src] * a_src).sum(-1) + (h[dst] * a_dst).sum(-1) + (e * a_e).sum(-1),
        negative_slope=0.2)
    amax = jax.ops.segment_max(alpha, dst, num_segments=x.shape[0])
    amax = jnp.where(jnp.isfinite(amax), amax, 0.0)
    ex = jnp.exp(alpha - amax[dst])
    denom = jax.ops.segment_sum(ex, dst, num_segments=x.shape[0])
    coef = ex / (denom[dst] + 1e-16)
    msg = (h[src] + e) * coef[:, None]
    return jax.ops.segment_sum(msg, dst, num_segments=x.shape[0]) + b


def encoder(x, edge_index, edge_attr, params):
    src, dst = edge_index[0], edge_index[1]
    h = x
    for l in range(NUM_LAYERS):
        h = gat_layer(h, src, dst, edge_attr,
                      params[f"W{l}"], params[f"We{l}"],
                      params[f"a_src{l}"], params[f"a_dst{l}"], params[f"a_e{l}"],
                      params[f"b{l}"])
        if l < NUM_LAYERS - 1:
            h = jax.nn.elu(h)
    return h


def pair_mlp(h, pairs, W1, b1, W2, b2):
    z = jnp.concatenate([h[pairs[0]], h[pairs[1]]], axis=-1)
    z = jax.nn.relu(z @ W1 + b1)
    return z @ W2 + b2


def setup_inputs(seed: int = 0):
    key = jax.random.key(seed)
    k1, k2, k3, k4 = jax.random.split(key, 4)
    x = jax.random.normal(k1, (N_NODES, INPUT_DIM), dtype=jnp.float32)
    edge_index = jax.random.randint(k2, (2, N_EDGES), 0, N_NODES, dtype=jnp.int32)
    batch = jnp.repeat(jnp.arange(N_DIALOGUES, dtype=jnp.int32), NODES_PER_DIALOGUE)
    edge_attr = jax.random.normal(k3, (N_EDGES, EDGE_DIM), dtype=jnp.float32)
    params = make_params(k4)
    return {"x": x, "edge_index": edge_index, "batch": batch, "edge_attr": edge_attr,
            "params": params}


def reference(x, edge_index, batch, edge_attr, params):
    n_dialogues = batch.shape[0] // NODES_PER_DIALOGUE
    batch_np = np.repeat(np.arange(n_dialogues, dtype=np.int32), NODES_PER_DIALOGUE)
    pairs_np, path_labels_np, turn_labels_np = sample_pairs(batch_np)
    pairs = jnp.asarray(pairs_np)
    same_dialogue = (batch[pairs[0]] == batch[pairs[1]]).astype(jnp.float32)[:, None]
    h = encoder(x, edge_index, edge_attr, params)
    path_logits = pair_mlp(h, pairs, params["Wp1"], params["bp1"], params["Wp2"], params["bp2"])
    turn_logits = pair_mlp(h, pairs, params["Wt1"], params["bt1"], params["Wt2"], params["bt2"])
    adj_recon_logits = h @ h.T
    adj_recon_labels = jnp.zeros((x.shape[0], x.shape[0]), jnp.float32).at[
        edge_index[0], edge_index[1]].add(1.0)
    return (path_logits, turn_logits, adj_recon_logits,
            jnp.asarray(path_labels_np) * same_dialogue,
            jnp.asarray(turn_labels_np) * same_dialogue, adj_recon_labels)

if __name__ == "__main__":
    import jax
    _d = setup_inputs()
    print(jax.jit(kernel)(*tuple(_d.values())))

</pallas_src>

<mosaic_0001>
module attributes {stable_mosaic.version = 14 : i64} {
  func.func @_hht_block(%arg0: i32, %arg1: memref<400x128xf32, #tpu.memory_space<vmem>>, %arg2: memref<10000x128xf32, #tpu.memory_space<vmem>>, %arg3: memref<400x10000xf32, #tpu.memory_space<vmem>>) attributes {dimension_semantics = [#tpu.dimension_semantics<arbitrary>], iteration_bounds = array<i64: 25>, scalar_prefetch = 0 : i64, scratch_operands = 0 : i64, tpu.core_type = #tpu.core_type<tc>, window_params = [{transform_indices = @transform_0, window_bounds = array<i64: 400, 128>}, {pipeline_mode = #tpu.pipeline_mode<synchronous>, transform_indices = @transform_1, window_bounds = array<i64: 10000, 128>}, {transform_indices = @transform_2, window_bounds = array<i64: 400, 10000>}]} {
    %get3A = arith.constant 0 : index
    %get3A_0 = arith.constant 0 : index
    %get3A_1 = vector.load %arg1[%get3A, %get3A_0] : memref<400x128xf32, #tpu.memory_space<vmem>>, vector<400x128xf32>
    %get3A_2 = arith.constant 0 : index
    %get3A_3 = arith.constant 0 : index
    %get3A_4 = vector.load %arg2[%get3A_2, %get3A_3] : memref<10000x128xf32, #tpu.memory_space<vmem>>, vector<10000x128xf32>
    %dot_general3A = arith.constant dense<0.000000e+00> : vector<400x10000xf32>
    %dot_general3A_5 = tpu.matmul %get3A_1, %get3A_4, %dot_general3A {dimension_numbers = #tpu.dot_dimension_numbers<[1], [1], [0], [0], [0, 0, 1, 0], [], []>, transpose_lhs_hint = false} : vector<400x128xf32>, vector<10000x128xf32>, vector<400x10000xf32> -> vector<400x10000xf32>
    %swap3A = arith.constant 0 : index
    %swap3A_6 = arith.constant 0 : index
    %swap3A_7 = vector.load %arg3[%swap3A, %swap3A_6] : memref<400x10000xf32, #tpu.memory_space<vmem>>, vector<400x10000xf32>
    tpu.vector_store %arg3[%swap3A, %swap3A_6], %dot_general3A_5 {strides = array<i32>} : memref<400x10000xf32, #tpu.memory_space<vmem>>, vector<400x10000xf32>,
    return
  }
  func.func @transform_0(%arg0: i32) -> (i32, i32) {
    %c0_i32 = arith.constant 0 : i32
    %c0_i32_0 = arith.constant 0 : i32
    return %arg0, %c0_i32 : i32, i32
  }
  func.func @transform_1(%arg0: i32) -> (i32, i32) {
    %c0_i32 = arith.constant 0 : i32
    %c0_i32_0 = arith.constant 0 : i32
    %c0_i32_1 = arith.constant 0 : i32
    return %c0_i32, %c0_i32_0 : i32, i32
  }
  func.func @transform_2(%arg0: i32) -> (i32, i32) {
    %c0_i32 = arith.constant 0 : i32
    %c0_i32_0 = arith.constant 0 : i32
    return %arg0, %c0_i32 : i32, i32
  }
}

</mosaic_0001>

<sc_bundles>
// kernel: gather_offload_async_start.1
scs
__scs_entry_jumppad:
0x0: {  	(pc) =	sbr.rel $0x88, $3  }
0x1: {  	(tag) =	ssettag $0x0;
	lr =	simm.s32 $0x1  }
0x2: {  	[smem:$0x3F89] =	sst lr;
	_ =	strace $0xD0000000  }
0x3: {  	_ = 	snop  }
0x4: {  	_ = 	snop  }
0x5: {  	_ = 	snop  }
0x6: {  	_ = 	snop  }
0x7: {  	_ = 	snop  }
__scs_overlays_trampoline_lowered:
0x8: {  	[smem:$0x3F98] =	sst s0  }
0x9: {  	[smem:$0x3F99] =	sst s1  }
0xa: {  	[smem:$0x3F9A] =	sst s2  }
0xb: {  	[smem:$0x3F9B] =	sst s3  }
0xc: {  	[smem:$0x3F9C] =	sst s4  }
0xd: {  	[smem:$0x3F9D] =	sst s5  }
0xe: {  	[smem:$0x3F9E] =	sst s6  }
0xf: {  	[smem:$0x3F9F] =	sst s7  }
0x10: {  	[smem:$0x3FA0] =	sst s8  }
0x11: {  	[smem:$0x3FA1] =	sst s9;
	s0 =	simm.s32 @!p0 $0x0  }
0x12: {  	s1 =	sld [smem:$0x3F87];
	s0 =	simm.s32 @p0 $0x1  }
0x13: {  	[smem:$0x3FA2] =	sst s0;
	s0 =	simm.s32 @!p1 $0x0  }
0x14: {  	s2 =	sld [smem:$0x3F86];
	s0 =	simm.s32 @p1 $0x1  }
0x15: {  	[smem:$0x3FA3] =	sst s0;
	s0 =	simm.s32 @!p2 $0x0  }
0x16: {  	s3 =	sld [smem:$0x3FDB];
	s0 =	simm.s32 @p2 $0x1  }
0x17: {  	s4 =	simm.s32 $0x1BF5;
	[smem:$0x3FA5] =	sst s0  }
0x18: {  	s0 =	sld [smem:$0x3F88];
	_ =	swait.ge [sflag:s4], $0x0  }
0x19: {  	s7 =	sld [smem:$0x3F89]  }
0x1a: {  	s8 =	sadd.s32 $0xFFFFE003, lr  }
0x1b: {  	s9 =	sadd.s32 $0xFFFFFEF7, lr;
	s5 =	simm.s32 $0xFFFFFFFF;
	p2 =	slt.u32 s8, $0xFFFFF086  }
0x1c: {  	p1 =	slt.u32 s9, $0xF7A;
	s5 =	simm.s32 @!p2 $0x0  }
0x1d: {  	s5 =	simm.s32 @p1 $0x1;
	p0 =	seq.s32 s7, s2  }
0x1e: {  	s7 =	smul.u32 @!p0 $0xF7A, s2;
	p2 =	seq.s32 @!p0 s5, $0x0  }
0x1f: {  	s9 =	smul.u32 $0xF7A, s1;
	s8 =	simm.s32 @!p0 $0x1BF5;
	p2 =	por !p2, p0  }
0x20: {  	[sflag:s8] =	ssyncset.s32 @!p0 $0xFFFFF086;
	s6 =	sadd.s32 @!p0 s3, s7;
	s7 =	simm.s32 @!p0 $0x108  }
0x21: {  	s3 =	sadd.s32 s3, s9;
	s6 =	sadd.s32 @!p0 $0x88, s6;
	s7 =	simm.s32 @p2 $0x1082  }
0x22: {  	[simem:s7], [sflag:s8] =	dma.local @!p0 [hbm:s6], $0xF7A  }
0x23: {  	s9 =	sor.u32 $0xD0000000, s2;
	s6 =	simm.s32 $0x108;
	_ =	swait.ge @!p0 [sflag:s8], $0x0  }
0x24: {  	s3 =	sadd.s32 $0x88, s3;
	s6 =	simm.s32 @!p1 $0x1082;
	[sflag:s4] =	ssyncset.s32 $0xFFFFF086  }
0x25: {  	[simem:s6], [sflag:s4] =	dma.local [hbm:s3], $0xF7A  }
0x26: {  	[smem:$0x3F89] =	sst s1;
	(tag) =	ssettag s2;
	_ =	strace s9  }
0x27: {  	s1 =	sld [smem:$0x3F99]  }
0x28: {  	s2 =	sld [smem:$0x3F9A]  }
0x29: {  	s4 =	sld [smem:$0x3F9C]  }
0x2a: {  	p0 =	seq.s32 s5, $0x0;
	s5 =	sld [smem:$0x3F9D]  }
0x2b: {  	s6 =	sld [smem:$0x3F9E]  }
0x2c: {  	s7 =	sld [smem:$0x3F9F]  }
0x2d: {  	s3 =	simm.s32 $0x108;
	s8 =	sld [smem:$0x3FA0]  }
0x2e: {  	s3 =	simm.s32 @!p0 $0x1082;
	s9 =	sld [smem:$0x3FA1]  }
0x2f: {  	lr =	sadd.s32 s0, s3;
	s0 =	sld [smem:$0x3F98]  }
0x30: {  	s3 =	sld [smem:$0x3F9B]  }
0x31: {  	[smem:$0x3FA4] =	sst s10  }
0x32: {  	s10 =	sld [smem:$0x3FA2];
	_ =	sdelay $0x3  }
0x33: {  	p0 =	seq.s32 s10, $0x1;
	s10 =	sld [smem:$0x3FA4];
	_ =	sdelay $0x3  }
0x34: {  	[smem:$0x3FA4] =	sst s10  }
0x35: {  	s10 =	sld [smem:$0x3FA3];
	_ =	sdelay $0x3  }
0x36: {  	p1 =	seq.s32 s10, $0x1;
	s10 =	sld [smem:$0x3FA4];
	_ =	sdelay $0x3  }
0x37: {  	[smem:$0x3FA4] =	sst s10  }
0x38: {  	s10 =	sld [smem:$0x3FA5]  }
0x39: {  	_ = 	snop;
	(pc) =	sbr.ind lr, $3  }
0x3a: {  	_ = 	snop  }
0x3b: {  	_ = 	snop  }
0x3c: {  	p2 =	seq.s32 s10, $0x1;
	s10 =	sld [smem:$0x3FA4]  }
0x3d: {  	_ =	shalt  }
0x3e: {  	_ =	shalt  }
0x3f: {  	_ =	shalt  }
0x40: {  	_ =	shalt  }
0x41: {  	_ =	shalt  }
0x42: {  	_ =	shalt  }
0x43: {  	_ =	shalt  }
0x44: {  	_ =	shalt  }
0x45: {  	_ =	shalt  }
0x46: {  	_ =	shalt  }
0x47: {  	_ =	shalt  }
0x48: {  	_ =	shalt  }
0x49: {  	_ =	shalt  }
0x4a: {  	_ =	shalt  }
0x4b: {  	_ =	shalt  }
0x4c: {  	_ =	shalt  }
0x4d: {  	_ =	shalt  }
0x4e: {  	_ =	shalt  }
0x4f: {  	_ =	shalt  }
0x50: {  	_ =	shalt  }
0x51: {  	_ =	shalt  }
0x52: {  	_ =	shalt  }
0x53: {  	_ =	shalt  }
0x54: {  	_ =	shalt  }
0x55: {  	_ =	shalt  }
0x56: {  	_ =	shalt  }
0x57: {  	_ =	shalt  }
0x58: {  	_ =	shalt  }
0x59: {  	_ =	shalt  }
0x5a: {  	_ =	shalt  }
0x5b: {  	_ =	shalt  }
0x5c: {  	_ =	shalt  }
0x5d: {  	_ =	shalt  }
0x5e: {  	_ =	shalt  }
0x5f: {  	_ =	shalt  }
0x60: {  	_ =	shalt  }
0x61: {  	_ =	shalt  }
0x62: {  	_ =	shalt  }
0x63: {  	_ =	shalt  }
0x64: {  	_ =	shalt  }
0x65: {  	_ =	shalt  }
0x66: {  	_ =	shalt  }
0x67: {  	_ =	shalt  }
0x68: {  	_ =	shalt  }
0x69: {  	_ =	shalt  }
0x6a: {  	_ =	shalt  }
0x6b: {  	_ =	shalt  }
0x6c: {  	_ =	shalt  }
0x6d: {  	_ =	shalt  }
0x6e: {  	_ =	shalt  }
0x6f: {  	_ =	shalt  }
0x70: {  	_ =	shalt  }
0x71: {  	_ =	shalt  }
0x72: {  	_ =	shalt  }
0x73: {  	_ =	shalt  }
0x74: {  	_ =	shalt  }
0x75: {  	_ =	shalt  }
0x76: {  	_ =	shalt  }
0x77: {  	_ =	shalt  }
0x78: {  	_ =	shalt  }
0x79: {  	_ =	shalt  }
0x7a: {  	_ =	shalt  }
0x7b: {  	_ =	shalt  }
0x7c: {  	_ =	shalt  }
0x7d: {  	_ =	shalt  }
0x7e: {  	_ =	shalt  }
0x7f: {  	_ =	shalt  }
0x80: {  	_ =	shalt  }
0x81: {  	_ =	shalt  }
0x82: {  	_ =	shalt  }
0x83: {  	_ =	shalt  }
0x84: {  	_ =	shalt  }
0x85: {  	_ =	shalt  }
0x86: {  	_ =	shalt  }
0x87: {  	_ =	shalt  }
.Lfunc_end0:
.L_simem_size_0:
called_computation.10_lowered:
.L_overlay_start_0:
0x88: {  	s0 =	sld [smem:$0x3FD9]  }
0x89: {  	s1 =	sld [smem:$0x3FFE];
	_ =	sdelay $0x3  }
0x8a: {  	s0 =	sadd.s32 s1, s0  }
0x8b: {  	[smem:$0x3FB0] =	sst s0  }
0x8c: {  	_ = 	snop  }
0x8d: {  	s0 =	sld [smem:$0x3FC7];
	(tm) =	ssettm $0x1  }
0x8e: {  	s16 =	sld [smem:$0x3FFB];
	_ =	sdelay $0x3  }
0x8f: {  	_ =	strace s16  }
0x90: {  	s1 =	sld [smem:$0x3FFC];
	_ =	sdelay $0x3  }
0x91: {  	_ =	strace s1  }
0x92: {  	s1 =	sld [smem:$0x3FFD];
	_ =	sdelay $0x3  }
0x93: {  	_ =	strace s1  }
0x94: {  	_ =	strace $0x8FFFFFFF  }
0x95: {  	s17 =	sld [smem:$0x3FDB];
	_ =	sdelay $0x1  }
0x96: {  	s2 =	simm.s32 $_scs_section_size  }
0x97: {  	s3 =	simm.s32 $_size__tile_overlayer_lowered;
	s4 =	simm.s32 $_tile_overlayer_lowered  }
0x98: {  	s20 =	simm.s32 $0x1BFF;
	s19 =	sshll.u32 s4, $0x1;
	s1 =	sadd.s32 s2, s17  }
0x99: {  	s5 =	simm.s32 $0x0;
	s18 =	sshll.u32 s3, $0x1;
	s3 =	sadd.s32 s19, s1  }
0x9a: {  	[timem:s5], [sflag:s20] =	dma.local [hbm:s3], s18  }
0x9b: {  	_ =	swait.ge [sflag:s20], s18  }
0x9c: {  	s2 =	ssub.s32 $0x0, s18;
	[sflag:s20] =	ssyncset.done $0x0  }
0x9d: {  	[sflag:s20] =	ssyncadd.s32 s2;
	_ =	sdelay $0x1  }
0x9e: {  	s21 =	simm.s32 $0x1B8B  }
0x9f: {  	_ =	swait.ge [sflag:s21], $0x1  }
0xa0: {  	[sflag:s21] =	ssyncset.done $0x0  }
0xa1: {  	s23 =	simm.s32 $0x1B8E;
	s22 =	sld [smem:$0x3FFE];
	[sflag:s21] =	ssyncadd.s32 $0xFFFFFFFF  }
0xa2: {  	s24 =	simm.s32 $execute0_lowered;
	[smem:$0x3FD2] =	sst s23  }
0xa3: {  	s3 =	sshll.u32 s24, $0x1;
	_ =	strace $0x80000061;
	[dreg:$0x1] =	wrdreg $0xFFFFFFFF  }
0xa4: {  	s25 =	simm.s32 $_size_execute0_lowered;
	s1 =	sadd.s32 s1, s3;
	[dreg:$0x0] =	wrdreg $0x0  }
0xa5: {  	s3 =	sshll.u32 s25, $0x1;
	[dreg:$0x2] =	wrdreg s1  }
0xa6: {  	[dreg:$0x3] =	wrdreg s3  }
0xa7: {  	[dreg:$0x4] =	wrdreg $0xC0  }
0xa8: {  	_ =	task [dreg:s5], $0x5FFFF  }
0xa9: {  	[dreg:$0x1] =	wrdreg $0xFFFFFFFF  }
0xaa: {  	[dreg:$0x0] =	wrdreg $0x60  }
0xab: {  	[dreg:$0x2] =	wrdreg s0  }
0xac: {  	[dreg:$0x3] =	wrdreg s22  }
0xad: {  	[dreg:$0x4] =	wrdreg $0xC  }
0xae: {  	_ =	task.clear_ibuf [dreg:s5], $0x5FFFF;
	_ =	strace $0x90000061  }
0xaf: {  	s26 =	simm.s32 $0xC;
	_ =	strace $0x80000063  }
0xb0: {  	_ =	swait.ge [sflag:s26], $0x1  }
0xb1: {  	[sflag:s26] =	ssyncadd.s32 $0xFFFFFFFF  }
0xb2: {  	_ =	strace $0x90000063  }
0xb3: {  	_ =	sfence  }
0xb4: {  	s28 =	sld [smem:$0x0];
	_ =	sdelay $0x1  }
0xb5: {  	s29 =	srdreg.scid  }
0xb6: {  	s30 =	sshll.u32 s29, $0xD;
	s31 =	sshrl.u32 s29, $0x2  }
0xb7: {  	s2 =	sand.u32 $0x4000, s30;
	s1 =	sand.u32 $0x1, s29;
	s0 =	sadd.s32 s31, s28  }
0xb8: {  	s1 =	sor.u32 s2, s1;
	s0 =	sshll.u32 s0, $0x11  }
0xb9: {  	s0 =	sor.u32 s0, s1  }
0xba: {  	s0 =	sadd.s32 $0x8F2B, s0  }
0xbb: {  	[sflag:s0] =	ssyncadd.remote.s32 $0x1  }
0xbc: {  	_ =	sfence.sel $0xFFFF  }
0xbd: {  	[dreg:$0x0] =	wrdreg $0xFFFFFFFF;
	(pc) =	sbr.abs _section_cstart, $3  }
0xbe: {  	[dreg:$0x1] =	wrdreg $0xFFFFFFFF  }
0xbf: {  	_ =	task.clear_ibuf [dreg:s5], $0x2FFFF;
	_ =	strace $0x9FFFFFFF  }
0xc0: {  	(tm) =	ssettm $0x7FFFFFFF  }
0xc1: {  	_ =	shalt  }
tec
execute0_lowered:
.L_overlay_start_1:
0x0: {  	(tag) =	ssettag $0x1  }
0x1: {  	s2 =	rddreg [dreg:$0x0]  }
0x2: {  	s3 =	rddreg [dreg:$0x1]  }
0x3: {  	s0 =	rddreg [dreg:$0x2];
	_ =	strace $0x80000062;
	s4 =	simm.s32 $0x1  }
0x4: {  	s1 =	stileid.u32;
	s7 =	simm.s32 $0x1;
	s8 =	simm.s32 $0x1  }
0x5: {  	s6 =	simm.s32 $0x2;
	s9 =	simm.s32 $0x3;
	s10 =	simm.s32 $0x0  }
.Ltmp0:
0x6: {  	s13 =	simm.s32 $0x0;
	p0 =	slt.u32 s1, $0xA;
	(pc) =	sbr.rel .LBB2_1-.Ltmp0, $4  }
0x7: {  	[sflag:s4] =	ssyncpa.u1 $0x0;
	s7 =	simm.s32 @!p0 $0x0;
	p0 =	sne.s32 s1, $0x9  }
0x8: {  	s5 =	smul.u32 $0x190, s1;
	[sflag:s6] =	ssyncpa.u1 $0x0;
	s8 =	simm.s32 @!p0 $0x0  }
0x9: {  	s12 =	simm.s32 $0x0;
	[sflag:s9] =	ssyncpa.u1 $0x0;
	s7 =	sadd.s32 s8, s7  }
0xa: {  	vm0 =	vmmov $0xffff;
	s11 =	smov.u32 s5;
	s8 =	sadd.s32 $0xA600, s3;
	s9 =	sadd.s32 $0x1, s7  }
.LBB2_4:
0xb: {  	v2 =	vnsel vm1, $0x0, v2  }
0xc: {  	vm1 =	vgt.s32 v0, $0x0;
	v2 =	vmin.u32 v2, $0x270F  }
0xd: {  	v0 =	vnsel vm1, $0x0, v0  }
0xe: {  	v0 =	vmin.u32 v0, $0x270F  }
0xf: {  	[tilespmem:s18], [sflag:$0x1] =	stream.indirect_vreg.gather [hbm4b:s2+s10], $0x1, v1, vm0, $0x4038;
	[tilespmem:$0x640] =	vst v63  }
0x10: {  	(ifvalue) =	ssetifvalue $0x7FFFFFFF  }
0x11: {  	[tilespmem:s15], [sflag:$0x1] =	stream.indirect_vreg.gather [hbm4b:s2+s10], $0x1, v2, vm0, $0x4038;
	[tilespmem:$0x640] =	vst v63  }
0x12: {  	s29 =	sadd.s32 $0x10, s15;
	(ifvalue) =	ssetifvalue $0x7FFFFFFF  }
0x13: {  	[tilespmem:s29], [sflag:$0x1] =	stream.indirect_vreg.gather [hbm4b:s2+s10], $0x1, v0, vm0, $0x4038;
	[tilespmem:$0x640] =	vst v63  }
0x14: {  	_ =	swait.ge [sflag:s4], $0x190  }
0x15: {  	s30 =	sshrl.u32 s13, $0x3;
	[sflag:s4] =	ssyncset.done $0x0  }
0x16: {  	s31 =	sand.u32 $0x7, s13;
	s15 =	sadd.s32 s3, s30;
	[sflag:s4] =	ssyncadd.s32 $0xFFFFFE70  }
0x17: {  	[hbm4b:s15+s31] =	stream.linear.scatter [tilespmem:s14], [sflag:$0x3], $0x190, $0x38;
	[tilespmem:$0x640] =	vst v63  }
.LBB2_5:
0x18: {  	s15 =	sadd.s32 $0x1900, s11  }
0x19: {  	p1 =	sgt.s32 s15, $0x270F  }
0x1a: {  	s15 =	smov.u32 @p1 s5;
	p1 =	sne.s32 s12, s9  }
.Ltmp1:
0x1b: {  	p0 =	slt.u32 s12, $0x2;
	(pc) =	sbr.rel @!p1 .LBB2_6-.Ltmp1, $4  }
0x1c: {  	s14 =	simm.s32 @!p0 $0x3  }
0x1d: {  	_ =	swait.ge @!p0 [sflag:s14], $0x190  }
0x1e: {  	s16 =	sadd.s32 $0x1, s12;
	s13 =	smov.u32 s11;
	[sflag:s14] =	ssyncset.done @!p0 $0x0  }
0x1f: {  	s12 =	smov.u32 s16;
	s11 =	smov.u32 s15;
	[sflag:s14] =	ssyncadd.s32 @!p0 $0xFFFFFE70  }
.LBB2_1:
0x20: {  	p0 =	sge.u32 s12, s7  }
0x21: {  	s14 =	sxor.u32 @!p0 $0x1, s12  }
0x22: {  	s14 =	smul.u32 @!p0 $0x640, s14  }
0x23: {  	s31 =	sadd.s32 $0xFFFFFFFF, s12;
	s15 =	sshrl.u32 @!p0 s11, $0x3  }
0x24: {  	s16 =	sand.u32 @!p0 $0x7, s11;
	s15 =	sadd.s32 @!p0 s8, s15;
	s14 =	sshra.s32 @!p0 s14, $0x2  }
0x25: {  	[tilespmem:s14], [sflag:$0x2] =	stream.linear.gather @!p0 [hbm4b:s15+s16], $0x190, $0x38;
	[tilespmem:$0x640] =	vst v63  }
0x26: {  	p0 =	sge.u32 s31, s7  }
.Ltmp2:
0x27: {  	_ = 	snop;
	(pc) =	sbr.rel @p0 .LBB2_5-.Ltmp2, $1  }
0x28: {  	_ =	sdelay $0x3  }
0x29: {  	s14 =	sand.u32 $0x1, s12  }
0x2a: {  	_ =	swait.ge [sflag:s6], $0x190;
	p0 =	seq.s32 s14, $0x1;
	s14 =	simm.s32 $0x190  }
0x2b: {  	[sflag:s6] =	ssyncset.done $0x0;
	s14 =	simm.s32 @!p0 $0x0  }
0x2c: {  	[sflag:s6] =	ssyncadd.s32 $0xFFFFFE70;
	(ifvalue) =	ssetifvalue $0x7FFFFFFF;
	v0 =	vld.msk [tilespmem:s14+$0x0 ss:$0x1], $0xffff;
	_ =	sdelay $0x4  }
0x2d: {  	s15 =	sadd.s32 $0x10, s14;
	vm1 =	vgt.s32 v0, $0x0  }
0x2e: {  	v2 =	vld.msk [tilespmem:s15+$0x0 ss:$0x1], $0xffff;
	v1 =	vnsel vm1, $0x0, v0  }
0x2f: {  	v1 =	vmin.u32 v1, $0x270F;
	_ =	sdelay $0x2  }
0x30: {  	s17 =	simm.s32 $0x20;
	s14 =	sadd.s32 $0x320, s14;
	s16 =	sadd.s32 $0x10, s15  }
0x31: {  	s15 =	sadd.s32 $0x10, s14;
	s18 =	smov.u32 s14;
	v0 =	vld.msk [tilespmem:s16+$0x0 ss:$0x1], $0xffff;
	vm1 =	vgt.s32 v2, $0x0;
	(ifvalue) =	ssetifvalue $0x7FFFFFFF  }
.LBB2_3:
0x32: {  	[tilespmem:s18], [sflag:$0x1] =	stream.indirect_vreg.gather [hbm4b:s2+s10], $0x1, v1, vm0, $0x4038;
	[tilespmem:$0x640] =	vst v63  }
0x33: {  	s17 =	sadd.s32 $0x10, s17  }
0x34: {  	v2 =	vnsel vm1, $0x0, v2;
	p0 =	slt.u32 s17, $0x180  }
.Ltmp3:
0x35: {  	s18 =	smov.u32 s15;
	v1 =	vmin.u32 v2, $0x270F;
	(pc) =	sbr.rel @p0 .LBB2_3-.Ltmp3, $3  }
0x36: {  	_ =	sdelay $0x1  }
0x37: {  	s16 =	sadd.s32 $0x10, s16  }
0x38: {  	vm1 =	vgt.s32 v0, $0x0;
	s15 =	sadd.s32 $0x10, s15;
	v2 =	vmov v0;
	(ifvalue) =	ssetifvalue $0x7FFFFFFF;
	v0 =	vld.msk [tilespmem:s16+$0x0 ss:$0x1], $0xffff  }
.Ltmp4:
0x39: {  	_ = 	snop;
	(pc) =	sbr.rel .LBB2_4-.Ltmp4, $1  }
0x3a: {  	_ =	sdelay $0x3  }
.LBB2_6:
0x3b: {  	_ =	sfence.sel $0x180000  }
0x3c: {  	s2 =	simm.s32 $0x2;
	[bflag:$0x0] =	sbarrier.arrive $0xFFFF  }
0x3d: {  	s30 =	simm.s32 $0x3;
	[sflag:s2] =	ssyncpa.u1 $0x1  }
0x3e: {  	s31 =	simm.s32 $0x1;
	[sflag:s30] =	ssyncpa.u1 $0x1  }
0x3f: {  	[sflag:s31] =	ssyncpa.u1 $0x1  }
0x40: {  	p0 =	sne.s32 s1, $0x0;
	_ =	strace $0x90000062  }
0x41: {  	s0 =	sadd.s32 @!p0 $0x100000, s0;
	[bflag:$0x2] =	sbarrier.arrive $0xFFFF  }
0x42: {  	[sflag:s0] =	ssyncadd.tile.s32 @!p0 $0x1;
	_ =	shalt  }
.Lfunc_end2:
_tile_overlayer_lowered:
.L_overlay_start_2:
0x43: {  	(tag) =	ssettag $0x2  }
0x44: {  	s0 =	rddreg [dreg:$0x0];
	s2 =	stileid.u32  }
0x45: {  	s1 =	rddreg [dreg:$0x1];
	p0 =	sne.s32 s2, $0x0  }
0x46: {  	s3 =	rddreg [dreg:$0x2];
	[bflag:$0x3] =	sbarrier.arrive $0xFFFF;
	s2 =	simm.s32 @!p0 $0x1C01  }
0x47: {  	[timem:s3], [sflag:s2] =	dma.local @!p0 [hbm:s0], s1  }
0x48: {  	s0 =	simm.s32 @!p0 $0x1  }
0x49: {  	_ =	swait.ge @!p0 [sflag:s0], s1  }
0x4a: {  	s1 =	ssub.s32 @!p0 $0x0, s1;
	[sflag:s0] =	ssyncset.done @!p0 $0x0  }
0x4b: {  	[sflag:s0] =	ssyncadd.s32 @!p0 s1  }
0x4c: {  	[bflag:$0x3] =	sbarrier.arrive $0xFFFF  }
0x4d: {  	_ =	shalt  }

// kernel: gather_offload_async_start
scs
__scs_entry_jumppad:
0x0: {  	(pc) =	sbr.rel $0x88, $3  }
0x1: {  	(tag) =	ssettag $0x0;
	lr =	simm.s32 $0x1  }
0x2: {  	[smem:$0x3F89] =	sst lr;
	_ =	strace $0xD0000000  }
0x3: {  	_ = 	snop  }
0x4: {  	_ = 	snop  }
0x5: {  	_ = 	snop  }
0x6: {  	_ = 	snop  }
0x7: {  	_ = 	snop  }
__scs_overlays_trampoline_lowered:
0x8: {  	[smem:$0x3F98] =	sst s0  }
0x9: {  	[smem:$0x3F99] =	sst s1  }
0xa: {  	[smem:$0x3F9A] =	sst s2  }
0xb: {  	[smem:$0x3F9B] =	sst s3  }
0xc: {  	[smem:$0x3F9C] =	sst s4  }
0xd: {  	[smem:$0x3F9D] =	sst s5  }
0xe: {  	[smem:$0x3F9E] =	sst s6  }
0xf: {  	[smem:$0x3F9F] =	sst s7  }
0x10: {  	[smem:$0x3FA0] =	sst s8  }
0x11: {  	[smem:$0x3FA1] =	sst s9;
	s0 =	simm.s32 @!p0 $0x0  }
0x12: {  	s1 =	sld [smem:$0x3F87];
	s0 =	simm.s32 @p0 $0x1  }
0x13: {  	[smem:$0x3FA2] =	sst s0;
	s0 =	simm.s32 @!p1 $0x0  }
0x14: {  	s2 =	sld [smem:$0x3F86];
	s0 =	simm.s32 @p1 $0x1  }
0x15: {  	[smem:$0x3FA3] =	sst s0;
	s0 =	simm.s32 @!p2 $0x0  }
0x16: {  	s3 =	sld [smem:$0x3FDB];
	s0 =	simm.s32 @p2 $0x1  }
0x17: {  	s4 =	simm.s32 $0x1BF5;
	[smem:$0x3FA5] =	sst s0  }
0x18: {  	s0 =	sld [smem:$0x3F88];
	_ =	swait.ge [sflag:s4], $0x0  }
0x19: {  	s7 =	sld [smem:$0x3F89]  }
0x1a: {  	s8 =	sadd.s32 $0xFFFFE003, lr  }
0x1b: {  	s9 =	sadd.s32 $0xFFFFFEF7, lr;
	s5 =	simm.s32 $0xFFFFFFFF;
	p2 =	slt.u32 s8, $0xFFFFF086  }
0x1c: {  	p1 =	slt.u32 s9, $0xF7A;
	s5 =	simm.s32 @!p2 $0x0  }
0x1d: {  	s5 =	simm.s32 @p1 $0x1;
	p0 =	seq.s32 s7, s2  }
0x1e: {  	s7 =	smul.u32 @!p0 $0xF7A, s2;
	p2 =	seq.s32 @!p0 s5, $0x0  }
0x1f: {  	s9 =	smul.u32 $0xF7A, s1;
	s8 =	simm.s32 @!p0 $0x1BF5;
	p2 =	por !p2, p0  }
0x20: {  	[sflag:s8] =	ssyncset.s32 @!p0 $0xFFFFF086;
	s6 =	sadd.s32 @!p0 s3, s7;
	s7 =	simm.s32 @!p0 $0x108  }
0x21: {  	s3 =	sadd.s32 s3, s9;
	s6 =	sadd.s32 @!p0 $0x88, s6;
	s7 =	simm.s32 @p2 $0x1082  }
0x22: {  	[simem:s7], [sflag:s8] =	dma.local @!p0 [hbm:s6], $0xF7A  }
0x23: {  	s9 =	sor.u32 $0xD0000000, s2;
	s6 =	simm.s32 $0x108;
	_ =	swait.ge @!p0 [sflag:s8], $0x0  }
0x24: {  	s3 =	sadd.s32 $0x88, s3;
	s6 =	simm.s32 @!p1 $0x1082;
	[sflag:s4] =	ssyncset.s32 $0xFFFFF086  }
0x25: {  	[simem:s6], [sflag:s4] =	dma.local [hbm:s3], $0xF7A  }
0x26: {  	[smem:$0x3F89] =	sst s1;
	(tag) =	ssettag s2;
	_ =	strace s9  }
0x27: {  	s1 =	sld [smem:$0x3F99]  }
0x28: {  	s2 =	sld [smem:$0x3F9A]  }
0x29: {  	s4 =	sld [smem:$0x3F9C]  }
0x2a: {  	p0 =	seq.s32 s5, $0x0;
	s5 =	sld [smem:$0x3F9D]  }
0x2b: {  	s6 =	sld [smem:$0x3F9E]  }
0x2c: {  	s7 =	sld [smem:$0x3F9F]  }
0x2d: {  	s3 =	simm.s32 $0x108;
	s8 =	sld [smem:$0x3FA0]  }
0x2e: {  	s3 =	simm.s32 @!p0 $0x1082;
	s9 =	sld [smem:$0x3FA1]  }
0x2f: {  	lr =	sadd.s32 s0, s3;
	s0 =	sld [smem:$0x3F98]  }
0x30: {  	s3 =	sld [smem:$0x3F9B]  }
0x31: {  	[smem:$0x3FA4] =	sst s10  }
0x32: {  	s10 =	sld [smem:$0x3FA2];
	_ =	sdelay $0x3  }
0x33: {  	p0 =	seq.s32 s10, $0x1;
	s10 =	sld [smem:$0x3FA4];
	_ =	sdelay $0x3  }
0x34: {  	[smem:$0x3FA4] =	sst s10  }
0x35: {  	s10 =	sld [smem:$0x3FA3];
	_ =	sdelay $0x3  }
0x36: {  	p1 =	seq.s32 s10, $0x1;
	s10 =	sld [smem:$0x3FA4];
	_ =	sdelay $0x3  }
0x37: {  	[smem:$0x3FA4] =	sst s10  }
0x38: {  	s10 =	sld [smem:$0x3FA5]  }
0x39: {  	_ = 	snop;
	(pc) =	sbr.ind lr, $3  }
0x3a: {  	_ = 	snop  }
0x3b: {  	_ = 	snop  }
0x3c: {  	p2 =	seq.s32 s10, $0x1;
	s10 =	sld [smem:$0x3FA4]  }
0x3d: {  	_ =	shalt  }
0x3e: {  	_ =	shalt  }
0x3f: {  	_ =	shalt  }
0x40: {  	_ =	shalt  }
0x41: {  	_ =	shalt  }
0x42: {  	_ =	shalt  }
0x43: {  	_ =	shalt  }
0x44: {  	_ =	shalt  }
0x45: {  	_ =	shalt  }
0x46: {  	_ =	shalt  }
0x47: {  	_ =	shalt  }
0x48: {  	_ =	shalt  }
0x49: {  	_ =	shalt  }
0x4a: {  	_ =	shalt  }
0x4b: {  	_ =	shalt  }
0x4c: {  	_ =	shalt  }
0x4d: {  	_ =	shalt  }
0x4e: {  	_ =	shalt  }
0x4f: {  	_ =	shalt  }
0x50: {  	_ =	shalt  }
0x51: {  	_ =	shalt  }
0x52: {  	_ =	shalt  }
0x53: {  	_ =	shalt  }
0x54: {  	_ =	shalt  }
0x55: {  	_ =	shalt  }
0x56: {  	_ =	shalt  }
0x57: {  	_ =	shalt  }
0x58: {  	_ =	shalt  }
0x59: {  	_ =	shalt  }
0x5a: {  	_ =	shalt  }
0x5b: {  	_ =	shalt  }
0x5c: {  	_ =	shalt  }
0x5d: {  	_ =	shalt  }
0x5e: {  	_ =	shalt  }
0x5f: {  	_ =	shalt  }
0x60: {  	_ =	shalt  }
0x61: {  	_ =	shalt  }
0x62: {  	_ =	shalt  }
0x63: {  	_ =	shalt  }
0x64: {  	_ =	shalt  }
0x65: {  	_ =	shalt  }
0x66: {  	_ =	shalt  }
0x67: {  	_ =	shalt  }
0x68: {  	_ =	shalt  }
0x69: {  	_ =	shalt  }
0x6a: {  	_ =	shalt  }
0x6b: {  	_ =	shalt  }
0x6c: {  	_ =	shalt  }
0x6d: {  	_ =	shalt  }
0x6e: {  	_ =	shalt  }
0x6f: {  	_ =	shalt  }
0x70: {  	_ =	shalt  }
0x71: {  	_ =	shalt  }
0x72: {  	_ =	shalt  }
0x73: {  	_ =	shalt  }
0x74: {  	_ =	shalt  }
0x75: {  	_ =	shalt  }
0x76: {  	_ =	shalt  }
0x77: {  	_ =	shalt  }
0x78: {  	_ =	shalt  }
0x79: {  	_ =	shalt  }
0x7a: {  	_ =	shalt  }
0x7b: {  	_ =	shalt  }
0x7c: {  	_ =	shalt  }
0x7d: {  	_ =	shalt  }
0x7e: {  	_ =	shalt  }
0x7f: {  	_ =	shalt  }
0x80: {  	_ =	shalt  }
0x81: {  	_ =	shalt  }
0x82: {  	_ =	shalt  }
0x83: {  	_ =	shalt  }
0x84: {  	_ =	shalt  }
0x85: {  	_ =	shalt  }
0x86: {  	_ =	shalt  }
0x87: {  	_ =	shalt  }
.Lfunc_end0:
.L_simem_size_0:
called_computation.9_lowered:
.L_overlay_start_0:
0x88: {  	s0 =	sld [smem:$0x3FD9]  }
0x89: {  	s1 =	sld [smem:$0x3FFE];
	_ =	sdelay $0x3  }
0x8a: {  	s0 =	sadd.s32 s1, s0  }
0x8b: {  	[smem:$0x3FB0] =	sst s0  }
0x8c: {  	_ = 	snop  }
0x8d: {  	s0 =	sld [smem:$0x3FD0];
	_ =	sdelay $0x2  }
0x8e: {  	s2 =	simm.s32 $0xD;
	s3 =	simm.s32 $0x10;
	s13 =	sld [smem:$0x3FC7]  }
0x8f: {  	[smem:s3], [sflag:s2] =	dma.local [hbm:s0], $0x1  }
0x90: {  	_ =	swait.eq [sflag:s2], $0x1  }
0x91: {  	[sflag:s2] =	ssyncset.done $0x0  }
0x92: {  	[sflag:s2] =	ssyncadd.s32 $0xFFFFFFFF  }
0x93: {  	s14 =	sld [smem:$0x15];
	(tm) =	ssettm $0x1  }
0x94: {  	s15 =	sld [smem:$0x3FFB];
	_ =	sdelay $0x3  }
0x95: {  	_ =	strace s15  }
0x96: {  	s2 =	sld [smem:$0x3FFC];
	_ =	sdelay $0x3  }
0x97: {  	_ =	strace s2  }
0x98: {  	s2 =	sld [smem:$0x3FFD];
	_ =	sdelay $0x3  }
0x99: {  	_ =	strace s2  }
0x9a: {  	_ =	strace $0x8FFFFFFF  }
0x9b: {  	s16 =	sld [smem:$0x3FDB];
	_ =	sdelay $0x1  }
0x9c: {  	s17 =	simm.s32 $_scs_section_size  }
0x9d: {  	s4 =	simm.s32 $_size__tile_overlayer_lowered;
	s5 =	simm.s32 $_tile_overlayer_lowered  }
0x9e: {  	s20 =	simm.s32 $0x1BFF;
	s19 =	sshll.u32 s5, $0x1;
	s2 =	sadd.s32 s17, s16  }
0x9f: {  	s6 =	simm.s32 $0x0;
	s18 =	sshll.u32 s4, $0x1;
	s4 =	sadd.s32 s19, s2  }
0xa0: {  	[timem:s6], [sflag:s20] =	dma.local [hbm:s4], s18  }
0xa1: {  	_ =	swait.ge [sflag:s20], s18  }
0xa2: {  	s3 =	ssub.s32 $0x0, s18;
	[sflag:s20] =	ssyncset.done $0x0  }
0xa3: {  	[sflag:s20] =	ssyncadd.s32 s3;
	_ =	sdelay $0x1  }
0xa4: {  	s21 =	simm.s32 $0x1B8B  }
0xa5: {  	_ =	swait.ge [sflag:s21], $0x1  }
0xa6: {  	[sflag:s21] =	ssyncset.done $0x0  }
0xa7: {  	s23 =	simm.s32 $0x1B8E;
	s22 =	sld [smem:$0x3FFE];
	[sflag:s21] =	ssyncadd.s32 $0xFFFFFFFF  }
0xa8: {  	s24 =	simm.s32 $execute0_lowered;
	[smem:$0x3FD2] =	sst s23  }
0xa9: {  	s4 =	sshll.u32 s24, $0x1;
	_ =	strace $0x80000064;
	[dreg:$0x1] =	wrdreg $0xFFFFFFFF  }
0xaa: {  	s25 =	simm.s32 $_size_execute0_lowered;
	s2 =	sadd.s32 s2, s4;
	[dreg:$0x0] =	wrdreg $0x0  }
0xab: {  	s4 =	sshll.u32 s25, $0x1;
	[dreg:$0x2] =	wrdreg s2  }
0xac: {  	[dreg:$0x3] =	wrdreg s4  }
0xad: {  	[dreg:$0x4] =	wrdreg $0xC0  }
0xae: {  	_ =	task [dreg:s6], $0x5FFFF  }
0xaf: {  	[dreg:$0x1] =	wrdreg $0xFFFFFFFF  }
0xb0: {  	[dreg:$0x0] =	wrdreg $0x60  }
0xb1: {  	[dreg:$0x2] =	wrdreg s13  }
0xb2: {  	[dreg:$0x3] =	wrdreg s22  }
0xb3: {  	[dreg:$0x4] =	wrdreg s14  }
0xb4: {  	[dreg:$0x5] =	wrdreg $0xB  }
0xb5: {  	_ =	task.clear_ibuf [dreg:s6], $0x6FFFF;
	_ =	strace $0x90000064  }
0xb6: {  	s26 =	simm.s32 $0xB;
	_ =	strace $0x80000066  }
0xb7: {  	_ =	swait.ge [sflag:s26], $0x1  }
0xb8: {  	[sflag:s26] =	ssyncadd.s32 $0xFFFFFFFF  }
0xb9: {  	_ =	strace $0x90000066  }
0xba: {  	_ =	sfence  }
0xbb: {  	s28 =	sld [smem:$0x0];
	_ =	sdelay $0x1  }
0xbc: {  	s29 =	srdreg.scid  }
0xbd: {  	s30 =	sshll.u32 s29, $0xD;
	s31 =	sshrl.u32 s29, $0x2  }
0xbe: {  	s1 =	sand.u32 $0x1, s29;
	s2 =	sand.u32 $0x4000, s30;
	s0 =	sadd.s32 s31, s28  }
0xbf: {  	s1 =	sor.u32 s2, s1;
	s0 =	sshll.u32 s0, $0x11  }
0xc0: {  	s0 =	sor.u32 s0, s1  }
0xc1: {  	s0 =	sadd.s32 $0x8F2B, s0  }
0xc2: {  	[sflag:s0] =	ssyncadd.remote.s32 $0x1  }
0xc3: {  	_ =	sfence.sel $0xFFFF  }
0xc4: {  	[dreg:$0x0] =	wrdreg $0xFFFFFFFF;
	(pc) =	sbr.abs _section_cstart, $3  }
0xc5: {  	[dreg:$0x1] =	wrdreg $0xFFFFFFFF  }
0xc6: {  	_ =	task.clear_ibuf [dreg:s6], $0x2FFFF;
	_ =	strace $0x9FFFFFFF  }
0xc7: {  	(tm) =	ssettm $0x7FFFFFFF  }
tec
execute0_lowered:
.L_overlay_start_1:
0x0: {  	(tag) =	ssettag $0x1  }
0x1: {  	s2 =	rddreg [dreg:$0x0]  }
0x2: {  	s8 =	rddreg [dreg:$0x1]  }
0x3: {  	s3 =	rddreg [dreg:$0x2]  }
0x4: {  	s0 =	rddreg [dreg:$0x3];
	_ =	strace $0x80000065;
	s4 =	simm.s32 $0x1  }
0x5: {  	s1 =	stileid.u32;
	s7 =	simm.s32 $0x1;
	s9 =	simm.s32 $0x1  }
0x6: {  	s6 =	simm.s32 $0x2;
	s10 =	simm.s32 $0x3;
	s13 =	simm.s32 $0x0  }
.Ltmp0:
0x7: {  	s12 =	simm.s32 $0x0;
	p0 =	slt.u32 s1, $0xA;
	(pc) =	sbr.rel .LBB2_1-.Ltmp0, $4  }
0x8: {  	[sflag:s4] =	ssyncpa.u1 $0x0;
	s7 =	simm.s32 @!p0 $0x0;
	p0 =	sne.s32 s1, $0x9  }
0x9: {  	s5 =	smul.u32 $0x190, s1;
	[sflag:s6] =	ssyncpa.u1 $0x0;
	s9 =	simm.s32 @!p0 $0x0  }
0xa: {  	s8 =	sadd.s32 $0xA000, s8;
	[sflag:s10] =	ssyncpa.u1 $0x0;
	s7 =	sadd.s32 s9, s7  }
0xb: {  	vm0 =	vmmov $0xffff;
	s10 =	simm.s32 $0x0;
	s11 =	smov.u32 s5;
	s9 =	sadd.s32 $0x1, s7  }
.LBB2_4:
0xc: {  	v2 =	vnsel vm1, $0x0, v2  }
0xd: {  	vm1 =	vgt.s32 v0, $0x0;
	v2 =	vmin.u32 v2, $0x270F  }
0xe: {  	v0 =	vnsel vm1, $0x0, v0  }
0xf: {  	v0 =	vmin.u32 v0, $0x270F  }
0x10: {  	[tilespmem:s18], [sflag:$0x1] =	stream.indirect_vreg.gather [hbm4b:s2+s10], $0x1, v1, vm0, $0x4038;
	[tilespmem:$0x640] =	vst v63  }
0x11: {  	(ifvalue) =	ssetifvalue $0x7FFFFFFF  }
0x12: {  	[tilespmem:s15], [sflag:$0x1] =	stream.indirect_vreg.gather [hbm4b:s2+s10], $0x1, v2, vm0, $0x4038;
	[tilespmem:$0x640] =	vst v63  }
0x13: {  	s29 =	sadd.s32 $0x10, s15;
	(ifvalue) =	ssetifvalue $0x7FFFFFFF  }
0x14: {  	[tilespmem:s29], [sflag:$0x1] =	stream.indirect_vreg.gather [hbm4b:s2+s10], $0x1, v0, vm0, $0x4038;
	[tilespmem:$0x640] =	vst v63  }
0x15: {  	_ =	swait.ge [sflag:s4], $0x190  }
0x16: {  	s30 =	sshrl.u32 s13, $0x3;
	[sflag:s4] =	ssyncset.done $0x0  }
0x17: {  	s31 =	sand.u32 $0x7, s13;
	s15 =	sadd.s32 s3, s30;
	[sflag:s4] =	ssyncadd.s32 $0xFFFFFE70  }
0x18: {  	[hbm4b:s15+s31] =	stream.linear.scatter [tilespmem:s14], [sflag:$0x3], $0x190, $0x38;
	[tilespmem:$0x640] =	vst v63  }
.LBB2_5:
0x19: {  	s15 =	sadd.s32 $0x1900, s11  }
0x1a: {  	p1 =	sgt.s32 s15, $0x270F  }
0x1b: {  	s15 =	smov.u32 @p1 s5;
	p1 =	sne.s32 s12, s9  }
.Ltmp1:
0x1c: {  	p0 =	slt.u32 s12, $0x2;
	(pc) =	sbr.rel @!p1 .LBB2_6-.Ltmp1, $4  }
0x1d: {  	s14 =	simm.s32 @!p0 $0x3  }
0x1e: {  	_ =	swait.ge @!p0 [sflag:s14], $0x190  }
0x1f: {  	s16 =	sadd.s32 $0x1, s12;
	s13 =	smov.u32 s11;
	[sflag:s14] =	ssyncset.done @!p0 $0x0  }
0x20: {  	s12 =	smov.u32 s16;
	s11 =	smov.u32 s15;
	[sflag:s14] =	ssyncadd.s32 @!p0 $0xFFFFFE70  }
.LBB2_1:
0x21: {  	p0 =	sge.u32 s12, s7  }
0x22: {  	s14 =	sxor.u32 @!p0 $0x1, s12  }
0x23: {  	s14 =	smul.u32 @!p0 $0x640, s14  }
0x24: {  	s31 =	sadd.s32 $0xFFFFFFFF, s12;
	s15 =	sshrl.u32 @!p0 s11, $0x3  }
0x25: {  	s16 =	sand.u32 @!p0 $0x7, s11;
	s15 =	sadd.s32 @!p0 s8, s15;
	s14 =	sshra.s32 @!p0 s14, $0x2  }
0x26: {  	[tilespmem:s14], [sflag:$0x2] =	stream.linear.gather @!p0 [hbm4b:s15+s16], $0x190, $0x38;
	[tilespmem:$0x640] =	vst v63  }
0x27: {  	p0 =	sge.u32 s31, s7  }
.Ltmp2:
0x28: {  	_ = 	snop;
	(pc) =	sbr.rel @p0 .LBB2_5-.Ltmp2, $1  }
0x29: {  	_ =	sdelay $0x3  }
0x2a: {  	s14 =	sand.u32 $0x1, s12  }
0x2b: {  	_ =	swait.ge [sflag:s6], $0x190;
	p0 =	seq.s32 s14, $0x1;
	s14 =	simm.s32 $0x190  }
0x2c: {  	[sflag:s6] =	ssyncset.done $0x0;
	s14 =	simm.s32 @!p0 $0x0  }
0x2d: {  	[sflag:s6] =	ssyncadd.s32 $0xFFFFFE70;
	(ifvalue) =	ssetifvalue $0x7FFFFFFF;
	v0 =	vld.msk [tilespmem:s14+$0x0 ss:$0x1], $0xffff;
	_ =	sdelay $0x4  }
0x2e: {  	s15 =	sadd.s32 $0x10, s14;
	vm1 =	vgt.s32 v0, $0x0  }
0x2f: {  	v2 =	vld.msk [tilespmem:s15+$0x0 ss:$0x1], $0xffff;
	v1 =	vnsel vm1, $0x0, v0  }
0x30: {  	v1 =	vmin.u32 v1, $0x270F;
	_ =	sdelay $0x2  }
0x31: {  	s17 =	simm.s32 $0x20;
	s14 =	sadd.s32 $0x320, s14;
	s16 =	sadd.s32 $0x10, s15  }
0x32: {  	s15 =	sadd.s32 $0x10, s14;
	s18 =	smov.u32 s14;
	v0 =	vld.msk [tilespmem:s16+$0x0 ss:$0x1], $0xffff;
	vm1 =	vgt.s32 v2, $0x0;
	(ifvalue) =	ssetifvalue $0x7FFFFFFF  }
.LBB2_3:
0x33: {  	[tilespmem:s18], [sflag:$0x1] =	stream.indirect_vreg.gather [hbm4b:s2+s10], $0x1, v1, vm0, $0x4038;
	[tilespmem:$0x640] =	vst v63  }
0x34: {  	s17 =	sadd.s32 $0x10, s17  }
0x35: {  	v2 =	vnsel vm1, $0x0, v2;
	p0 =	slt.u32 s17, $0x180  }
.Ltmp3:
0x36: {  	s18 =	smov.u32 s15;
	v1 =	vmin.u32 v2, $0x270F;
	(pc) =	sbr.rel @p0 .LBB2_3-.Ltmp3, $3  }
0x37: {  	_ =	sdelay $0x1  }
0x38: {  	s16 =	sadd.s32 $0x10, s16  }
0x39: {  	vm1 =	vgt.s32 v0, $0x0;
	s15 =	sadd.s32 $0x10, s15;
	v2 =	vmov v0;
	(ifvalue) =	ssetifvalue $0x7FFFFFFF;
	v0 =	vld.msk [tilespmem:s16+$0x0 ss:$0x1], $0xffff  }
.Ltmp4:
0x3a: {  	_ = 	snop;
	(pc) =	sbr.rel .LBB2_4-.Ltmp4, $1  }
0x3b: {  	_ =	sdelay $0x3  }
.LBB2_6:
0x3c: {  	_ =	sfence.sel $0x180000  }
0x3d: {  	s2 =	simm.s32 $0x2;
	[bflag:$0x0] =	sbarrier.arrive $0xFFFF  }
0x3e: {  	s30 =	simm.s32 $0x3;
	[sflag:s2] =	ssyncpa.u1 $0x1  }
0x3f: {  	s31 =	simm.s32 $0x1;
	[sflag:s30] =	ssyncpa.u1 $0x1  }
0x40: {  	[sflag:s31] =	ssyncpa.u1 $0x1  }
0x41: {  	p0 =	sne.s32 s1, $0x0;
	_ =	strace $0x90000065  }
0x42: {  	s0 =	sadd.s32 @!p0 $0x100000, s0;
	[bflag:$0x2] =	sbarrier.arrive $0xFFFF  }
0x43: {  	[sflag:s0] =	ssyncadd.tile.s32 @!p0 $0x1;
	_ =	shalt  }
.Lfunc_end2:
_tile_overlayer_lowered:
.L_overlay_start_2:
0x44: {  	(tag) =	ssettag $0x2  }
0x45: {  	s0 =	rddreg [dreg:$0x0];
	s2 =	stileid.u32  }
0x46: {  	s1 =	rddreg [dreg:$0x1];
	p0 =	sne.s32 s2, $0x0  }
0x47: {  	s3 =	rddreg [dreg:$0x2];
	[bflag:$0x3] =	sbarrier.arrive $0xFFFF;
	s2 =	simm.s32 @!p0 $0x1C01  }
0x48: {  	[timem:s3], [sflag:s2] =	dma.local @!p0 [hbm:s0], s1  }
0x49: {  	s0 =	simm.s32 @!p0 $0x1  }
0x4a: {  	_ =	swait.ge @!p0 [sflag:s0], s1  }
0x4b: {  	s1 =	ssub.s32 @!p0 $0x0, s1;
	[sflag:s0] =	ssyncset.done @!p0 $0x0  }
0x4c: {  	[sflag:s0] =	ssyncadd.s32 @!p0 s1  }
0x4d: {  	[bflag:$0x3] =	sbarrier.arrive $0xFFFF  }
0x4e: {  	_ =	shalt  }

// kernel: scatter_offload_async_start.1
scs
__scs_entry_jumppad:
0x0: {  	(pc) =	sbr.rel $0x88, $3  }
0x1: {  	(tag) =	ssettag $0x0;
	lr =	simm.s32 $0x1  }
0x2: {  	[smem:$0x3F89] =	sst lr;
	_ =	strace $0xD0000000  }
0x3: {  	_ = 	snop  }
0x4: {  	_ = 	snop  }
0x5: {  	_ = 	snop  }
0x6: {  	_ = 	snop  }
0x7: {  	_ = 	snop  }
__scs_overlays_trampoline_lowered:
0x8: {  	[smem:$0x3F98] =	sst s0  }
0x9: {  	[smem:$0x3F99] =	sst s1  }
0xa: {  	[smem:$0x3F9A] =	sst s2  }
0xb: {  	[smem:$0x3F9B] =	sst s3  }
0xc: {  	[smem:$0x3F9C] =	sst s4  }
0xd: {  	[smem:$0x3F9D] =	sst s5  }
0xe: {  	[smem:$0x3F9E] =	sst s6  }
0xf: {  	[smem:$0x3F9F] =	sst s7  }
0x10: {  	[smem:$0x3FA0] =	sst s8  }
0x11: {  	[smem:$0x3FA1] =	sst s9;
	s0 =	simm.s32 @!p0 $0x0  }
0x12: {  	s1 =	sld [smem:$0x3F87];
	s0 =	simm.s32 @p0 $0x1  }
0x13: {  	[smem:$0x3FA2] =	sst s0;
	s0 =	simm.s32 @!p1 $0x0  }
0x14: {  	s2 =	sld [smem:$0x3F86];
	s0 =	simm.s32 @p1 $0x1  }
0x15: {  	[smem:$0x3FA3] =	sst s0;
	s0 =	simm.s32 @!p2 $0x0  }
0x16: {  	s3 =	sld [smem:$0x3FDB];
	s0 =	simm.s32 @p2 $0x1  }
0x17: {  	s4 =	simm.s32 $0x1BF5;
	[smem:$0x3FA5] =	sst s0  }
0x18: {  	s0 =	sld [smem:$0x3F88];
	_ =	swait.ge [sflag:s4], $0x0  }
0x19: {  	s7 =	sld [smem:$0x3F89]  }
0x1a: {  	s8 =	sadd.s32 $0xFFFFE003, lr  }
0x1b: {  	s9 =	sadd.s32 $0xFFFFFEF7, lr;
	s5 =	simm.s32 $0xFFFFFFFF;
	p2 =	slt.u32 s8, $0xFFFFF086  }
0x1c: {  	p1 =	slt.u32 s9, $0xF7A;
	s5 =	simm.s32 @!p2 $0x0  }
0x1d: {  	s5 =	simm.s32 @p1 $0x1;
	p0 =	seq.s32 s7, s2  }
0x1e: {  	s7 =	smul.u32 @!p0 $0xF7A, s2;
	p2 =	seq.s32 @!p0 s5, $0x0  }
0x1f: {  	s9 =	smul.u32 $0xF7A, s1;
	s8 =	simm.s32 @!p0 $0x1BF5;
	p2 =	por !p2, p0  }
0x20: {  	[sflag:s8] =	ssyncset.s32 @!p0 $0xFFFFF086;
	s6 =	sadd.s32 @!p0 s3, s7;
	s7 =	simm.s32 @!p0 $0x108  }
0x21: {  	s3 =	sadd.s32 s3, s9;
	s6 =	sadd.s32 @!p0 $0x88, s6;
	s7 =	simm.s32 @p2 $0x1082  }
0x22: {  	[simem:s7], [sflag:s8] =	dma.local @!p0 [hbm:s6], $0xF7A  }
0x23: {  	s9 =	sor.u32 $0xD0000000, s2;
	s6 =	simm.s32 $0x108;
	_ =	swait.ge @!p0 [sflag:s8], $0x0  }
0x24: {  	s3 =	sadd.s32 $0x88, s3;
	s6 =	simm.s32 @!p1 $0x1082;
	[sflag:s4] =	ssyncset.s32 $0xFFFFF086  }
0x25: {  	[simem:s6], [sflag:s4] =	dma.local [hbm:s3], $0xF7A  }
0x26: {  	[smem:$0x3F89] =	sst s1;
	(tag) =	ssettag s2;
	_ =	strace s9  }
0x27: {  	s1 =	sld [smem:$0x3F99]  }
0x28: {  	s2 =	sld [smem:$0x3F9A]  }
0x29: {  	s4 =	sld [smem:$0x3F9C]  }
0x2a: {  	p0 =	seq.s32 s5, $0x0;
	s5 =	sld [smem:$0x3F9D]  }
0x2b: {  	s6 =	sld [smem:$0x3F9E]  }
0x2c: {  	s7 =	sld [smem:$0x3F9F]  }
0x2d: {  	s3 =	simm.s32 $0x108;
	s8 =	sld [smem:$0x3FA0]  }
0x2e: {  	s3 =	simm.s32 @!p0 $0x1082;
	s9 =	sld [smem:$0x3FA1]  }
0x2f: {  	lr =	sadd.s32 s0, s3;
	s0 =	sld [smem:$0x3F98]  }
0x30: {  	s3 =	sld [smem:$0x3F9B]  }
0x31: {  	[smem:$0x3FA4] =	sst s10  }
0x32: {  	s10 =	sld [smem:$0x3FA2];
	_ =	sdelay $0x3  }
0x33: {  	p0 =	seq.s32 s10, $0x1;
	s10 =	sld [smem:$0x3FA4];
	_ =	sdelay $0x3  }
0x34: {  	[smem:$0x3FA4] =	sst s10  }
0x35: {  	s10 =	sld [smem:$0x3FA3];
	_ =	sdelay $0x3  }
0x36: {  	p1 =	seq.s32 s10, $0x1;
	s10 =	sld [smem:$0x3FA4];
	_ =	sdelay $0x3  }
0x37: {  	[smem:$0x3FA4] =	sst s10  }
0x38: {  	s10 =	sld [smem:$0x3FA5]  }
0x39: {  	_ = 	snop;
	(pc) =	sbr.ind lr, $3  }
0x3a: {  	_ = 	snop  }
0x3b: {  	_ = 	snop  }
0x3c: {  	p2 =	seq.s32 s10, $0x1;
	s10 =	sld [smem:$0x3FA4]  }
0x3d: {  	_ =	shalt  }
0x3e: {  	_ =	shalt  }
0x3f: {  	_ =	shalt  }
0x40: {  	_ =	shalt  }
0x41: {  	_ =	shalt  }
0x42: {  	_ =	shalt  }
0x43: {  	_ =	shalt  }
0x44: {  	_ =	shalt  }
0x45: {  	_ =	shalt  }
0x46: {  	_ =	shalt  }
0x47: {  	_ =	shalt  }
0x48: {  	_ =	shalt  }
0x49: {  	_ =	shalt  }
0x4a: {  	_ =	shalt  }
0x4b: {  	_ =	shalt  }
0x4c: {  	_ =	shalt  }
0x4d: {  	_ =	shalt  }
0x4e: {  	_ =	shalt  }
0x4f: {  	_ =	shalt  }
0x50: {  	_ =	shalt  }
0x51: {  	_ =	shalt  }
0x52: {  	_ =	shalt  }
0x53: {  	_ =	shalt  }
0x54: {  	_ =	shalt  }
0x55: {  	_ =	shalt  }
0x56: {  	_ =	shalt  }
0x57: {  	_ =	shalt  }
0x58: {  	_ =	shalt  }
0x59: {  	_ =	shalt  }
0x5a: {  	_ =	shalt  }
0x5b: {  	_ =	shalt  }
0x5c: {  	_ =	shalt  }
0x5d: {  	_ =	shalt  }
0x5e: {  	_ =	shalt  }
0x5f: {  	_ =	shalt  }
0x60: {  	_ =	shalt  }
0x61: {  	_ =	shalt  }
0x62: {  	_ =	shalt  }
0x63: {  	_ =	shalt  }
0x64: {  	_ =	shalt  }
0x65: {  	_ =	shalt  }
0x66: {  	_ =	shalt  }
0x67: {  	_ =	shalt  }
0x68: {  	_ =	shalt  }
0x69: {  	_ =	shalt  }
0x6a: {  	_ =	shalt  }
0x6b: {  	_ =	shalt  }
0x6c: {  	_ =	shalt  }
0x6d: {  	_ =	shalt  }
0x6e: {  	_ =	shalt  }
0x6f: {  	_ =	shalt  }
0x70: {  	_ =	shalt  }
0x71: {  	_ =	shalt  }
0x72: {  	_ =	shalt  }
0x73: {  	_ =	shalt  }
0x74: {  	_ =	shalt  }
0x75: {  	_ =	shalt  }
0x76: {  	_ =	shalt  }
0x77: {  	_ =	shalt  }
0x78: {  	_ =	shalt  }
0x79: {  	_ =	shalt  }
0x7a: {  	_ =	shalt  }
0x7b: {  	_ =	shalt  }
0x7c: {  	_ =	shalt  }
0x7d: {  	_ =	shalt  }
0x7e: {  	_ =	shalt  }
0x7f: {  	_ =	shalt  }
0x80: {  	_ =	shalt  }
0x81: {  	_ =	shalt  }
0x82: {  	_ =	shalt  }
0x83: {  	_ =	shalt  }
0x84: {  	_ =	shalt  }
0x85: {  	_ =	shalt  }
0x86: {  	_ =	shalt  }
0x87: {  	_ =	shalt  }
.Lfunc_end0:
.L_simem_size_0:
called_computation.1_lowered:
.L_overlay_start_0:
0x88: {  	s0 =	sld [smem:$0x3FD9]  }
0x89: {  	s1 =	sld [smem:$0x3FFE];
	_ =	sdelay $0x3  }
0x8a: {  	s0 =	sadd.s32 s1, s0  }
0x8b: {  	[smem:$0x3FB0] =	sst s0  }
0x8c: {  	_ = 	snop  }
0x8d: {  	(tm) =	ssettm $0x1  }
0x8e: {  	s14 =	sld [smem:$0x3FFB];
	_ =	sdelay $0x3  }
0x8f: {  	_ =	strace s14  }
0x90: {  	s0 =	sld [smem:$0x3FFC];
	_ =	sdelay $0x3  }
0x91: {  	_ =	strace s0  }
0x92: {  	s0 =	sld [smem:$0x3FFD];
	_ =	sdelay $0x3  }
0x93: {  	_ =	strace s0  }
0x94: {  	_ =	strace $0x8FFFFFFF  }
0x95: {  	s15 =	sld [smem:$0x3FDB];
	_ =	sdelay $0x1  }
0x96: {  	s16 =	simm.s32 $_scs_section_size  }
0x97: {  	s2 =	simm.s32 $_size__tile_overlayer_lowered;
	s3 =	simm.s32 $_tile_overlayer_lowered  }
0x98: {  	s4 =	simm.s32 $0x1BFF;
	s17 =	sshll.u32 s3, $0x1;
	s1 =	sadd.s32 s16, s15  }
0x99: {  	s18 =	simm.s32 $0x0;
	s2 =	sshll.u32 s2, $0x1;
	s3 =	sadd.s32 s17, s1  }
0x9a: {  	[timem:s18], [sflag:s4] =	dma.local [hbm:s3], s2  }
0x9b: {  	_ =	swait.ge [sflag:s4], s2  }
0x9c: {  	s2 =	ssub.s32 $0x0, s2;
	[sflag:s4] =	ssyncset.done $0x0  }
0x9d: {  	[sflag:s4] =	ssyncadd.s32 s2;
	_ =	sdelay $0x1  }
0x9e: {  	s19 =	simm.s32 $0x1B8B  }
0x9f: {  	_ =	swait.ge [sflag:s19], $0x1  }
0xa0: {  	[sflag:s19] =	ssyncset.done $0x0  }
0xa1: {  	s21 =	simm.s32 $0x1B8E;
	s20 =	sld [smem:$0x3FFE];
	[sflag:s19] =	ssyncadd.s32 $0xFFFFFFFF  }
0xa2: {  	s22 =	simm.s32 $execute0_lowered;
	[smem:$0x3FD2] =	sst s21  }
0xa3: {  	s3 =	sshll.u32 s22, $0x1;
	_ =	strace $0x8000004C;
	[dreg:$0x1] =	wrdreg $0xFFFFFFFF  }
0xa4: {  	s23 =	simm.s32 $_size_execute0_lowered;
	s3 =	sadd.s32 s1, s3;
	[dreg:$0x0] =	wrdreg $0x0  }
0xa5: {  	s4 =	sshll.u32 s23, $0x1;
	[dreg:$0x2] =	wrdreg s3  }
0xa6: {  	[dreg:$0x3] =	wrdreg s4  }
0xa7: {  	[dreg:$0x4] =	wrdreg $0xC0  }
0xa8: {  	s24 =	simm.s32 $execute1_lowered;
	_ =	task [dreg:s18], $0x5FFFF  }
0xa9: {  	s3 =	sshll.u32 s24, $0x1;
	[dreg:$0x1] =	wrdreg $0xFFFFFFFF  }
0xaa: {  	s1 =	sadd.s32 s1, s3;
	[dreg:$0x0] =	wrdreg $0x60  }
0xab: {  	[dreg:$0x2] =	wrdreg s1  }
0xac: {  	[dreg:$0x3] =	wrdreg s20  }
0xad: {  	[dreg:$0x4] =	wrdreg $0x9  }
0xae: {  	_ =	task.clear_ibuf [dreg:s18], $0x5FFFF;
	_ =	strace $0x9000004C  }
0xaf: {  	s25 =	simm.s32 $0x9;
	_ =	strace $0x8000004E  }
0xb0: {  	_ =	swait.ge [sflag:s25], $0x1  }
0xb1: {  	[sflag:s25] =	ssyncadd.s32 $0xFFFFFFFF  }
0xb2: {  	_ =	strace $0x9000004E  }
0xb3: {  	_ =	strace $0x8000004F;
	[dreg:$0x1] =	wrdreg $0xFFFFFFFF  }
0xb4: {  	[dreg:$0x0] =	wrdreg $0x2030  }
0xb5: {  	[dreg:$0x2] =	wrdreg s20  }
0xb6: {  	[dreg:$0x3] =	wrdreg $0xA  }
0xb7: {  	_ =	task.clear_ibuf [dreg:s18], $0x4FFFF;
	_ =	strace $0x9000004F  }
0xb8: {  	s26 =	simm.s32 $0xA;
	_ =	strace $0x80000051  }
0xb9: {  	_ =	swait.ge [sflag:s26], $0x1  }
0xba: {  	[sflag:s26] =	ssyncadd.s32 $0xFFFFFFFF  }
0xbb: {  	_ =	strace $0x90000051  }
0xbc: {  	_ =	sfence  }
0xbd: {  	s28 =	sld [smem:$0x0];
	_ =	sdelay $0x1  }
0xbe: {  	s29 =	srdreg.scid  }
0xbf: {  	s30 =	sshll.u32 s29, $0xD;
	s31 =	sshrl.u32 s29, $0x2  }
0xc0: {  	s2 =	sand.u32 $0x1, s29;
	s3 =	sand.u32 $0x4000, s30;
	s1 =	sadd.s32 s31, s28  }
0xc1: {  	s2 =	sor.u32 s3, s2;
	s1 =	sshll.u32 s1, $0x11  }
0xc2: {  	s1 =	sor.u32 s1, s2  }
0xc3: {  	s1 =	sadd.s32 $0x8F2B, s1  }
0xc4: {  	[sflag:s1] =	ssyncadd.remote.s32 $0x1  }
0xc5: {  	_ =	sfence.sel $0xFFFF  }
0xc6: {  	[dreg:$0x0] =	wrdreg $0xFFFFFFFF;
	(pc) =	sbr.abs _section_cstart, $3  }
0xc7: {  	[dreg:$0x1] =	wrdreg $0xFFFFFFFF  }
0xc8: {  	_ =	task.clear_ibuf [dreg:s18], $0x2FFFF;
	_ =	strace $0x9FFFFFFF  }
0xc9: {  	(tm) =	ssettm $0x7FFFFFFF  }
tec
execute0_lowered:
.L_overlay_start_1:
0x0: {  	(tag) =	ssettag $0x1  }
0x1: {  	s2 =	rddreg [dreg:$0x0]  }
0x2: {  	s4 =	rddreg [dreg:$0x1]  }
0x3: {  	s0 =	rddreg [dreg:$0x2];
	s3 =	stileid.u32  }
0x4: {  	[bflag:$0x3] =	sbarrier.arrive $0xFFFF;
	s1 =	simm.s32 $_size_execute1_lowered;
	p0 =	sne.s32 s3, $0x0  }
0x5: {  	s1 =	sshll.u32 s1, $0x1;
	s5 =	simm.s32 @!p0 $0x1C3F;
	s6 =	simm.s32 @!p0 $0x4060  }
0x6: {  	[timem:s6], [sflag:s5] =	dma.local @!p0 [hbm:s2], s1  }
0x7: {  	s2 =	smul.u32 $0x280, s3  }
.Ltmp0:
0x8: {  	s31 =	simm.s32 $0x2;
	s7 =	simm.s32 $0x280;
	(pc) =	sbr.rel .LBB2_1-.Ltmp0, $4  }
0x9: {  	s8 =	simm.s32 $0x780;
	s10 =	simm.s32 $0x0;
	s9 =	simm.s32 $0x0  }
0xa: {  	s3 =	simm.s32 $0x1;
	_ =	strace $0x8000004D;
	s30 =	sshrl.u32 s2, $0x3  }
0xb: {  	s6 =	simm.s32 $0x0;
	[sflag:s3] =	ssyncpa.u1 $0x0;
	s5 =	sadd.s32 s30, s4  }
0xc: {  	s4 =	sadd.s32 $0x28C00, s4;
	[sflag:s31] =	ssyncpa.u1 $0x0;
	s5 =	sadd.s32 $0x28600, s5  }
.LBB2_8:
0xd: {  	p1 =	seq.s32 s9, $0x2  }
.Ltmp1:
0xe: {  	_ = 	snop;
	(pc) =	sbr.rel @p1 .LBB2_10-.Ltmp1, $1  }
0xf: {  	_ =	sdelay $0x3  }
.LBB2_9:
0x10: {  	s9 =	sadd.s32 $0x1, s9;
	s10 =	smov.u32 s2  }
.LBB2_1:
0x11: {  	p1 =	sne.s32 s9, $0x0  }
.Ltmp2:
0x12: {  	_ = 	snop;
	(pc) =	sbr.rel @!p1 .LBB2_2-.Ltmp2, $1  }
0x13: {  	_ =	sdelay $0x3  }
0x14: {  	s11 =	sand.u32 $0x1, s9  }
0x15: {  	p1 =	seq.s32 s11, $0x0  }
.Ltmp3:
0x16: {  	_ = 	snop;
	(pc) =	sbr.rel @p1 .LBB2_8-.Ltmp3, $1  }
0x17: {  	_ =	sdelay $0x3  }
0x18: {  	_ =	swait.ge [sflag:s3], $0x280  }
0x19: {  	[sflag:s3] =	ssyncset.done $0x0  }
0x1a: {  	s11 =	simm.s32 $0x0;
	p1 =	por $0x1, $0x1;
	[sflag:s3] =	ssyncadd.s32 $0xFFFFFD80  }
.LBB2_5:
0x1b: {  	v0 =	vld [tilespmem:s11+$0x280]  }
0x1c: {  	v1 =	vld [tilespmem:s11+$0x290]  }
0x1d: {  	v2 =	vld [tilespmem:s11+$0x2A0]  }
0x1e: {  	v3 =	vld [tilespmem:s11+$0x2B0]  }
0x1f: {  	v4 =	vld [tilespmem:s11+$0x2C0]  }
0x20: {  	v53 =	vld [tilespmem:s11+$0x2D0];
	[tilespmem:s11+$0x780] =	vst v0  }
0x21: {  	v54 =	vld [tilespmem:s11+$0x2E0];
	[tilespmem:s11+$0x790] =	vst v1  }
0x22: {  	v55 =	vld [tilespmem:s11+$0x2F0];
	[tilespmem:s11+$0x7A0] =	vst v2  }
0x23: {  	v56 =	vld [tilespmem:s11+$0x300];
	[tilespmem:s11+$0x7B0] =	vst v3  }
0x24: {  	v57 =	vld [tilespmem:s11+$0x310];
	[tilespmem:s11+$0x7C0] =	vst v4  }
0x25: {  	v58 =	vld [tilespmem:s11+$0x320];
	[tilespmem:s11+$0x7D0] =	vst v53  }
0x26: {  	v59 =	vld [tilespmem:s11+$0x330];
	[tilespmem:s11+$0x7E0] =	vst v54  }
0x27: {  	v60 =	vld [tilespmem:s11+$0x340];
	[tilespmem:s11+$0x7F0] =	vst v55  }
0x28: {  	v61 =	vld [tilespmem:s11+$0x350];
	[tilespmem:s11+$0x800] =	vst v56  }
0x29: {  	v62 =	vld [tilespmem:s11+$0x360];
	[tilespmem:s11+$0x810] =	vst v57  }
0x2a: {  	v63 =	vld [tilespmem:s11+$0x370];
	p2 =	por p1, p1;
	[tilespmem:s11+$0x820] =	vst v58  }
.Ltmp4:
0x2b: {  	[tilespmem:s11+$0x830] =	vst v59;
	(pc) =	sbr.rel @p2 .LBB2_5-.Ltmp4, $4  }
0x2c: {  	[tilespmem:s11+$0x840] =	vst v60  }
0x2d: {  	[tilespmem:s11+$0x850] =	vst v61  }
0x2e: {  	s12 =	simm.s32 $0x1F0;
	s13 =	simm.s32 $0x980;
	[tilespmem:s11+$0x860] =	vst v62  }
0x2f: {  	s14 =	simm.s32 $0x480;
	p1 =	por $0x0, $0x0;
	[tilespmem:s11+$0x870] =	vst v63;
	s11 =	simm.s32 $0x100  }
.LBB2_6:
0x30: {  	s12 =	sadd.s32 $0x10, s12  }
0x31: {  	v0 =	vld [tilespmem:s14+$0x0];
	p1 =	slt.u32 s12, $0x270  }
.Ltmp5:
0x32: {  	_ = 	snop;
	(pc) =	sbr.rel @p1 .LBB2_6-.Ltmp5, $2  }
0x33: {  	_ =	sdelay $0x2  }
0x34: {  	s14 =	sadd.s32 $0x10, s14;
	[tilespmem:s13+$0x0] =	vst v0;
	s13 =	sadd.s32 $0x10, s13  }
.Ltmp6:
0x35: {  	(pc) =	sbr.rel .LBB2_8-.Ltmp6, $4  }
0x36: {  	_ = 	snop  }
0x37: {  	s10 =	sshrl.u32 s10, $0x3  }
0x38: {  	s10 =	sadd.s32 s4, s10  }
0x39: {  	[hbm4b:s10+s6] =	stream.linear.scatter [tilespmem:s8], [sflag:$0x2], $0x280, $0x38;
	[tilespmem:$0xA00] =	vst v63  }
.LBB2_2:
.Ltmp7:
0x3a: {  	(pc) =	sbr.rel .LBB2_9-.Ltmp7, $2  }
0x3b: {  	_ =	sdelay $0x2  }
0x3c: {  	[tilespmem:s7], [sflag:$0x1] =	stream.linear.gather [hbm4b:s5+s6], $0x280, $0x38;
	[tilespmem:$0xA00] =	vst v63  }
.LBB2_10:
0x3d: {  	s2 =	simm.s32 $0x2  }
0x3e: {  	_ =	swait.ge [sflag:s2], $0x280  }
0x3f: {  	[sflag:s2] =	ssyncset.done $0x0  }
0x40: {  	[sflag:s2] =	ssyncadd.s32 $0xFFFFFD80  }
0x41: {  	_ =	sfence.sel $0x180000  }
0x42: {  	s3 =	simm.s32 $0x1;
	[bflag:$0x0] =	sbarrier.arrive $0xFFFF  }
0x43: {  	[sflag:s3] =	ssyncpa.u1 $0x1  }
0x44: {  	[sflag:s2] =	ssyncpa.u1 $0x1  }
0x45: {  	_ =	strace $0x9000004D  }
0x46: {  	s0 =	sadd.s32 @!p0 $0x100000, s0;
	[bflag:$0x2] =	sbarrier.arrive $0xFFFF  }
0x47: {  	[sflag:s0] =	ssyncadd.tile.s32 @!p0 $0x1;
	s0 =	simm.s32 @!p0 $0x3F  }
0x48: {  	_ =	swait.ge @!p0 [sflag:s0], s1  }
0x49: {  	s1 =	ssub.s32 @!p0 $0x0, s1;
	[sflag:s0] =	ssyncset.done @!p0 $0x0  }
0x4a: {  	[sflag:s0] =	ssyncadd.s32 @!p0 s1  }
0x4b: {  	[bflag:$0x3] =	sbarrier.arrive $0xFFFF  }
0x4c: {  	_ =	shalt  }
.Lfunc_end2:
execute1_lowered:
.L_overlay_start_2:
0x4d: {  	(tag) =	ssettag $0x2  }
0x4e: {  	s0 =	rddreg [dreg:$0x0]  }
0x4f: {  	s14 =	stileid.u32;
	_ =	strace $0x80000050;
	s2 =	simm.s32 $0x1  }
0x50: {  	v1 =	vimm.s32 $0xFFFFFFFF;
	s1 =	smin.u32 s14, $0x4;
	[sflag:s2] =	ssyncpa.u1 $0x0  }
0x51: {  	s1 =	sadd.s32 s14, s1;
	[tilespmem:$0x10] =	vst v1  }
0x52: {  	v0 =	vimm.f32 $0.0e+00;
	p0 =	slt.u32 s14, $0x4;
	[tilespmem:$0x20] =	vst v1;
	s3 =	smul.u32 $0x1F40, s1;
	s1 =	simm.s32 $0x3E80  }
0x53: {  	[tilespmem:$0x30] =	vst v0;
	s1 =	simm.s32 @!p0 $0x1F40  }
0x54: {  	[tilespmem:$0x40] =	vst v0;
	s1 =	sadd.s32 s1, s3  }
0x55: {  	[tilespmem:$0x50] =	vst v0;
	s4 =	smin.u32 s1, $0x27100  }
0x56: {  	[tilespmem:$0x60] =	vst v1;
	s9 =	ssub.s32 s4, s3  }
0x57: {  	s7 =	simm.s32 $0x2;
	s8 =	simm.s32 $0x8;
	[tilespmem:$0x70] =	vst v1;
	p0 =	sgt.s32 s9, $0x0  }
0x58: {  	s31 =	simm.s32 $0x9;
	s16 =	simm.s32 $0x0;
	[tilespmem:$0x80] =	vst v1;
	s9 =	simm.s32 @!p0 $0x0  }
0x59: {  	s17 =	simm.s32 $0xF0;
	s18 =	simm.s32 $0xFFFFFFFF;
	v1 =	vimm.s32 $0x0;
	[tilespmem:$0xB0] =	vst v0;
	s5 =	smulhi.u32 $0x10624DD3, s9  }
0x5a: {  	s19 =	simm.s32 $0xFFFFC280;
	s20 =	simm.s32 $0xFFFFFFFE;
	s21 =	simm.s32 $0xF;
	[tilespmem:$0x90] =	vst v1  }
0x5b: {  	[tilespmem:$0xA0] =	vst v1;
	[sflag:s7] =	ssyncpa.u1 $0x0;
	s7 =	simm.s32 $0x7;
	s10 =	sshrl.u32 s5, $0x9  }
0x5c: {  	s25 =	simm.s32 $0x0;
	[sflag:s7] =	ssyncpa.u1 $0x0;
	s11 =	smul.u32 $0x1F40, s10  }
0x5d: {  	s24 =	simm.s32 $0x0;
	s6 =	sadd.s32 $0x23000, s0;
	[sflag:s8] =	ssyncpa.u1 $0x0  }
.Ltmp8:
0x5e: {  	s23 =	smov.u32 s3;
	p0 =	sne.s32 s9, s11;
	(pc) =	sbr.rel .LBB3_1-.Ltmp8, $4  }
0x5f: {  	s1 =	sadd.s32 $0x28C00, s0;
	[sflag:s31] =	ssyncpa.u1 $0x0;
	s2 =	simm.s32 @!p0 $0x0  }
0x60: {  	s5 =	sadd.s32 $0x1E000, s0;
	p0 =	por $0x0, $0x0;
	s9 =	sadd.s32 s2, s10  }
0x61: {  	vm0 =	vmmov $0xffff;
	v2 =	vlaneseq.u32;
	s10 =	sshll.u32 s14, $0x1;
	s14 =	sshllo.u32 s14, $0x1;
	s11 =	sadd.s32 $0x1, s9  }
0x62: {  	vm1 =	vmxor vm1, vm1;
	vm2 =	vmmov $0x1;
	vm3 =	vcmask $0x3F3C;
	s12 =	sadd.s32 $0x2, s9;
	s13 =	sor.u32 $0x81, s10;
	s15 =	sor.u32 $0x80, s10  }
.LBB3_9:
0x63: {  	p1 =	slt.u32 s24, $0x3  }
0x64: {  	s0 =	simm.s32 @!p1 $0x2  }
0x65: {  	_ =	swait.ge @!p1 [sflag:s0], $0x1F40  }
0x66: {  	[sflag:s0] =	ssyncset.done @!p1 $0x0  }
0x67: {  	[sflag:s0] =	ssyncadd.s32 @!p1 $0xFFFFE0C0;
	s0 =	simm.s32 @!p1 $0x9  }
0x68: {  	_ =	swait.ge @!p1 [sflag:s0], $0x10  }
0x69: {  	[sflag:s0] =	ssyncset.done @!p1 $0x0  }
0x6a: {  	[sflag:s0] =	ssyncadd.s32 @!p1 $0xFFFFFFF0;
	p1 =	sne.s32 s24, s12  }
.Ltmp9:
0x6b: {  	s2 =	sadd.s32 $0x1F40, s23;
	(pc) =	sbr.rel @!p1 .LBB3_10-.Ltmp9, $4  }
0x6c: {  	s22 =	smov.u32 s3;
	s31 =	sadd.s32 $0x1, s24;
	s17 =	sadd.s32 $0x1F40, s17  }
0x6d: {  	s18 =	sadd.s32 $0x1, s18;
	s25 =	smov.u32 s23;
	p2 =	slt.s32 s2, s4  }
0x6e: {  	p0 =	por !p0, !p0;
	s19 =	sadd.s32 $0x1F40, s19;
	s22 =	smov.u32 @p2 s2  }
0x6f: {  	s20 =	sadd.s32 $0x1, s20;
	s23 =	smov.u32 s22;
	s24 =	smov.u32 s31  }
.LBB3_1:
0x70: {  	p1 =	sge.u32 s24, s9  }
0x71: {  	s0 =	smulhi.u32 @!p1 $0xAAAAAAAB, s24;
	_ =	sdelay $0x1  }
0x72: {  	s0 =	sshrl.u32 @!p1 s0, $0x1  }
0x73: {  	s0 =	smul.u32 @!p1 $0x3, s0;
	_ =	sdelay $0x1  }
0x74: {  	s0 =	ssub.s32 @!p1 s24, s0  }
0x75: {  	s0 =	smul.u32 @!p1 $0x7D00, s0;
	_ =	sdelay $0x1  }
0x76: {  	s2 =	sshrl.u32 @!p1 s23, $0x3;
	s0 =	sshrl.u32 @!p1 s0, $0x2  }
0x77: {  	s22 =	sand.u32 @!p1 $0x7, s23;
	s2 =	sadd.s32 @!p1 s5, s2;
	s0 =	sadd.s32 @!p1 $0x100, s0  }
0x78: {  	[tilespmem:s0], [sflag:$0x7] =	stream.linear.gather @!p1 [hbm4b:s2+s22], $0x1F40, $0x38;
	[tilespmem:$0x11A60] =	vst v63  }
0x79: {  	s0 =	sadd.s32 $0xFFFFFFFF, s24  }
0x7a: {  	p1 =	sge.u32 s0, s9  }
.Ltmp10:
0x7b: {  	_ = 	snop;
	(pc) =	sbr.rel @p1 .LBB3_5-.Ltmp10, $1  }
0x7c: {  	_ =	sdelay $0x3  }
0x7d: {  	s2 =	smulhi.u32 $0xAAAAAAAB, s0;
	_ =	sdelay $0x1  }
0x7e: {  	s2 =	sshrl.u32 s2, $0x1  }
0x7f: {  	s2 =	smul.u32 $0x3, s2;
	_ =	sdelay $0x1  }
0x80: {  	s2 =	ssub.s32 s0, s2  }
0x81: {  	s2 =	smul.u32 $0x7D00, s2  }
0x82: {  	_ =	swait.ge [sflag:s7], $0x1F40  }
0x83: {  	[sflag:s7] =	ssyncset.done $0x0;
	s2 =	sshrl.u32 s2, $0x2  }
0x84: {  	[sflag:s7] =	ssyncadd.s32 $0xFFFFE0C0;
	(ifvalue) =	ssetifvalue $0xFFFFFFFF;
	v3 =	vld.msk [tilespmem:s2+$0x100 ss:$0x1], $0xffff;
	_ =	sdelay $0x2  }
0x85: {  	s30 =	smulhi.u32 $0xAAAAAAAB, s18;
	p1 =	sne.s32 s24, $0x1  }
0x86: {  	v4 =	vimm.s32 @!p1 $0x0  }
0x87: {  	s2 =	sshrl.u32 s30, $0x1;
	v4 =	vperm.xlane @!p1 v3, v4  }
0x88: {  	s22 =	sshll.u32 s24, $0x4;
	s2 =	smul.u32 $0xFFFE8900, s2;
	vm4 =	vlt.u32 v3, $0x2800  }
0x89: {  	s22 =	sand.u32 $0x10, s22;
	v3 =	vnsel vm4, $0xFFFFFFFE, v3;
	vm4 =	vlt.u32 @!p1 v4, $0x2800  }
0x8a: {  	s2 =	sshra.s32 s2, $0x2;
	[tilespmem:s22+$0x60] =	vst v3;
	v3 =	vnsel @!p1 vm4, $0xFFFFFFFE, v4  }
0x8b: {  	s28 =	sadd.s32 s2, s17;
	[tilespmem:$0x80] =	vst @!p1 v3  }
0x8c: {  	v3 =	vld.msk [tilespmem:s28+$0x0 ss:$0x1], $0xffff;
	_ =	sdelay $0x4  }
0x8d: {  	(xrf1) =	vunique.msk.u32 $0xffff, v3;
	_ =	sdelay $0xd  }
0x8e: {  	v4 =	vimm.s32 $0xFFFFFFFF;
	v5, _, _ =	vpop (xrf1)  }
0x8f: {  	vm5 =	vne.s32 v3, v4;
	vm4 =	veq.s32 v5, v2  }
0x90: {  	vm6 =	vlt.u32 v3, $0x2800;
	vm4 =	vmand vm5, vm4  }
0x91: {  	vm4 =	vmand vm6, vm4  }
0x92: {  	v4 =	vnsel vm4, $0xFFFFFFFF, v3  }
0x93: {  	s31 =	sand.u32 $0x1, s0  }
0x94: {  	s0 =	simm.s32 $0x1F40;
	p1 =	seq.s32 s31, $0x1  }
0x95: {  	s0 =	simm.s32 @!p1 $0x0  }
0x96: {  	s26 =	sadd.s32 $0x7DF0, s0;
	(ifvalue) =	ssetifvalue $0xFFFFFFFF  }
0x97: {  	v3 =	vperm.xlane v3, v1;
	[tilespmem:s26], [sflag:$0x8] =	stream.indirect_vreg.gather [hbm4b:s1+s16], $0x1, v4, vm0, $0x4038;
	v4 =	vnsel vm6, $0xFFFFFFFE, v4;
	[tilespmem:$0x11A60] =	vst v63  }
0x98: {  	s2 =	simm.s32 $0x0;
	s22 =	sadd.s32 $0xFFFFFFF0, s28;
	[tilespmem:s28+$0x0] =	vst v4  }
.LBB3_3:
0x99: {  	v4 =	vld.msk [tilespmem:s22+$0x0 ss:$0x1], $0xffff;
	s2 =	sadd.s32 $0x10, s2;
	v5 =	vmov v3;
	s28 =	smov.u32 s22  }
0x9a: {  	p1 =	slt.u32 s2, $0x1F30;
	_ =	sdelay $0x4  }
0x9b: {  	v3 =	vperm.xlane v4, v1;
	(xrf1) =	vunique.msk.u32 $0xffff, v4;
	_ =	sdelay $0xd  }
0x9c: {  	v6, _, _ =	vpop (xrf1)  }
0x9d: {  	vm5 =	vne.s32 v4, v5;
	vm4 =	veq.s32 v6, v2  }
0x9e: {  	vm6 =	vlt.u32 v4, $0x2800;
	vm4 =	vmand vm5, vm4  }
0x9f: {  	vm4 =	vmand vm6, vm4  }
0xa0: {  	v4 =	vnsel vm4, $0xFFFFFFFF, v4  }
.Ltmp11:
0xa1: {  	v5 =	vnsel vm6, $0xFFFFFFFE, v4;
	(pc) =	sbr.rel @p1 .LBB3_3-.Ltmp11, $3  }
0xa2: {  	_ =	sdelay $0x1  }
0xa3: {  	s22 =	sadd.s32 $0xFFFFFFF0, s22;
	s26 =	sadd.s32 $0xFFFFFFF0, s26;
	(ifvalue) =	ssetifvalue $0xFFFFFFFF  }
0xa4: {  	[tilespmem:s26], [sflag:$0x8] =	stream.indirect_vreg.gather [hbm4b:s1+s16], $0x1, v4, vm0, $0x4038;
	[tilespmem:s28+$0x0] =	vst v5  }
0xa5: {  	s2 =	sshrl.u32 s25, $0x3  }
0xa6: {  	s0 =	sadd.s32 $0x9D40, s0;
	s2 =	sadd.s32 s6, s2  }
0xa7: {  	[tilespmem:s0], [sflag:$0x8] =	stream.linear.gather [hbm:s2], $0x1F40, $0x38;
	[tilespmem:$0x11A60] =	vst v63  }
.LBB3_5:
0xa8: {  	p1 =	slt.u32 s24, $0x2  }
0xa9: {  	p2 =	sge.u32 @!p1 s24, s12  }
0xaa: {  	p1 =	por p1, p2  }
.Ltmp12:
0xab: {  	_ = 	snop;
	(pc) =	sbr.rel @p1 .LBB3_9-.Ltmp12, $1  }
0xac: {  	_ =	sdelay $0x3  }
0xad: {  	s0 =	sadd.s32 $0xFFFFFFFE, s24  }
0xae: {  	s2 =	smulhi.u32 $0xAAAAAAAB, s0;
	_ =	sdelay $0x1  }
0xaf: {  	s2 =	sshrl.u32 s2, $0x1  }
0xb0: {  	s2 =	smul.u32 $0x3, s2;
	_ =	sdelay $0x1  }
0xb1: {  	s0 =	ssub.s32 s0, s2  }
0xb2: {  	_ =	swait.ge [sflag:s8], $0x3E80;
	s0 =	smul.u32 $0x1F40, s0  }
0xb3: {  	p1 =	sne.s32 s24, s11;
	[sflag:s8] =	ssyncset.done $0x0  }
0xb4: {  	[sflag:s8] =	ssyncadd.s32 $0xFFFFC180;
	s2 =	sadd.s32 @!p1 $0x203F, s0  }
0xb5: {  	[spmem:s13] =	stream.linear.scatter @!p1 [tilespmem:s2], [sflag:$0x1], $0x1, $0x38;
	[tilespmem:$0x11A60] =	vst v63  }
0xb6: {  	s2 =	simm.s32 @!p1 $0x1  }
0xb7: {  	_ =	swait.ge @!p1 [sflag:s2], $0x1  }
0xb8: {  	s22 =	sshll.u32 s24, $0x4;
	[sflag:s2] =	ssyncset.done @!p1 $0x0  }
0xb9: {  	s25 =	sand.u32 $0x10, s22;
	[sflag:s2] =	ssyncadd.s32 @!p1 $0xFFFFFFFF  }
0xba: {  	s2 =	sxor.u32 $0x10, s25;
	v4 =	vld [tilespmem:s25+$0x10]  }
0xbb: {  	v5 =	vld [tilespmem:s2+$0x60]  }
0xbc: {  	v3 =	vld [tilespmem:$0x80];
	_ =	sdelay $0x2  }
0xbd: {  	(v2sf) =	vpush v4, $0x0  }
0xbe: {  	(v2sf) =	vpush v5, $0x0  }
0xbf: {  	(v2sf) =	vpush v3, $0x0;
	_ =	sdelay $0xc  }
0xc0: {  	s22 =	spop (v2sf)  }
0xc1: {  	s26 =	spop (v2sf)  }
0xc2: {  	s28 =	spop (v2sf)  }
0xc3: {  	p2 =	seq.s32 s22, s26;
	p3 =	seq.s32 s28, s22  }
0xc4: {  	p3 =	por p2, p3  }
0xc5: {  	s26 =	sand.u32 $0x1, s24;
	v4 =	vpsel p3, $0xFFFFFFFF, v4  }
0xc6: {  	s29 =	smul.u32 $0x1F40, s26;
	[tilespmem:s25+$0x10] =	vst.msk $0x1, v4  }
0xc7: {  	v4 =	vld [tilespmem:$0x30]  }
0xc8: {  	v5 =	vld [tilespmem:s29+$0x9D40]  }
0xc9: {  	v6 =	vld [tilespmem:s25+$0x40];
	_ =	sdelay $0x3  }
0xca: {  	vm4 =	vmmov vm1;
	v5 =	vadd.f32 v5, v4  }
0xcb: {  	vm5 =	vmmov vm2;
	vm4 =	vmmov @p2 vm2;
	s22 =	sshll.u32 s26, $0x4;
	v4 =	vadd.f32 v6, v4  }
0xcc: {  	s26 =	sor.u32 $0x11A40, s22;
	vm5 =	vmmov @p3 vm1;
	[tilespmem:s29+$0x9D40] =	vst.msk vm4, v5  }
0xcd: {  	[tilespmem:s26+$0x0] =	vst.msk vm5, v4  }
0xce: {  	v4 =	vld [tilespmem:s29+$0x7DF0];
	_ =	sdelay $0x3  }
0xcf: {  	v5 =	vimm.f32 $0.0e+00  }
0xd0: {  	v4 =	vshift.insert v4, v5, s21  }
0xd1: {  	s22 =	sor.u32 $0x40, s2  }
0xd2: {  	[tilespmem:s22+$0x0] =	vst.msk $0x1, v4  }
0xd3: {  	[tilespmem:s29+$0x7DFF] =	vst.msk $0x1, v5  }
0xd4: {  	v4 =	vld [tilespmem:s0+$0x2030];
	_ =	sdelay $0x1  }
0xd5: {  	s22 =	smulhi.u32 $0xAAAAAAAB, s20;
	s0 =	simm.s32 $0x1  }
0xd6: {  	s0 =	simm.s32 @!p0 $0x0  }
0xd7: {  	s22 =	sshrl.u32 s22, $0x1;
	s0 =	smul.u32 $0x7D00, s0  }
0xd8: {  	s22 =	smul.u32 $0xFFFE8900, s22;
	v4 =	vshift.insert v4, v1, s21  }
0xd9: {  	s0 =	sshrl.u32 s0, $0x2  }
0xda: {  	s22 =	sshra.s32 s22, $0x2;
	s30 =	sadd.s32 $0x9D40, s0;
	[tilespmem:s2+$0x10] =	vst.msk $0x1, v4  }
0xdb: {  	s22 =	sadd.s32 s22, s19;
	v6 =	vld [tilespmem:s30+$0x0]  }
0xdc: {  	v7 =	vld [tilespmem:s22+$0x0];
	_ =	sdelay $0x3  }
0xdd: {  	v5 =	vadd.f32 v6, v5  }
0xde: {  	vm4 =	vne.s32 v7, $0xFFFFFFFF  }
0xdf: {  	(xrf2) =	vadd.seg.scan.f32 vm4, v5;
	_ =	sdelay $0x3  }
0xe0: {  	s31 =	sadd.s32 $0x5EC0, s0;
	v5 =	vperm.xlane v4, v1  }
0xe1: {  	v6 =	vld [tilespmem:s31+$0x0]  }
0xe2: {  	vm5 =	veq.s32 v7, v3;
	vm6 =	veq.s32 v7, v5  }
0xe3: {  	vm7 =	vgt.u32 v7, $0xFFFFFFFD;
	vm6 =	vmor vm6, vm5  }
0xe4: {  	vm6 =	vmor vm6, vm7  }
0xe5: {  	v9 =	vld [tilespmem:$0xA0];
	v7 =	vsel vm6, $0xFFFFFFFF, v7  }
0xe6: {  	v10 =	vld [tilespmem:$0x90];
	v6 =	vsel vm5, $0x0, v6;
	v8, _, _ =	vpop (xrf2)  }
0xe7: {  	v6 =	vadd.f32 v8, v6  }
0xe8: {  	s0 =	sadd.s32 $0xDBC0, s0  }
0xe9: {  	vm4 =	vmand vm4, vm3;
	[tilespmem:s0+$0x0] =	vst v6;
	(ifvalue) =	ssetifvalue $0xFFFFFFFF  }
0xea: {  	vm6 =	veq.s32 v9, $0x1;
	[hbm4b:s1+s16] =	stream.indirect_vreg.scatter [tilespmem:s0], [sflag:$0x2], $0x1, v7, vm0, $0x4038;
	v7 =	vsel vm4, $0x0, v8;
	[tilespmem:$0x11A60] =	vst v63  }
0xeb: {  	s2 =	simm.s32 $0x0;
	s22 =	sadd.s32 $0x10, s22;
	vm4 =	vmor vm6, vm5;
	v6 =	vsel vm5, v8, v10;
	v7 =	vshift.insert v7, v0, s21  }
.LBB3_7:
0xec: {  	v8 =	vld [tilespmem:s22+$0x0];
	s30 =	sadd.s32 $0x10, s30  }
0xed: {  	s31 =	sadd.s32 $0x10, s31;
	v9 =	vld [tilespmem:s30+$0x0]  }
0xee: {  	s2 =	sadd.s32 $0x10, s2;
	v10 =	vld [tilespmem:s31+$0x0]  }
0xef: {  	p2 =	slt.u32 s2, $0x1F30;
	_ =	sdelay $0x2  }
0xf0: {  	v7 =	vadd.f32 v9, v7  }
0xf1: {  	vm5 =	vne.s32 v8, $0xFFFFFFFF  }
0xf2: {  	vm6 =	vmand vm5, vm3;
	(xrf2) =	vadd.seg.scan.f32 vm5, v7;
	_ =	sdelay $0x5  }
0xf3: {  	vm7 =	veq.s32 v8, v5;
	vm5 =	veq.s32 v8, v3  }
0xf4: {  	vm8 =	vgt.u32 v8, $0xFFFFFFFD;
	vm4 =	vmor vm4, vm5;
	vm7 =	vmor vm7, vm5  }
0xf5: {  	vm7 =	vmor vm7, vm8  }
0xf6: {  	v8 =	vsel vm7, $0xFFFFFFFF, v8  }
.Ltmp13:
0xf7: {  	v7 =	vsel vm5, $0x0, v10;
	v9, _, _ =	vpop (xrf2);
	(pc) =	sbr.rel @p2 .LBB3_7-.Ltmp13, $4  }
0xf8: {  	v6 =	vsel vm5, v9, v6;
	v10 =	vadd.f32 v9, v7;
	v7 =	vsel vm6, $0x0, v9  }
0xf9: {  	s0 =	sadd.s32 $0x10, s0;
	v7 =	vshift.insert v7, v0, s21  }
0xfa: {  	s22 =	sadd.s32 $0x10, s22;
	[tilespmem:s0+$0x0] =	vst v10;
	(ifvalue) =	ssetifvalue $0xFFFFFFFF  }
0xfb: {  	[hbm4b:s1+s16] =	stream.indirect_vreg.scatter [tilespmem:s0], [sflag:$0x2], $0x1, v8, vm0, $0x4038;
	[tilespmem:$0x11A60] =	vst v63  }
0xfc: {  	v3 =	vld [tilespmem:s29+$0xFAF0];
	_ =	sdelay $0x4  }
0xfd: {  	v3 =	vshift.insert v3, v0, s21  }
0xfe: {  	s0 =	simm.s32 $0x30  }
0xff: {  	[tilespmem:s0+$0x0] =	vst.msk $0x1, v3  }
0x100: {  	v3 =	vsel vm4, $0x1, v1;
	[tilespmem:$0x90] =	vst v6  }
0x101: {  	s0 =	sadd.s32 @!p1 $0xFAFF, s29;
	[tilespmem:$0xA0] =	vst v3  }
0x102: {  	[spmem:s14] =	stream.linear.scatter @!p1 [tilespmem:s0], [sflag:$0x1], $0x1, $0x38;
	[tilespmem:$0x11A60] =	vst v63  }
0x103: {  	s0 =	simm.s32 @!p1 $0x1  }
0x104: {  	v3 =	vmctz.xlane @!p1 vm4;
	_ =	swait.ge @!p1 [sflag:s0], $0x1  }
0x105: {  	(v2sf) =	vpush @!p1 v4, $0x0  }
0x106: {  	(v2sf) =	vpush @!p1 v3, $0x0;
	_ =	sdelay $0xd  }
0x107: {  	s2 =	spop @!p1 (v2sf)  }
0x108: {  	s22 =	spop @!p1 (v2sf)  }
0x109: {  	p2 =	sne.s32 @!p1 s28, s2;
	p3 =	slt.s32 @!p1 s22, $0xF  }
0x10a: {  	[sflag:s0] =	ssyncset.done @!p1 $0x0;
	p2 =	por p2, p1;
	p3 =	por !p3, p1  }
0x10b: {  	[sflag:s0] =	ssyncadd.s32 @!p1 $0xFFFFFFFF;
	v3 =	vimm.s32 @!p2 $0xFFFFFFFF;
	s22 =	simm.s32 @p3 $0xF  }
0x10c: {  	[tilespmem:$0x80] =	vst @!p2 v3;
	s2 =	sadd.s32 @!p1 $0x90, s22  }
0x10d: {  	[spmem:s10] =	stream.linear.scatter @!p1 [tilespmem:s2], [sflag:$0x1], $0x1, $0x38;
	[tilespmem:$0x11A60] =	vst v63  }
0x10e: {  	_ =	swait.ge @!p1 [sflag:s0], $0x1  }
0x10f: {  	[sflag:s0] =	ssyncset.done @!p1 $0x0  }
0x110: {  	s2 =	simm.s32 @!p1 $0x80;
	[sflag:s0] =	ssyncadd.s32 @!p1 $0xFFFFFFFF  }
0x111: {  	[spmem:s15] =	stream.linear.scatter @!p1 [tilespmem:s2], [sflag:$0x1], $0x1, $0x38;
	[tilespmem:$0x11A60] =	vst v63  }
0x112: {  	_ =	swait.ge @!p1 [sflag:s0], $0x1  }
0x113: {  	[sflag:s0] =	ssyncset.done @!p1 $0x0  }
0x114: {  	[sflag:s0] =	ssyncadd.s32 @!p1 $0xFFFFFFFF;
	(ifvalue) =	ssetifvalue $0xFFFFFFFF;
	v3 =	vld [tilespmem:s25+$0x10];
	_ =	sdelay $0x3  }
.Ltmp14:
0x115: {  	_ = 	snop;
	(pc) =	sbr.rel .LBB3_9-.Ltmp14, $3  }
0x116: {  	_ =	sdelay $0x1  }
0x117: {  	(ifvalue) =	ssetifvalue $0xFFFFFFFF  }
0x118: {  	[hbm4b:s1+s16] =	stream.indirect_vreg.scatter [tilespmem:s26], [sflag:$0x9], $0x1, v3, vm0, $0x4038;
	[tilespmem:$0x11A60] =	vst v63  }
.LBB3_10:
0x119: {  	_ =	sfence.sel $0x180000  }
0x11a: {  	s0 =	simm.s32 $0x7;
	[bflag:$0x0] =	sbarrier.arrive $0xFFFF  }
0x11b: {  	s26 =	simm.s32 $0x8;
	[sflag:s0] =	ssyncpa.u1 $0x1  }
0x11c: {  	s28 =	simm.s32 $0x9;
	[sflag:s26] =	ssyncpa.u1 $0x1  }
0x11d: {  	[sflag:s28] =	ssyncpa.u1 $0x1  }
0x11e: {  	_ =	sfence.stream.spmem  }
0x11f: {  	s29 =	simm.s32 $0x3;
	[bflag:$0x0] =	sbarrier.arrive $0xFFFF  }
0x120: {  	s30 =	simm.s32 $0x4;
	[sflag:s29] =	ssyncpa.u1 $0x1  }
0x121: {  	s31 =	simm.s32 $0x3C;
	s2 =	stileid.u32;
	[sflag:s30] =	ssyncpa.u1 $0x1  }
0x122: {  	p0 =	sne.s32 s2, $0x0;
	[sflag:s31] =	ssyncpa.u1 $0x1  }
0x123: {  	s0 =	simm.s32 @p0 $0x1;
	_ =	sfence @p0  }
0x124: {  	[sflag:s0] =	ssyncpa.u1 @p0 $0x1;
	s0 =	simm.s32 @p0 $0x2  }
0x125: {  	[sflag:s0] =	ssyncpa.u1 @p0 $0x1  }
0x126: {  	_ =	strace @p0 $0x90000050  }
0x127: {  	[bflag:$0x2] =	sbarrier.arrive @p0 $0xFFFF  }
0x128: {  	_ =	shalt @p0  }
.LBB3_11:
0x129: {  	_ =	sfence.stream.spmem;
	s0 =	simm.s32 $0x5  }
0x12a: {  	s2 =	simm.s32 $0x80;
	s3 =	simm.s32 $0xC0;
	[sflag:s0] =	ssyncpa.u1 $0x0  }
0x12b: {  	[tilespmem:s3], [sflag:$0x5] =	stream.linear.gather [spmem:s2], $0x20, $0x38;
	[tilespmem:$0x11A60] =	vst v63  }
0x12c: {  	s2 =	simm.s32 $0x0;
	s3 =	simm.s32 $0xE0  }
0x12d: {  	[tilespmem:s3], [sflag:$0x5] =	stream.linear.gather [spmem:s2], $0x20, $0x38;
	[tilespmem:$0x11A60] =	vst v63  }
.Ltmp15:
0x12e: {  	_ = 	snop;
	(pc) =	sbr.rel .LBB3_12-.Ltmp15, $4  }
0x12f: {  	_ =	swait.ge [sflag:s0], $0x40  }
0x130: {  	[sflag:s0] =	ssyncset.done $0x0  }
0x131: {  	s31 =	simm.s32 $0x6;
	[sflag:s0] =	ssyncadd.s32 $0xFFFFFFC0  }
0x132: {  	s4 =	simm.s32 $0x0;
	[sflag:s31] =	ssyncpa.u1 $0x0  }
.LBB3_17:
0x133: {  	p0 =	sgt.u32 s5, $0x27FF  }
0x134: {  	s0 =	sshrl.u32 @!p0 s5, $0x3  }
0x135: {  	s5 =	sand.u32 @!p0 $0x7, s5;
	s6 =	simm.s32 @!p0 $0xB0;
	s0 =	sadd.s32 @!p0 s1, s0  }
0x136: {  	[tilespmem:s6], [sflag:$0x6] =	stream.linear.gather @!p0 [hbm4b:s0+s5], $0x1, $0x38;
	[tilespmem:$0x11A60] =	vst v63  }
0x137: {  	s0 =	simm.s32 @!p0 $0x6  }
0x138: {  	_ =	swait.ge @!p0 [sflag:s0], $0x1  }
0x139: {  	[sflag:s0] =	ssyncset.done @!p0 $0x0  }
0x13a: {  	[sflag:s0] =	ssyncadd.s32 @!p0 $0xFFFFFFFF  }
0x13b: {  	v2 =	vmov @!p0 s4;
	v1 =	vld.msk @!p0 [tilespmem:$0xB0], $0x1;
	_ =	sdelay $0x3  }
0x13c: {  	s0 =	simm.s32 @!p0 $0xE0  }
0x13d: {  	[tilespmem:v2+s0+$0x0], v1 =	vst.idx.ret.add.f32.msk @!p0 $0x1, v1  }
0x13e: {  	[tilespmem:s2+$0xC0] =	vst.msk $0x1, v0  }
0x13f: {  	v0 =	vld.msk [tilespmem:s4+$0xE0], $0x1;
	_ =	sdelay $0x4  }
0x140: {  	[tilespmem:s2+$0xE0] =	vst.msk $0x1, v0;
	s2 =	sadd.s32 $0x1, s2  }
.LBB3_19:
0x141: {  	s4 =	sadd.s32 $0x1, s4  }
0x142: {  	p0 =	sne.s32 s4, $0x20  }
.Ltmp16:
0x143: {  	_ = 	snop;
	(pc) =	sbr.rel @!p0 .LBB3_20-.Ltmp16, $1  }
0x144: {  	_ =	sdelay $0x3  }
.LBB3_12:
0x145: {  	v0 =	vld.msk [tilespmem:s4+$0xC0], $0x1;
	_ =	sdelay $0x4  }
0x146: {  	(v2sf) =	vpush v0, $0x0;
	_ =	sdelay $0xe  }
0x147: {  	s5 =	spop (v2sf)  }
0x148: {  	p0 =	seq.s32 s5, $0xFFFFFFFF  }
.Ltmp17:
0x149: {  	_ = 	snop;
	(pc) =	sbr.rel @p0 .LBB3_19-.Ltmp17, $1  }
0x14a: {  	_ =	sdelay $0x3  }
0x14b: {  	p0 =	slt.s32 s2, $0x1  }
.Ltmp18:
0x14c: {  	_ = 	snop;
	(pc) =	sbr.rel @p0 .LBB3_17-.Ltmp18, $1  }
0x14d: {  	_ =	sdelay $0x3  }
0x14e: {  	s0 =	simm.s32 $0xC0;
	p0 =	por $0x0, $0x0  }
0x14f: {  	v1 =	vld.msk @!p0 [tilespmem:s0+$0x0], $0x1;
	_ =	sdelay $0x4  }
0x150: {  	(v2sf) =	vpush @!p0 v1, $0x0;
	_ =	sdelay $0xd  }
0x151: {  	p2 =	sne.s32 s2, $0x1  }
.Ltmp19:
0x152: {  	s6 =	spop @!p0 (v2sf);
	(pc) =	sbr.rel @!p2 .LBB3_16-.Ltmp19, $4  }
0x153: {  	p1 =	seq.s32 @!p0 s5, s6  }
0x154: {  	s6 =	simm.s32 $0x0;
	p1 =	por !p1, p0  }
0x155: {  	s8 =	simm.s32 $0xFFFFFFFF;
	s6 =	simm.s32 @p1 $0xFFFFFFFF  }
0x156: {  	s7 =	simm.s32 $0x1;
	s6 =	smov.u32 @p0 s8  }
.LBB3_15:
0x157: {  	s8 =	smov.u32 s6;
	p0 =	sne.s32 s6, $0xFFFFFFFF  }
0x158: {  	s0 =	sadd.s32 $0x1, s0;
	s6 =	smov.u32 s7;
	s7 =	sadd.s32 $0x1, s7  }
0x159: {  	p1 =	sne.s32 s2, s7;
	v1 =	vld.msk @!p0 [tilespmem:s0+$0x0], $0x1;
	_ =	sdelay $0x4  }
0x15a: {  	(v2sf) =	vpush @!p0 v1, $0x0;
	_ =	sdelay $0xe  }
.Ltmp20:
0x15b: {  	s9 =	spop @!p0 (v2sf);
	(pc) =	sbr.rel @p1 .LBB3_15-.Ltmp20, $4  }
0x15c: {  	p2 =	seq.s32 @!p0 s5, s9  }
0x15d: {  	p2 =	por !p2, p0  }
0x15e: {  	s6 =	simm.s32 @p2 $0xFFFFFFFF  }
0x15f: {  	s6 =	smov.u32 @p0 s8  }
.LBB3_16:
0x160: {  	p0 =	sne.s32 s6, $0xFFFFFFFF  }
.Ltmp21:
0x161: {  	_ = 	snop;
	(pc) =	sbr.rel @!p0 .LBB3_17-.Ltmp21, $1  }
0x162: {  	_ =	sdelay $0x3  }
0x163: {  	v0 =	vld.msk [tilespmem:s4+$0xE0], $0x1;
	v1 =	vmov s6  }
.Ltmp22:
0x164: {  	_ = 	snop;
	(pc) =	sbr.rel .LBB3_19-.Ltmp22, $2  }
0x165: {  	_ =	sdelay $0x2  }
0x166: {  	[tilespmem:v1+s3+$0x0], v0 =	vst.idx.ret.add.f32.msk $0x1, v0  }
.LBB3_20:
0x167: {  	p0 =	slt.s32 s2, $0x1  }
.Ltmp23:
0x168: {  	_ = 	snop;
	(pc) =	sbr.rel @p0 .LBB3_24-.Ltmp23, $3  }
0x169: {  	_ =	sdelay $0x1  }
0x16a: {  	s0 =	simm.s32 $0x6  }
0x16b: {  	s3 =	simm.s32 $0x0;
	[sflag:s0] =	ssyncpa.u1 $0x1  }
0x16c: {  	s0 =	simm.s32 $0xC0  }
0x16d: {  	v0 =	vld.msk [tilespmem:s0+$0x0], $0x1;
	_ =	sdelay $0x4  }
0x16e: {  	(v2sf) =	vpush v0, $0x0;
	_ =	sdelay $0xe  }
0x16f: {  	s2 =	sadd.s32 $0xFFFFFFFF, s2;
	s4 =	spop (v2sf)  }
0x170: {  	p1 =	sne.s32 s2, $0x0;
	p0 =	sgt.u32 s4, $0x27FF  }
.Ltmp24:
0x171: {  	s5 =	sshrl.u32 @!p0 s4, $0x3;
	(pc) =	sbr.rel @!p1 .LBB3_23-.Ltmp24, $4  }
0x172: {  	s0 =	simm.s32 $0xE0;
	s4 =	sand.u32 @!p0 $0x7, s4;
	s5 =	sadd.s32 @!p0 s1, s5  }
0x173: {  	[hbm4b:s5+s4] =	stream.linear.scatter @!p0 [tilespmem:s0], [sflag:$0x5], $0x1, $0x38;
	[tilespmem:$0x11A60] =	vst v63  }
0x174: {  	s5 =	simm.s32 $0x0  }
0x175: {  	s4 =	simm.s32 $0xC1;
	s5 =	simm.s32 @!p0 $0x4  }
.LBB3_22:
0x176: {  	v0 =	vld.msk [tilespmem:s4+$0x0], $0x1;
	s2 =	sadd.s32 $0xFFFFFFFF, s2;
	s3 =	sadd.s32 s3, s5  }
0x177: {  	p0 =	sne.s32 s2, $0x0;
	_ =	sdelay $0x3  }
0x178: {  	(v2sf) =	vpush v0, $0x0;
	_ =	sdelay $0xe  }
.Ltmp25:
0x179: {  	s6 =	spop (v2sf);
	(pc) =	sbr.rel @p0 .LBB3_22-.Ltmp25, $4  }
0x17a: {  	s5 =	simm.s32 $0x0;
	p1 =	sgt.u32 s6, $0x27FF  }
0x17b: {  	s0 =	sadd.s32 $0x1, s0;
	s5 =	simm.s32 @!p1 $0x4;
	s7 =	sshrl.u32 @!p1 s6, $0x3  }
0x17c: {  	s4 =	sadd.s32 $0x1, s4;
	s6 =	sand.u32 @!p1 $0x7, s6;
	s7 =	sadd.s32 @!p1 s1, s7  }
0x17d: {  	[hbm4b:s7+s6] =	stream.linear.scatter @!p1 [tilespmem:s0], [sflag:$0x5], $0x1, $0x38;
	[tilespmem:$0x11A60] =	vst v63  }
.LBB3_23:
0x17e: {  	s0 =	sadd.s32 s3, s5  }
0x17f: {  	s3 =	sshrl.u32 s0, $0x2  }
.LBB3_24:
0x180: {  	s0 =	simm.s32 $0x5  }
0x181: {  	_ =	swait.ge [sflag:s0], s3  }
0x182: {  	s1 =	ssub.s32 $0x0, s3;
	[sflag:s0] =	ssyncset.done $0x0  }
0x183: {  	[sflag:s0] =	ssyncadd.s32 s1  }
0x184: {  	[sflag:s0] =	ssyncpa.u1 $0x1  }
0x185: {  	s29 =	simm.s32 $0x1;
	_ =	sfence  }
0x186: {  	s30 =	simm.s32 $0x2;
	[sflag:s29] =	ssyncpa.u1 $0x1  }
0x187: {  	[sflag:s30] =	ssyncpa.u1 $0x1  }
0x188: {  	_ =	strace $0x90000050  }
0x189: {  	[bflag:$0x2] =	sbarrier.arrive $0xFFFF  }
0x18a: {  	s31 =	rddreg [dreg:$0x1]  }
0x18b: {  	s0 =	sadd.s32 $0x100000, s31  }
0x18c: {  	[sflag:s0] =	ssyncadd.tile.s32 $0x1;
	_ =	shalt  }
.Lfunc_end3:
_tile_overlayer_lowered:
.L_overlay_start_3:
0x18d: {  	(tag) =	ssettag $0x3  }
0x18e: {  	s0 =	rddreg [dreg:$0x0];
	s2 =	stileid.u32  }
0x18f: {  	s1 =	rddreg [dreg:$0x1];
	p0 =	sne.s32 s2, $0x0  }
0x190: {  	s3 =	rddreg [dreg:$0x2];
	[bflag:$0x3] =	sbarrier.arrive $0xFFFF;
	s2 =	simm.s32 @!p0 $0x1C01  }
0x191: {  	[timem:s3], [sflag:s2] =	dma.local @!p0 [hbm:s0], s1  }
0x192: {  	s0 =	simm.s32 @!p0 $0x1  }
0x193: {  	_ =	swait.ge @!p0 [sflag:s0], s1  }
0x194: {  	s1 =	ssub.s32 @!p0 $0x0, s1;
	[sflag:s0] =	ssyncset.done @!p0 $0x0  }
0x195: {  	[sflag:s0] =	ssyncadd.s32 @!p0 s1  }
0x196: {  	[bflag:$0x3] =	sbarrier.arrive $0xFFFF  }
0x197: {  	_ =	shalt  }

// kernel: scatter_offload_async_start.2
scs
__scs_entry_jumppad:
0x0: {  	(pc) =	sbr.rel $0x88, $3  }
0x1: {  	(tag) =	ssettag $0x0;
	lr =	simm.s32 $0x1  }
0x2: {  	[smem:$0x3F89] =	sst lr;
	_ =	strace $0xD0000000  }
0x3: {  	_ = 	snop  }
0x4: {  	_ = 	snop  }
0x5: {  	_ = 	snop  }
0x6: {  	_ = 	snop  }
0x7: {  	_ = 	snop  }
__scs_overlays_trampoline_lowered:
0x8: {  	[smem:$0x3F98] =	sst s0  }
0x9: {  	[smem:$0x3F99] =	sst s1  }
0xa: {  	[smem:$0x3F9A] =	sst s2  }
0xb: {  	[smem:$0x3F9B] =	sst s3  }
0xc: {  	[smem:$0x3F9C] =	sst s4  }
0xd: {  	[smem:$0x3F9D] =	sst s5  }
0xe: {  	[smem:$0x3F9E] =	sst s6  }
0xf: {  	[smem:$0x3F9F] =	sst s7  }
0x10: {  	[smem:$0x3FA0] =	sst s8  }
0x11: {  	[smem:$0x3FA1] =	sst s9;
	s0 =	simm.s32 @!p0 $0x0  }
0x12: {  	s1 =	sld [smem:$0x3F87];
	s0 =	simm.s32 @p0 $0x1  }
0x13: {  	[smem:$0x3FA2] =	sst s0;
	s0 =	simm.s32 @!p1 $0x0  }
0x14: {  	s2 =	sld [smem:$0x3F86];
	s0 =	simm.s32 @p1 $0x1  }
0x15: {  	[smem:$0x3FA3] =	sst s0;
	s0 =	simm.s32 @!p2 $0x0  }
0x16: {  	s3 =	sld [smem:$0x3FDB];
	s0 =	simm.s32 @p2 $0x1  }
0x17: {  	s4 =	simm.s32 $0x1BF5;
	[smem:$0x3FA5] =	sst s0  }
0x18: {  	s0 =	sld [smem:$0x3F88];
	_ =	swait.ge [sflag:s4], $0x0  }
0x19: {  	s7 =	sld [smem:$0x3F89]  }
0x1a: {  	s8 =	sadd.s32 $0xFFFFE003, lr  }
0x1b: {  	s9 =	sadd.s32 $0xFFFFFEF7, lr;
	s5 =	simm.s32 $0xFFFFFFFF;
	p2 =	slt.u32 s8, $0xFFFFF086  }
0x1c: {  	p1 =	slt.u32 s9, $0xF7A;
	s5 =	simm.s32 @!p2 $0x0  }
0x1d: {  	s5 =	simm.s32 @p1 $0x1;
	p0 =	seq.s32 s7, s2  }
0x1e: {  	s7 =	smul.u32 @!p0 $0xF7A, s2;
	p2 =	seq.s32 @!p0 s5, $0x0  }
0x1f: {  	s9 =	smul.u32 $0xF7A, s1;
	s8 =	simm.s32 @!p0 $0x1BF5;
	p2 =	por !p2, p0  }
0x20: {  	[sflag:s8] =	ssyncset.s32 @!p0 $0xFFFFF086;
	s6 =	sadd.s32 @!p0 s3, s7;
	s7 =	simm.s32 @!p0 $0x108  }
0x21: {  	s3 =	sadd.s32 s3, s9;
	s6 =	sadd.s32 @!p0 $0x88, s6;
	s7 =	simm.s32 @p2 $0x1082  }
0x22: {  	[simem:s7], [sflag:s8] =	dma.local @!p0 [hbm:s6], $0xF7A  }
0x23: {  	s9 =	sor.u32 $0xD0000000, s2;
	s6 =	simm.s32 $0x108;
	_ =	swait.ge @!p0 [sflag:s8], $0x0  }
0x24: {  	s3 =	sadd.s32 $0x88, s3;
	s6 =	simm.s32 @!p1 $0x1082;
	[sflag:s4] =	ssyncset.s32 $0xFFFFF086  }
0x25: {  	[simem:s6], [sflag:s4] =	dma.local [hbm:s3], $0xF7A  }
0x26: {  	[smem:$0x3F89] =	sst s1;
	(tag) =	ssettag s2;
	_ =	strace s9  }
0x27: {  	s1 =	sld [smem:$0x3F99]  }
0x28: {  	s2 =	sld [smem:$0x3F9A]  }
0x29: {  	s4 =	sld [smem:$0x3F9C]  }
0x2a: {  	p0 =	seq.s32 s5, $0x0;
	s5 =	sld [smem:$0x3F9D]  }
0x2b: {  	s6 =	sld [smem:$0x3F9E]  }
0x2c: {  	s7 =	sld [smem:$0x3F9F]  }
0x2d: {  	s3 =	simm.s32 $0x108;
	s8 =	sld [smem:$0x3FA0]  }
0x2e: {  	s3 =	simm.s32 @!p0 $0x1082;
	s9 =	sld [smem:$0x3FA1]  }
0x2f: {  	lr =	sadd.s32 s0, s3;
	s0 =	sld [smem:$0x3F98]  }
0x30: {  	s3 =	sld [smem:$0x3F9B]  }
0x31: {  	[smem:$0x3FA4] =	sst s10  }
0x32: {  	s10 =	sld [smem:$0x3FA2];
	_ =	sdelay $0x3  }
0x33: {  	p0 =	seq.s32 s10, $0x1;
	s10 =	sld [smem:$0x3FA4];
	_ =	sdelay $0x3  }
0x34: {  	[smem:$0x3FA4] =	sst s10  }
0x35: {  	s10 =	sld [smem:$0x3FA3];
	_ =	sdelay $0x3  }
0x36: {  	p1 =	seq.s32 s10, $0x1;
	s10 =	sld [smem:$0x3FA4];
	_ =	sdelay $0x3  }
0x37: {  	[smem:$0x3FA4] =	sst s10  }
0x38: {  	s10 =	sld [smem:$0x3FA5]  }
0x39: {  	_ = 	snop;
	(pc) =	sbr.ind lr, $3  }
0x3a: {  	_ = 	snop  }
0x3b: {  	_ = 	snop  }
0x3c: {  	p2 =	seq.s32 s10, $0x1;
	s10 =	sld [smem:$0x3FA4]  }
0x3d: {  	_ =	shalt  }
0x3e: {  	_ =	shalt  }
0x3f: {  	_ =	shalt  }
0x40: {  	_ =	shalt  }
0x41: {  	_ =	shalt  }
0x42: {  	_ =	shalt  }
0x43: {  	_ =	shalt  }
0x44: {  	_ =	shalt  }
0x45: {  	_ =	shalt  }
0x46: {  	_ =	shalt  }
0x47: {  	_ =	shalt  }
0x48: {  	_ =	shalt  }
0x49: {  	_ =	shalt  }
0x4a: {  	_ =	shalt  }
0x4b: {  	_ =	shalt  }
0x4c: {  	_ =	shalt  }
0x4d: {  	_ =	shalt  }
0x4e: {  	_ =	shalt  }
0x4f: {  	_ =	shalt  }
0x50: {  	_ =	shalt  }
0x51: {  	_ =	shalt  }
0x52: {  	_ =	shalt  }
0x53: {  	_ =	shalt  }
0x54: {  	_ =	shalt  }
0x55: {  	_ =	shalt  }
0x56: {  	_ =	shalt  }
0x57: {  	_ =	shalt  }
0x58: {  	_ =	shalt  }
0x59: {  	_ =	shalt  }
0x5a: {  	_ =	shalt  }
0x5b: {  	_ =	shalt  }
0x5c: {  	_ =	shalt  }
0x5d: {  	_ =	shalt  }
0x5e: {  	_ =	shalt  }
0x5f: {  	_ =	shalt  }
0x60: {  	_ =	shalt  }
0x61: {  	_ =	shalt  }
0x62: {  	_ =	shalt  }
0x63: {  	_ =	shalt  }
0x64: {  	_ =	shalt  }
0x65: {  	_ =	shalt  }
0x66: {  	_ =	shalt  }
0x67: {  	_ =	shalt  }
0x68: {  	_ =	shalt  }
0x69: {  	_ =	shalt  }
0x6a: {  	_ =	shalt  }
0x6b: {  	_ =	shalt  }
0x6c: {  	_ =	shalt  }
0x6d: {  	_ =	shalt  }
0x6e: {  	_ =	shalt  }
0x6f: {  	_ =	shalt  }
0x70: {  	_ =	shalt  }
0x71: {  	_ =	shalt  }
0x72: {  	_ =	shalt  }
0x73: {  	_ =	shalt  }
0x74: {  	_ =	shalt  }
0x75: {  	_ =	shalt  }
0x76: {  	_ =	shalt  }
0x77: {  	_ =	shalt  }
0x78: {  	_ =	shalt  }
0x79: {  	_ =	shalt  }
0x7a: {  	_ =	shalt  }
0x7b: {  	_ =	shalt  }
0x7c: {  	_ =	shalt  }
0x7d: {  	_ =	shalt  }
0x7e: {  	_ =	shalt  }
0x7f: {  	_ =	shalt  }
0x80: {  	_ =	shalt  }
0x81: {  	_ =	shalt  }
0x82: {  	_ =	shalt  }
0x83: {  	_ =	shalt  }
0x84: {  	_ =	shalt  }
0x85: {  	_ =	shalt  }
0x86: {  	_ =	shalt  }
0x87: {  	_ =	shalt  }
.Lfunc_end0:
.L_simem_size_0:
called_computation.2_lowered:
.L_overlay_start_0:
0x88: {  	s2 =	sld [smem:$0x3FD9]  }
0x89: {  	s3 =	sld [smem:$0x3FFE];
	_ =	sdelay $0x1  }
0x8a: {  	s1 =	srdreg.scid  }
0x8b: {  	s0 =	sand.u32 $0x1, s1  }
0x8c: {  	s13 =	sshll.u32 s0, $0xA;
	s2 =	sadd.s32 s3, s2  }
0x8d: {  	s2 =	sadd.s32 s2, s13  }
0x8e: {  	[smem:$0x3FB0] =	sst s2  }
0x8f: {  	_ = 	snop  }
0x90: {  	s2 =	sld [smem:$0x3FD0];
	_ =	sdelay $0x2  }
0x91: {  	s14 =	simm.s32 $0xD;
	s4 =	simm.s32 $0x10  }
0x92: {  	[smem:s4], [sflag:s14] =	dma.local [hbm:s2], $0x1  }
0x93: {  	_ =	swait.eq [sflag:s14], $0x1  }
0x94: {  	[sflag:s14] =	ssyncset.done $0x0  }
0x95: {  	[sflag:s14] =	ssyncadd.s32 $0xFFFFFFFF  }
0x96: {  	s15 =	sld [smem:$0x15];
	(tm) =	ssettm $0x1  }
0x97: {  	s16 =	sld [smem:$0x3FFB];
	_ =	sdelay $0x3  }
0x98: {  	_ =	strace s16  }
0x99: {  	s3 =	sld [smem:$0x3FFC];
	_ =	sdelay $0x3  }
0x9a: {  	_ =	strace s3  }
0x9b: {  	s3 =	sld [smem:$0x3FFD];
	_ =	sdelay $0x3  }
0x9c: {  	_ =	strace s3  }
0x9d: {  	_ =	strace $0x8FFFFFFF  }
0x9e: {  	s17 =	sld [smem:$0x3FDB];
	_ =	sdelay $0x1  }
0x9f: {  	s18 =	simm.s32 $_scs_section_size  }
0xa0: {  	s5 =	simm.s32 $_size__tile_overlayer_lowered;
	s6 =	simm.s32 $_tile_overlayer_lowered  }
0xa1: {  	s21 =	simm.s32 $0x1BFF;
	s20 =	sshll.u32 s6, $0x1;
	s3 =	sadd.s32 s18, s17  }
0xa2: {  	s7 =	simm.s32 $0x0;
	s19 =	sshll.u32 s5, $0x1;
	s5 =	sadd.s32 s20, s3  }
0xa3: {  	[timem:s7], [sflag:s21] =	dma.local [hbm:s5], s19  }
0xa4: {  	_ =	swait.ge [sflag:s21], s19  }
0xa5: {  	s4 =	ssub.s32 $0x0, s19;
	[sflag:s21] =	ssyncset.done $0x0  }
0xa6: {  	[sflag:s21] =	ssyncadd.s32 s4;
	_ =	sdelay $0x1  }
0xa7: {  	s22 =	simm.s32 $0x1B8B  }
0xa8: {  	_ =	swait.ge [sflag:s22], $0x1  }
0xa9: {  	[sflag:s22] =	ssyncset.done $0x0  }
0xaa: {  	s23 =	sld [smem:$0x3FFE];
	[sflag:s22] =	ssyncadd.s32 $0xFFFFFFFF  }
0xab: {  	s25 =	simm.s32 $0x1B8E;
	s24 =	sld [smem:$0x0]  }
0xac: {  	s26 =	simm.s32 $execute0_lowered;
	[smem:$0x3FD2] =	sst s25  }
0xad: {  	s6 =	sshll.u32 s26, $0x1;
	_ =	strace $0x80000058;
	[dreg:$0x1] =	wrdreg $0xFFFFFFFF  }
0xae: {  	s28 =	simm.s32 $_size_execute0_lowered;
	s3 =	sadd.s32 s3, s6;
	[dreg:$0x0] =	wrdreg $0x0  }
0xaf: {  	s6 =	sshll.u32 s28, $0x1;
	[dreg:$0x2] =	wrdreg s3  }
0xb0: {  	[dreg:$0x3] =	wrdreg s6  }
0xb1: {  	[dreg:$0x4] =	wrdreg $0xC0  }
0xb2: {  	_ =	task [dreg:s7], $0x5FFFF  }
0xb3: {  	[dreg:$0x1] =	wrdreg $0xFFFFFFFF  }
0xb4: {  	[dreg:$0x0] =	wrdreg $0x60  }
0xb5: {  	[dreg:$0x2] =	wrdreg s23  }
0xb6: {  	[dreg:$0x3] =	wrdreg s15  }
0xb7: {  	[dreg:$0x4] =	wrdreg s1  }
0xb8: {  	[dreg:$0x5] =	wrdreg s24  }
0xb9: {  	[dreg:$0x6] =	wrdreg $0x9  }
0xba: {  	_ =	task.clear_ibuf [dreg:s7], $0x7FFFF;
	_ =	strace $0x90000058  }
0xbb: {  	s29 =	simm.s32 $0x9;
	_ =	strace $0x8000005A  }
0xbc: {  	_ =	swait.ge [sflag:s29], $0x1  }
0xbd: {  	[sflag:s29] =	ssyncadd.s32 $0xFFFFFFFF  }
0xbe: {  	_ =	strace $0x9000005A  }
0xbf: {  	_ =	sfence  }
0xc0: {  	s30 =	sld [smem:$0x0];
	_ =	sdelay $0x2  }
0xc1: {  	s31 =	sshll.u32 s1, $0xD;
	s1 =	sshrl.u32 s1, $0x2  }
0xc2: {  	s3 =	sand.u32 $0x4000, s31;
	s1 =	sadd.s32 s1, s30  }
0xc3: {  	s0 =	sor.u32 s3, s0;
	s1 =	sshll.u32 s1, $0x11  }
0xc4: {  	s0 =	sor.u32 s1, s0  }
0xc5: {  	s0 =	sadd.s32 $0x8F2B, s0  }
0xc6: {  	[sflag:s0] =	ssyncadd.remote.s32 $0x1  }
0xc7: {  	_ =	sfence.sel $0xFFFF  }
0xc8: {  	[dreg:$0x0] =	wrdreg $0xFFFFFFFF;
	(pc) =	sbr.abs _section_cstart, $3  }
0xc9: {  	[dreg:$0x1] =	wrdreg $0xFFFFFFFF  }
0xca: {  	_ =	task.clear_ibuf [dreg:s7], $0x2FFFF;
	_ =	strace $0x9FFFFFFF  }
0xcb: {  	(tm) =	ssettm $0x7FFFFFFF  }
tec
execute0_lowered:
.L_overlay_start_1:
0x0: {  	(tag) =	ssettag $0x1  }
0x1: {  	s2 =	rddreg [dreg:$0x0]  }
0x2: {  	s6 =	rddreg [dreg:$0x1]  }
0x3: {  	s3 =	rddreg [dreg:$0x2];
	_ =	strace $0x80000059;
	s0 =	simm.s32 $0x1  }
0x4: {  	s5 =	simm.s32 $0x208;
	v0 =	vimm.s32 $0x0;
	[sflag:s0] =	ssyncpa.u1 $0x0  }
0x5: {  	[tilespmem:s5+$0x70] =	vst v0  }
0x6: {  	[tilespmem:s5+$0x60] =	vst v0  }
0x7: {  	[tilespmem:s5+$0x50] =	vst v0  }
0x8: {  	[tilespmem:s5+$0x40] =	vst v0  }
0x9: {  	[tilespmem:s5+$0x30] =	vst v0  }
0xa: {  	s1 =	sadd.s32 $0x28C00, s2;
	s0 =	sadd.s32 $0x19000, s2;
	[tilespmem:s5+$0x20] =	vst v0  }
0xb: {  	s4 =	sadd.s32 $0x1E000, s2;
	s10 =	sand.u32 $0x1, s3;
	s2 =	simm.s32 $0x40;
	[tilespmem:s5+$0x10] =	vst v0  }
.LBB2_1:
0xc: {  	s2 =	sadd.s32 $0x40, s2;
	[tilespmem:s5+$0x0] =	vst v0;
	s5 =	sadd.s32 $0x80, s5  }
0xd: {  	p0 =	slt.u32 s2, $0x3880;
	[tilespmem:s5+$0x70] =	vst v0  }
0xe: {  	[tilespmem:s5+$0x60] =	vst v0  }
.Ltmp0:
0xf: {  	[tilespmem:s5+$0x50] =	vst v0;
	(pc) =	sbr.rel @p0 .LBB2_1-.Ltmp0, $4  }
0x10: {  	[tilespmem:s5+$0x40] =	vst v0  }
0x11: {  	[tilespmem:s5+$0x30] =	vst v0  }
0x12: {  	[tilespmem:s5+$0x20] =	vst v0  }
0x13: {  	[tilespmem:s5+$0x10] =	vst v0  }
0x14: {  	s11 =	stileid.u32  }
0x15: {  	s2 =	smul.u32 $0x2C, s11  }
0x16: {  	s3 =	smin.u32 s11, $0xB  }
0x17: {  	s2 =	sadd.s32 s3, s2  }
0x18: {  	p0 =	slt.u32 s11, $0xB;
	s20 =	smul.u32 $0x70, s2;
	s2 =	simm.s32 $0x13B0  }
0x19: {  	s2 =	simm.s32 @!p0 $0x1340  }
0x1a: {  	s2 =	sadd.s32 s2, s20  }
0x1b: {  	s8 =	smin.u32 s2, $0x13880  }
0x1c: {  	s26 =	simm.s32 $0x2;
	s2 =	ssub.s32 s8, s20  }
0x1d: {  	s9 =	simm.s32 $0x9;
	s29 =	simm.s32 $0xA;
	p0 =	sgt.s32 s2, $0x0  }
0x1e: {  	s30 =	simm.s32 $0xB;
	s31 =	smul.u32 $0x2710, s10;
	s2 =	simm.s32 @!p0 $0x0  }
0x1f: {  	[dreg:$0x5] =	wrdreg s10;
	s12 =	simm.s32 $0x1;
	s25 =	smulhi.u32 $0x92492493, s2  }
0x20: {  	s24 =	simm.s32 $0x0;
	p1 =	por $0x0, $0x0;
	s18 =	simm.s32 $0x80  }
0x21: {  	s19 =	simm.s32 $0x400;
	s17 =	simm.s32 $0xC;
	s3 =	sshrl.u32 s25, $0x6  }
0x22: {  	s21 =	simm.s32 $0x0;
	s23 =	simm.s32 $0x0;
	s28 =	smul.u32 $0x70, s3  }
.Ltmp1:
0x23: {  	[tilespmem:s5+$0x0] =	vst v0;
	v0 =	vimm.s32 $0xFFFFFFFF;
	[sflag:s26] =	ssyncpa.u1 $0x0;
	s16 =	sshll.u32 s11, $0x9;
	(pc) =	sbr.rel .LBB2_3-.Ltmp1, $4  }
0x24: {  	[tilespmem:$0xE408] =	vst v0;
	[sflag:s9] =	ssyncpa.u1 $0x0;
	p0 =	sne.s32 s2, s28;
	s2 =	simm.s32 $0x1  }
0x25: {  	s14 =	sadd.s32 s31, s4;
	[sflag:s29] =	ssyncpa.u1 $0x0;
	s2 =	simm.s32 @!p0 $0x0  }
0x26: {  	s15 =	sadd.s32 s31, s0;
	[sflag:s30] =	ssyncpa.u1 $0x0;
	s13 =	sadd.s32 s2, s3  }
0x27: {  	v0 =	vlaneseq.u32;
	s22 =	smov.u32 s20;
	p0 =	por $0x1, $0x1;
	s11 =	sadd.s32 $0x1, s13  }
.LBB2_24:
0x28: {  	s2 =	sshrl.u32 s4, $0x2  }
.LBB2_26:
0x29: {  	_ =	swait.ge [sflag:s17], s2  }
0x2a: {  	s31 =	ssub.s32 $0x0, s2;
	v1 =	vmov s26;
	vm0 =	veq.s32 v0, $0x0;
	[sflag:s17] =	ssyncset.done $0x0  }
0x2b: {  	vm15 =	veq.s32 v0, $0x2;
	v1 =	vsel vm0, s0, v1;
	[sflag:s17] =	ssyncadd.s32 s31  }
0x2c: {  	v1 =	vsel vm15, s24, v1;
	[sflag:s17] =	ssyncpa.u1 $0x1  }
0x2d: {  	[tilespmem:$0xE408] =	vst v1  }
.LBB2_27:
0x2e: {  	s0 =	sadd.s32 $0x70, s22  }
0x2f: {  	s2 =	smov.u32 s20;
	p2 =	slt.s32 s0, s8  }
0x30: {  	s2 =	smov.u32 @p2 s0;
	p2 =	sne.s32 s23, s11  }
.Ltmp2:
0x31: {  	_ = 	snop;
	(pc) =	sbr.rel @!p2 .LBB2_28-.Ltmp2, $4  }
0x32: {  	_ = 	snop  }
0x33: {  	s24 =	smov.u32 s21  }
0x34: {  	s31 =	sadd.s32 $0x1, s23;
	s21 =	smov.u32 s22;
	p0 =	por !p0, !p0  }
0x35: {  	p1 =	por !p1, !p1;
	s23 =	smov.u32 s31;
	s22 =	smov.u32 s2  }
.LBB2_3:
0x36: {  	p2 =	sge.u32 s23, s13  }
0x37: {  	s0 =	smulhi.u32 @!p2 $0xAAAAAAAB, s23  }
0x38: {  	s2 =	smov.u32 s22;
	p3 =	sgt.s32 @!p2 s22, $0x13810  }
0x39: {  	s3 =	sshra.s32 @!p2 s22, $0x1F;
	p3 =	por !p3, p2;
	s0 =	sshrl.u32 @!p2 s0, $0x1  }
0x3a: {  	s3 =	sand.u32 @!p2 s3, s22;
	s2 =	simm.s32 @p3 $0x13810;
	s0 =	smul.u32 @!p2 $0x3, s0  }
0x3b: {  	s2 =	ssub.s32 @!p2 s2, s3  }
0x3c: {  	s2 =	sadd.s32 @!p2 $0xFFFEC7F0, s2;
	s0 =	ssub.s32 @!p2 s23, s0  }
0x3d: {  	s3 =	sshll.u32 @!p2 s2, $0x2;
	p3 =	sgt.s32 @!p2 s2, $0x6F;
	s0 =	smul.u32 @!p2 $0x1C0, s0  }
0x3e: {  	s4 =	sand.u32 @!p2 $0x7, s22;
	s2 =	ssub.s32 @!p2 $0x1C0, s3;
	p3 =	por !p3, p2  }
0x3f: {  	s3 =	sshrl.u32 @!p2 s22, $0x3;
	s2 =	sshrl.u32 @!p2 s2, $0x2;
	s0 =	sshrl.u32 @!p2 s0, $0x2  }
0x40: {  	s3 =	sadd.s32 @!p2 s3, s14;
	s2 =	simm.s32 @!p3 $0x0;
	s0 =	sadd.s32 @!p2 $0x10448, s0  }
0x41: {  	[tilespmem:s0], [sflag:$0xA] =	stream.linear.gather @!p2 [hbm4b:s3+s4], s2, $0x38;
	[tilespmem:$0x1E678] =	vst v63  }
0x42: {  	s2 =	sadd.s32 $0xFFFFFFFF, s23  }
0x43: {  	p2 =	sge.u32 s2, s13  }
0x44: {  	p3 =	sgt.s32 @!p2 s21, $0x13810  }
0x45: {  	s0 =	smov.u32 s21;
	s3 =	sshra.s32 @!p2 s21, $0x1F;
	p3 =	por !p3, p2  }
0x46: {  	s3 =	sand.u32 @!p2 s3, s21;
	s0 =	simm.s32 @p3 $0x13810  }
0x47: {  	s0 =	ssub.s32 @!p2 s0, s3  }
0x48: {  	s0 =	sadd.s32 @!p2 $0xFFFEC7F0, s0  }
0x49: {  	s3 =	sshll.u32 @!p2 s0, $0x2  }
0x4a: {  	p3 =	sgt.s32 @!p2 s0, $0x6F;
	s0 =	ssub.s32 @!p2 $0x1C0, s3  }
0x4b: {  	p3 =	por !p3, p2;
	s0 =	sshrl.u32 @!p2 s0, $0x2  }
0x4c: {  	s4 =	simm.s32 @!p2 $0xA;
	s3 =	sand.u32 @!p2 $0x1, s2;
	s0 =	simm.s32 @!p3 $0x0  }
0x4d: {  	s3 =	smul.u32 @!p2 $0x1C0, s3;
	_ =	swait.ge @!p2 [sflag:s4], s0  }
0x4e: {  	s5 =	ssub.s32 @!p2 $0x0, s0;
	[sflag:s4] =	ssyncset.done @!p2 $0x0  }
0x4f: {  	s3 =	sshrl.u32 @!p2 s3, $0x2;
	[sflag:s4] =	ssyncadd.s32 @!p2 s5;
	s4 =	sshrl.u32 @!p2 s21, $0x3  }
0x50: {  	s3 =	sadd.s32 @!p2 $0x10598, s3;
	s5 =	sand.u32 @!p2 $0x7, s21;
	s4 =	sadd.s32 @!p2 s4, s15  }
0x51: {  	[tilespmem:s3], [sflag:$0xB] =	stream.linear.gather @!p2 [hbm4b:s4+s5], s0, $0x38;
	[tilespmem:$0x1E678] =	vst v63  }
0x52: {  	s0 =	ssub.s32 @!p2 $0x13880, s21  }
0x53: {  	p3 =	slt.s32 @!p2 s0, $0x1  }
0x54: {  	p3 =	por p2, p3  }
.Ltmp3:
0x55: {  	_ = 	snop;
	(pc) =	sbr.rel @p3 .LBB2_9-.Ltmp3, $1  }
0x56: {  	_ =	sdelay $0x3  }
0x57: {  	s3 =	smulhi.u32 $0xAAAAAAAB, s2;
	_ =	sdelay $0x1  }
0x58: {  	s3 =	sshrl.u32 s3, $0x1  }
0x59: {  	s3 =	smul.u32 $0x3, s3;
	_ =	sdelay $0x1  }
0x5a: {  	s30 =	ssub.s32 s2, s3  }
0x5b: {  	s4 =	simm.s32 $0x1;
	s2 =	smul.u32 $0x1C0, s30  }
.Ltmp4:
0x5c: {  	s4 =	simm.s32 @!p0 $0x0;
	(pc) =	sbr.rel .LBB2_6-.Ltmp4, $4  }
0x5d: {  	s31 =	smul.u32 $0x1C000, s4  }
0x5e: {  	p3 =	slt.s32 @!p2 s0, $0x70;
	s2 =	sshrl.u32 s2, $0x2  }
0x5f: {  	p2 =	por !p3, p2;
	s3 =	sshrl.u32 s31, $0x2;
	s5 =	sadd.s32 $0x10448, s2  }
0x60: {  	s0 =	simm.s32 @p2 $0x70;
	s4 =	sor.u32 $0x10678, s3;
	s2 =	simm.s32 $0x0;
	v1 =	vmov s5  }
.LBB2_5:
0x61: {  	p2 =	sge.s32 s2, s0  }
.Ltmp5:
0x62: {  	_ = 	snop;
	(pc) =	sbr.rel @p2 .LBB2_9-.Ltmp5, $2  }
0x63: {  	_ =	sdelay $0x2  }
0x64: {  	s4 =	sadd.s32 $0x1000, s4  }
.LBB2_6:
0x65: {  	p2 =	sle.s32 s0, s2  }
.Ltmp6:
0x66: {  	_ = 	snop;
	(pc) =	sbr.rel @p2 .LBB2_5-.Ltmp6, $2  }
0x67: {  	_ =	sdelay $0x2  }
0x68: {  	s5 =	smov.u32 s2;
	s2 =	sadd.s32 $0x10, s2  }
0x69: {  	s3 =	ssub.s32 s0, s5  }
0x6a: {  	p2 =	slt.s32 s3, $0x10  }
0x6b: {  	s3 =	simm.s32 @!p2 $0x10  }
0x6c: {  	v2 =	vmov s3  }
0x6d: {  	vm0 =	vgt.s32 v2, v0;
	_ =	sdelay $0x5  }
0x6e: {  	v2 =	vld.idx.msk [tilespmem:v1+s5+$0x0 ss:$0x1], vm0;
	_ =	sdelay $0x2  }
0x6f: {  	p2 =	slt.s32 s2, s0;
	s3 =	smov.u32 s0  }
0x70: {  	s9 =	smov.u32 s4;
	s25 =	simm.s32 $0x0;
	s3 =	smov.u32 @p2 s2  }
.LBB2_8:
0x71: {  	(v2sf) =	vpush v2, s25;
	_ =	sdelay $0xe  }
0x72: {  	s25 =	sadd.s32 $0x1, s25;
	s10 =	spop (v2sf)  }
0x73: {  	s31 =	sadd.s32 s25, s5;
	s26 =	sshll.u32 s10, $0x8;
	s10 =	sshll.u32 s10, $0x7  }
0x74: {  	p2 =	slt.s32 s31, s3;
	s26 =	sand.u32 $0xFFFFF800, s26;
	s10 =	sand.u32 $0x380, s10  }
.Ltmp7:
0x75: {  	s10 =	sor.u32 s10, s26;
	(pc) =	sbr.rel @p2 .LBB2_8-.Ltmp7, $4  }
0x76: {  	s10 =	sshrl.u32 s10, $0x3  }
0x77: {  	s10 =	sadd.s32 s6, s10  }
0x78: {  	[tilespmem:s9], [sflag:$0x9] =	stream.strided.gather [hbm4b:s10+s18], $0x100, s19, s18, $0x38;
	[tilespmem:$0x1E678] =	vst v63  }
0x79: {  	s9 =	sadd.s32 $0x100, s9  }
.Ltmp8:
0x7a: {  	_ = 	snop;
	(pc) =	sbr.rel .LBB2_5-.Ltmp8, $1  }
0x7b: {  	_ =	sdelay $0x3  }
.LBB2_9:
0x7c: {  	p2 =	slt.u32 s23, $0x2  }
.Ltmp9:
0x7d: {  	_ = 	snop;
	(pc) =	sbr.rel @p2 .LBB2_27-.Ltmp9, $1  }
0x7e: {  	_ =	sdelay $0x3  }
0x7f: {  	p2 =	sgt.s32 s24, $0x13810  }
0x80: {  	s0 =	smov.u32 s24;
	s2 =	sshra.s32 s24, $0x1F;
	s3 =	ssub.s32 $0x13880, s24  }
0x81: {  	s0 =	simm.s32 @!p2 $0x13810;
	s2 =	sand.u32 s2, s24;
	p2 =	slt.s32 s3, $0x70  }
0x82: {  	s0 =	ssub.s32 s0, s2;
	s3 =	simm.s32 @!p2 $0x70  }
0x83: {  	s0 =	sadd.s32 $0xFFFEC7F0, s0;
	s9 =	sshll.u32 s3, $0x8  }
0x84: {  	s26 =	simm.s32 $0x9;
	s10 =	sshll.u32 s0, $0x2;
	s2 =	sand.u32 $0x3FFFFF00, s9  }
0x85: {  	p2 =	sgt.s32 s0, $0x6F;
	s25 =	ssub.s32 $0x1C0, s10;
	_ =	swait.ge [sflag:s26], s2  }
0x86: {  	s2 =	ssub.s32 $0x0, s2;
	[sflag:s26] =	ssyncset.done $0x0;
	s0 =	sshrl.u32 s25, $0x2  }
0x87: {  	s29 =	simm.s32 $0xB;
	[sflag:s26] =	ssyncadd.s32 s2;
	s0 =	simm.s32 @p2 $0x0  }
0x88: {  	_ =	swait.ge [sflag:s29], s0  }
0x89: {  	s0 =	ssub.s32 $0x0, s0;
	[sflag:s29] =	ssyncset.done $0x0  }
0x8a: {  	[sflag:s29] =	ssyncadd.s32 s0  }
0x8b: {  	v1 =	vld [tilespmem:$0xE408];
	_ =	sdelay $0x4  }
0x8c: {  	(v2sf) =	vpush v1, $0x0  }
0x8d: {  	(v2sf) =	vpush v1, $0x1  }
0x8e: {  	(v2sf) =	vpush v1, $0x2;
	_ =	sdelay $0x3  }
0x8f: {  	s0 =	sadd.s32 $0x70, s24  }
0x90: {  	s2 =	ssub.s32 $0x27100, s24;
	p2 =	slt.s32 s8, s0  }
0x91: {  	s0 =	smov.u32 @p2 s8;
	p2 =	sgt.s32 s2, $0x0  }
0x92: {  	s0 =	ssub.s32 s0, s24;
	s2 =	simm.s32 @!p2 $0x0  }
0x93: {  	p2 =	slt.s32 s2, s0  }
0x94: {  	s0 =	smov.u32 @p2 s2  }
0x95: {  	s4 =	simm.s32 $0x1;
	p2 =	slt.s32 s0, $0x1  }
.Ltmp10:
0x96: {  	s4 =	simm.s32 @!p1 $0x0;
	(pc) =	sbr.rel @p2 .LBB2_14-.Ltmp10, $4  }
0x97: {  	s30 =	smul.u32 $0x1C0, s4  }
0x98: {  	s5 =	spop (v2sf)  }
0x99: {  	s31 =	sshrl.u32 s30, $0x2;
	s28 =	spop (v2sf)  }
0x9a: {  	s25 =	sadd.s32 $0x10598, s31;
	s24 =	spop (v2sf)  }
0x9b: {  	s2 =	smin.u32 s0, $0x10  }
0x9c: {  	v1 =	vmov s2  }
0x9d: {  	vm1 =	vgt.u32 v1, v0  }
0x9e: {  	p3 =	sgt.s32 s0, $0x10  }
.Ltmp11:
0x9f: {  	_ = 	snop;
	(pc) =	sbr.rel @!p3 .LBB2_13-.Ltmp11, $2  }
0xa0: {  	_ =	sdelay $0x2  }
0xa1: {  	s26 =	simm.s32 $0x10;
	s29 =	sadd.s32 $0xFFFFFFF0, s0;
	s2 =	smov.u32 s25;
	vm0 =	vmmov vm1;
	v1 =	vld.msk [tilespmem:s25+$0x0 ss:$0x1], vm1  }
.LBB2_12:
0xa2: {  	s3 =	smin.u32 s29, $0x10;
	s26 =	sadd.s32 $0x10, s26  }
0xa3: {  	v2 =	vmov s3;
	p3 =	slt.s32 s26, s0  }
0xa4: {  	vm1 =	vgt.u32 v2, v0;
	_ =	sdelay $0x1  }
0xa5: {  	v2 =	vshll.u32 v1, $0x5;
	v1 =	vshll.u32 v1, $0x4  }
.Ltmp12:
0xa6: {  	v2 =	vand.u32 $0xFFFFFF00, v2;
	v1 =	vand.u32 $0x70, v1;
	(pc) =	sbr.rel @p3 .LBB2_12-.Ltmp12, $4  }
0xa7: {  	v1 =	vor.u32 v1, v2  }
0xa8: {  	[tilespmem:s2+$0x0] =	vst.msk vm0, v1;
	s2 =	sadd.s32 $0x10, s2;
	vm0 =	vmmov vm1  }
0xa9: {  	v1 =	vld.msk [tilespmem:s2+$0x0 ss:$0x1], vm1  }
0xaa: {  	s29 =	sadd.s32 $0xFFFFFFF0, s29  }
.LBB2_13:
0xab: {  	_ =	sdelay $0x3  }
0xac: {  	v2 =	vshll.u32 v1, $0x5;
	v1 =	vshll.u32 v1, $0x4  }
0xad: {  	v2 =	vand.u32 $0xFFFFFF00, v2;
	v1 =	vand.u32 $0x70, v1  }
0xae: {  	v1 =	vor.u32 v1, v2  }
0xaf: {  	[tilespmem:s2+$0x0] =	vst.msk vm0, v1  }
.LBB2_14:
0xb0: {  	s2 =	sand.u32 $0x1, s23  }
0xb1: {  	s2 =	smul.u32 $0x70, s2  }
0xb2: {  	p3 =	sne.s32 s28, $0xFFFFFFFF  }
0xb3: {  	v1 =	vld.msk @!p3 [tilespmem:s2+$0x10598], $0x1;
	_ =	sdelay $0x4  }
0xb4: {  	(v2sf) =	vpush @!p3 v1, $0x0;
	_ =	sdelay $0xc  }
.Ltmp13:
0xb5: {  	_ = 	snop;
	(pc) =	sbr.rel @p2 .LBB2_25-.Ltmp13, $4  }
0xb6: {  	_ = 	snop  }
0xb7: {  	s31 =	spop @!p3 (v2sf)  }
0xb8: {  	s24 =	simm.s32 @!p3 $0x0;
	s26 =	smov.u32 s31  }
0xb9: {  	[sflag:s17] =	ssyncpa.u1 $0x0;
	s31 =	smov.u32 @p3 s5;
	s26 =	smov.u32 @p3 s28  }
0xba: {  	v1 =	vld.msk [tilespmem:s25+$0x0], $0x1;
	_ =	sdelay $0x4  }
0xbb: {  	(v2sf) =	vpush v1, $0x0;
	_ =	sdelay $0xe  }
0xbc: {  	s7 =	smov.u32 s11;
	s5 =	spop (v2sf)  }
0xbd: {  	s17 =	smov.u32 s15;
	s2 =	smul.u32 $0x1C000, s4;
	p2 =	seq.s32 s31, s5  }
0xbe: {  	s3 =	smov.u32 s31;
	s29 =	ssub.s32 $0x0, s0;
	p3 =	sgt.s32 @!p2 s31, $0x0  }
0xbf: {  	s30 =	simm.s32 $0x0;
	s2 =	sshrl.u32 s2, $0x2;
	p3 =	por !p3, p2  }
0xc0: {  	s0 =	sadd.s32 $0x1, s29;
	s28 =	sor.u32 $0x106F8, s2;
	s3 =	simm.s32 @p3 $0x0  }
0xc1: {  	s2 =	simm.s32 @!p2 $0x1;
	p3 =	seq.s32 s0, $0x0;
	s3 =	smin.u32 @!p2 s3, $0x4E170  }
.Ltmp14:
0xc2: {  	s4 =	simm.s32 @!p2 $0x7308;
	s9 =	sand.u32 @!p2 $0x7FFF8, s3;
	(pc) =	sbr.rel @p3 .LBB2_17-.Ltmp14, $4  }
0xc3: {  	s10 =	sadd.s32 @!p2 $0x80, s3;
	s11 =	sadd.s32 @!p2 s1, s9;
	s9 =	sand.u32 @!p2 $0x7, s3  }
0xc4: {  	[tilespmem:s4], [sflag:$0x2] =	stream.linear.gather @!p2 [hbm4b:s11+s9], $0x80, $0x38;
	[tilespmem:$0x1E678] =	vst v63  }
0xc5: {  	s15 =	smov.u32 s14;
	s2 =	smov.u32 @p2 s30;
	s4 =	sand.u32 @!p2 $0xFFFF8, s10  }
0xc6: {  	s3 =	simm.s32 @!p2 $0x7388;
	s10 =	sadd.s32 @!p2 s1, s4;
	s4 =	sadd.s32 $0x1, s25  }
.LBB2_16:
0xc7: {  	s11 =	smov.u32 s2  }
0xc8: {  	[tilespmem:s3], [sflag:$0x2] =	stream.linear.gather @!p2 [hbm4b:s10+s9], $0x80, $0x38;
	[tilespmem:$0x1E678] =	vst v63  }
0xc9: {  	s0 =	sadd.s32 $0x1, s0;
	s9 =	smov.u32 s5;
	v1 =	vld.msk [tilespmem:s4+$0x0], $0x1  }
0xca: {  	p3 =	seq.s32 s0, $0x0;
	_ =	sdelay $0x3  }
0xcb: {  	(v2sf) =	vpush v1, $0x0;
	_ =	sdelay $0xe  }
0xcc: {  	s5 =	spop (v2sf)  }
0xcd: {  	p2 =	seq.s32 s9, s5  }
0xce: {  	p4 =	sgt.s32 @!p2 s9, $0x0;
	s3 =	sshll.u32 @!p2 s2, $0xA;
	s2 =	sadd.s32 @!p2 $0x1, s2  }
0xcf: {  	p4 =	por !p4, p2;
	s3 =	sshra.s32 @!p2 s3, $0x2;
	s2 =	smov.u32 @p2 s11  }
0xd0: {  	s9 =	simm.s32 @p4 $0x0;
	s10 =	sadd.s32 @!p2 $0x7308, s3;
	s3 =	sadd.s32 @!p2 $0x7388, s3  }
.Ltmp15:
0xd1: {  	s9 =	smin.u32 @!p2 s9, $0x4E170;
	(pc) =	sbr.rel @!p3 .LBB2_16-.Ltmp15, $4  }
0xd2: {  	s11 =	sand.u32 @!p2 $0x7FFF8, s9;
	s14 =	sadd.s32 @!p2 $0x80, s9  }
0xd3: {  	s9 =	sand.u32 @!p2 $0x7, s9;
	s11 =	sadd.s32 @!p2 s1, s11;
	s14 =	sand.u32 @!p2 $0xFFFF8, s14  }
0xd4: {  	[tilespmem:s10], [sflag:$0x2] =	stream.linear.gather @!p2 [hbm4b:s11+s9], $0x80, $0x38;
	[tilespmem:$0x1E678] =	vst v63  }
0xd5: {  	s4 =	sadd.s32 $0x1, s4;
	s10 =	sadd.s32 @!p2 s1, s14  }
.LBB2_17:
0xd6: {  	[tilespmem:s3], [sflag:$0x2] =	stream.linear.gather @!p2 [hbm4b:s10+s9], $0x80, $0x38;
	[tilespmem:$0x1E678] =	vst v63  }
0xd7: {  	s0 =	sshll.u32 s2, $0x8  }
.Ltmp16:
0xd8: {  	s14 =	simm.s32 $0x2;
	s0 =	sand.u32 $0x3FFFFF00, s0;
	(pc) =	sbr.rel .LBB2_18-.Ltmp16, $4  }
0xd9: {  	_ =	swait.ge [sflag:s14], s0  }
0xda: {  	s0 =	ssub.s32 $0x0, s0;
	[sflag:s14] =	ssyncset.done $0x0  }
0xdb: {  	s4 =	simm.s32 $0x0;
	s11 =	smov.u32 s7;
	[sflag:s14] =	ssyncadd.s32 s0  }
0xdc: {  	s14 =	smov.u32 s15;
	s15 =	smov.u32 s17;
	s17 =	simm.s32 $0xC  }
.LBB2_19:
0xdd: {  	v1 =	vld [tilespmem:s28+$0xFFFFFF80];
	_ =	sdelay $0x4  }
0xde: {  	[tilespmem:s5+$0x208] =	vst.add.f32.msk $0xffff, v1  }
0xdf: {  	v1 =	vld [tilespmem:s28+$0xFFFFFF90];
	_ =	sdelay $0x4  }
0xe0: {  	[tilespmem:s5+$0x218] =	vst.add.f32.msk $0xffff, v1  }
0xe1: {  	v1 =	vld [tilespmem:s28+$0xFFFFFFA0];
	_ =	sdelay $0x4  }
0xe2: {  	[tilespmem:s5+$0x228] =	vst.add.f32.msk $0xffff, v1  }
0xe3: {  	v1 =	vld [tilespmem:s28+$0xFFFFFFB0];
	_ =	sdelay $0x4  }
0xe4: {  	[tilespmem:s5+$0x238] =	vst.add.f32.msk $0xffff, v1  }
0xe5: {  	v1 =	vld [tilespmem:s28+$0xFFFFFFC0];
	_ =	sdelay $0x4  }
0xe6: {  	[tilespmem:s5+$0x248] =	vst.add.f32.msk $0xffff, v1  }
0xe7: {  	v1 =	vld [tilespmem:s28+$0xFFFFFFD0];
	_ =	sdelay $0x4  }
0xe8: {  	[tilespmem:s5+$0x258] =	vst.add.f32.msk $0xffff, v1  }
0xe9: {  	v1 =	vld [tilespmem:s28+$0xFFFFFFE0];
	_ =	sdelay $0x4  }
0xea: {  	[tilespmem:s5+$0x268] =	vst.add.f32.msk $0xffff, v1  }
0xeb: {  	v1 =	vld [tilespmem:s28+$0xFFFFFFF0];
	_ =	sdelay $0x4  }
0xec: {  	[tilespmem:s5+$0x278] =	vst.add.f32.msk $0xffff, v1  }
0xed: {  	v1 =	vld [tilespmem:s28+$0x0];
	_ =	sdelay $0x4  }
0xee: {  	[tilespmem:s5+$0x288] =	vst.add.f32.msk $0xffff, v1  }
0xef: {  	v1 =	vld [tilespmem:s28+$0x10];
	_ =	sdelay $0x4  }
0xf0: {  	[tilespmem:s5+$0x298] =	vst.add.f32.msk $0xffff, v1  }
0xf1: {  	v1 =	vld [tilespmem:s28+$0x20];
	_ =	sdelay $0x4  }
0xf2: {  	[tilespmem:s5+$0x2A8] =	vst.add.f32.msk $0xffff, v1  }
0xf3: {  	v1 =	vld [tilespmem:s28+$0x30];
	_ =	sdelay $0x4  }
0xf4: {  	[tilespmem:s5+$0x2B8] =	vst.add.f32.msk $0xffff, v1  }
0xf5: {  	v1 =	vld [tilespmem:s28+$0x40];
	_ =	sdelay $0x4  }
0xf6: {  	[tilespmem:s5+$0x2C8] =	vst.add.f32.msk $0xffff, v1  }
0xf7: {  	v1 =	vld [tilespmem:s28+$0x50];
	_ =	sdelay $0x4  }
0xf8: {  	[tilespmem:s5+$0x2D8] =	vst.add.f32.msk $0xffff, v1  }
0xf9: {  	v1 =	vld [tilespmem:s28+$0x60];
	_ =	sdelay $0x4  }
0xfa: {  	[tilespmem:s5+$0x2E8] =	vst.add.f32.msk $0xffff, v1  }
0xfb: {  	v1 =	vld [tilespmem:s28+$0x70];
	_ =	sdelay $0x4  }
0xfc: {  	[tilespmem:s5+$0x2F8] =	vst.add.f32.msk $0xffff, v1  }
.LBB2_23:
0xfd: {  	s29 =	sadd.s32 $0x1, s29  }
0xfe: {  	p2 =	seq.s32 s29, $0x0  }
.Ltmp17:
0xff: {  	_ = 	snop;
	(pc) =	sbr.rel @p2 .LBB2_24-.Ltmp17, $2  }
0x100: {  	_ =	sdelay $0x2  }
0x101: {  	s25 =	sadd.s32 $0x1, s25;
	s28 =	sadd.s32 $0x100, s28;
	s31 =	smov.u32 s0  }
.LBB2_18:
0x102: {  	v1 =	vld.msk [tilespmem:s25+$0x0], $0x1;
	_ =	sdelay $0x4  }
0x103: {  	(v2sf) =	vpush v1, $0x0;
	_ =	sdelay $0xe  }
0x104: {  	s0 =	spop (v2sf)  }
0x105: {  	p2 =	sne.s32 s31, s0  }
.Ltmp18:
0x106: {  	_ = 	snop;
	(pc) =	sbr.rel @!p2 .LBB2_19-.Ltmp18, $3  }
0x107: {  	_ =	sdelay $0x1  }
0x108: {  	s2 =	sshll.u32 s24, $0xA  }
0x109: {  	s5 =	sshra.s32 s2, $0x2  }
0x10a: {  	p2 =	seq.s32 s31, s26  }
.Ltmp19:
0x10b: {  	_ = 	snop;
	(pc) =	sbr.rel @!p2 .LBB2_21-.Ltmp19, $1  }
0x10c: {  	_ =	sdelay $0x3  }
.Ltmp20:
0x10d: {  	s2 =	sadd.s32 $0x208, s5;
	(pc) =	sbr.rel .LBB2_22-.Ltmp20, $4  }
0x10e: {  	[spmem:s16] =	stream.linear.scatter [tilespmem:s2], [sflag:$0x1], $0x100, $0x38;
	[tilespmem:$0x1E678] =	vst v63  }
0x10f: {  	_ =	swait.ge [sflag:s12], $0x100  }
0x110: {  	[sflag:s12] =	ssyncset.done $0x0  }
0x111: {  	[sflag:s12] =	ssyncadd.s32 $0xFFFFFF00  }
.LBB2_21:
0x112: {  	s2 =	sshll.u32 s30, $0xA  }
0x113: {  	s2 =	sshra.s32 s2, $0x2  }
0x114: {  	v1 =	vld [tilespmem:s2+$0x7308];
	_ =	sdelay $0x4  }
0x115: {  	[tilespmem:s5+$0x208] =	vst.add.f32.msk $0xffff, v1  }
0x116: {  	v1 =	vld [tilespmem:s2+$0x7318];
	_ =	sdelay $0x4  }
0x117: {  	[tilespmem:s5+$0x218] =	vst.add.f32.msk $0xffff, v1  }
0x118: {  	v1 =	vld [tilespmem:s2+$0x7328];
	_ =	sdelay $0x4  }
0x119: {  	[tilespmem:s5+$0x228] =	vst.add.f32.msk $0xffff, v1  }
0x11a: {  	v1 =	vld [tilespmem:s2+$0x7338];
	_ =	sdelay $0x4  }
0x11b: {  	[tilespmem:s5+$0x238] =	vst.add.f32.msk $0xffff, v1  }
0x11c: {  	v1 =	vld [tilespmem:s2+$0x7348];
	_ =	sdelay $0x4  }
0x11d: {  	[tilespmem:s5+$0x248] =	vst.add.f32.msk $0xffff, v1  }
0x11e: {  	v1 =	vld [tilespmem:s2+$0x7358];
	_ =	sdelay $0x4  }
0x11f: {  	[tilespmem:s5+$0x258] =	vst.add.f32.msk $0xffff, v1  }
0x120: {  	v1 =	vld [tilespmem:s2+$0x7368];
	_ =	sdelay $0x4  }
0x121: {  	[tilespmem:s5+$0x268] =	vst.add.f32.msk $0xffff, v1  }
0x122: {  	v1 =	vld [tilespmem:s2+$0x7378];
	_ =	sdelay $0x4  }
0x123: {  	[tilespmem:s5+$0x278] =	vst.add.f32.msk $0xffff, v1  }
0x124: {  	v1 =	vld [tilespmem:s2+$0x7388];
	_ =	sdelay $0x4  }
0x125: {  	[tilespmem:s5+$0x288] =	vst.add.f32.msk $0xffff, v1  }
0x126: {  	v1 =	vld [tilespmem:s2+$0x7398];
	_ =	sdelay $0x4  }
0x127: {  	[tilespmem:s5+$0x298] =	vst.add.f32.msk $0xffff, v1  }
0x128: {  	v1 =	vld [tilespmem:s2+$0x73A8];
	_ =	sdelay $0x4  }
0x129: {  	[tilespmem:s5+$0x2A8] =	vst.add.f32.msk $0xffff, v1  }
0x12a: {  	v1 =	vld [tilespmem:s2+$0x73B8];
	_ =	sdelay $0x4  }
0x12b: {  	[tilespmem:s5+$0x2B8] =	vst.add.f32.msk $0xffff, v1  }
0x12c: {  	v1 =	vld [tilespmem:s2+$0x73C8];
	_ =	sdelay $0x4  }
0x12d: {  	[tilespmem:s5+$0x2C8] =	vst.add.f32.msk $0xffff, v1  }
0x12e: {  	v1 =	vld [tilespmem:s2+$0x73D8];
	_ =	sdelay $0x4  }
0x12f: {  	[tilespmem:s5+$0x2D8] =	vst.add.f32.msk $0xffff, v1  }
0x130: {  	v1 =	vld [tilespmem:s2+$0x73E8];
	_ =	sdelay $0x4  }
0x131: {  	[tilespmem:s5+$0x2E8] =	vst.add.f32.msk $0xffff, v1  }
0x132: {  	v1 =	vld [tilespmem:s2+$0x73F8];
	_ =	sdelay $0x2  }
0x133: {  	p2 =	sgt.u32 s31, $0x4E170  }
0x134: {  	s2 =	sand.u32 @!p2 $0x7FFF8, s31  }
0x135: {  	s3 =	sadd.s32 $0x208, s5;
	s9 =	sand.u32 @!p2 $0x7, s31;
	s2 =	sadd.s32 @!p2 s1, s2;
	[tilespmem:s5+$0x2F8] =	vst.add.f32.msk $0xffff, v1  }
0x136: {  	[hbm4b:s2+s9] =	stream.linear.scatter @!p2 [tilespmem:s3], [sflag:$0xC], $0x80, $0x38;
	[tilespmem:$0x1E678] =	vst v63  }
0x137: {  	s2 =	sadd.s32 @!p2 $0x80, s31  }
0x138: {  	s2 =	sand.u32 @!p2 $0xFFFF8, s2  }
0x139: {  	s3 =	sadd.s32 $0x288, s5;
	s2 =	sadd.s32 @!p2 s1, s2  }
0x13a: {  	[hbm4b:s2+s9] =	stream.linear.scatter @!p2 [tilespmem:s3], [sflag:$0xC], $0x80, $0x38;
	[tilespmem:$0x1E678] =	vst v63  }
0x13b: {  	s2 =	simm.s32 $0x0  }
0x13c: {  	s2 =	simm.s32 @!p2 $0x400  }
0x13d: {  	s4 =	sadd.s32 s2, s4  }
.LBB2_22:
0x13e: {  	s2 =	sadd.s32 $0x1, s24  }
0x13f: {  	s3 =	sshrl.u32 s2, $0x4  }
0x140: {  	s3 =	smulhi.u32 $0x24924925, s3  }
0x141: {  	v1 =	vld [tilespmem:s28+$0xFFFFFF80]  }
0x142: {  	s3 =	smul.u32 $0x70, s3;
	_ =	sdelay $0x1  }
0x143: {  	s24 =	ssub.s32 s2, s3  }
0x144: {  	s2 =	sshll.u32 s24, $0x8  }
0x145: {  	[tilespmem:s2+$0x208] =	vst v1  }
0x146: {  	v1 =	vld [tilespmem:s28+$0xFFFFFF90];
	_ =	sdelay $0x4  }
0x147: {  	[tilespmem:s2+$0x218] =	vst v1  }
0x148: {  	v1 =	vld [tilespmem:s28+$0xFFFFFFA0];
	_ =	sdelay $0x4  }
0x149: {  	[tilespmem:s2+$0x228] =	vst v1  }
0x14a: {  	v1 =	vld [tilespmem:s28+$0xFFFFFFB0];
	_ =	sdelay $0x4  }
0x14b: {  	[tilespmem:s2+$0x238] =	vst v1  }
0x14c: {  	v1 =	vld [tilespmem:s28+$0xFFFFFFC0];
	_ =	sdelay $0x4  }
0x14d: {  	[tilespmem:s2+$0x248] =	vst v1  }
0x14e: {  	v1 =	vld [tilespmem:s28+$0xFFFFFFD0];
	_ =	sdelay $0x4  }
0x14f: {  	[tilespmem:s2+$0x258] =	vst v1  }
0x150: {  	v1 =	vld [tilespmem:s28+$0xFFFFFFE0];
	_ =	sdelay $0x4  }
0x151: {  	[tilespmem:s2+$0x268] =	vst v1  }
0x152: {  	v1 =	vld [tilespmem:s28+$0xFFFFFFF0];
	_ =	sdelay $0x4  }
0x153: {  	[tilespmem:s2+$0x278] =	vst v1  }
0x154: {  	v1 =	vld [tilespmem:s28+$0x0];
	_ =	sdelay $0x4  }
0x155: {  	[tilespmem:s2+$0x288] =	vst v1  }
0x156: {  	v1 =	vld [tilespmem:s28+$0x10];
	_ =	sdelay $0x4  }
0x157: {  	[tilespmem:s2+$0x298] =	vst v1  }
0x158: {  	v1 =	vld [tilespmem:s28+$0x20];
	_ =	sdelay $0x4  }
0x159: {  	[tilespmem:s2+$0x2A8] =	vst v1  }
0x15a: {  	v1 =	vld [tilespmem:s28+$0x30];
	_ =	sdelay $0x4  }
0x15b: {  	[tilespmem:s2+$0x2B8] =	vst v1  }
0x15c: {  	v1 =	vld [tilespmem:s28+$0x40];
	_ =	sdelay $0x4  }
0x15d: {  	[tilespmem:s2+$0x2C8] =	vst v1  }
0x15e: {  	v1 =	vld [tilespmem:s28+$0x50];
	_ =	sdelay $0x4  }
0x15f: {  	[tilespmem:s2+$0x2D8] =	vst v1  }
0x160: {  	v1 =	vld [tilespmem:s28+$0x60];
	_ =	sdelay $0x4  }
0x161: {  	[tilespmem:s2+$0x2E8] =	vst v1  }
0x162: {  	v1 =	vld [tilespmem:s28+$0x70]  }
.Ltmp21:
0x163: {  	_ = 	snop;
	(pc) =	sbr.rel .LBB2_23-.Ltmp21, $2  }
0x164: {  	_ =	sdelay $0x2  }
0x165: {  	s30 =	sadd.s32 $0x1, s30;
	[tilespmem:s2+$0x2F8] =	vst v1  }
.LBB2_25:
.Ltmp22:
0x166: {  	(pc) =	sbr.rel .LBB2_26-.Ltmp22, $4  }
0x167: {  	_ = 	snop  }
0x168: {  	s0 =	simm.s32 $0x2  }
0x169: {  	_ =	swait.ge [sflag:s0], $0x0  }
0x16a: {  	s2 =	simm.s32 $0x0;
	[sflag:s0] =	ssyncset.done $0x0;
	s0 =	smov.u32 s31  }
.LBB2_28:
0x16b: {  	_ =	sfence.sel $0x180000  }
0x16c: {  	s0 =	simm.s32 $0x9;
	[bflag:$0x0] =	sbarrier.arrive $0xFFFF  }
0x16d: {  	s24 =	simm.s32 $0xA;
	[sflag:s0] =	ssyncpa.u1 $0x1  }
0x16e: {  	s25 =	simm.s32 $0xB;
	[sflag:s24] =	ssyncpa.u1 $0x1  }
0x16f: {  	s26 =	simm.s32 $0x2;
	[sflag:s25] =	ssyncpa.u1 $0x1  }
0x170: {  	[sflag:s26] =	ssyncpa.u1 $0x1  }
0x171: {  	v0 =	vld [tilespmem:$0xE408];
	_ =	sdelay $0x4  }
0x172: {  	(v2sf) =	vpush v0, $0x0  }
0x173: {  	(v2sf) =	vpush v0, $0x1;
	_ =	sdelay $0x1  }
0x174: {  	(v2sf) =	vpush v0, $0x2;
	_ =	sdelay $0xb  }
0x175: {  	s0 =	spop (v2sf)  }
0x176: {  	s2 =	spop (v2sf)  }
0x177: {  	s3 =	smov.u32 s0;
	p0 =	sne.s32 s0, s2  }
0x178: {  	s4 =	spop (v2sf);
	s3 =	simm.s32 @!p0 $0xFFFFFFFF  }
0x179: {  	v2 =	vimm.s32 $0x1;
	v3 =	vlaneseq.u32;
	p0 =	seq.s32 s4, $0xFFFFFFFF;
	v1 =	vmov s3  }
0x17a: {  	s15 =	stileid.u32;
	v0 =	vperm.xlane v0, v2;
	p1 =	sne.s32 @!p0 s0, s2;
	v1 =	vperm.xlane v1, v3  }
0x17b: {  	vm0 =	vcmask $0x3F04;
	s6 =	simm.s32 $0xE408;
	s0 =	simm.s32 @!p0 $0x1;
	p1 =	por !p1, p0  }
0x17c: {  	s3 =	sshll.u32 s15, $0x1;
	s2 =	sshll.u32 @!p0 s4, $0xA;
	s0 =	simm.s32 @p1 $0x0;
	v0 =	vsel vm0, v1, v0  }
0x17d: {  	s5 =	sor.u32 $0x2000, s3;
	s2 =	sshra.s32 @!p0 s2, $0x2;
	s0 =	sor.u32 @!p0 s0, s3;
	[tilespmem:$0xE408] =	vst v0  }
0x17e: {  	[spmem:s5] =	stream.linear.scatter [tilespmem:s6], [sflag:$0x1], $0x2, $0x38;
	[tilespmem:$0x1E678] =	vst v63  }
0x17f: {  	s2 =	sadd.s32 @!p0 $0x208, s2;
	s0 =	sshll.u32 @!p0 s0, $0x8  }
0x180: {  	[spmem:s0] =	stream.linear.scatter @!p0 [tilespmem:s2], [sflag:$0x1], $0x100, $0x38;
	[tilespmem:$0x1E678] =	vst v63  }
0x181: {  	s0 =	simm.s32 @!p0 $0x102  }
0x182: {  	s28 =	simm.s32 $0x1;
	s0 =	simm.s32 @p0 $0x2  }
0x183: {  	_ =	swait.ge [sflag:s28], s0  }
0x184: {  	s0 =	ssub.s32 $0x0, s0;
	[sflag:s28] =	ssyncset.done $0x0  }
0x185: {  	p0 =	sne.s32 s15, $0x0;
	[sflag:s28] =	ssyncadd.s32 s0  }
.Ltmp23:
0x186: {  	_ =	sfence.stream.spmem;
	(pc) =	sbr.rel @p0 .LBB2_45-.Ltmp23, $4  }
0x187: {  	s29 =	simm.s32 $0x3;
	[bflag:$0x0] =	sbarrier.arrive $0xFFFF  }
0x188: {  	s30 =	simm.s32 $0x4;
	[sflag:s29] =	ssyncpa.u1 $0x1  }
0x189: {  	s31 =	simm.s32 $0x3C;
	[sflag:s30] =	ssyncpa.u1 $0x1  }
0x18a: {  	s14 =	rddreg [dreg:$0x5];
	[sflag:s31] =	ssyncpa.u1 $0x1  }
0x18b: {  	_ =	sfence.stream.spmem;
	s0 =	simm.s32 $0x5  }
0x18c: {  	s2 =	simm.s32 $0x2000;
	s3 =	simm.s32 $0xE418;
	[sflag:s0] =	ssyncpa.u1 $0x0  }
0x18d: {  	[tilespmem:s3], [sflag:$0x5] =	stream.linear.gather [spmem:s2], $0x20, $0x38;
	[tilespmem:$0x1E678] =	vst v63  }
0x18e: {  	s26 =	simm.s32 $0x0;
	s28 =	simm.s32 $0xE438  }
0x18f: {  	[tilespmem:s28], [sflag:$0x5] =	stream.linear.gather [spmem:s26], $0x2000, $0x38;
	[tilespmem:$0x1E678] =	vst v63  }
0x190: {  	_ =	swait.ge [sflag:s0], $0x2020  }
0x191: {  	[sflag:s0] =	ssyncset.done $0x0  }
0x192: {  	s29 =	simm.s32 $0x0;
	[sflag:s0] =	ssyncadd.s32 $0xFFFFDFE0  }
0x193: {  	v0 =	vld.msk [tilespmem:s29+$0xE418], $0x1;
	_ =	sdelay $0x1  }
0x194: {  	s30 =	simm.s32 $0x1  }
0x195: {  	v1 =	vld.msk [tilespmem:s30+$0xE418], $0x1;
	_ =	sdelay $0x1  }
0x196: {  	(v2sf) =	vpush v0, $0x0;
	_ =	sdelay $0x2  }
0x197: {  	(v2sf) =	vpush v1, $0x0;
	_ =	sdelay $0x2  }
0x198: {  	s31 =	simm.s32 $0x2  }
0x199: {  	v0 =	vld.msk [tilespmem:s31+$0xE418], $0x1;
	_ =	sdelay $0x2  }
0x19a: {  	s2 =	simm.s32 $0xFFFFFFFF;
	s3 =	simm.s32 $0xFFFFFFFF;
	s0 =	simm.s32 $0xC  }
.LBB2_30:
0x19b: {  	s4 =	smov.u32 s3;
	s5 =	smov.u32 s2  }
0x19c: {  	s2 =	sshra.s32 s0, $0x2;
	p1 =	sne.s32 s0, $0x7C;
	s0 =	sadd.s32 $0x4, s0;
	(v2sf) =	vpush v0, $0x0  }
0x19d: {  	v0 =	vld.msk [tilespmem:s2+$0xE418], $0x1  }
.Ltmp24:
0x19e: {  	(pc) =	sbr.rel @p1 .LBB2_30-.Ltmp24, $4  }
0x19f: {  	s3 =	spop (v2sf)  }
0x1a0: {  	p2 =	sne.s32 s5, $0xFFFFFFFF;
	s2 =	smov.u32 s3  }
0x1a1: {  	p3 =	seq.s32 s3, $0xFFFFFFFF;
	s2 =	smov.u32 @p2 s5  }
0x1a2: {  	s3 =	smov.u32 @p3 s4;
	s2 =	smov.u32 @p3 s5  }
0x1a3: {  	(v2sf) =	vpush v0, $0x0;
	_ =	sdelay $0x8  }
0x1a4: {  	s0 =	spop (v2sf)  }
0x1a5: {  	p1 =	sne.s32 s2, $0xFFFFFFFF;
	s9 =	simm.s32 $0x6;
	s4 =	smov.u32 s0  }
0x1a6: {  	s6 =	simm.s32 $0x0;
	p2 =	seq.s32 s0, $0xFFFFFFFF;
	s4 =	smov.u32 @p1 s2  }
0x1a7: {  	s10 =	simm.s32 $0xE308;
	s4 =	smov.u32 @p2 s2;
	s2 =	spop (v2sf)  }
0x1a8: {  	s0 =	smov.u32 @p2 s3;
	p1 =	sne.s32 s4, $0xFFFFFFFF;
	s5 =	smov.u32 s2  }
.Ltmp25:
0x1a9: {  	p2 =	seq.s32 s2, $0xFFFFFFFF;
	s5 =	smov.u32 @p1 s4;
	(pc) =	sbr.rel .LBB2_32-.Ltmp25, $4  }
0x1aa: {  	s11 =	simm.s32 $0xE388;
	s5 =	smov.u32 @p2 s4;
	s7 =	spop (v2sf)  }
0x1ab: {  	s12 =	simm.s32 $0x0;
	p1 =	sne.s32 s5, $0xFFFFFFFF;
	s8 =	smov.u32 s7  }
0x1ac: {  	s2 =	smov.u32 @p2 s0;
	p2 =	seq.s32 s7, $0xFFFFFFFF;
	s8 =	smov.u32 @p1 s5  }
0x1ad: {  	[sflag:s9] =	ssyncpa.u1 $0x0;
	s7 =	smov.u32 @p2 s2;
	s8 =	smov.u32 @p2 s5  }
.LBB2_38:
0x1ae: {  	p1 =	sgt.u32 s0, $0x4E170  }
0x1af: {  	p2 =	seq.s32 @!p1 s0, s8  }
0x1b0: {  	p1 =	por p1, p2  }
0x1b1: {  	p2 =	sne.s32 @!p1 s0, s7  }
0x1b2: {  	p1 =	por p1, !p2  }
0x1b3: {  	s0 =	sshll.u32 @p1 s12, $0xA  }
0x1b4: {  	s2 =	sand.u32 @!p1 $0x7FFF8, s0;
	s3 =	sand.u32 @!p1 $0x7, s0;
	s0 =	sadd.s32 @!p1 $0x80, s0  }
0x1b5: {  	s2 =	sadd.s32 @!p1 s1, s2;
	s0 =	sand.u32 @!p1 $0xFFFF8, s0  }
0x1b6: {  	[tilespmem:s10], [sflag:$0x6] =	stream.linear.gather @!p1 [hbm4b:s2+s3], $0x80, $0x38;
	[tilespmem:$0x1E678] =	vst v63  }
0x1b7: {  	s0 =	sadd.s32 @!p1 s1, s0  }
0x1b8: {  	[tilespmem:s11], [sflag:$0x6] =	stream.linear.gather @!p1 [hbm4b:s0+s3], $0x80, $0x38;
	[tilespmem:$0x1E678] =	vst v63  }
0x1b9: {  	_ =	swait.ge @!p1 [sflag:s9], $0x100  }
0x1ba: {  	[sflag:s9] =	ssyncset.done @!p1 $0x0  }
0x1bb: {  	[sflag:s9] =	ssyncadd.s32 @!p1 $0xFFFFFF00  }
0x1bc: {  	v1 =	vld @!p1 [tilespmem:$0xE308];
	_ =	sdelay $0x2  }
0x1bd: {  	s0 =	sshll.u32 @!p1 s12, $0xA  }
0x1be: {  	s2 =	sshrl.u32 @!p1 s0, $0x2  }
0x1bf: {  	[tilespmem:s2+$0xE438] =	vst.add.f32.msk @!p1 $0xffff, v1  }
0x1c0: {  	v1 =	vld @!p1 [tilespmem:$0xE318];
	_ =	sdelay $0x4  }
0x1c1: {  	[tilespmem:s2+$0xE448] =	vst.add.f32.msk @!p1 $0xffff, v1  }
0x1c2: {  	v1 =	vld @!p1 [tilespmem:$0xE328];
	_ =	sdelay $0x4  }
0x1c3: {  	[tilespmem:s2+$0xE458] =	vst.add.f32.msk @!p1 $0xffff, v1  }
0x1c4: {  	v1 =	vld @!p1 [tilespmem:$0xE338];
	_ =	sdelay $0x4  }
0x1c5: {  	[tilespmem:s2+$0xE468] =	vst.add.f32.msk @!p1 $0xffff, v1  }
0x1c6: {  	v1 =	vld @!p1 [tilespmem:$0xE348];
	_ =	sdelay $0x4  }
0x1c7: {  	[tilespmem:s2+$0xE478] =	vst.add.f32.msk @!p1 $0xffff, v1  }
0x1c8: {  	v1 =	vld @!p1 [tilespmem:$0xE358];
	_ =	sdelay $0x4  }
0x1c9: {  	[tilespmem:s2+$0xE488] =	vst.add.f32.msk @!p1 $0xffff, v1  }
0x1ca: {  	v1 =	vld @!p1 [tilespmem:$0xE368];
	_ =	sdelay $0x4  }
0x1cb: {  	[tilespmem:s2+$0xE498] =	vst.add.f32.msk @!p1 $0xffff, v1  }
0x1cc: {  	v1 =	vld @!p1 [tilespmem:$0xE378];
	_ =	sdelay $0x4  }
0x1cd: {  	[tilespmem:s2+$0xE4A8] =	vst.add.f32.msk @!p1 $0xffff, v1  }
0x1ce: {  	v1 =	vld @!p1 [tilespmem:$0xE388];
	_ =	sdelay $0x4  }
0x1cf: {  	[tilespmem:s2+$0xE4B8] =	vst.add.f32.msk @!p1 $0xffff, v1  }
0x1d0: {  	v1 =	vld @!p1 [tilespmem:$0xE398];
	_ =	sdelay $0x4  }
0x1d1: {  	[tilespmem:s2+$0xE4C8] =	vst.add.f32.msk @!p1 $0xffff, v1  }
0x1d2: {  	v1 =	vld @!p1 [tilespmem:$0xE3A8];
	_ =	sdelay $0x4  }
0x1d3: {  	[tilespmem:s2+$0xE4D8] =	vst.add.f32.msk @!p1 $0xffff, v1  }
0x1d4: {  	v1 =	vld @!p1 [tilespmem:$0xE3B8];
	_ =	sdelay $0x4  }
0x1d5: {  	[tilespmem:s2+$0xE4E8] =	vst.add.f32.msk @!p1 $0xffff, v1  }
0x1d6: {  	v1 =	vld @!p1 [tilespmem:$0xE3C8];
	_ =	sdelay $0x4  }
0x1d7: {  	[tilespmem:s2+$0xE4F8] =	vst.add.f32.msk @!p1 $0xffff, v1  }
0x1d8: {  	v1 =	vld @!p1 [tilespmem:$0xE3D8];
	_ =	sdelay $0x4  }
0x1d9: {  	[tilespmem:s2+$0xE508] =	vst.add.f32.msk @!p1 $0xffff, v1  }
0x1da: {  	v1 =	vld @!p1 [tilespmem:$0xE3E8];
	_ =	sdelay $0x4  }
0x1db: {  	[tilespmem:s2+$0xE518] =	vst.add.f32.msk @!p1 $0xffff, v1  }
0x1dc: {  	v1 =	vld @!p1 [tilespmem:$0xE3F8];
	_ =	sdelay $0x4  }
0x1dd: {  	[tilespmem:s2+$0xE528] =	vst.add.f32.msk @!p1 $0xffff, v1  }
0x1de: {  	s0 =	sshrl.u32 s0, $0x2;
	[tilespmem:s6+$0xE418] =	vst.msk $0x1, v0  }
0x1df: {  	v0 =	vld [tilespmem:s0+$0xE438];
	_ =	sdelay $0x2  }
0x1e0: {  	s31 =	sshll.u32 s6, $0xA  }
0x1e1: {  	s2 =	sshra.s32 s31, $0x2  }
0x1e2: {  	[tilespmem:s2+$0xE438] =	vst v0  }
0x1e3: {  	v0 =	vld [tilespmem:s0+$0xE448];
	_ =	sdelay $0x4  }
0x1e4: {  	[tilespmem:s2+$0xE448] =	vst v0  }
0x1e5: {  	v0 =	vld [tilespmem:s0+$0xE458];
	_ =	sdelay $0x4  }
0x1e6: {  	[tilespmem:s2+$0xE458] =	vst v0  }
0x1e7: {  	v0 =	vld [tilespmem:s0+$0xE468];
	_ =	sdelay $0x4  }
0x1e8: {  	[tilespmem:s2+$0xE468] =	vst v0  }
0x1e9: {  	v0 =	vld [tilespmem:s0+$0xE478];
	_ =	sdelay $0x4  }
0x1ea: {  	[tilespmem:s2+$0xE478] =	vst v0  }
0x1eb: {  	v0 =	vld [tilespmem:s0+$0xE488];
	_ =	sdelay $0x4  }
0x1ec: {  	[tilespmem:s2+$0xE488] =	vst v0  }
0x1ed: {  	v0 =	vld [tilespmem:s0+$0xE498];
	_ =	sdelay $0x4  }
0x1ee: {  	[tilespmem:s2+$0xE498] =	vst v0  }
0x1ef: {  	v0 =	vld [tilespmem:s0+$0xE4A8];
	_ =	sdelay $0x4  }
0x1f0: {  	[tilespmem:s2+$0xE4A8] =	vst v0  }
0x1f1: {  	v0 =	vld [tilespmem:s0+$0xE4B8];
	_ =	sdelay $0x4  }
0x1f2: {  	[tilespmem:s2+$0xE4B8] =	vst v0  }
0x1f3: {  	v0 =	vld [tilespmem:s0+$0xE4C8];
	_ =	sdelay $0x4  }
0x1f4: {  	[tilespmem:s2+$0xE4C8] =	vst v0  }
0x1f5: {  	v0 =	vld [tilespmem:s0+$0xE4D8];
	_ =	sdelay $0x4  }
0x1f6: {  	[tilespmem:s2+$0xE4D8] =	vst v0  }
0x1f7: {  	v0 =	vld [tilespmem:s0+$0xE4E8];
	_ =	sdelay $0x4  }
0x1f8: {  	[tilespmem:s2+$0xE4E8] =	vst v0  }
0x1f9: {  	v0 =	vld [tilespmem:s0+$0xE4F8];
	_ =	sdelay $0x4  }
0x1fa: {  	[tilespmem:s2+$0xE4F8] =	vst v0  }
0x1fb: {  	v0 =	vld [tilespmem:s0+$0xE508];
	_ =	sdelay $0x4  }
0x1fc: {  	[tilespmem:s2+$0xE508] =	vst v0  }
0x1fd: {  	v0 =	vld [tilespmem:s0+$0xE518];
	_ =	sdelay $0x4  }
0x1fe: {  	[tilespmem:s2+$0xE518] =	vst v0  }
0x1ff: {  	v0 =	vld [tilespmem:s0+$0xE528];
	_ =	sdelay $0x4  }
0x200: {  	s6 =	sadd.s32 $0x1, s6;
	[tilespmem:s2+$0xE528] =	vst v0  }
.LBB2_39:
0x201: {  	s12 =	sadd.s32 $0x1, s12  }
0x202: {  	p1 =	sne.s32 s12, $0x20  }
.Ltmp26:
0x203: {  	_ = 	snop;
	(pc) =	sbr.rel @!p1 .LBB2_40-.Ltmp26, $1  }
0x204: {  	_ =	sdelay $0x3  }
.LBB2_32:
0x205: {  	v0 =	vld.msk [tilespmem:s12+$0xE418], $0x1;
	_ =	sdelay $0x4  }
0x206: {  	(v2sf) =	vpush v0, $0x0;
	_ =	sdelay $0xe  }
0x207: {  	s0 =	spop (v2sf)  }
0x208: {  	p1 =	seq.s32 s0, $0xFFFFFFFF  }
.Ltmp27:
0x209: {  	_ = 	snop;
	(pc) =	sbr.rel @p1 .LBB2_39-.Ltmp27, $1  }
0x20a: {  	_ =	sdelay $0x3  }
0x20b: {  	p1 =	slt.s32 s6, $0x1  }
.Ltmp28:
0x20c: {  	_ = 	snop;
	(pc) =	sbr.rel @p1 .LBB2_38-.Ltmp28, $1  }
0x20d: {  	_ =	sdelay $0x3  }
0x20e: {  	s4 =	simm.s32 $0xE418;
	p1 =	por $0x0, $0x0  }
0x20f: {  	v1 =	vld.msk @!p1 [tilespmem:s4+$0x0], $0x1;
	_ =	sdelay $0x4  }
0x210: {  	(v2sf) =	vpush @!p1 v1, $0x0;
	_ =	sdelay $0xd  }
0x211: {  	p3 =	sne.s32 s6, $0x1  }
.Ltmp29:
0x212: {  	s2 =	spop @!p1 (v2sf);
	(pc) =	sbr.rel @!p3 .LBB2_36-.Ltmp29, $4  }
0x213: {  	p2 =	seq.s32 @!p1 s0, s2  }
0x214: {  	s5 =	simm.s32 $0x0;
	p2 =	por !p2, p1  }
0x215: {  	s2 =	simm.s32 $0xFFFFFFFF;
	s5 =	simm.s32 @p2 $0xFFFFFFFF  }
0x216: {  	s13 =	simm.s32 $0x1;
	s5 =	smov.u32 @p1 s2  }
.LBB2_35:
0x217: {  	s2 =	smov.u32 s5;
	p1 =	sne.s32 s5, $0xFFFFFFFF  }
0x218: {  	s4 =	sadd.s32 $0x1, s4;
	s5 =	smov.u32 s13;
	s13 =	sadd.s32 $0x1, s13  }
0x219: {  	p2 =	sne.s32 s6, s13;
	v1 =	vld.msk @!p1 [tilespmem:s4+$0x0], $0x1;
	_ =	sdelay $0x4  }
0x21a: {  	(v2sf) =	vpush @!p1 v1, $0x0;
	_ =	sdelay $0xe  }
.Ltmp30:
0x21b: {  	s3 =	spop @!p1 (v2sf);
	(pc) =	sbr.rel @p2 .LBB2_35-.Ltmp30, $4  }
0x21c: {  	p3 =	seq.s32 @!p1 s0, s3  }
0x21d: {  	p3 =	por !p3, p1  }
0x21e: {  	s5 =	simm.s32 @p3 $0xFFFFFFFF  }
0x21f: {  	s5 =	smov.u32 @p1 s2  }
.LBB2_36:
0x220: {  	p1 =	seq.s32 s5, $0xFFFFFFFF  }
.Ltmp31:
0x221: {  	_ = 	snop;
	(pc) =	sbr.rel @p1 .LBB2_38-.Ltmp31, $1  }
0x222: {  	_ =	sdelay $0x3  }
0x223: {  	s0 =	sshll.u32 s12, $0x8  }
0x224: {  	s0 =	sand.u32 $0x3FFFFF00, s0  }
0x225: {  	v0 =	vld [tilespmem:s0+$0xE438];
	_ =	sdelay $0x2  }
0x226: {  	s2 =	sshll.u32 s5, $0xA  }
0x227: {  	s2 =	sshra.s32 s2, $0x2  }
0x228: {  	[tilespmem:s2+$0xE438] =	vst.add.f32.msk $0xffff, v0  }
0x229: {  	v0 =	vld [tilespmem:s0+$0xE448];
	_ =	sdelay $0x4  }
0x22a: {  	[tilespmem:s2+$0xE448] =	vst.add.f32.msk $0xffff, v0  }
0x22b: {  	v0 =	vld [tilespmem:s0+$0xE458];
	_ =	sdelay $0x4  }
0x22c: {  	[tilespmem:s2+$0xE458] =	vst.add.f32.msk $0xffff, v0  }
0x22d: {  	v0 =	vld [tilespmem:s0+$0xE468];
	_ =	sdelay $0x4  }
0x22e: {  	[tilespmem:s2+$0xE468] =	vst.add.f32.msk $0xffff, v0  }
0x22f: {  	v0 =	vld [tilespmem:s0+$0xE478];
	_ =	sdelay $0x4  }
0x230: {  	[tilespmem:s2+$0xE478] =	vst.add.f32.msk $0xffff, v0  }
0x231: {  	v0 =	vld [tilespmem:s0+$0xE488];
	_ =	sdelay $0x4  }
0x232: {  	[tilespmem:s2+$0xE488] =	vst.add.f32.msk $0xffff, v0  }
0x233: {  	v0 =	vld [tilespmem:s0+$0xE498];
	_ =	sdelay $0x4  }
0x234: {  	[tilespmem:s2+$0xE498] =	vst.add.f32.msk $0xffff, v0  }
0x235: {  	v0 =	vld [tilespmem:s0+$0xE4A8];
	_ =	sdelay $0x4  }
0x236: {  	[tilespmem:s2+$0xE4A8] =	vst.add.f32.msk $0xffff, v0  }
0x237: {  	v0 =	vld [tilespmem:s0+$0xE4B8];
	_ =	sdelay $0x4  }
0x238: {  	[tilespmem:s2+$0xE4B8] =	vst.add.f32.msk $0xffff, v0  }
0x239: {  	v0 =	vld [tilespmem:s0+$0xE4C8];
	_ =	sdelay $0x4  }
0x23a: {  	[tilespmem:s2+$0xE4C8] =	vst.add.f32.msk $0xffff, v0  }
0x23b: {  	v0 =	vld [tilespmem:s0+$0xE4D8];
	_ =	sdelay $0x4  }
0x23c: {  	[tilespmem:s2+$0xE4D8] =	vst.add.f32.msk $0xffff, v0  }
0x23d: {  	v0 =	vld [tilespmem:s0+$0xE4E8];
	_ =	sdelay $0x4  }
0x23e: {  	[tilespmem:s2+$0xE4E8] =	vst.add.f32.msk $0xffff, v0  }
0x23f: {  	v0 =	vld [tilespmem:s0+$0xE4F8];
	_ =	sdelay $0x4  }
0x240: {  	[tilespmem:s2+$0xE4F8] =	vst.add.f32.msk $0xffff, v0  }
0x241: {  	v0 =	vld [tilespmem:s0+$0xE508];
	_ =	sdelay $0x4  }
0x242: {  	[tilespmem:s2+$0xE508] =	vst.add.f32.msk $0xffff, v0  }
0x243: {  	v0 =	vld [tilespmem:s0+$0xE518];
	_ =	sdelay $0x4  }
0x244: {  	[tilespmem:s2+$0xE518] =	vst.add.f32.msk $0xffff, v0  }
0x245: {  	v0 =	vld [tilespmem:s0+$0xE528]  }
.Ltmp32:
0x246: {  	_ = 	snop;
	(pc) =	sbr.rel .LBB2_39-.Ltmp32, $2  }
0x247: {  	_ =	sdelay $0x2  }
0x248: {  	[tilespmem:s2+$0xE528] =	vst.add.f32.msk $0xffff, v0  }
.LBB2_40:
0x249: {  	s0 =	simm.s32 $0x6;
	p1 =	seq.s32 s6, $0x0  }
0x24a: {  	[sflag:s0] =	ssyncpa.u1 $0x1;
	v0 =	vimm.s32 @p1 $0xFFFFFFFF  }
0x24b: {  	s0 =	sadd.s32 $0xFFFFFFFF, s6;
	[tilespmem:$0x10438] =	vst @p1 v0  }
0x24c: {  	v0 =	vld.msk @!p1 [tilespmem:s0+$0xE418], $0x1;
	_ =	sdelay $0x1  }
0x24d: {  	v1 =	vld.msk @!p1 [tilespmem:$0xE418], $0x1;
	_ =	sdelay $0x2  }
0x24e: {  	p2 =	seq.s32 @!p1 s0, $0x0;
	v0 =	vbroadcast @!p1 v0, $0x0  }
0x24f: {  	vm0 =	vmmov @!p1 $0x1;
	p2 =	por !p2, p1  }
0x250: {  	v1 =	vnsel @!p1 vm0, $0xFFFFFFFF, v1;
	vm0 =	vcmask @!p1 $0x308;
	v0 =	vpsel !p2, $0xFFFFFFFF, v0  }
0x251: {  	p2 =	sne.s32 @!p1 s8, s7;
	v0 =	vsel @!p1 vm0, v1, v0  }
0x252: {  	s2 =	simm.s32 @!p1 $0xE438;
	s3 =	simm.s32 @!p1 $0x0;
	p3 =	por !p2, p1;
	[tilespmem:$0x10438] =	vst @!p1 v0  }
0x253: {  	[spmem:s3] =	stream.linear.scatter @!p1 [tilespmem:s2], [sflag:$0x1], $0x100, $0x38;
	[tilespmem:$0x1E678] =	vst v63  }
0x254: {  	s2 =	sshll.u32 @!p3 s0, $0xA  }
0x255: {  	s2 =	sshra.s32 @!p3 s2, $0x2  }
0x256: {  	s3 =	simm.s32 @!p3 $0x100;
	s2 =	sadd.s32 @!p3 $0xE438, s2  }
0x257: {  	[spmem:s3] =	stream.linear.scatter @!p3 [tilespmem:s2], [sflag:$0x1], $0x100, $0x38;
	[tilespmem:$0x1E678] =	vst v63  }
0x258: {  	s2 =	simm.s32 @!p3 $0x1  }
0x259: {  	_ =	swait.ge @!p3 [sflag:s2], $0x200  }
0x25a: {  	p1 =	por p2, p1;
	[sflag:s2] =	ssyncset.done @!p3 $0x0  }
0x25b: {  	[sflag:s2] =	ssyncadd.s32 @!p3 $0xFFFFFE00;
	s2 =	simm.s32 @!p1 $0x1  }
0x25c: {  	_ =	swait.ge @!p1 [sflag:s2], $0x100  }
0x25d: {  	s29 =	simm.s32 $0x10438;
	[sflag:s2] =	ssyncset.done @!p1 $0x0  }
0x25e: {  	s30 =	simm.s32 $0x2000;
	s31 =	simm.s32 $0x1;
	[sflag:s2] =	ssyncadd.s32 @!p1 $0xFFFFFF00  }
0x25f: {  	[spmem:s30] =	stream.linear.scatter [tilespmem:s29], [sflag:$0x1], $0x10, $0x38;
	[tilespmem:$0x1E678] =	vst v63  }
0x260: {  	_ =	swait.ge [sflag:s31], $0x10  }
0x261: {  	[sflag:s31] =	ssyncset.done $0x0  }
0x262: {  	p1 =	seq.s32 s14, $0x0;
	s9 =	rddreg [dreg:$0x2];
	[sflag:s31] =	ssyncadd.s32 $0xFFFFFFF0  }
0x263: {  	s3 =	sshll.u32 @p1 s9, $0xE;
	s8 =	rddreg [dreg:$0x3]  }
0x264: {  	s2 =	sadd.s32 @p1 $0x15C3C, s3;
	s3 =	sshll.u32 @p1 s8, $0x11  }
0x265: {  	_ =	sfence.stream.spmem;
	s2 =	sor.u32 @p1 s3, s2  }
0x266: {  	[sflag:s2] =	ssyncadd.remote.s32 @p1 $0x1;
	s2 =	simm.s32 @p1 $0x4  }
0x267: {  	s4 =	simm.s32 @!p1 $0x3C;
	s3 =	sand.u32 $0xFFFFFFFE, s9;
	_ =	swait.ge @p1 [sflag:s2], $0x42  }
0x268: {  	s5 =	simm.s32 @!p1 $0x0;
	s3 =	sadd.s32 @!p1 $0x4, s3;
	[sflag:s2] =	ssyncset.done @p1 $0x0  }
0x269: {  	s7 =	simm.s32 @!p1 $0x200;
	[sflag:s2] =	ssyncadd.s32 @p1 $0xFFFFFFBE;
	s2 =	sshll.u32 @!p1 s3, $0x1A  }
0x26a: {  	s3 =	sshll.u32 @!p1 s3, $0xD;
	s2 =	sor.u32 @!p1 s2, s8;
	_ =	swait.eq @!p1 [sflag:s4], $0x1  }
0x26b: {  	s3 =	sor.u32 @!p1 $0x1C04, s3;
	s4 =	simm.s32 @!p1 $0x1C03;
	s2 =	sor.u32 @!p1 $0x80004000, s2  }
0x26c: {  	[spmem:s7], [sflag:s3] =	dma.general @!p1 [spmem:s5], [sflag:s4], length:$0x40, [dreg:$0x0], stride_count:$0x0, ici_dest:s2, dma_misc:DstOpCode:WRITE  }
0x26d: {  	p2 =	slt.s32 s0, $0x2;
	s5 =	simm.s32 @!p1 $0x400;
	s7 =	simm.s32 @!p1 $0x402  }
0x26e: {  	[spmem:s7], [sflag:s3] =	dma.general @!p1 [spmem:s5], [sflag:s4], length:$0x2, [dreg:$0x0], stride_count:$0x0, ici_dest:s2, dma_misc:DstOpCode:WRITE  }
.Ltmp33:
0x26f: {  	s2 =	simm.s32 @!p1 $0x3;
	(pc) =	sbr.rel @p2 .LBB2_44-.Ltmp33, $4  }
0x270: {  	s3 =	sshll.u32 @!p1 s9, $0xE;
	_ =	swait.ge @!p1 [sflag:s2], $0x42  }
0x271: {  	s4 =	sshll.u32 @!p1 s8, $0x11;
	s3 =	sadd.s32 @!p1 $0x11C3C, s3;
	[sflag:s2] =	ssyncset.done @!p1 $0x0  }
0x272: {  	[sflag:s2] =	ssyncadd.s32 @!p1 $0xFFFFFFBE;
	s2 =	sor.u32 @!p1 s4, s3  }
0x273: {  	s0 =	simm.s32 $0x0;
	[sflag:s2] =	ssyncadd.remote.s32 @!p1 $0xFFFFFFFF  }
0x274: {  	s0 =	simm.s32 $0xE419  }
0x275: {  	v0 =	vld.msk [tilespmem:s0+$0x0], $0x1;
	_ =	sdelay $0x4  }
0x276: {  	(v2sf) =	vpush v0, $0x0;
	_ =	sdelay $0xd  }
0x277: {  	s31 =	sadd.s32 $0xFFFFFFFE, s6  }
0x278: {  	s6 =	simm.s32 $0x0;
	s0 =	sadd.s32 $0xFFFFFFFF, s31;
	s2 =	spop (v2sf)  }
0x279: {  	s3 =	simm.s32 $0xE538;
	p1 =	sne.s32 s0, $0x0;
	p2 =	sgt.u32 s2, $0x4E170  }
.Ltmp34:
0x27a: {  	s4 =	simm.s32 $0xE638;
	s5 =	sand.u32 @!p2 $0x7FFF8, s2;
	(pc) =	sbr.rel @!p1 .LBB2_43-.Ltmp34, $4  }
0x27b: {  	s7 =	sadd.s32 @!p2 $0x80, s2;
	s2 =	sand.u32 @!p2 $0x7, s2;
	s6 =	simm.s32 @!p2 $0x400  }
0x27c: {  	s5 =	sadd.s32 @!p2 s1, s5;
	s7 =	sand.u32 @!p2 $0xFFFF8, s7;
	s6 =	sadd.s32 $0x0, s6  }
0x27d: {  	[hbm4b:s5+s2] =	stream.linear.scatter @!p2 [tilespmem:s3], [sflag:$0x5], $0x80, $0x38;
	[tilespmem:$0x1E678] =	vst v63  }
0x27e: {  	s5 =	simm.s32 $0xE41A;
	s3 =	simm.s32 @!p2 $0xE5B8;
	s7 =	sadd.s32 @!p2 s1, s7  }
.LBB2_42:
0x27f: {  	[hbm4b:s7+s2] =	stream.linear.scatter @!p2 [tilespmem:s3], [sflag:$0x5], $0x80, $0x38;
	[tilespmem:$0x1E678] =	vst v63  }
0x280: {  	s0 =	sadd.s32 $0xFFFFFFFF, s0;
	s3 =	smov.u32 s4;
	v0 =	vld.msk [tilespmem:s5+$0x0], $0x1  }
0x281: {  	p1 =	sne.s32 s0, $0x0;
	_ =	sdelay $0x3  }
0x282: {  	(v2sf) =	vpush v0, $0x0;
	_ =	sdelay $0xe  }
0x283: {  	s4 =	sadd.s32 $0x100, s4;
	s8 =	simm.s32 $0x0;
	s2 =	spop (v2sf)  }
.Ltmp35:
0x284: {  	s5 =	sadd.s32 $0x1, s5;
	p2 =	sgt.u32 s2, $0x4E170;
	(pc) =	sbr.rel @p1 .LBB2_42-.Ltmp35, $4  }
0x285: {  	s8 =	simm.s32 @!p2 $0x400;
	s7 =	sand.u32 @!p2 $0x7FFF8, s2;
	s9 =	sadd.s32 @!p2 $0x80, s2  }
0x286: {  	s2 =	sand.u32 @!p2 $0x7, s2;
	s7 =	sadd.s32 @!p2 s1, s7;
	s9 =	sand.u32 @!p2 $0xFFFF8, s9  }
0x287: {  	[hbm4b:s7+s2] =	stream.linear.scatter @!p2 [tilespmem:s3], [sflag:$0x5], $0x80, $0x38;
	[tilespmem:$0x1E678] =	vst v63  }
0x288: {  	s6 =	sadd.s32 s6, s8;
	s3 =	sadd.s32 @!p2 $0x80, s3;
	s7 =	sadd.s32 @!p2 s1, s9  }
.LBB2_43:
0x289: {  	[hbm4b:s7+s2] =	stream.linear.scatter @!p2 [tilespmem:s3], [sflag:$0x5], $0x80, $0x38;
	[tilespmem:$0x1E678] =	vst v63  }
0x28a: {  	s0 =	sshrl.u32 s6, $0x2  }
.LBB2_44:
0x28b: {  	s2 =	simm.s32 $0x5  }
0x28c: {  	_ =	swait.ge [sflag:s2], s0  }
0x28d: {  	s31 =	ssub.s32 $0x0, s0;
	[sflag:s2] =	ssyncset.done $0x0  }
0x28e: {  	[sflag:s2] =	ssyncadd.s32 s31  }
0x28f: {  	[sflag:s2] =	ssyncpa.u1 $0x1  }
.LBB2_45:
0x290: {  	s0 =	sor.u32 s14, s15  }
0x291: {  	p1 =	sne.s32 s0, $0x0  }
.Ltmp36:
0x292: {  	_ = 	snop;
	(pc) =	sbr.rel @p1 .LBB2_60-.Ltmp36, $3  }
0x293: {  	_ =	sdelay $0x1  }
0x294: {  	[bflag:$0x0] =	sbarrier.arrive $0xFFFF  }
0x295: {  	_ =	sfence  }
0x296: {  	s0 =	simm.s32 $0x7  }
0x297: {  	s2 =	simm.s32 $0x2000;
	s3 =	simm.s32 $0xE418;
	[sflag:s0] =	ssyncpa.u1 $0x0  }
0x298: {  	[tilespmem:s3], [sflag:$0x7] =	stream.linear.gather [spmem:s2], $0x20, $0x38;
	[tilespmem:$0x1E678] =	vst v63  }
0x299: {  	s30 =	simm.s32 $0xE438;
	s2 =	simm.s32 $0x0  }
0x29a: {  	[tilespmem:s30], [sflag:$0x7] =	stream.linear.gather [spmem:s2], $0x2000, $0x38;
	[tilespmem:$0x1E678] =	vst v63  }
.Ltmp37:
0x29b: {  	_ = 	snop;
	(pc) =	sbr.rel .LBB2_47-.Ltmp37, $4  }
0x29c: {  	_ =	swait.ge [sflag:s0], $0x2020  }
0x29d: {  	[sflag:s0] =	ssyncset.done $0x0  }
0x29e: {  	s31 =	simm.s32 $0x8;
	[sflag:s0] =	ssyncadd.s32 $0xFFFFDFE0  }
0x29f: {  	s3 =	simm.s32 $0x0;
	[sflag:s31] =	ssyncpa.u1 $0x0  }
.LBB2_53:
0x2a0: {  	p1 =	slt.u32 s0, $0x4E171  }
0x2a1: {  	s4 =	sand.u32 @p1 $0x7FFF8, s0;
	s5 =	sand.u32 @p1 $0x7, s0;
	s0 =	sadd.s32 @p1 $0x80, s0  }
0x2a2: {  	s6 =	simm.s32 @p1 $0xE308;
	s4 =	sadd.s32 @p1 s1, s4;
	s0 =	sand.u32 @p1 $0xFFFF8, s0  }
0x2a3: {  	[tilespmem:s6], [sflag:$0x8] =	stream.linear.gather @p1 [hbm4b:s4+s5], $0x80, $0x38;
	[tilespmem:$0x1E678] =	vst v63  }
0x2a4: {  	s0 =	sadd.s32 @p1 s1, s0;
	s4 =	simm.s32 @p1 $0xE388  }
0x2a5: {  	[tilespmem:s4], [sflag:$0x8] =	stream.linear.gather @p1 [hbm4b:s0+s5], $0x80, $0x38;
	[tilespmem:$0x1E678] =	vst v63  }
0x2a6: {  	s0 =	simm.s32 @p1 $0x8  }
0x2a7: {  	_ =	swait.ge @p1 [sflag:s0], $0x100  }
0x2a8: {  	[sflag:s0] =	ssyncset.done @p1 $0x0  }
0x2a9: {  	[sflag:s0] =	ssyncadd.s32 @p1 $0xFFFFFF00  }
0x2aa: {  	v1 =	vld @p1 [tilespmem:$0xE308];
	_ =	sdelay $0x2  }
0x2ab: {  	s0 =	sshll.u32 @p1 s3, $0xA  }
0x2ac: {  	s4 =	sshrl.u32 @p1 s0, $0x2  }
0x2ad: {  	[tilespmem:s4+$0xE438] =	vst.add.f32.msk @p1 $0xffff, v1  }
0x2ae: {  	v1 =	vld @p1 [tilespmem:$0xE318];
	_ =	sdelay $0x4  }
0x2af: {  	[tilespmem:s4+$0xE448] =	vst.add.f32.msk @p1 $0xffff, v1  }
0x2b0: {  	v1 =	vld @p1 [tilespmem:$0xE328];
	_ =	sdelay $0x4  }
0x2b1: {  	[tilespmem:s4+$0xE458] =	vst.add.f32.msk @p1 $0xffff, v1  }
0x2b2: {  	v1 =	vld @p1 [tilespmem:$0xE338];
	_ =	sdelay $0x4  }
0x2b3: {  	[tilespmem:s4+$0xE468] =	vst.add.f32.msk @p1 $0xffff, v1  }
0x2b4: {  	v1 =	vld @p1 [tilespmem:$0xE348];
	_ =	sdelay $0x4  }
0x2b5: {  	[tilespmem:s4+$0xE478] =	vst.add.f32.msk @p1 $0xffff, v1  }
0x2b6: {  	v1 =	vld @p1 [tilespmem:$0xE358];
	_ =	sdelay $0x4  }
0x2b7: {  	[tilespmem:s4+$0xE488] =	vst.add.f32.msk @p1 $0xffff, v1  }
0x2b8: {  	v1 =	vld @p1 [tilespmem:$0xE368];
	_ =	sdelay $0x4  }
0x2b9: {  	[tilespmem:s4+$0xE498] =	vst.add.f32.msk @p1 $0xffff, v1  }
0x2ba: {  	v1 =	vld @p1 [tilespmem:$0xE378];
	_ =	sdelay $0x4  }
0x2bb: {  	[tilespmem:s4+$0xE4A8] =	vst.add.f32.msk @p1 $0xffff, v1  }
0x2bc: {  	v1 =	vld @p1 [tilespmem:$0xE388];
	_ =	sdelay $0x4  }
0x2bd: {  	[tilespmem:s4+$0xE4B8] =	vst.add.f32.msk @p1 $0xffff, v1  }
0x2be: {  	v1 =	vld @p1 [tilespmem:$0xE398];
	_ =	sdelay $0x4  }
0x2bf: {  	[tilespmem:s4+$0xE4C8] =	vst.add.f32.msk @p1 $0xffff, v1  }
0x2c0: {  	v1 =	vld @p1 [tilespmem:$0xE3A8];
	_ =	sdelay $0x4  }
0x2c1: {  	[tilespmem:s4+$0xE4D8] =	vst.add.f32.msk @p1 $0xffff, v1  }
0x2c2: {  	v1 =	vld @p1 [tilespmem:$0xE3B8];
	_ =	sdelay $0x4  }
0x2c3: {  	[tilespmem:s4+$0xE4E8] =	vst.add.f32.msk @p1 $0xffff, v1  }
0x2c4: {  	v1 =	vld @p1 [tilespmem:$0xE3C8];
	_ =	sdelay $0x4  }
0x2c5: {  	[tilespmem:s4+$0xE4F8] =	vst.add.f32.msk @p1 $0xffff, v1  }
0x2c6: {  	v1 =	vld @p1 [tilespmem:$0xE3D8];
	_ =	sdelay $0x4  }
0x2c7: {  	[tilespmem:s4+$0xE508] =	vst.add.f32.msk @p1 $0xffff, v1  }
0x2c8: {  	v1 =	vld @p1 [tilespmem:$0xE3E8];
	_ =	sdelay $0x4  }
0x2c9: {  	[tilespmem:s4+$0xE518] =	vst.add.f32.msk @p1 $0xffff, v1  }
0x2ca: {  	v1 =	vld @p1 [tilespmem:$0xE3F8];
	_ =	sdelay $0x3  }
0x2cb: {  	s5 =	sshll.u32 @!p1 s3, $0xA  }
0x2cc: {  	s5 =	smov.u32 @p1 s0;
	[tilespmem:s4+$0xE528] =	vst.add.f32.msk @p1 $0xffff, v1  }
0x2cd: {  	s0 =	sshrl.u32 s5, $0x2;
	[tilespmem:s2+$0xE418] =	vst.msk $0x1, v0  }
0x2ce: {  	v0 =	vld [tilespmem:s0+$0xE438];
	_ =	sdelay $0x2  }
0x2cf: {  	s31 =	sshll.u32 s2, $0xA  }
0x2d0: {  	s4 =	sshra.s32 s31, $0x2  }
0x2d1: {  	[tilespmem:s4+$0xE438] =	vst v0  }
0x2d2: {  	v0 =	vld [tilespmem:s0+$0xE448];
	_ =	sdelay $0x4  }
0x2d3: {  	[tilespmem:s4+$0xE448] =	vst v0  }
0x2d4: {  	v0 =	vld [tilespmem:s0+$0xE458];
	_ =	sdelay $0x4  }
0x2d5: {  	[tilespmem:s4+$0xE458] =	vst v0  }
0x2d6: {  	v0 =	vld [tilespmem:s0+$0xE468];
	_ =	sdelay $0x4  }
0x2d7: {  	[tilespmem:s4+$0xE468] =	vst v0  }
0x2d8: {  	v0 =	vld [tilespmem:s0+$0xE478];
	_ =	sdelay $0x4  }
0x2d9: {  	[tilespmem:s4+$0xE478] =	vst v0  }
0x2da: {  	v0 =	vld [tilespmem:s0+$0xE488];
	_ =	sdelay $0x4  }
0x2db: {  	[tilespmem:s4+$0xE488] =	vst v0  }
0x2dc: {  	v0 =	vld [tilespmem:s0+$0xE498];
	_ =	sdelay $0x4  }
0x2dd: {  	[tilespmem:s4+$0xE498] =	vst v0  }
0x2de: {  	v0 =	vld [tilespmem:s0+$0xE4A8];
	_ =	sdelay $0x4  }
0x2df: {  	[tilespmem:s4+$0xE4A8] =	vst v0  }
0x2e0: {  	v0 =	vld [tilespmem:s0+$0xE4B8];
	_ =	sdelay $0x4  }
0x2e1: {  	[tilespmem:s4+$0xE4B8] =	vst v0  }
0x2e2: {  	v0 =	vld [tilespmem:s0+$0xE4C8];
	_ =	sdelay $0x4  }
0x2e3: {  	[tilespmem:s4+$0xE4C8] =	vst v0  }
0x2e4: {  	v0 =	vld [tilespmem:s0+$0xE4D8];
	_ =	sdelay $0x4  }
0x2e5: {  	[tilespmem:s4+$0xE4D8] =	vst v0  }
0x2e6: {  	v0 =	vld [tilespmem:s0+$0xE4E8];
	_ =	sdelay $0x4  }
0x2e7: {  	[tilespmem:s4+$0xE4E8] =	vst v0  }
0x2e8: {  	v0 =	vld [tilespmem:s0+$0xE4F8];
	_ =	sdelay $0x4  }
0x2e9: {  	[tilespmem:s4+$0xE4F8] =	vst v0  }
0x2ea: {  	v0 =	vld [tilespmem:s0+$0xE508];
	_ =	sdelay $0x4  }
0x2eb: {  	[tilespmem:s4+$0xE508] =	vst v0  }
0x2ec: {  	v0 =	vld [tilespmem:s0+$0xE518];
	_ =	sdelay $0x4  }
0x2ed: {  	[tilespmem:s4+$0xE518] =	vst v0  }
0x2ee: {  	v0 =	vld [tilespmem:s0+$0xE528];
	_ =	sdelay $0x4  }
0x2ef: {  	s2 =	sadd.s32 $0x1, s2;
	[tilespmem:s4+$0xE528] =	vst v0  }
.LBB2_54:
0x2f0: {  	s3 =	sadd.s32 $0x1, s3  }
0x2f1: {  	p1 =	sne.s32 s3, $0x20  }
.Ltmp38:
0x2f2: {  	_ = 	snop;
	(pc) =	sbr.rel @!p1 .LBB2_55-.Ltmp38, $1  }
0x2f3: {  	_ =	sdelay $0x3  }
.LBB2_47:
0x2f4: {  	v0 =	vld.msk [tilespmem:s3+$0xE418], $0x1;
	_ =	sdelay $0x4  }
0x2f5: {  	(v2sf) =	vpush v0, $0x0;
	_ =	sdelay $0xe  }
0x2f6: {  	s0 =	spop (v2sf)  }
0x2f7: {  	p1 =	seq.s32 s0, $0xFFFFFFFF  }
.Ltmp39:
0x2f8: {  	_ = 	snop;
	(pc) =	sbr.rel @p1 .LBB2_54-.Ltmp39, $1  }
0x2f9: {  	_ =	sdelay $0x3  }
0x2fa: {  	p1 =	slt.s32 s2, $0x1  }
.Ltmp40:
0x2fb: {  	_ = 	snop;
	(pc) =	sbr.rel @p1 .LBB2_53-.Ltmp40, $1  }
0x2fc: {  	_ =	sdelay $0x3  }
0x2fd: {  	s4 =	simm.s32 $0xE418;
	p1 =	por $0x0, $0x0  }
0x2fe: {  	v1 =	vld.msk @!p1 [tilespmem:s4+$0x0], $0x1;
	_ =	sdelay $0x4  }
0x2ff: {  	(v2sf) =	vpush @!p1 v1, $0x0;
	_ =	sdelay $0xd  }
0x300: {  	p3 =	sne.s32 s2, $0x1  }
.Ltmp41:
0x301: {  	s5 =	spop @!p1 (v2sf);
	(pc) =	sbr.rel @!p3 .LBB2_51-.Ltmp41, $4  }
0x302: {  	p2 =	seq.s32 @!p1 s0, s5  }
0x303: {  	s5 =	simm.s32 $0x0;
	p2 =	por !p2, p1  }
0x304: {  	s7 =	simm.s32 $0xFFFFFFFF;
	s5 =	simm.s32 @p2 $0xFFFFFFFF  }
0x305: {  	s6 =	simm.s32 $0x1;
	s5 =	smov.u32 @p1 s7  }
.LBB2_50:
0x306: {  	s7 =	smov.u32 s5;
	p1 =	sne.s32 s5, $0xFFFFFFFF  }
0x307: {  	s4 =	sadd.s32 $0x1, s4;
	s5 =	smov.u32 s6;
	s6 =	sadd.s32 $0x1, s6  }
0x308: {  	p2 =	sne.s32 s2, s6;
	v1 =	vld.msk @!p1 [tilespmem:s4+$0x0], $0x1;
	_ =	sdelay $0x4  }
0x309: {  	(v2sf) =	vpush @!p1 v1, $0x0;
	_ =	sdelay $0xe  }
.Ltmp42:
0x30a: {  	s8 =	spop @!p1 (v2sf);
	(pc) =	sbr.rel @p2 .LBB2_50-.Ltmp42, $4  }
0x30b: {  	p3 =	seq.s32 @!p1 s0, s8  }
0x30c: {  	p3 =	por !p3, p1  }
0x30d: {  	s5 =	simm.s32 @p3 $0xFFFFFFFF  }
0x30e: {  	s5 =	smov.u32 @p1 s7  }
.LBB2_51:
0x30f: {  	p1 =	seq.s32 s5, $0xFFFFFFFF  }
.Ltmp43:
0x310: {  	_ = 	snop;
	(pc) =	sbr.rel @p1 .LBB2_53-.Ltmp43, $1  }
0x311: {  	_ =	sdelay $0x3  }
0x312: {  	s0 =	sshll.u32 s3, $0x8  }
0x313: {  	s0 =	sand.u32 $0x3FFFFF00, s0  }
0x314: {  	v0 =	vld [tilespmem:s0+$0xE438];
	_ =	sdelay $0x2  }
0x315: {  	s4 =	sshll.u32 s5, $0xA  }
0x316: {  	s4 =	sshra.s32 s4, $0x2  }
0x317: {  	[tilespmem:s4+$0xE438] =	vst.add.f32.msk $0xffff, v0  }
0x318: {  	v0 =	vld [tilespmem:s0+$0xE448];
	_ =	sdelay $0x4  }
0x319: {  	[tilespmem:s4+$0xE448] =	vst.add.f32.msk $0xffff, v0  }
0x31a: {  	v0 =	vld [tilespmem:s0+$0xE458];
	_ =	sdelay $0x4  }
0x31b: {  	[tilespmem:s4+$0xE458] =	vst.add.f32.msk $0xffff, v0  }
0x31c: {  	v0 =	vld [tilespmem:s0+$0xE468];
	_ =	sdelay $0x4  }
0x31d: {  	[tilespmem:s4+$0xE468] =	vst.add.f32.msk $0xffff, v0  }
0x31e: {  	v0 =	vld [tilespmem:s0+$0xE478];
	_ =	sdelay $0x4  }
0x31f: {  	[tilespmem:s4+$0xE478] =	vst.add.f32.msk $0xffff, v0  }
0x320: {  	v0 =	vld [tilespmem:s0+$0xE488];
	_ =	sdelay $0x4  }
0x321: {  	[tilespmem:s4+$0xE488] =	vst.add.f32.msk $0xffff, v0  }
0x322: {  	v0 =	vld [tilespmem:s0+$0xE498];
	_ =	sdelay $0x4  }
0x323: {  	[tilespmem:s4+$0xE498] =	vst.add.f32.msk $0xffff, v0  }
0x324: {  	v0 =	vld [tilespmem:s0+$0xE4A8];
	_ =	sdelay $0x4  }
0x325: {  	[tilespmem:s4+$0xE4A8] =	vst.add.f32.msk $0xffff, v0  }
0x326: {  	v0 =	vld [tilespmem:s0+$0xE4B8];
	_ =	sdelay $0x4  }
0x327: {  	[tilespmem:s4+$0xE4B8] =	vst.add.f32.msk $0xffff, v0  }
0x328: {  	v0 =	vld [tilespmem:s0+$0xE4C8];
	_ =	sdelay $0x4  }
0x329: {  	[tilespmem:s4+$0xE4C8] =	vst.add.f32.msk $0xffff, v0  }
0x32a: {  	v0 =	vld [tilespmem:s0+$0xE4D8];
	_ =	sdelay $0x4  }
0x32b: {  	[tilespmem:s4+$0xE4D8] =	vst.add.f32.msk $0xffff, v0  }
0x32c: {  	v0 =	vld [tilespmem:s0+$0xE4E8];
	_ =	sdelay $0x4  }
0x32d: {  	[tilespmem:s4+$0xE4E8] =	vst.add.f32.msk $0xffff, v0  }
0x32e: {  	v0 =	vld [tilespmem:s0+$0xE4F8];
	_ =	sdelay $0x4  }
0x32f: {  	[tilespmem:s4+$0xE4F8] =	vst.add.f32.msk $0xffff, v0  }
0x330: {  	v0 =	vld [tilespmem:s0+$0xE508];
	_ =	sdelay $0x4  }
0x331: {  	[tilespmem:s4+$0xE508] =	vst.add.f32.msk $0xffff, v0  }
0x332: {  	v0 =	vld [tilespmem:s0+$0xE518];
	_ =	sdelay $0x4  }
0x333: {  	[tilespmem:s4+$0xE518] =	vst.add.f32.msk $0xffff, v0  }
0x334: {  	v0 =	vld [tilespmem:s0+$0xE528]  }
.Ltmp44:
0x335: {  	_ = 	snop;
	(pc) =	sbr.rel .LBB2_54-.Ltmp44, $2  }
0x336: {  	_ =	sdelay $0x2  }
0x337: {  	[tilespmem:s4+$0xE528] =	vst.add.f32.msk $0xffff, v0  }
.LBB2_55:
0x338: {  	p1 =	slt.s32 s2, $0x1  }
.Ltmp45:
0x339: {  	_ = 	snop;
	(pc) =	sbr.rel @p1 .LBB2_59-.Ltmp45, $3  }
0x33a: {  	_ =	sdelay $0x1  }
0x33b: {  	s0 =	simm.s32 $0x8  }
0x33c: {  	s4 =	simm.s32 $0x0;
	[sflag:s0] =	ssyncpa.u1 $0x1  }
0x33d: {  	s0 =	simm.s32 $0xE418  }
0x33e: {  	v0 =	vld.msk [tilespmem:s0+$0x0], $0x1;
	_ =	sdelay $0x4  }
0x33f: {  	(v2sf) =	vpush v0, $0x0;
	_ =	sdelay $0xe  }
0x340: {  	s0 =	sadd.s32 $0xFFFFFFFF, s2;
	s3 =	spop (v2sf)  }
0x341: {  	s6 =	simm.s32 $0xE438;
	p1 =	sne.s32 s0, $0x0;
	p2 =	sgt.u32 s3, $0x4E170  }
.Ltmp46:
0x342: {  	s2 =	simm.s32 $0xE538;
	s5 =	sand.u32 @!p2 $0x7FFF8, s3;
	(pc) =	sbr.rel @!p1 .LBB2_58-.Ltmp46, $4  }
0x343: {  	s7 =	sadd.s32 @!p2 $0x80, s3;
	s4 =	simm.s32 @!p2 $0x400;
	s8 =	sadd.s32 @!p2 s1, s5  }
0x344: {  	s5 =	sand.u32 @!p2 $0x7, s3;
	s3 =	simm.s32 $0xE419;
	s7 =	sand.u32 @!p2 $0xFFFF8, s7  }
0x345: {  	[hbm4b:s8+s5] =	stream.linear.scatter @!p2 [tilespmem:s6], [sflag:$0x7], $0x80, $0x38;
	[tilespmem:$0x1E678] =	vst v63  }
0x346: {  	s4 =	sadd.s32 $0x0, s4;
	s6 =	simm.s32 @!p2 $0xE4B8;
	s7 =	sadd.s32 @!p2 s1, s7  }
.LBB2_57:
0x347: {  	[hbm4b:s7+s5] =	stream.linear.scatter @!p2 [tilespmem:s6], [sflag:$0x7], $0x80, $0x38;
	[tilespmem:$0x1E678] =	vst v63  }
0x348: {  	s0 =	sadd.s32 $0xFFFFFFFF, s0;
	s6 =	smov.u32 s2;
	v0 =	vld.msk [tilespmem:s3+$0x0], $0x1  }
0x349: {  	p1 =	sne.s32 s0, $0x0;
	_ =	sdelay $0x3  }
0x34a: {  	(v2sf) =	vpush v0, $0x0;
	_ =	sdelay $0xe  }
0x34b: {  	s2 =	sadd.s32 $0x100, s2;
	s8 =	simm.s32 $0x0;
	s5 =	spop (v2sf)  }
.Ltmp47:
0x34c: {  	s3 =	sadd.s32 $0x1, s3;
	p2 =	sgt.u32 s5, $0x4E170;
	(pc) =	sbr.rel @p1 .LBB2_57-.Ltmp47, $4  }
0x34d: {  	s8 =	simm.s32 @!p2 $0x400;
	s7 =	sand.u32 @!p2 $0x7FFF8, s5;
	s9 =	sadd.s32 @!p2 $0x80, s5  }
0x34e: {  	s5 =	sand.u32 @!p2 $0x7, s5;
	s7 =	sadd.s32 @!p2 s1, s7;
	s9 =	sand.u32 @!p2 $0xFFFF8, s9  }
0x34f: {  	[hbm4b:s7+s5] =	stream.linear.scatter @!p2 [tilespmem:s6], [sflag:$0x7], $0x80, $0x38;
	[tilespmem:$0x1E678] =	vst v63  }
0x350: {  	s4 =	sadd.s32 s4, s8;
	s6 =	sadd.s32 @!p2 $0x80, s6;
	s7 =	sadd.s32 @!p2 s1, s9  }
.LBB2_58:
0x351: {  	[hbm4b:s7+s5] =	stream.linear.scatter @!p2 [tilespmem:s6], [sflag:$0x7], $0x80, $0x38;
	[tilespmem:$0x1E678] =	vst v63  }
0x352: {  	s4 =	sshrl.u32 s4, $0x2  }
.LBB2_59:
0x353: {  	s0 =	simm.s32 $0x7  }
0x354: {  	_ =	swait.ge [sflag:s0], s4  }
0x355: {  	s1 =	ssub.s32 $0x0, s4;
	[sflag:s0] =	ssyncset.done $0x0  }
0x356: {  	[sflag:s0] =	ssyncadd.s32 s1  }
0x357: {  	[sflag:s0] =	ssyncpa.u1 $0x1  }
.LBB2_60:
0x358: {  	_ =	sfence;
	s0 =	simm.s32 $0x1  }
0x359: {  	[sflag:s0] =	ssyncpa.u1 $0x1  }
0x35a: {  	_ =	strace $0x90000059  }
0x35b: {  	[bflag:$0x2] =	sbarrier.arrive $0xFFFF  }
0x35c: {  	s0 =	rddreg [dreg:$0x4]  }
0x35d: {  	s0 =	sadd.s32 @!p0 $0x100000, s0  }
0x35e: {  	[sflag:s0] =	ssyncadd.tile.s32 @!p0 $0x1;
	_ =	shalt  }
.Lfunc_end2:
_tile_overlayer_lowered:
.L_overlay_start_2:
0x35f: {  	(tag) =	ssettag $0x2  }
0x360: {  	s0 =	rddreg [dreg:$0x0];
	s2 =	stileid.u32  }
0x361: {  	s1 =	rddreg [dreg:$0x1];
	p0 =	sne.s32 s2, $0x0  }
0x362: {  	s3 =	rddreg [dreg:$0x2];
	[bflag:$0x3] =	sbarrier.arrive $0xFFFF;
	s2 =	simm.s32 @!p0 $0x1C01  }
0x363: {  	[timem:s3], [sflag:s2] =	dma.local @!p0 [hbm:s0], s1  }
0x364: {  	s0 =	simm.s32 @!p0 $0x1  }
0x365: {  	_ =	swait.ge @!p0 [sflag:s0], s1  }
0x366: {  	s1 =	ssub.s32 @!p0 $0x0, s1;
	[sflag:s0] =	ssyncset.done @!p0 $0x0  }
0x367: {  	[sflag:s0] =	ssyncadd.s32 @!p0 s1  }
0x368: {  	[bflag:$0x3] =	sbarrier.arrive $0xFFFF  }
0x369: {  	_ =	shalt  }

// kernel: scatter_offload_async_start.3
scs
__scs_entry_jumppad:
0x0: {  	(pc) =	sbr.rel $0x88, $3  }
0x1: {  	(tag) =	ssettag $0x0;
	lr =	simm.s32 $0x1  }
0x2: {  	[smem:$0x3F89] =	sst lr;
	_ =	strace $0xD0000000  }
0x3: {  	_ = 	snop  }
0x4: {  	_ = 	snop  }
0x5: {  	_ = 	snop  }
0x6: {  	_ = 	snop  }
0x7: {  	_ = 	snop  }
__scs_overlays_trampoline_lowered:
0x8: {  	[smem:$0x3F98] =	sst s0  }
0x9: {  	[smem:$0x3F99] =	sst s1  }
0xa: {  	[smem:$0x3F9A] =	sst s2  }
0xb: {  	[smem:$0x3F9B] =	sst s3  }
0xc: {  	[smem:$0x3F9C] =	sst s4  }
0xd: {  	[smem:$0x3F9D] =	sst s5  }
0xe: {  	[smem:$0x3F9E] =	sst s6  }
0xf: {  	[smem:$0x3F9F] =	sst s7  }
0x10: {  	[smem:$0x3FA0] =	sst s8  }
0x11: {  	[smem:$0x3FA1] =	sst s9;
	s0 =	simm.s32 @!p0 $0x0  }
0x12: {  	s1 =	sld [smem:$0x3F87];
	s0 =	simm.s32 @p0 $0x1  }
0x13: {  	[smem:$0x3FA2] =	sst s0;
	s0 =	simm.s32 @!p1 $0x0  }
0x14: {  	s2 =	sld [smem:$0x3F86];
	s0 =	simm.s32 @p1 $0x1  }
0x15: {  	[smem:$0x3FA3] =	sst s0;
	s0 =	simm.s32 @!p2 $0x0  }
0x16: {  	s3 =	sld [smem:$0x3FDB];
	s0 =	simm.s32 @p2 $0x1  }
0x17: {  	s4 =	simm.s32 $0x1BF5;
	[smem:$0x3FA5] =	sst s0  }
0x18: {  	s0 =	sld [smem:$0x3F88];
	_ =	swait.ge [sflag:s4], $0x0  }
0x19: {  	s7 =	sld [smem:$0x3F89]  }
0x1a: {  	s8 =	sadd.s32 $0xFFFFE003, lr  }
0x1b: {  	s9 =	sadd.s32 $0xFFFFFEF7, lr;
	s5 =	simm.s32 $0xFFFFFFFF;
	p2 =	slt.u32 s8, $0xFFFFF086  }
0x1c: {  	p1 =	slt.u32 s9, $0xF7A;
	s5 =	simm.s32 @!p2 $0x0  }
0x1d: {  	s5 =	simm.s32 @p1 $0x1;
	p0 =	seq.s32 s7, s2  }
0x1e: {  	s7 =	smul.u32 @!p0 $0xF7A, s2;
	p2 =	seq.s32 @!p0 s5, $0x0  }
0x1f: {  	s9 =	smul.u32 $0xF7A, s1;
	s8 =	simm.s32 @!p0 $0x1BF5;
	p2 =	por !p2, p0  }
0x20: {  	[sflag:s8] =	ssyncset.s32 @!p0 $0xFFFFF086;
	s6 =	sadd.s32 @!p0 s3, s7;
	s7 =	simm.s32 @!p0 $0x108  }
0x21: {  	s3 =	sadd.s32 s3, s9;
	s6 =	sadd.s32 @!p0 $0x88, s6;
	s7 =	simm.s32 @p2 $0x1082  }
0x22: {  	[simem:s7], [sflag:s8] =	dma.local @!p0 [hbm:s6], $0xF7A  }
0x23: {  	s9 =	sor.u32 $0xD0000000, s2;
	s6 =	simm.s32 $0x108;
	_ =	swait.ge @!p0 [sflag:s8], $0x0  }
0x24: {  	s3 =	sadd.s32 $0x88, s3;
	s6 =	simm.s32 @!p1 $0x1082;
	[sflag:s4] =	ssyncset.s32 $0xFFFFF086  }
0x25: {  	[simem:s6], [sflag:s4] =	dma.local [hbm:s3], $0xF7A  }
0x26: {  	[smem:$0x3F89] =	sst s1;
	(tag) =	ssettag s2;
	_ =	strace s9  }
0x27: {  	s1 =	sld [smem:$0x3F99]  }
0x28: {  	s2 =	sld [smem:$0x3F9A]  }
0x29: {  	s4 =	sld [smem:$0x3F9C]  }
0x2a: {  	p0 =	seq.s32 s5, $0x0;
	s5 =	sld [smem:$0x3F9D]  }
0x2b: {  	s6 =	sld [smem:$0x3F9E]  }
0x2c: {  	s7 =	sld [smem:$0x3F9F]  }
0x2d: {  	s3 =	simm.s32 $0x108;
	s8 =	sld [smem:$0x3FA0]  }
0x2e: {  	s3 =	simm.s32 @!p0 $0x1082;
	s9 =	sld [smem:$0x3FA1]  }
0x2f: {  	lr =	sadd.s32 s0, s3;
	s0 =	sld [smem:$0x3F98]  }
0x30: {  	s3 =	sld [smem:$0x3F9B]  }
0x31: {  	[smem:$0x3FA4] =	sst s10  }
0x32: {  	s10 =	sld [smem:$0x3FA2];
	_ =	sdelay $0x3  }
0x33: {  	p0 =	seq.s32 s10, $0x1;
	s10 =	sld [smem:$0x3FA4];
	_ =	sdelay $0x3  }
0x34: {  	[smem:$0x3FA4] =	sst s10  }
0x35: {  	s10 =	sld [smem:$0x3FA3];
	_ =	sdelay $0x3  }
0x36: {  	p1 =	seq.s32 s10, $0x1;
	s10 =	sld [smem:$0x3FA4];
	_ =	sdelay $0x3  }
0x37: {  	[smem:$0x3FA4] =	sst s10  }
0x38: {  	s10 =	sld [smem:$0x3FA5]  }
0x39: {  	_ = 	snop;
	(pc) =	sbr.ind lr, $3  }
0x3a: {  	_ = 	snop  }
0x3b: {  	_ = 	snop  }
0x3c: {  	p2 =	seq.s32 s10, $0x1;
	s10 =	sld [smem:$0x3FA4]  }
0x3d: {  	_ =	shalt  }
0x3e: {  	_ =	shalt  }
0x3f: {  	_ =	shalt  }
0x40: {  	_ =	shalt  }
0x41: {  	_ =	shalt  }
0x42: {  	_ =	shalt  }
0x43: {  	_ =	shalt  }
0x44: {  	_ =	shalt  }
0x45: {  	_ =	shalt  }
0x46: {  	_ =	shalt  }
0x47: {  	_ =	shalt  }
0x48: {  	_ =	shalt  }
0x49: {  	_ =	shalt  }
0x4a: {  	_ =	shalt  }
0x4b: {  	_ =	shalt  }
0x4c: {  	_ =	shalt  }
0x4d: {  	_ =	shalt  }
0x4e: {  	_ =	shalt  }
0x4f: {  	_ =	shalt  }
0x50: {  	_ =	shalt  }
0x51: {  	_ =	shalt  }
0x52: {  	_ =	shalt  }
0x53: {  	_ =	shalt  }
0x54: {  	_ =	shalt  }
0x55: {  	_ =	shalt  }
0x56: {  	_ =	shalt  }
0x57: {  	_ =	shalt  }
0x58: {  	_ =	shalt  }
0x59: {  	_ =	shalt  }
0x5a: {  	_ =	shalt  }
0x5b: {  	_ =	shalt  }
0x5c: {  	_ =	shalt  }
0x5d: {  	_ =	shalt  }
0x5e: {  	_ =	shalt  }
0x5f: {  	_ =	shalt  }
0x60: {  	_ =	shalt  }
0x61: {  	_ =	shalt  }
0x62: {  	_ =	shalt  }
0x63: {  	_ =	shalt  }
0x64: {  	_ =	shalt  }
0x65: {  	_ =	shalt  }
0x66: {  	_ =	shalt  }
0x67: {  	_ =	shalt  }
0x68: {  	_ =	shalt  }
0x69: {  	_ =	shalt  }
0x6a: {  	_ =	shalt  }
0x6b: {  	_ =	shalt  }
0x6c: {  	_ =	shalt  }
0x6d: {  	_ =	shalt  }
0x6e: {  	_ =	shalt  }
0x6f: {  	_ =	shalt  }
0x70: {  	_ =	shalt  }
0x71: {  	_ =	shalt  }
0x72: {  	_ =	shalt  }
0x73: {  	_ =	shalt  }
0x74: {  	_ =	shalt  }
0x75: {  	_ =	shalt  }
0x76: {  	_ =	shalt  }
0x77: {  	_ =	shalt  }
0x78: {  	_ =	shalt  }
0x79: {  	_ =	shalt  }
0x7a: {  	_ =	shalt  }
0x7b: {  	_ =	shalt  }
0x7c: {  	_ =	shalt  }
0x7d: {  	_ =	shalt  }
0x7e: {  	_ =	shalt  }
0x7f: {  	_ =	shalt  }
0x80: {  	_ =	shalt  }
0x81: {  	_ =	shalt  }
0x82: {  	_ =	shalt  }
0x83: {  	_ =	shalt  }
0x84: {  	_ =	shalt  }
0x85: {  	_ =	shalt  }
0x86: {  	_ =	shalt  }
0x87: {  	_ =	shalt  }
.Lfunc_end0:
.L_simem_size_0:
called_computation.3_lowered:
.L_overlay_start_0:
0x88: {  	s0 =	sld [smem:$0x3FD9]  }
0x89: {  	s1 =	sld [smem:$0x3FFE];
	_ =	sdelay $0x3  }
0x8a: {  	s0 =	sadd.s32 s1, s0  }
0x8b: {  	[smem:$0x3FB0] =	sst s0  }
0x8c: {  	_ = 	snop  }
0x8d: {  	(tm) =	ssettm $0x1  }
0x8e: {  	s15 =	sld [smem:$0x3FFB];
	_ =	sdelay $0x3  }
0x8f: {  	_ =	strace s15  }
0x90: {  	s0 =	sld [smem:$0x3FFC];
	_ =	sdelay $0x3  }
0x91: {  	_ =	strace s0  }
0x92: {  	s0 =	sld [smem:$0x3FFD];
	_ =	sdelay $0x3  }
0x93: {  	_ =	strace s0  }
0x94: {  	_ =	strace $0x8FFFFFFF  }
0x95: {  	s16 =	sld [smem:$0x3FDB];
	_ =	sdelay $0x1  }
0x96: {  	s17 =	simm.s32 $_scs_section_size  }
0x97: {  	s2 =	simm.s32 $_size__tile_overlayer_lowered;
	s3 =	simm.s32 $_tile_overlayer_lowered  }
0x98: {  	s20 =	simm.s32 $0x1BFF;
	s19 =	sshll.u32 s3, $0x1;
	s0 =	sadd.s32 s17, s16  }
0x99: {  	s4 =	simm.s32 $0x0;
	s18 =	sshll.u32 s2, $0x1;
	s2 =	sadd.s32 s19, s0  }
0x9a: {  	[timem:s4], [sflag:s20] =	dma.local [hbm:s2], s18  }
0x9b: {  	_ =	swait.ge [sflag:s20], s18  }
0x9c: {  	s1 =	ssub.s32 $0x0, s18;
	[sflag:s20] =	ssyncset.done $0x0  }
0x9d: {  	[sflag:s20] =	ssyncadd.s32 s1;
	_ =	sdelay $0x1  }
0x9e: {  	s21 =	simm.s32 $0x1B8B  }
0x9f: {  	_ =	swait.ge [sflag:s21], $0x1  }
0xa0: {  	[sflag:s21] =	ssyncset.done $0x0  }
0xa1: {  	s23 =	simm.s32 $0x1B8E;
	s22 =	sld [smem:$0x3FFE];
	[sflag:s21] =	ssyncadd.s32 $0xFFFFFFFF  }
0xa2: {  	s24 =	simm.s32 $execute0_lowered;
	[smem:$0x3FD2] =	sst s23  }
0xa3: {  	s2 =	sshll.u32 s24, $0x1;
	_ =	strace $0x8000005B;
	[dreg:$0x1] =	wrdreg $0xFFFFFFFF  }
0xa4: {  	s25 =	simm.s32 $_size_execute0_lowered;
	s0 =	sadd.s32 s0, s2;
	[dreg:$0x0] =	wrdreg $0x0  }
0xa5: {  	s2 =	sshll.u32 s25, $0x1;
	[dreg:$0x2] =	wrdreg s0  }
0xa6: {  	[dreg:$0x3] =	wrdreg s2  }
0xa7: {  	[dreg:$0x4] =	wrdreg $0xC0  }
0xa8: {  	_ =	task [dreg:s4], $0x5FFFF  }
0xa9: {  	[dreg:$0x1] =	wrdreg $0xFFFFFFFF  }
0xaa: {  	[dreg:$0x0] =	wrdreg $0x60  }
0xab: {  	[dreg:$0x2] =	wrdreg s22  }
0xac: {  	[dreg:$0x3] =	wrdreg $0x9  }
0xad: {  	_ =	task.clear_ibuf [dreg:s4], $0x4FFFF;
	_ =	strace $0x9000005B  }
0xae: {  	s26 =	simm.s32 $0x9;
	_ =	strace $0x8000005D  }
0xaf: {  	_ =	swait.ge [sflag:s26], $0x1  }
0xb0: {  	[sflag:s26] =	ssyncadd.s32 $0xFFFFFFFF  }
0xb1: {  	_ =	strace $0x9000005D  }
0xb2: {  	_ =	sfence  }
0xb3: {  	s28 =	sld [smem:$0x0];
	_ =	sdelay $0x1  }
0xb4: {  	s29 =	srdreg.scid  }
0xb5: {  	s30 =	sshll.u32 s29, $0xD;
	s31 =	sshrl.u32 s29, $0x2  }
0xb6: {  	s1 =	sand.u32 $0x1, s29;
	s2 =	sand.u32 $0x4000, s30;
	s0 =	sadd.s32 s31, s28  }
0xb7: {  	s1 =	sor.u32 s2, s1;
	s0 =	sshll.u32 s0, $0x11  }
0xb8: {  	s0 =	sor.u32 s0, s1  }
0xb9: {  	s0 =	sadd.s32 $0x8F2B, s0  }
0xba: {  	[sflag:s0] =	ssyncadd.remote.s32 $0x1  }
0xbb: {  	_ =	sfence.sel $0xFFFF  }
0xbc: {  	[dreg:$0x0] =	wrdreg $0xFFFFFFFF;
	(pc) =	sbr.abs _section_cstart, $3  }
0xbd: {  	[dreg:$0x1] =	wrdreg $0xFFFFFFFF  }
0xbe: {  	_ =	task.clear_ibuf [dreg:s4], $0x2FFFF;
	_ =	strace $0x9FFFFFFF  }
0xbf: {  	(tm) =	ssettm $0x7FFFFFFF  }
tec
execute0_lowered:
.L_overlay_start_1:
0x0: {  	(tag) =	ssettag $0x1  }
0x1: {  	s0 =	rddreg [dreg:$0x0]  }
0x2: {  	s11 =	stileid.u32;
	_ =	strace $0x8000005C;
	s2 =	simm.s32 $0x1  }
0x3: {  	v1 =	vimm.s32 $0xFFFFFFFF;
	s1 =	smin.u32 s11, $0x4;
	[sflag:s2] =	ssyncpa.u1 $0x0  }
0x4: {  	s1 =	sadd.s32 s11, s1;
	[tilespmem:$0x10] =	vst v1  }
0x5: {  	v0 =	vimm.f32 $-Inf;
	p0 =	slt.u32 s11, $0x4;
	[tilespmem:$0x20] =	vst v1;
	s3 =	smul.u32 $0x1F40, s1;
	s1 =	simm.s32 $0x3E80  }
0x6: {  	[tilespmem:$0x30] =	vst v0;
	s1 =	simm.s32 @!p0 $0x1F40  }
0x7: {  	[tilespmem:$0x40] =	vst v0;
	s1 =	sadd.s32 s1, s3  }
0x8: {  	[tilespmem:$0x50] =	vst v0;
	s4 =	smin.u32 s1, $0x27100  }
0x9: {  	s7 =	simm.s32 $0x2;
	s8 =	simm.s32 $0x8;
	[tilespmem:$0x60] =	vst v1;
	s6 =	ssub.s32 s4, s3  }
0xa: {  	s30 =	simm.s32 $0x9;
	s16 =	simm.s32 $0x0;
	[tilespmem:$0x70] =	vst v1;
	p0 =	sgt.s32 s6, $0x0  }
0xb: {  	s17 =	simm.s32 $0xF0;
	s18 =	simm.s32 $0xFFFFFFFF;
	[tilespmem:$0x80] =	vst v1;
	s6 =	simm.s32 @!p0 $0x0  }
0xc: {  	s19 =	simm.s32 $0xFFFFC280;
	s20 =	simm.s32 $0xFFFFFFFE;
	v1 =	vimm.s32 $0x0;
	[tilespmem:$0xB0] =	vst v0;
	s5 =	smulhi.u32 $0x10624DD3, s6  }
0xd: {  	s21 =	simm.s32 $0xF;
	s25 =	simm.s32 $0x0;
	s24 =	simm.s32 $0x0;
	[tilespmem:$0x90] =	vst v1  }
0xe: {  	[tilespmem:$0xA0] =	vst v1;
	[sflag:s7] =	ssyncpa.u1 $0x0;
	s7 =	simm.s32 $0x7;
	s9 =	sshrl.u32 s5, $0x9  }
0xf: {  	s14 =	sshllo.u32 s11, $0x1;
	[sflag:s7] =	ssyncpa.u1 $0x0;
	s10 =	smul.u32 $0x1F40, s9  }
0x10: {  	[sflag:s8] =	ssyncpa.u1 $0x0;
	s23 =	smov.u32 s3;
	s1 =	sadd.s32 $0x28000, s0  }
.Ltmp0:
0x11: {  	[sflag:s30] =	ssyncpa.u1 $0x0;
	p0 =	sne.s32 s6, s10;
	(pc) =	sbr.rel .LBB2_1-.Ltmp0, $4  }
0x12: {  	s5 =	sadd.s32 $0x14000, s0;
	s0 =	sadd.s32 $0x23000, s0;
	s2 =	simm.s32 @!p0 $0x0  }
0x13: {  	[dreg:$0x2] =	wrdreg s0;
	s10 =	sshll.u32 s11, $0x1;
	s9 =	sadd.s32 s2, s9  }
0x14: {  	vm0 =	vmmov $0xffff;
	v2 =	vlaneseq.u32;
	vm1 =	vmxor vm1, vm1;
	s13 =	sor.u32 $0x81, s10;
	s15 =	sor.u32 $0x80, s10;
	s31 =	sadd.s32 $0x1, s9  }
0x15: {  	vm2 =	vmmov $0x1;
	v3 =	vimm.f32 $0.0e+00;
	vm3 =	vcmask $0x3F3C;
	p0 =	por $0x0, $0x0;
	s12 =	sadd.s32 $0x2, s9;
	[dreg:$0x3] =	wrdreg s31  }
.LBB2_9:
0x16: {  	p1 =	slt.u32 s24, $0x3  }
0x17: {  	s0 =	simm.s32 @!p1 $0x2  }
0x18: {  	_ =	swait.ge @!p1 [sflag:s0], $0x1F40  }
0x19: {  	[sflag:s0] =	ssyncset.done @!p1 $0x0  }
0x1a: {  	[sflag:s0] =	ssyncadd.s32 @!p1 $0xFFFFE0C0;
	s0 =	simm.s32 @!p1 $0x9  }
0x1b: {  	_ =	swait.ge @!p1 [sflag:s0], $0x10  }
0x1c: {  	[sflag:s0] =	ssyncset.done @!p1 $0x0  }
0x1d: {  	[sflag:s0] =	ssyncadd.s32 @!p1 $0xFFFFFFF0;
	p1 =	sne.s32 s24, s12  }
.Ltmp1:
0x1e: {  	s2 =	sadd.s32 $0x1F40, s23;
	(pc) =	sbr.rel @!p1 .LBB2_10-.Ltmp1, $4  }
0x1f: {  	s6 =	smov.u32 s3;
	s31 =	sadd.s32 $0x1, s24;
	s17 =	sadd.s32 $0x1F40, s17  }
0x20: {  	s18 =	sadd.s32 $0x1, s18;
	s25 =	smov.u32 s23;
	p2 =	slt.s32 s2, s4  }
0x21: {  	p0 =	por !p0, !p0;
	s19 =	sadd.s32 $0x1F40, s19;
	s6 =	smov.u32 @p2 s2  }
0x22: {  	s20 =	sadd.s32 $0x1, s20;
	s23 =	smov.u32 s6;
	s24 =	smov.u32 s31  }
.LBB2_1:
0x23: {  	p1 =	sge.u32 s24, s9  }
0x24: {  	s0 =	smulhi.u32 @!p1 $0xAAAAAAAB, s24;
	_ =	sdelay $0x1  }
0x25: {  	s0 =	sshrl.u32 @!p1 s0, $0x1  }
0x26: {  	s0 =	smul.u32 @!p1 $0x3, s0;
	_ =	sdelay $0x1  }
0x27: {  	s0 =	ssub.s32 @!p1 s24, s0  }
0x28: {  	s0 =	smul.u32 @!p1 $0x7D00, s0;
	_ =	sdelay $0x1  }
0x29: {  	s2 =	sshrl.u32 @!p1 s23, $0x3;
	s0 =	sshrl.u32 @!p1 s0, $0x2  }
0x2a: {  	s6 =	sand.u32 @!p1 $0x7, s23;
	s2 =	sadd.s32 @!p1 s5, s2;
	s0 =	sadd.s32 @!p1 $0x100, s0  }
0x2b: {  	[tilespmem:s0], [sflag:$0x7] =	stream.linear.gather @!p1 [hbm4b:s2+s6], $0x1F40, $0x38;
	[tilespmem:$0x11A60] =	vst v63  }
0x2c: {  	s0 =	sadd.s32 $0xFFFFFFFF, s24  }
0x2d: {  	p1 =	sge.u32 s0, s9  }
.Ltmp2:
0x2e: {  	_ = 	snop;
	(pc) =	sbr.rel @p1 .LBB2_5-.Ltmp2, $1  }
0x2f: {  	_ =	sdelay $0x3  }
0x30: {  	s2 =	smulhi.u32 $0xAAAAAAAB, s0;
	_ =	sdelay $0x1  }
0x31: {  	s2 =	sshrl.u32 s2, $0x1  }
0x32: {  	s2 =	smul.u32 $0x3, s2;
	_ =	sdelay $0x1  }
0x33: {  	s2 =	ssub.s32 s0, s2  }
0x34: {  	s2 =	smul.u32 $0x7D00, s2  }
0x35: {  	_ =	swait.ge [sflag:s7], $0x1F40  }
0x36: {  	[sflag:s7] =	ssyncset.done $0x0;
	s2 =	sshrl.u32 s2, $0x2  }
0x37: {  	[sflag:s7] =	ssyncadd.s32 $0xFFFFE0C0;
	(ifvalue) =	ssetifvalue $0xFFFFFFFF;
	v4 =	vld.msk [tilespmem:s2+$0x100 ss:$0x1], $0xffff;
	_ =	sdelay $0x2  }
0x38: {  	s29 =	smulhi.u32 $0xAAAAAAAB, s18;
	p1 =	sne.s32 s24, $0x1  }
0x39: {  	v5 =	vimm.s32 @!p1 $0x0  }
0x3a: {  	s2 =	sshrl.u32 s29, $0x1;
	v5 =	vperm.xlane @!p1 v4, v5  }
0x3b: {  	s6 =	sshll.u32 s24, $0x4;
	s2 =	smul.u32 $0xFFFE8900, s2;
	vm4 =	vlt.u32 v4, $0x2800  }
0x3c: {  	s6 =	sand.u32 $0x10, s6;
	v4 =	vnsel vm4, $0xFFFFFFFE, v4;
	vm4 =	vlt.u32 @!p1 v5, $0x2800  }
0x3d: {  	s2 =	sshra.s32 s2, $0x2;
	[tilespmem:s6+$0x60] =	vst v4;
	v4 =	vnsel @!p1 vm4, $0xFFFFFFFE, v5  }
0x3e: {  	s30 =	sadd.s32 s2, s17;
	[tilespmem:$0x80] =	vst @!p1 v4  }
0x3f: {  	v4 =	vld.msk [tilespmem:s30+$0x0 ss:$0x1], $0xffff;
	_ =	sdelay $0x4  }
0x40: {  	(xrf1) =	vunique.msk.u32 $0xffff, v4;
	_ =	sdelay $0xd  }
0x41: {  	v5 =	vimm.s32 $0xFFFFFFFF;
	v6, _, _ =	vpop (xrf1)  }
0x42: {  	vm5 =	vne.s32 v4, v5;
	vm4 =	veq.s32 v6, v2  }
0x43: {  	vm6 =	vlt.u32 v4, $0x2800;
	vm4 =	vmand vm5, vm4  }
0x44: {  	vm4 =	vmand vm6, vm4  }
0x45: {  	v5 =	vnsel vm4, $0xFFFFFFFF, v4  }
0x46: {  	s31 =	sand.u32 $0x1, s0  }
0x47: {  	s26 =	simm.s32 $0x1F40;
	p1 =	seq.s32 s31, $0x1  }
0x48: {  	s26 =	simm.s32 @!p1 $0x0  }
0x49: {  	s28 =	sadd.s32 $0x7DF0, s26;
	(ifvalue) =	ssetifvalue $0xFFFFFFFF  }
0x4a: {  	v4 =	vperm.xlane v4, v1;
	[tilespmem:s28], [sflag:$0x8] =	stream.indirect_vreg.gather [hbm4b:s1+s16], $0x1, v5, vm0, $0x4038;
	v5 =	vnsel vm6, $0xFFFFFFFE, v5;
	[tilespmem:$0x11A60] =	vst v63  }
0x4b: {  	s0 =	simm.s32 $0x0;
	s2 =	sadd.s32 $0xFFFFFFF0, s30;
	[tilespmem:s30+$0x0] =	vst v5  }
.LBB2_3:
0x4c: {  	v5 =	vld.msk [tilespmem:s2+$0x0 ss:$0x1], $0xffff;
	s0 =	sadd.s32 $0x10, s0;
	v6 =	vmov v4;
	s6 =	smov.u32 s2  }
0x4d: {  	p1 =	slt.u32 s0, $0x1F30;
	_ =	sdelay $0x4  }
0x4e: {  	v4 =	vperm.xlane v5, v1;
	(xrf1) =	vunique.msk.u32 $0xffff, v5;
	_ =	sdelay $0xd  }
0x4f: {  	v7, _, _ =	vpop (xrf1)  }
0x50: {  	vm5 =	vne.s32 v5, v6;
	vm4 =	veq.s32 v7, v2  }
0x51: {  	vm6 =	vlt.u32 v5, $0x2800;
	vm4 =	vmand vm5, vm4  }
0x52: {  	vm4 =	vmand vm6, vm4  }
0x53: {  	v5 =	vnsel vm4, $0xFFFFFFFF, v5  }
.Ltmp3:
0x54: {  	v6 =	vnsel vm6, $0xFFFFFFFE, v5;
	(pc) =	sbr.rel @p1 .LBB2_3-.Ltmp3, $3  }
0x55: {  	_ =	sdelay $0x1  }
0x56: {  	s2 =	sadd.s32 $0xFFFFFFF0, s2;
	s28 =	sadd.s32 $0xFFFFFFF0, s28;
	(ifvalue) =	ssetifvalue $0xFFFFFFFF  }
0x57: {  	[tilespmem:s28], [sflag:$0x8] =	stream.indirect_vreg.gather [hbm4b:s1+s16], $0x1, v5, vm0, $0x4038;
	[tilespmem:s6+$0x0] =	vst v6  }
0x58: {  	s0 =	sshrl.u32 s25, $0x3;
	s2 =	rddreg [dreg:$0x2]  }
0x59: {  	s31 =	sadd.s32 $0x9D40, s26;
	s0 =	sadd.s32 s2, s0  }
0x5a: {  	[tilespmem:s31], [sflag:$0x8] =	stream.linear.gather [hbm:s0], $0x1F40, $0x38;
	[tilespmem:$0x11A60] =	vst v63  }
.LBB2_5:
0x5b: {  	p1 =	slt.u32 s24, $0x2  }
0x5c: {  	p2 =	sge.u32 @!p1 s24, s12  }
0x5d: {  	p1 =	por p1, p2  }
.Ltmp4:
0x5e: {  	_ = 	snop;
	(pc) =	sbr.rel @p1 .LBB2_9-.Ltmp4, $1  }
0x5f: {  	_ =	sdelay $0x3  }
0x60: {  	s0 =	sadd.s32 $0xFFFFFFFE, s24  }
0x61: {  	s2 =	smulhi.u32 $0xAAAAAAAB, s0;
	_ =	sdelay $0x1  }
0x62: {  	s2 =	sshrl.u32 s2, $0x1  }
0x63: {  	s2 =	smul.u32 $0x3, s2;
	_ =	sdelay $0x1  }
0x64: {  	_ =	swait.ge [sflag:s8], $0x3E80;
	s0 =	ssub.s32 s0, s2  }
0x65: {  	s6 =	rddreg [dreg:$0x3];
	s0 =	smul.u32 $0x1F40, s0  }
0x66: {  	[sflag:s8] =	ssyncset.done $0x0;
	p1 =	sne.s32 s24, s6  }
0x67: {  	[sflag:s8] =	ssyncadd.s32 $0xFFFFC180;
	s2 =	sadd.s32 @!p1 $0x203F, s0  }
0x68: {  	[spmem:s13] =	stream.linear.scatter @!p1 [tilespmem:s2], [sflag:$0x1], $0x1, $0x38;
	[tilespmem:$0x11A60] =	vst v63  }
0x69: {  	s2 =	simm.s32 @!p1 $0x1  }
0x6a: {  	_ =	swait.ge @!p1 [sflag:s2], $0x1  }
0x6b: {  	s6 =	sshll.u32 s24, $0x4;
	[sflag:s2] =	ssyncset.done @!p1 $0x0  }
0x6c: {  	s25 =	sand.u32 $0x10, s6;
	[sflag:s2] =	ssyncadd.s32 @!p1 $0xFFFFFFFF  }
0x6d: {  	s2 =	sxor.u32 $0x10, s25;
	v5 =	vld [tilespmem:s25+$0x10]  }
0x6e: {  	v6 =	vld [tilespmem:s2+$0x60]  }
0x6f: {  	v4 =	vld [tilespmem:$0x80];
	_ =	sdelay $0x2  }
0x70: {  	(v2sf) =	vpush v5, $0x0  }
0x71: {  	(v2sf) =	vpush v6, $0x0  }
0x72: {  	(v2sf) =	vpush v4, $0x0;
	_ =	sdelay $0xc  }
0x73: {  	s11 =	spop (v2sf)  }
0x74: {  	s22 =	spop (v2sf)  }
0x75: {  	s28 =	spop (v2sf)  }
0x76: {  	p2 =	seq.s32 s11, s22;
	p3 =	seq.s32 s28, s11  }
0x77: {  	p3 =	por p2, p3  }
0x78: {  	s26 =	sand.u32 $0x1, s24;
	v5 =	vpsel p3, $0xFFFFFFFF, v5  }
0x79: {  	s29 =	smul.u32 $0x1F40, s26;
	[tilespmem:s25+$0x10] =	vst.msk $0x1, v5  }
0x7a: {  	v5 =	vld [tilespmem:$0x30]  }
0x7b: {  	v6 =	vld [tilespmem:s29+$0x9D40]  }
0x7c: {  	v7 =	vld [tilespmem:s25+$0x40];
	_ =	sdelay $0x2  }
0x7d: {  	vm4 =	vmmov vm1  }
0x7e: {  	vm5 =	vmmov vm2;
	s6 =	sshll.u32 s26, $0x4;
	vm4 =	vmmov @p2 vm2;
	v6 =	vmax.f32 v5, v6  }
0x7f: {  	s26 =	sor.u32 $0x11A40, s6;
	vm5 =	vmmov @p3 vm1;
	v5 =	vmax.f32 v5, v7;
	[tilespmem:s29+$0x9D40] =	vst.msk vm4, v6  }
0x80: {  	[tilespmem:s26+$0x0] =	vst.msk vm5, v5  }
0x81: {  	v5 =	vld [tilespmem:s29+$0x7DF0];
	_ =	sdelay $0x4  }
0x82: {  	v5 =	vshift.insert v5, v3, s21  }
0x83: {  	s11 =	sor.u32 $0x40, s2  }
0x84: {  	v6 =	vimm.f32 $-Inf;
	[tilespmem:s11+$0x0] =	vst.msk $0x1, v5  }
0x85: {  	[tilespmem:s29+$0x7DFF] =	vst.msk $0x1, v6  }
0x86: {  	v5 =	vld [tilespmem:s0+$0x2030]  }
0x87: {  	s22 =	smulhi.u32 $0xAAAAAAAB, s20;
	_ =	sdelay $0x1  }
0x88: {  	s6 =	simm.s32 $0x1;
	s0 =	sshrl.u32 s22, $0x1  }
0x89: {  	s6 =	simm.s32 @!p0 $0x0;
	s0 =	smul.u32 $0xFFFE8900, s0  }
0x8a: {  	s6 =	smul.u32 $0x7D00, s6;
	v5 =	vshift.insert v5, v1, s21  }
0x8b: {  	s0 =	sshra.s32 s0, $0x2  }
0x8c: {  	s6 =	sshrl.u32 s6, $0x2;
	s22 =	sadd.s32 s0, s19;
	[tilespmem:s2+$0x10] =	vst.msk $0x1, v5  }
0x8d: {  	s2 =	sadd.s32 $0x9D40, s6;
	v7 =	vld [tilespmem:s22+$0x0]  }
0x8e: {  	v8 =	vld [tilespmem:s2+$0x0];
	_ =	sdelay $0x4  }
0x8f: {  	vm4 =	vne.s32 v7, $0xFFFFFFFF;
	v6 =	vmax.f32 v8, v6  }
0x90: {  	(xrf0) =	vmax.seg.scan.f32 vm4, v6  }
0x91: {  	s11 =	sadd.s32 $0x5EC0, s6;
	v8 =	vld [tilespmem:$0xA0]  }
0x92: {  	v9 =	vld [tilespmem:s11+$0x0];
	_ =	sdelay $0x1  }
0x93: {  	v6 =	vperm.xlane v5, v1;
	_ =	sdelay $0x1  }
0x94: {  	vm6 =	veq.s32 v7, v4;
	vm7 =	veq.s32 v7, v6;
	vm5 =	veq.s32 v8, $0x1;
	v8, _, _ =	vpop (xrf0)  }
0x95: {  	vm8 =	vgt.u32 v7, $0xFFFFFFFD;
	vm7 =	vmor vm7, vm6;
	v9 =	vmax.f32 v8, v9  }
0x96: {  	s30 =	sadd.s32 $0xDBC0, s6;
	v10 =	vld [tilespmem:$0x90];
	vm7 =	vmor vm7, vm8;
	v9 =	vsel vm6, v8, v9  }
0x97: {  	[tilespmem:s30+$0x0] =	vst v9;
	v9 =	vsel vm7, $0xFFFFFFFF, v7;
	_ =	sdelay $0x1  }
0x98: {  	vm9 =	vmand vm4, vm3  }
0x99: {  	s31 =	simm.s32 $0x0;
	s6 =	sadd.s32 $0x10, s11;
	s0 =	sadd.s32 $0x10, s2;
	v11 =	vsel vm9, $0xFF800000, v8  }
0x9a: {  	s2 =	sadd.s32 $0x10, s22;
	s22 =	sadd.s32 $0x10, s30;
	vm4 =	vmor vm5, vm6;
	v7 =	vsel vm6, v8, v10;
	v8 =	vshift.insert v11, v0, s21;
	(ifvalue) =	ssetifvalue $0xFFFFFFFF  }
.LBB2_7:
0x9b: {  	[hbm4b:s1+s16] =	stream.indirect_vreg.scatter [tilespmem:s30], [sflag:$0x2], $0x1, v9, vm0, $0x4038;
	[tilespmem:$0x11A60] =	vst v63  }
0x9c: {  	s31 =	sadd.s32 $0x10, s31;
	s30 =	smov.u32 s22;
	v9 =	vld [tilespmem:s2+$0x0]  }
0x9d: {  	p2 =	slt.u32 s31, $0x1F30;
	v10 =	vld [tilespmem:s0+$0x0];
	_ =	sdelay $0x4  }
0x9e: {  	vm5 =	vne.s32 v9, $0xFFFFFFFF;
	v8 =	vmax.f32 v10, v8  }
0x9f: {  	(xrf0) =	vmax.seg.scan.f32 vm5, v8;
	_ =	sdelay $0x1  }
0xa0: {  	v8 =	vld [tilespmem:s6+$0x0]  }
0xa1: {  	vm6 =	veq.s32 v9, v4;
	vm7 =	veq.s32 v9, v6  }
0xa2: {  	vm8 =	vgt.u32 v9, $0xFFFFFFFD;
	vm4 =	vmor vm4, vm6;
	vm7 =	vmor vm7, vm6  }
0xa3: {  	vm7 =	vmor vm7, vm8  }
.Ltmp5:
0xa4: {  	vm5 =	vmand vm5, vm3;
	v9 =	vsel vm7, $0xFFFFFFFF, v9;
	v10, _, _ =	vpop (xrf0);
	(pc) =	sbr.rel @p2 .LBB2_7-.Ltmp5, $4  }
0xa5: {  	v7 =	vsel vm6, v10, v7;
	v8 =	vmax.f32 v10, v8;
	v11 =	vsel vm5, $0xFF800000, v10  }
0xa6: {  	v10 =	vsel vm6, v10, v8;
	v8 =	vshift.insert v11, v0, s21  }
0xa7: {  	s2 =	sadd.s32 $0x10, s2;
	s0 =	sadd.s32 $0x10, s0;
	[tilespmem:s22+$0x0] =	vst v10  }
0xa8: {  	s6 =	sadd.s32 $0x10, s6;
	s22 =	sadd.s32 $0x10, s22;
	(ifvalue) =	ssetifvalue $0xFFFFFFFF  }
0xa9: {  	_ =	sdelay $0x3  }
0xaa: {  	[hbm4b:s1+s16] =	stream.indirect_vreg.scatter [tilespmem:s30], [sflag:$0x2], $0x1, v9, vm0, $0x4038;
	[tilespmem:$0x11A60] =	vst v63  }
0xab: {  	v4 =	vld [tilespmem:s29+$0xFAF0];
	_ =	sdelay $0x4  }
0xac: {  	v4 =	vshift.insert v4, v3, s21  }
0xad: {  	s0 =	simm.s32 $0x30  }
0xae: {  	[tilespmem:s0+$0x0] =	vst.msk $0x1, v4  }
0xaf: {  	v4 =	vsel vm4, $0x1, v1;
	[tilespmem:$0x90] =	vst v7  }
0xb0: {  	s0 =	sadd.s32 @!p1 $0xFAFF, s29;
	[tilespmem:$0xA0] =	vst v4  }
0xb1: {  	[spmem:s14] =	stream.linear.scatter @!p1 [tilespmem:s0], [sflag:$0x1], $0x1, $0x38;
	[tilespmem:$0x11A60] =	vst v63  }
0xb2: {  	s0 =	simm.s32 @!p1 $0x1  }
0xb3: {  	v4 =	vmctz.xlane @!p1 vm4;
	_ =	swait.ge @!p1 [sflag:s0], $0x1  }
0xb4: {  	(v2sf) =	vpush @!p1 v5, $0x0  }
0xb5: {  	(v2sf) =	vpush @!p1 v4, $0x0;
	_ =	sdelay $0xd  }
0xb6: {  	s2 =	spop @!p1 (v2sf)  }
0xb7: {  	s6 =	spop @!p1 (v2sf)  }
0xb8: {  	p2 =	sne.s32 @!p1 s28, s2;
	p3 =	slt.s32 @!p1 s6, $0xF  }
0xb9: {  	[sflag:s0] =	ssyncset.done @!p1 $0x0;
	p2 =	por p2, p1;
	p3 =	por !p3, p1  }
0xba: {  	[sflag:s0] =	ssyncadd.s32 @!p1 $0xFFFFFFFF;
	v4 =	vimm.s32 @!p2 $0xFFFFFFFF;
	s6 =	simm.s32 @p3 $0xF  }
0xbb: {  	[tilespmem:$0x80] =	vst @!p2 v4;
	s2 =	sadd.s32 @!p1 $0x90, s6  }
0xbc: {  	[spmem:s10] =	stream.linear.scatter @!p1 [tilespmem:s2], [sflag:$0x1], $0x1, $0x38;
	[tilespmem:$0x11A60] =	vst v63  }
0xbd: {  	_ =	swait.ge @!p1 [sflag:s0], $0x1  }
0xbe: {  	[sflag:s0] =	ssyncset.done @!p1 $0x0  }
0xbf: {  	s2 =	simm.s32 @!p1 $0x80;
	[sflag:s0] =	ssyncadd.s32 @!p1 $0xFFFFFFFF  }
0xc0: {  	[spmem:s15] =	stream.linear.scatter @!p1 [tilespmem:s2], [sflag:$0x1], $0x1, $0x38;
	[tilespmem:$0x11A60] =	vst v63  }
0xc1: {  	_ =	swait.ge @!p1 [sflag:s0], $0x1  }
0xc2: {  	[sflag:s0] =	ssyncset.done @!p1 $0x0  }
0xc3: {  	[sflag:s0] =	ssyncadd.s32 @!p1 $0xFFFFFFFF;
	(ifvalue) =	ssetifvalue $0xFFFFFFFF;
	v4 =	vld [tilespmem:s25+$0x10];
	_ =	sdelay $0x3  }
.Ltmp6:
0xc4: {  	_ = 	snop;
	(pc) =	sbr.rel .LBB2_9-.Ltmp6, $3  }
0xc5: {  	_ =	sdelay $0x1  }
0xc6: {  	(ifvalue) =	ssetifvalue $0xFFFFFFFF  }
0xc7: {  	[hbm4b:s1+s16] =	stream.indirect_vreg.scatter [tilespmem:s26], [sflag:$0x9], $0x1, v4, vm0, $0x4038;
	[tilespmem:$0x11A60] =	vst v63  }
.LBB2_10:
0xc8: {  	_ =	sfence.sel $0x180000  }
0xc9: {  	s0 =	simm.s32 $0x7;
	[bflag:$0x0] =	sbarrier.arrive $0xFFFF  }
0xca: {  	s26 =	simm.s32 $0x8;
	[sflag:s0] =	ssyncpa.u1 $0x1  }
0xcb: {  	s28 =	simm.s32 $0x9;
	[sflag:s26] =	ssyncpa.u1 $0x1  }
0xcc: {  	[sflag:s28] =	ssyncpa.u1 $0x1  }
0xcd: {  	_ =	sfence.stream.spmem  }
0xce: {  	s29 =	simm.s32 $0x3;
	[bflag:$0x0] =	sbarrier.arrive $0xFFFF  }
0xcf: {  	s30 =	simm.s32 $0x4;
	[sflag:s29] =	ssyncpa.u1 $0x1  }
0xd0: {  	s31 =	simm.s32 $0x3C;
	s2 =	stileid.u32;
	[sflag:s30] =	ssyncpa.u1 $0x1  }
0xd1: {  	p0 =	sne.s32 s2, $0x0;
	[sflag:s31] =	ssyncpa.u1 $0x1  }
0xd2: {  	s0 =	simm.s32 @p0 $0x1;
	_ =	sfence @p0  }
0xd3: {  	[sflag:s0] =	ssyncpa.u1 @p0 $0x1;
	s0 =	simm.s32 @p0 $0x2  }
0xd4: {  	[sflag:s0] =	ssyncpa.u1 @p0 $0x1  }
0xd5: {  	_ =	strace @p0 $0x9000005C  }
0xd6: {  	[bflag:$0x2] =	sbarrier.arrive @p0 $0xFFFF  }
0xd7: {  	_ =	shalt @p0  }
.LBB2_11:
0xd8: {  	_ =	sfence.stream.spmem;
	s0 =	simm.s32 $0x5  }
0xd9: {  	s2 =	simm.s32 $0x80;
	s3 =	simm.s32 $0xC0;
	[sflag:s0] =	ssyncpa.u1 $0x0  }
0xda: {  	[tilespmem:s3], [sflag:$0x5] =	stream.linear.gather [spmem:s2], $0x20, $0x38;
	[tilespmem:$0x11A60] =	vst v63  }
0xdb: {  	s30 =	simm.s32 $0xE0;
	s2 =	simm.s32 $0x0  }
0xdc: {  	[tilespmem:s30], [sflag:$0x5] =	stream.linear.gather [spmem:s2], $0x20, $0x38;
	[tilespmem:$0x11A60] =	vst v63  }
.Ltmp7:
0xdd: {  	_ = 	snop;
	(pc) =	sbr.rel .LBB2_12-.Ltmp7, $4  }
0xde: {  	_ =	swait.ge [sflag:s0], $0x40  }
0xdf: {  	[sflag:s0] =	ssyncset.done $0x0  }
0xe0: {  	s31 =	simm.s32 $0x6;
	[sflag:s0] =	ssyncadd.s32 $0xFFFFFFC0  }
0xe1: {  	s3 =	simm.s32 $0x0;
	[sflag:s31] =	ssyncpa.u1 $0x0  }
.LBB2_17:
0xe2: {  	p0 =	sgt.u32 s4, $0x27FF  }
0xe3: {  	s0 =	sshrl.u32 @!p0 s4, $0x3  }
0xe4: {  	s4 =	sand.u32 @!p0 $0x7, s4;
	s5 =	simm.s32 @!p0 $0xB0;
	s0 =	sadd.s32 @!p0 s1, s0  }
0xe5: {  	[tilespmem:s5], [sflag:$0x6] =	stream.linear.gather @!p0 [hbm4b:s0+s4], $0x1, $0x38;
	[tilespmem:$0x11A60] =	vst v63  }
0xe6: {  	s0 =	simm.s32 @!p0 $0x6  }
0xe7: {  	_ =	swait.ge @!p0 [sflag:s0], $0x1  }
0xe8: {  	[sflag:s0] =	ssyncset.done @!p0 $0x0  }
0xe9: {  	[sflag:s0] =	ssyncadd.s32 @!p0 $0xFFFFFFFF  }
0xea: {  	v1 =	vld.msk @!p0 [tilespmem:$0xB0], $0x1  }
0xeb: {  	v2 =	vld.msk @!p0 [tilespmem:s3+$0xE0], $0x1;
	_ =	sdelay $0x4  }
0xec: {  	v1 =	vmax.f32 @!p0 v2, v1  }
0xed: {  	[tilespmem:s3+$0xE0] =	vst.msk @!p0 $0x1, v1  }
0xee: {  	[tilespmem:s2+$0xC0] =	vst.msk $0x1, v0  }
0xef: {  	v0 =	vld.msk [tilespmem:s3+$0xE0], $0x1;
	_ =	sdelay $0x4  }
0xf0: {  	[tilespmem:s2+$0xE0] =	vst.msk $0x1, v0;
	s2 =	sadd.s32 $0x1, s2  }
.LBB2_19:
0xf1: {  	s3 =	sadd.s32 $0x1, s3  }
0xf2: {  	p0 =	sne.s32 s3, $0x20  }
.Ltmp8:
0xf3: {  	_ = 	snop;
	(pc) =	sbr.rel @!p0 .LBB2_20-.Ltmp8, $1  }
0xf4: {  	_ =	sdelay $0x3  }
.LBB2_12:
0xf5: {  	v0 =	vld.msk [tilespmem:s3+$0xC0], $0x1;
	_ =	sdelay $0x4  }
0xf6: {  	(v2sf) =	vpush v0, $0x0;
	_ =	sdelay $0xe  }
0xf7: {  	s4 =	spop (v2sf)  }
0xf8: {  	p0 =	seq.s32 s4, $0xFFFFFFFF  }
.Ltmp9:
0xf9: {  	_ = 	snop;
	(pc) =	sbr.rel @p0 .LBB2_19-.Ltmp9, $1  }
0xfa: {  	_ =	sdelay $0x3  }
0xfb: {  	p0 =	slt.s32 s2, $0x1  }
.Ltmp10:
0xfc: {  	_ = 	snop;
	(pc) =	sbr.rel @p0 .LBB2_17-.Ltmp10, $1  }
0xfd: {  	_ =	sdelay $0x3  }
0xfe: {  	s0 =	simm.s32 $0xC0;
	p0 =	por $0x0, $0x0  }
0xff: {  	v1 =	vld.msk @!p0 [tilespmem:s0+$0x0], $0x1;
	_ =	sdelay $0x4  }
0x100: {  	(v2sf) =	vpush @!p0 v1, $0x0;
	_ =	sdelay $0xd  }
0x101: {  	p2 =	sne.s32 s2, $0x1  }
.Ltmp11:
0x102: {  	s5 =	spop @!p0 (v2sf);
	(pc) =	sbr.rel @!p2 .LBB2_16-.Ltmp11, $4  }
0x103: {  	p1 =	seq.s32 @!p0 s4, s5  }
0x104: {  	s5 =	simm.s32 $0x0;
	p1 =	por !p1, p0  }
0x105: {  	s7 =	simm.s32 $0xFFFFFFFF;
	s5 =	simm.s32 @p1 $0xFFFFFFFF  }
0x106: {  	s6 =	simm.s32 $0x1;
	s5 =	smov.u32 @p0 s7  }
.LBB2_15:
0x107: {  	s7 =	smov.u32 s5;
	p0 =	sne.s32 s5, $0xFFFFFFFF  }
0x108: {  	s0 =	sadd.s32 $0x1, s0;
	s5 =	smov.u32 s6;
	s6 =	sadd.s32 $0x1, s6  }
0x109: {  	p1 =	sne.s32 s2, s6;
	v1 =	vld.msk @!p0 [tilespmem:s0+$0x0], $0x1;
	_ =	sdelay $0x4  }
0x10a: {  	(v2sf) =	vpush @!p0 v1, $0x0;
	_ =	sdelay $0xe  }
.Ltmp12:
0x10b: {  	s8 =	spop @!p0 (v2sf);
	(pc) =	sbr.rel @p1 .LBB2_15-.Ltmp12, $4  }
0x10c: {  	p2 =	seq.s32 @!p0 s4, s8  }
0x10d: {  	p2 =	por !p2, p0  }
0x10e: {  	s5 =	simm.s32 @p2 $0xFFFFFFFF  }
0x10f: {  	s5 =	smov.u32 @p0 s7  }
.LBB2_16:
0x110: {  	p0 =	sne.s32 s5, $0xFFFFFFFF  }
.Ltmp13:
0x111: {  	_ = 	snop;
	(pc) =	sbr.rel @!p0 .LBB2_17-.Ltmp13, $1  }
0x112: {  	_ =	sdelay $0x3  }
0x113: {  	v0 =	vld.msk [tilespmem:s3+$0xE0], $0x1  }
0x114: {  	v1 =	vld.msk [tilespmem:s5+$0xE0], $0x1;
	_ =	sdelay $0x1  }
.Ltmp14:
0x115: {  	_ = 	snop;
	(pc) =	sbr.rel .LBB2_19-.Ltmp14, $3  }
0x116: {  	_ =	sdelay $0x1  }
0x117: {  	v0 =	vmax.f32 v1, v0  }
0x118: {  	[tilespmem:s5+$0xE0] =	vst.msk $0x1, v0  }
.LBB2_20:
0x119: {  	p0 =	slt.s32 s2, $0x1  }
.Ltmp15:
0x11a: {  	_ = 	snop;
	(pc) =	sbr.rel @p0 .LBB2_24-.Ltmp15, $3  }
0x11b: {  	_ =	sdelay $0x1  }
0x11c: {  	s0 =	simm.s32 $0x6  }
0x11d: {  	s3 =	simm.s32 $0x0;
	[sflag:s0] =	ssyncpa.u1 $0x1  }
0x11e: {  	s0 =	simm.s32 $0xC0  }
0x11f: {  	v0 =	vld.msk [tilespmem:s0+$0x0], $0x1;
	_ =	sdelay $0x4  }
0x120: {  	(v2sf) =	vpush v0, $0x0;
	_ =	sdelay $0xe  }
0x121: {  	s2 =	sadd.s32 $0xFFFFFFFF, s2;
	s4 =	spop (v2sf)  }
0x122: {  	p1 =	sne.s32 s2, $0x0;
	p0 =	sgt.u32 s4, $0x27FF  }
.Ltmp16:
0x123: {  	s5 =	sshrl.u32 @!p0 s4, $0x3;
	(pc) =	sbr.rel @!p1 .LBB2_23-.Ltmp16, $4  }
0x124: {  	s0 =	simm.s32 $0xE0;
	s4 =	sand.u32 @!p0 $0x7, s4;
	s5 =	sadd.s32 @!p0 s1, s5  }
0x125: {  	[hbm4b:s5+s4] =	stream.linear.scatter @!p0 [tilespmem:s0], [sflag:$0x5], $0x1, $0x38;
	[tilespmem:$0x11A60] =	vst v63  }
0x126: {  	s5 =	simm.s32 $0x0  }
0x127: {  	s4 =	simm.s32 $0xC1;
	s5 =	simm.s32 @!p0 $0x4  }
.LBB2_22:
0x128: {  	v0 =	vld.msk [tilespmem:s4+$0x0], $0x1;
	s2 =	sadd.s32 $0xFFFFFFFF, s2;
	s3 =	sadd.s32 s3, s5  }
0x129: {  	p0 =	sne.s32 s2, $0x0;
	_ =	sdelay $0x3  }
0x12a: {  	(v2sf) =	vpush v0, $0x0;
	_ =	sdelay $0xe  }
.Ltmp17:
0x12b: {  	s6 =	spop (v2sf);
	(pc) =	sbr.rel @p0 .LBB2_22-.Ltmp17, $4  }
0x12c: {  	s5 =	simm.s32 $0x0;
	p1 =	sgt.u32 s6, $0x27FF  }
0x12d: {  	s0 =	sadd.s32 $0x1, s0;
	s5 =	simm.s32 @!p1 $0x4;
	s7 =	sshrl.u32 @!p1 s6, $0x3  }
0x12e: {  	s4 =	sadd.s32 $0x1, s4;
	s6 =	sand.u32 @!p1 $0x7, s6;
	s7 =	sadd.s32 @!p1 s1, s7  }
0x12f: {  	[hbm4b:s7+s6] =	stream.linear.scatter @!p1 [tilespmem:s0], [sflag:$0x5], $0x1, $0x38;
	[tilespmem:$0x11A60] =	vst v63  }
.LBB2_23:
0x130: {  	s0 =	sadd.s32 s3, s5  }
0x131: {  	s3 =	sshrl.u32 s0, $0x2  }
.LBB2_24:
0x132: {  	s0 =	simm.s32 $0x5  }
0x133: {  	_ =	swait.ge [sflag:s0], s3  }
0x134: {  	s1 =	ssub.s32 $0x0, s3;
	[sflag:s0] =	ssyncset.done $0x0  }
0x135: {  	[sflag:s0] =	ssyncadd.s32 s1  }
0x136: {  	[sflag:s0] =	ssyncpa.u1 $0x1  }
0x137: {  	s29 =	simm.s32 $0x1;
	_ =	sfence  }
0x138: {  	s30 =	simm.s32 $0x2;
	[sflag:s29] =	ssyncpa.u1 $0x1  }
0x139: {  	[sflag:s30] =	ssyncpa.u1 $0x1  }
0x13a: {  	_ =	strace $0x9000005C  }
0x13b: {  	[bflag:$0x2] =	sbarrier.arrive $0xFFFF  }
0x13c: {  	s31 =	rddreg [dreg:$0x1]  }
0x13d: {  	s0 =	sadd.s32 $0x100000, s31  }
0x13e: {  	[sflag:s0] =	ssyncadd.tile.s32 $0x1;
	_ =	shalt  }
.Lfunc_end2:
_tile_overlayer_lowered:
.L_overlay_start_2:
0x13f: {  	(tag) =	ssettag $0x2  }
0x140: {  	s0 =	rddreg [dreg:$0x0];
	s2 =	stileid.u32  }
0x141: {  	s1 =	rddreg [dreg:$0x1];
	p0 =	sne.s32 s2, $0x0  }
0x142: {  	s3 =	rddreg [dreg:$0x2];
	[bflag:$0x3] =	sbarrier.arrive $0xFFFF;
	s2 =	simm.s32 @!p0 $0x1C01  }
0x143: {  	[timem:s3], [sflag:s2] =	dma.local @!p0 [hbm:s0], s1  }
0x144: {  	s0 =	simm.s32 @!p0 $0x1  }
0x145: {  	_ =	swait.ge @!p0 [sflag:s0], s1  }
0x146: {  	s1 =	ssub.s32 @!p0 $0x0, s1;
	[sflag:s0] =	ssyncset.done @!p0 $0x0  }
0x147: {  	[sflag:s0] =	ssyncadd.s32 @!p0 s1  }
0x148: {  	[bflag:$0x3] =	sbarrier.arrive $0xFFFF  }
0x149: {  	_ =	shalt  }

// kernel: scatter_offload_async_start.4
scs
__scs_entry_jumppad:
0x0: {  	(pc) =	sbr.rel $0x88, $3  }
0x1: {  	(tag) =	ssettag $0x0;
	lr =	simm.s32 $0x1  }
0x2: {  	[smem:$0x3F89] =	sst lr;
	_ =	strace $0xD0000000  }
0x3: {  	_ = 	snop  }
0x4: {  	_ = 	snop  }
0x5: {  	_ = 	snop  }
0x6: {  	_ = 	snop  }
0x7: {  	_ = 	snop  }
__scs_overlays_trampoline_lowered:
0x8: {  	[smem:$0x3F98] =	sst s0  }
0x9: {  	[smem:$0x3F99] =	sst s1  }
0xa: {  	[smem:$0x3F9A] =	sst s2  }
0xb: {  	[smem:$0x3F9B] =	sst s3  }
0xc: {  	[smem:$0x3F9C] =	sst s4  }
0xd: {  	[smem:$0x3F9D] =	sst s5  }
0xe: {  	[smem:$0x3F9E] =	sst s6  }
0xf: {  	[smem:$0x3F9F] =	sst s7  }
0x10: {  	[smem:$0x3FA0] =	sst s8  }
0x11: {  	[smem:$0x3FA1] =	sst s9;
	s0 =	simm.s32 @!p0 $0x0  }
0x12: {  	s1 =	sld [smem:$0x3F87];
	s0 =	simm.s32 @p0 $0x1  }
0x13: {  	[smem:$0x3FA2] =	sst s0;
	s0 =	simm.s32 @!p1 $0x0  }
0x14: {  	s2 =	sld [smem:$0x3F86];
	s0 =	simm.s32 @p1 $0x1  }
0x15: {  	[smem:$0x3FA3] =	sst s0;
	s0 =	simm.s32 @!p2 $0x0  }
0x16: {  	s3 =	sld [smem:$0x3FDB];
	s0 =	simm.s32 @p2 $0x1  }
0x17: {  	s4 =	simm.s32 $0x1BF5;
	[smem:$0x3FA5] =	sst s0  }
0x18: {  	s0 =	sld [smem:$0x3F88];
	_ =	swait.ge [sflag:s4], $0x0  }
0x19: {  	s7 =	sld [smem:$0x3F89]  }
0x1a: {  	s8 =	sadd.s32 $0xFFFFE003, lr  }
0x1b: {  	s9 =	sadd.s32 $0xFFFFFEF7, lr;
	s5 =	simm.s32 $0xFFFFFFFF;
	p2 =	slt.u32 s8, $0xFFFFF086  }
0x1c: {  	p1 =	slt.u32 s9, $0xF7A;
	s5 =	simm.s32 @!p2 $0x0  }
0x1d: {  	s5 =	simm.s32 @p1 $0x1;
	p0 =	seq.s32 s7, s2  }
0x1e: {  	s7 =	smul.u32 @!p0 $0xF7A, s2;
	p2 =	seq.s32 @!p0 s5, $0x0  }
0x1f: {  	s9 =	smul.u32 $0xF7A, s1;
	s8 =	simm.s32 @!p0 $0x1BF5;
	p2 =	por !p2, p0  }
0x20: {  	[sflag:s8] =	ssyncset.s32 @!p0 $0xFFFFF086;
	s6 =	sadd.s32 @!p0 s3, s7;
	s7 =	simm.s32 @!p0 $0x108  }
0x21: {  	s3 =	sadd.s32 s3, s9;
	s6 =	sadd.s32 @!p0 $0x88, s6;
	s7 =	simm.s32 @p2 $0x1082  }
0x22: {  	[simem:s7], [sflag:s8] =	dma.local @!p0 [hbm:s6], $0xF7A  }
0x23: {  	s9 =	sor.u32 $0xD0000000, s2;
	s6 =	simm.s32 $0x108;
	_ =	swait.ge @!p0 [sflag:s8], $0x0  }
0x24: {  	s3 =	sadd.s32 $0x88, s3;
	s6 =	simm.s32 @!p1 $0x1082;
	[sflag:s4] =	ssyncset.s32 $0xFFFFF086  }
0x25: {  	[simem:s6], [sflag:s4] =	dma.local [hbm:s3], $0xF7A  }
0x26: {  	[smem:$0x3F89] =	sst s1;
	(tag) =	ssettag s2;
	_ =	strace s9  }
0x27: {  	s1 =	sld [smem:$0x3F99]  }
0x28: {  	s2 =	sld [smem:$0x3F9A]  }
0x29: {  	s4 =	sld [smem:$0x3F9C]  }
0x2a: {  	p0 =	seq.s32 s5, $0x0;
	s5 =	sld [smem:$0x3F9D]  }
0x2b: {  	s6 =	sld [smem:$0x3F9E]  }
0x2c: {  	s7 =	sld [smem:$0x3F9F]  }
0x2d: {  	s3 =	simm.s32 $0x108;
	s8 =	sld [smem:$0x3FA0]  }
0x2e: {  	s3 =	simm.s32 @!p0 $0x1082;
	s9 =	sld [smem:$0x3FA1]  }
0x2f: {  	lr =	sadd.s32 s0, s3;
	s0 =	sld [smem:$0x3F98]  }
0x30: {  	s3 =	sld [smem:$0x3F9B]  }
0x31: {  	[smem:$0x3FA4] =	sst s10  }
0x32: {  	s10 =	sld [smem:$0x3FA2];
	_ =	sdelay $0x3  }
0x33: {  	p0 =	seq.s32 s10, $0x1;
	s10 =	sld [smem:$0x3FA4];
	_ =	sdelay $0x3  }
0x34: {  	[smem:$0x3FA4] =	sst s10  }
0x35: {  	s10 =	sld [smem:$0x3FA3];
	_ =	sdelay $0x3  }
0x36: {  	p1 =	seq.s32 s10, $0x1;
	s10 =	sld [smem:$0x3FA4];
	_ =	sdelay $0x3  }
0x37: {  	[smem:$0x3FA4] =	sst s10  }
0x38: {  	s10 =	sld [smem:$0x3FA5]  }
0x39: {  	_ = 	snop;
	(pc) =	sbr.ind lr, $3  }
0x3a: {  	_ = 	snop  }
0x3b: {  	_ = 	snop  }
0x3c: {  	p2 =	seq.s32 s10, $0x1;
	s10 =	sld [smem:$0x3FA4]  }
0x3d: {  	_ =	shalt  }
0x3e: {  	_ =	shalt  }
0x3f: {  	_ =	shalt  }
0x40: {  	_ =	shalt  }
0x41: {  	_ =	shalt  }
0x42: {  	_ =	shalt  }
0x43: {  	_ =	shalt  }
0x44: {  	_ =	shalt  }
0x45: {  	_ =	shalt  }
0x46: {  	_ =	shalt  }
0x47: {  	_ =	shalt  }
0x48: {  	_ =	shalt  }
0x49: {  	_ =	shalt  }
0x4a: {  	_ =	shalt  }
0x4b: {  	_ =	shalt  }
0x4c: {  	_ =	shalt  }
0x4d: {  	_ =	shalt  }
0x4e: {  	_ =	shalt  }
0x4f: {  	_ =	shalt  }
0x50: {  	_ =	shalt  }
0x51: {  	_ =	shalt  }
0x52: {  	_ =	shalt  }
0x53: {  	_ =	shalt  }
0x54: {  	_ =	shalt  }
0x55: {  	_ =	shalt  }
0x56: {  	_ =	shalt  }
0x57: {  	_ =	shalt  }
0x58: {  	_ =	shalt  }
0x59: {  	_ =	shalt  }
0x5a: {  	_ =	shalt  }
0x5b: {  	_ =	shalt  }
0x5c: {  	_ =	shalt  }
0x5d: {  	_ =	shalt  }
0x5e: {  	_ =	shalt  }
0x5f: {  	_ =	shalt  }
0x60: {  	_ =	shalt  }
0x61: {  	_ =	shalt  }
0x62: {  	_ =	shalt  }
0x63: {  	_ =	shalt  }
0x64: {  	_ =	shalt  }
0x65: {  	_ =	shalt  }
0x66: {  	_ =	shalt  }
0x67: {  	_ =	shalt  }
0x68: {  	_ =	shalt  }
0x69: {  	_ =	shalt  }
0x6a: {  	_ =	shalt  }
0x6b: {  	_ =	shalt  }
0x6c: {  	_ =	shalt  }
0x6d: {  	_ =	shalt  }
0x6e: {  	_ =	shalt  }
0x6f: {  	_ =	shalt  }
0x70: {  	_ =	shalt  }
0x71: {  	_ =	shalt  }
0x72: {  	_ =	shalt  }
0x73: {  	_ =	shalt  }
0x74: {  	_ =	shalt  }
0x75: {  	_ =	shalt  }
0x76: {  	_ =	shalt  }
0x77: {  	_ =	shalt  }
0x78: {  	_ =	shalt  }
0x79: {  	_ =	shalt  }
0x7a: {  	_ =	shalt  }
0x7b: {  	_ =	shalt  }
0x7c: {  	_ =	shalt  }
0x7d: {  	_ =	shalt  }
0x7e: {  	_ =	shalt  }
0x7f: {  	_ =	shalt  }
0x80: {  	_ =	shalt  }
0x81: {  	_ =	shalt  }
0x82: {  	_ =	shalt  }
0x83: {  	_ =	shalt  }
0x84: {  	_ =	shalt  }
0x85: {  	_ =	shalt  }
0x86: {  	_ =	shalt  }
0x87: {  	_ =	shalt  }
.Lfunc_end0:
.L_simem_size_0:
called_computation.4_lowered:
.L_overlay_start_0:
0x88: {  	s0 =	sld [smem:$0x3FD9]  }
0x89: {  	s1 =	sld [smem:$0x3FFE];
	_ =	sdelay $0x3  }
0x8a: {  	s0 =	sadd.s32 s1, s0  }
0x8b: {  	[smem:$0x3FB0] =	sst s0  }
0x8c: {  	_ = 	snop  }
0x8d: {  	(tm) =	ssettm $0x1  }
0x8e: {  	s15 =	sld [smem:$0x3FFB];
	_ =	sdelay $0x3  }
0x8f: {  	_ =	strace s15  }
0x90: {  	s0 =	sld [smem:$0x3FFC];
	_ =	sdelay $0x3  }
0x91: {  	_ =	strace s0  }
0x92: {  	s0 =	sld [smem:$0x3FFD];
	_ =	sdelay $0x3  }
0x93: {  	_ =	strace s0  }
0x94: {  	_ =	strace $0x8FFFFFFF  }
0x95: {  	s16 =	sld [smem:$0x3FDB];
	_ =	sdelay $0x1  }
0x96: {  	s17 =	simm.s32 $_scs_section_size  }
0x97: {  	s2 =	simm.s32 $_size__tile_overlayer_lowered;
	s3 =	simm.s32 $_tile_overlayer_lowered  }
0x98: {  	s20 =	simm.s32 $0x1BFF;
	s19 =	sshll.u32 s3, $0x1;
	s0 =	sadd.s32 s17, s16  }
0x99: {  	s4 =	simm.s32 $0x0;
	s18 =	sshll.u32 s2, $0x1;
	s2 =	sadd.s32 s19, s0  }
0x9a: {  	[timem:s4], [sflag:s20] =	dma.local [hbm:s2], s18  }
0x9b: {  	_ =	swait.ge [sflag:s20], s18  }
0x9c: {  	s1 =	ssub.s32 $0x0, s18;
	[sflag:s20] =	ssyncset.done $0x0  }
0x9d: {  	[sflag:s20] =	ssyncadd.s32 s1;
	_ =	sdelay $0x1  }
0x9e: {  	s21 =	simm.s32 $0x1B8B  }
0x9f: {  	_ =	swait.ge [sflag:s21], $0x1  }
0xa0: {  	[sflag:s21] =	ssyncset.done $0x0  }
0xa1: {  	s23 =	simm.s32 $0x1B8E;
	s22 =	sld [smem:$0x3FFE];
	[sflag:s21] =	ssyncadd.s32 $0xFFFFFFFF  }
0xa2: {  	s24 =	simm.s32 $execute0_lowered;
	[smem:$0x3FD2] =	sst s23  }
0xa3: {  	s2 =	sshll.u32 s24, $0x1;
	_ =	strace $0x8000005E;
	[dreg:$0x1] =	wrdreg $0xFFFFFFFF  }
0xa4: {  	s25 =	simm.s32 $_size_execute0_lowered;
	s0 =	sadd.s32 s0, s2;
	[dreg:$0x0] =	wrdreg $0x0  }
0xa5: {  	s2 =	sshll.u32 s25, $0x1;
	[dreg:$0x2] =	wrdreg s0  }
0xa6: {  	[dreg:$0x3] =	wrdreg s2  }
0xa7: {  	[dreg:$0x4] =	wrdreg $0xC0  }
0xa8: {  	_ =	task [dreg:s4], $0x5FFFF  }
0xa9: {  	[dreg:$0x1] =	wrdreg $0xFFFFFFFF  }
0xaa: {  	[dreg:$0x0] =	wrdreg $0x60  }
0xab: {  	[dreg:$0x2] =	wrdreg s22  }
0xac: {  	[dreg:$0x3] =	wrdreg $0x9  }
0xad: {  	_ =	task.clear_ibuf [dreg:s4], $0x4FFFF;
	_ =	strace $0x9000005E  }
0xae: {  	s26 =	simm.s32 $0x9;
	_ =	strace $0x80000060  }
0xaf: {  	_ =	swait.ge [sflag:s26], $0x1  }
0xb0: {  	[sflag:s26] =	ssyncadd.s32 $0xFFFFFFFF  }
0xb1: {  	_ =	strace $0x90000060  }
0xb2: {  	_ =	sfence  }
0xb3: {  	s28 =	sld [smem:$0x0];
	_ =	sdelay $0x1  }
0xb4: {  	s29 =	srdreg.scid  }
0xb5: {  	s30 =	sshll.u32 s29, $0xD;
	s31 =	sshrl.u32 s29, $0x2  }
0xb6: {  	s1 =	sand.u32 $0x1, s29;
	s2 =	sand.u32 $0x4000, s30;
	s0 =	sadd.s32 s31, s28  }
0xb7: {  	s1 =	sor.u32 s2, s1;
	s0 =	sshll.u32 s0, $0x11  }
0xb8: {  	s0 =	sor.u32 s0, s1  }
0xb9: {  	s0 =	sadd.s32 $0x8F2B, s0  }
0xba: {  	[sflag:s0] =	ssyncadd.remote.s32 $0x1  }
0xbb: {  	_ =	sfence.sel $0xFFFF  }
0xbc: {  	[dreg:$0x0] =	wrdreg $0xFFFFFFFF;
	(pc) =	sbr.abs _section_cstart, $3  }
0xbd: {  	[dreg:$0x1] =	wrdreg $0xFFFFFFFF  }
0xbe: {  	_ =	task.clear_ibuf [dreg:s4], $0x2FFFF;
	_ =	strace $0x9FFFFFFF  }
0xbf: {  	(tm) =	ssettm $0x7FFFFFFF  }
tec
execute0_lowered:
.L_overlay_start_1:
0x0: {  	(tag) =	ssettag $0x1  }
0x1: {  	s3 =	rddreg [dreg:$0x0]  }
0x2: {  	s14 =	stileid.u32;
	_ =	strace $0x8000005F;
	s0 =	simm.s32 $0x1  }
0x3: {  	v1 =	vimm.s32 $0xFFFFFFFF;
	s1 =	smin.u32 s14, $0x4;
	[sflag:s0] =	ssyncpa.u1 $0x0  }
0x4: {  	s1 =	sadd.s32 s14, s1;
	[tilespmem:$0x10] =	vst v1  }
0x5: {  	v0 =	vimm.f32 $0.0e+00;
	p0 =	slt.u32 s14, $0x4;
	[tilespmem:$0x20] =	vst v1;
	s4 =	smul.u32 $0x1F40, s1;
	s1 =	simm.s32 $0x3E80  }
0x6: {  	[tilespmem:$0x30] =	vst v0;
	s1 =	simm.s32 @!p0 $0x1F40  }
0x7: {  	[tilespmem:$0x40] =	vst v0;
	s1 =	sadd.s32 s1, s4  }
0x8: {  	[tilespmem:$0x50] =	vst v0;
	s5 =	smin.u32 s1, $0x27100  }
0x9: {  	s7 =	simm.s32 $0x2;
	s8 =	simm.s32 $0x8;
	[tilespmem:$0x60] =	vst v1;
	s2 =	ssub.s32 s5, s4  }
0xa: {  	s31 =	simm.s32 $0x9;
	s16 =	simm.s32 $0x0;
	[tilespmem:$0x70] =	vst v1;
	p0 =	sgt.s32 s2, $0x0  }
0xb: {  	s17 =	simm.s32 $0xF0;
	s18 =	simm.s32 $0xFFFFFFFF;
	[tilespmem:$0x80] =	vst v1;
	s2 =	simm.s32 @!p0 $0x0  }
0xc: {  	s19 =	simm.s32 $0xFFFFC280;
	s20 =	simm.s32 $0xFFFFFFFE;
	v1 =	vimm.s32 $0x0;
	[tilespmem:$0xB0] =	vst v0;
	s30 =	smulhi.u32 $0x10624DD3, s2  }
0xd: {  	s21 =	simm.s32 $0xF;
	s25 =	simm.s32 $0x0;
	s24 =	simm.s32 $0x0;
	[tilespmem:$0x90] =	vst v1  }
0xe: {  	[tilespmem:$0xA0] =	vst v1;
	[sflag:s7] =	ssyncpa.u1 $0x0;
	s7 =	simm.s32 $0x7;
	s9 =	sshrl.u32 s30, $0x9  }
0xf: {  	s6 =	sadd.s32 $0x14000, s3;
	[sflag:s7] =	ssyncpa.u1 $0x0;
	s10 =	smul.u32 $0x1F40, s9  }
.Ltmp0:
0x10: {  	[sflag:s8] =	ssyncpa.u1 $0x0;
	s23 =	smov.u32 s4;
	(pc) =	sbr.rel .LBB2_1-.Ltmp0, $4  }
0x11: {  	s1 =	sadd.s32 $0x28600, s3;
	[sflag:s31] =	ssyncpa.u1 $0x0;
	p0 =	sne.s32 s2, s10  }
0x12: {  	s10 =	sshll.u32 s14, $0x1;
	s14 =	sshllo.u32 s14, $0x1;
	s0 =	simm.s32 @!p0 $0x0  }
0x13: {  	vm0 =	vmmov $0xffff;
	v2 =	vlaneseq.u32;
	s13 =	sor.u32 $0x81, s10;
	s15 =	sor.u32 $0x80, s10;
	s9 =	sadd.s32 s0, s9  }
0x14: {  	vm1 =	vmxor vm1, vm1;
	vm2 =	vmmov $0x1;
	vm3 =	vcmask $0x3F3C;
	p0 =	por $0x0, $0x0;
	s11 =	sadd.s32 $0x1, s9;
	s12 =	sadd.s32 $0x2, s9  }
.LBB2_9:
0x15: {  	p1 =	slt.u32 s24, $0x3  }
0x16: {  	s0 =	simm.s32 @!p1 $0x2  }
0x17: {  	_ =	swait.ge @!p1 [sflag:s0], $0x1F40  }
0x18: {  	[sflag:s0] =	ssyncset.done @!p1 $0x0  }
0x19: {  	[sflag:s0] =	ssyncadd.s32 @!p1 $0xFFFFE0C0;
	s0 =	simm.s32 @!p1 $0x9  }
0x1a: {  	_ =	swait.ge @!p1 [sflag:s0], $0x10  }
0x1b: {  	[sflag:s0] =	ssyncset.done @!p1 $0x0  }
0x1c: {  	[sflag:s0] =	ssyncadd.s32 @!p1 $0xFFFFFFF0;
	p1 =	sne.s32 s24, s12  }
.Ltmp1:
0x1d: {  	s2 =	sadd.s32 $0x1F40, s23;
	(pc) =	sbr.rel @!p1 .LBB2_10-.Ltmp1, $4  }
0x1e: {  	s22 =	smov.u32 s4;
	s31 =	sadd.s32 $0x1, s24;
	s17 =	sadd.s32 $0x1F40, s17  }
0x1f: {  	s18 =	sadd.s32 $0x1, s18;
	s25 =	smov.u32 s23;
	p2 =	slt.s32 s2, s5  }
0x20: {  	p0 =	por !p0, !p0;
	s19 =	sadd.s32 $0x1F40, s19;
	s22 =	smov.u32 @p2 s2  }
0x21: {  	s20 =	sadd.s32 $0x1, s20;
	s23 =	smov.u32 s22;
	s24 =	smov.u32 s31  }
.LBB2_1:
0x22: {  	p1 =	sge.u32 s24, s9  }
0x23: {  	s0 =	smulhi.u32 @!p1 $0xAAAAAAAB, s24;
	_ =	sdelay $0x1  }
0x24: {  	s0 =	sshrl.u32 @!p1 s0, $0x1  }
0x25: {  	s0 =	smul.u32 @!p1 $0x3, s0;
	_ =	sdelay $0x1  }
0x26: {  	s0 =	ssub.s32 @!p1 s24, s0  }
0x27: {  	s0 =	smul.u32 @!p1 $0x7D00, s0;
	_ =	sdelay $0x1  }
0x28: {  	s2 =	sshrl.u32 @!p1 s23, $0x3;
	s0 =	sshrl.u32 @!p1 s0, $0x2  }
0x29: {  	s22 =	sand.u32 @!p1 $0x7, s23;
	s2 =	sadd.s32 @!p1 s3, s2;
	s0 =	sadd.s32 @!p1 $0x100, s0  }
0x2a: {  	[tilespmem:s0], [sflag:$0x7] =	stream.linear.gather @!p1 [hbm4b:s2+s22], $0x1F40, $0x38;
	[tilespmem:$0x11A60] =	vst v63  }
0x2b: {  	s0 =	sadd.s32 $0xFFFFFFFF, s24  }
0x2c: {  	p1 =	sge.u32 s0, s9  }
.Ltmp2:
0x2d: {  	_ = 	snop;
	(pc) =	sbr.rel @p1 .LBB2_5-.Ltmp2, $1  }
0x2e: {  	_ =	sdelay $0x3  }
0x2f: {  	s2 =	smulhi.u32 $0xAAAAAAAB, s0;
	_ =	sdelay $0x1  }
0x30: {  	s2 =	sshrl.u32 s2, $0x1  }
0x31: {  	s2 =	smul.u32 $0x3, s2;
	_ =	sdelay $0x1  }
0x32: {  	s2 =	ssub.s32 s0, s2  }
0x33: {  	s2 =	smul.u32 $0x7D00, s2  }
0x34: {  	_ =	swait.ge [sflag:s7], $0x1F40  }
0x35: {  	[sflag:s7] =	ssyncset.done $0x0;
	s2 =	sshrl.u32 s2, $0x2  }
0x36: {  	[sflag:s7] =	ssyncadd.s32 $0xFFFFE0C0;
	(ifvalue) =	ssetifvalue $0xFFFFFFFF;
	v3 =	vld.msk [tilespmem:s2+$0x100 ss:$0x1], $0xffff;
	_ =	sdelay $0x2  }
0x37: {  	s30 =	smulhi.u32 $0xAAAAAAAB, s18;
	p1 =	sne.s32 s24, $0x1  }
0x38: {  	v4 =	vimm.s32 @!p1 $0x0  }
0x39: {  	s2 =	sshrl.u32 s30, $0x1;
	v4 =	vperm.xlane @!p1 v3, v4  }
0x3a: {  	s22 =	sshll.u32 s24, $0x4;
	s2 =	smul.u32 $0xFFFE8900, s2;
	vm4 =	vlt.u32 v3, $0x2800  }
0x3b: {  	s22 =	sand.u32 $0x10, s22;
	v3 =	vnsel vm4, $0xFFFFFFFE, v3;
	vm4 =	vlt.u32 @!p1 v4, $0x2800  }
0x3c: {  	s2 =	sshra.s32 s2, $0x2;
	[tilespmem:s22+$0x60] =	vst v3;
	v3 =	vnsel @!p1 vm4, $0xFFFFFFFE, v4  }
0x3d: {  	s28 =	sadd.s32 s2, s17;
	[tilespmem:$0x80] =	vst @!p1 v3  }
0x3e: {  	v3 =	vld.msk [tilespmem:s28+$0x0 ss:$0x1], $0xffff;
	_ =	sdelay $0x4  }
0x3f: {  	(xrf1) =	vunique.msk.u32 $0xffff, v3;
	_ =	sdelay $0xd  }
0x40: {  	v4 =	vimm.s32 $0xFFFFFFFF;
	v5, _, _ =	vpop (xrf1)  }
0x41: {  	vm5 =	vne.s32 v3, v4;
	vm4 =	veq.s32 v5, v2  }
0x42: {  	vm6 =	vlt.u32 v3, $0x2800;
	vm4 =	vmand vm5, vm4  }
0x43: {  	vm4 =	vmand vm6, vm4  }
0x44: {  	v4 =	vnsel vm4, $0xFFFFFFFF, v3  }
0x45: {  	s31 =	sand.u32 $0x1, s0  }
0x46: {  	s0 =	simm.s32 $0x1F40;
	p1 =	seq.s32 s31, $0x1  }
0x47: {  	s0 =	simm.s32 @!p1 $0x0  }
0x48: {  	s26 =	sadd.s32 $0x7DF0, s0;
	(ifvalue) =	ssetifvalue $0xFFFFFFFF  }
0x49: {  	v3 =	vperm.xlane v3, v1;
	[tilespmem:s26], [sflag:$0x8] =	stream.indirect_vreg.gather [hbm4b:s1+s16], $0x1, v4, vm0, $0x4038;
	v4 =	vnsel vm6, $0xFFFFFFFE, v4;
	[tilespmem:$0x11A60] =	vst v63  }
0x4a: {  	s2 =	simm.s32 $0x0;
	s22 =	sadd.s32 $0xFFFFFFF0, s28;
	[tilespmem:s28+$0x0] =	vst v4  }
.LBB2_3:
0x4b: {  	v4 =	vld.msk [tilespmem:s22+$0x0 ss:$0x1], $0xffff;
	s2 =	sadd.s32 $0x10, s2;
	v5 =	vmov v3;
	s28 =	smov.u32 s22  }
0x4c: {  	p1 =	slt.u32 s2, $0x1F30;
	_ =	sdelay $0x4  }
0x4d: {  	v3 =	vperm.xlane v4, v1;
	(xrf1) =	vunique.msk.u32 $0xffff, v4;
	_ =	sdelay $0xd  }
0x4e: {  	v6, _, _ =	vpop (xrf1)  }
0x4f: {  	vm5 =	vne.s32 v4, v5;
	vm4 =	veq.s32 v6, v2  }
0x50: {  	vm6 =	vlt.u32 v4, $0x2800;
	vm4 =	vmand vm5, vm4  }
0x51: {  	vm4 =	vmand vm6, vm4  }
0x52: {  	v4 =	vnsel vm4, $0xFFFFFFFF, v4  }
.Ltmp3:
0x53: {  	v5 =	vnsel vm6, $0xFFFFFFFE, v4;
	(pc) =	sbr.rel @p1 .LBB2_3-.Ltmp3, $3  }
0x54: {  	_ =	sdelay $0x1  }
0x55: {  	s22 =	sadd.s32 $0xFFFFFFF0, s22;
	s26 =	sadd.s32 $0xFFFFFFF0, s26;
	(ifvalue) =	ssetifvalue $0xFFFFFFFF  }
0x56: {  	[tilespmem:s26], [sflag:$0x8] =	stream.indirect_vreg.gather [hbm4b:s1+s16], $0x1, v4, vm0, $0x4038;
	[tilespmem:s28+$0x0] =	vst v5  }
0x57: {  	s2 =	sshrl.u32 s25, $0x3  }
0x58: {  	s0 =	sadd.s32 $0x9D40, s0;
	s2 =	sadd.s32 s6, s2  }
0x59: {  	[tilespmem:s0], [sflag:$0x8] =	stream.linear.gather [hbm:s2], $0x1F40, $0x38;
	[tilespmem:$0x11A60] =	vst v63  }
.LBB2_5:
0x5a: {  	p1 =	slt.u32 s24, $0x2  }
0x5b: {  	p2 =	sge.u32 @!p1 s24, s12  }
0x5c: {  	p1 =	por p1, p2  }
.Ltmp4:
0x5d: {  	_ = 	snop;
	(pc) =	sbr.rel @p1 .LBB2_9-.Ltmp4, $1  }
0x5e: {  	_ =	sdelay $0x3  }
0x5f: {  	s0 =	sadd.s32 $0xFFFFFFFE, s24  }
0x60: {  	s2 =	smulhi.u32 $0xAAAAAAAB, s0;
	_ =	sdelay $0x1  }
0x61: {  	s2 =	sshrl.u32 s2, $0x1  }
0x62: {  	s2 =	smul.u32 $0x3, s2;
	_ =	sdelay $0x1  }
0x63: {  	s0 =	ssub.s32 s0, s2  }
0x64: {  	_ =	swait.ge [sflag:s8], $0x3E80;
	s0 =	smul.u32 $0x1F40, s0  }
0x65: {  	p1 =	sne.s32 s24, s11;
	[sflag:s8] =	ssyncset.done $0x0  }
0x66: {  	[sflag:s8] =	ssyncadd.s32 $0xFFFFC180;
	s2 =	sadd.s32 @!p1 $0x203F, s0  }
0x67: {  	[spmem:s13] =	stream.linear.scatter @!p1 [tilespmem:s2], [sflag:$0x1], $0x1, $0x38;
	[tilespmem:$0x11A60] =	vst v63  }
0x68: {  	s2 =	simm.s32 @!p1 $0x1  }
0x69: {  	_ =	swait.ge @!p1 [sflag:s2], $0x1  }
0x6a: {  	s22 =	sshll.u32 s24, $0x4;
	[sflag:s2] =	ssyncset.done @!p1 $0x0  }
0x6b: {  	s25 =	sand.u32 $0x10, s22;
	[sflag:s2] =	ssyncadd.s32 @!p1 $0xFFFFFFFF  }
0x6c: {  	s2 =	sxor.u32 $0x10, s25;
	v4 =	vld [tilespmem:s25+$0x10]  }
0x6d: {  	v5 =	vld [tilespmem:s2+$0x60]  }
0x6e: {  	v3 =	vld [tilespmem:$0x80];
	_ =	sdelay $0x2  }
0x6f: {  	(v2sf) =	vpush v4, $0x0  }
0x70: {  	(v2sf) =	vpush v5, $0x0  }
0x71: {  	(v2sf) =	vpush v3, $0x0;
	_ =	sdelay $0xc  }
0x72: {  	s22 =	spop (v2sf)  }
0x73: {  	s26 =	spop (v2sf)  }
0x74: {  	s28 =	spop (v2sf)  }
0x75: {  	p2 =	seq.s32 s22, s26;
	p3 =	seq.s32 s28, s22  }
0x76: {  	p3 =	por p2, p3  }
0x77: {  	s26 =	sand.u32 $0x1, s24;
	v4 =	vpsel p3, $0xFFFFFFFF, v4  }
0x78: {  	s29 =	smul.u32 $0x1F40, s26;
	[tilespmem:s25+$0x10] =	vst.msk $0x1, v4  }
0x79: {  	v4 =	vld [tilespmem:$0x30]  }
0x7a: {  	v5 =	vld [tilespmem:s29+$0x9D40]  }
0x7b: {  	v6 =	vld [tilespmem:s25+$0x40];
	_ =	sdelay $0x3  }
0x7c: {  	vm4 =	vmmov vm1;
	v5 =	vadd.f32 v5, v4  }
0x7d: {  	vm5 =	vmmov vm2;
	vm4 =	vmmov @p2 vm2;
	s22 =	sshll.u32 s26, $0x4;
	v4 =	vadd.f32 v6, v4  }
0x7e: {  	s26 =	sor.u32 $0x11A40, s22;
	vm5 =	vmmov @p3 vm1;
	[tilespmem:s29+$0x9D40] =	vst.msk vm4, v5  }
0x7f: {  	[tilespmem:s26+$0x0] =	vst.msk vm5, v4  }
0x80: {  	v4 =	vld [tilespmem:s29+$0x7DF0];
	_ =	sdelay $0x3  }
0x81: {  	v5 =	vimm.f32 $0.0e+00  }
0x82: {  	v4 =	vshift.insert v4, v5, s21  }
0x83: {  	s22 =	sor.u32 $0x40, s2  }
0x84: {  	[tilespmem:s22+$0x0] =	vst.msk $0x1, v4  }
0x85: {  	[tilespmem:s29+$0x7DFF] =	vst.msk $0x1, v5  }
0x86: {  	v4 =	vld [tilespmem:s0+$0x2030];
	_ =	sdelay $0x1  }
0x87: {  	s22 =	smulhi.u32 $0xAAAAAAAB, s20;
	s0 =	simm.s32 $0x1  }
0x88: {  	s0 =	simm.s32 @!p0 $0x0  }
0x89: {  	s22 =	sshrl.u32 s22, $0x1;
	s0 =	smul.u32 $0x7D00, s0  }
0x8a: {  	s22 =	smul.u32 $0xFFFE8900, s22;
	v4 =	vshift.insert v4, v1, s21  }
0x8b: {  	s0 =	sshrl.u32 s0, $0x2  }
0x8c: {  	s22 =	sshra.s32 s22, $0x2;
	s30 =	sadd.s32 $0x9D40, s0;
	[tilespmem:s2+$0x10] =	vst.msk $0x1, v4  }
0x8d: {  	s22 =	sadd.s32 s22, s19;
	v6 =	vld [tilespmem:s30+$0x0]  }
0x8e: {  	v7 =	vld [tilespmem:s22+$0x0];
	_ =	sdelay $0x3  }
0x8f: {  	v5 =	vadd.f32 v6, v5  }
0x90: {  	vm4 =	vne.s32 v7, $0xFFFFFFFF  }
0x91: {  	(xrf2) =	vadd.seg.scan.f32 vm4, v5;
	_ =	sdelay $0x3  }
0x92: {  	s31 =	sadd.s32 $0x5EC0, s0;
	v5 =	vperm.xlane v4, v1  }
0x93: {  	v6 =	vld [tilespmem:s31+$0x0]  }
0x94: {  	vm5 =	veq.s32 v7, v3;
	vm6 =	veq.s32 v7, v5  }
0x95: {  	vm7 =	vgt.u32 v7, $0xFFFFFFFD;
	vm6 =	vmor vm6, vm5  }
0x96: {  	vm6 =	vmor vm6, vm7  }
0x97: {  	v9 =	vld [tilespmem:$0xA0];
	v7 =	vsel vm6, $0xFFFFFFFF, v7  }
0x98: {  	v10 =	vld [tilespmem:$0x90];
	v6 =	vsel vm5, $0x0, v6;
	v8, _, _ =	vpop (xrf2)  }
0x99: {  	v6 =	vadd.f32 v8, v6  }
0x9a: {  	s0 =	sadd.s32 $0xDBC0, s0  }
0x9b: {  	vm4 =	vmand vm4, vm3;
	[tilespmem:s0+$0x0] =	vst v6;
	(ifvalue) =	ssetifvalue $0xFFFFFFFF  }
0x9c: {  	vm6 =	veq.s32 v9, $0x1;
	[hbm4b:s1+s16] =	stream.indirect_vreg.scatter [tilespmem:s0], [sflag:$0x2], $0x1, v7, vm0, $0x4038;
	v7 =	vsel vm4, $0x0, v8;
	[tilespmem:$0x11A60] =	vst v63  }
0x9d: {  	s2 =	simm.s32 $0x0;
	s22 =	sadd.s32 $0x10, s22;
	vm4 =	vmor vm6, vm5;
	v6 =	vsel vm5, v8, v10;
	v7 =	vshift.insert v7, v0, s21  }
.LBB2_7:
0x9e: {  	v8 =	vld [tilespmem:s22+$0x0];
	s30 =	sadd.s32 $0x10, s30  }
0x9f: {  	s31 =	sadd.s32 $0x10, s31;
	v9 =	vld [tilespmem:s30+$0x0]  }
0xa0: {  	s2 =	sadd.s32 $0x10, s2;
	v10 =	vld [tilespmem:s31+$0x0]  }
0xa1: {  	p2 =	slt.u32 s2, $0x1F30;
	_ =	sdelay $0x2  }
0xa2: {  	v7 =	vadd.f32 v9, v7  }
0xa3: {  	vm5 =	vne.s32 v8, $0xFFFFFFFF  }
0xa4: {  	vm6 =	vmand vm5, vm3;
	(xrf2) =	vadd.seg.scan.f32 vm5, v7;
	_ =	sdelay $0x5  }
0xa5: {  	vm7 =	veq.s32 v8, v5;
	vm5 =	veq.s32 v8, v3  }
0xa6: {  	vm8 =	vgt.u32 v8, $0xFFFFFFFD;
	vm4 =	vmor vm4, vm5;
	vm7 =	vmor vm7, vm5  }
0xa7: {  	vm7 =	vmor vm7, vm8  }
0xa8: {  	v8 =	vsel vm7, $0xFFFFFFFF, v8  }
.Ltmp5:
0xa9: {  	v7 =	vsel vm5, $0x0, v10;
	v9, _, _ =	vpop (xrf2);
	(pc) =	sbr.rel @p2 .LBB2_7-.Ltmp5, $4  }
0xaa: {  	v6 =	vsel vm5, v9, v6;
	v10 =	vadd.f32 v9, v7;
	v7 =	vsel vm6, $0x0, v9  }
0xab: {  	s0 =	sadd.s32 $0x10, s0;
	v7 =	vshift.insert v7, v0, s21  }
0xac: {  	s22 =	sadd.s32 $0x10, s22;
	[tilespmem:s0+$0x0] =	vst v10;
	(ifvalue) =	ssetifvalue $0xFFFFFFFF  }
0xad: {  	[hbm4b:s1+s16] =	stream.indirect_vreg.scatter [tilespmem:s0], [sflag:$0x2], $0x1, v8, vm0, $0x4038;
	[tilespmem:$0x11A60] =	vst v63  }
0xae: {  	v3 =	vld [tilespmem:s29+$0xFAF0];
	_ =	sdelay $0x4  }
0xaf: {  	v3 =	vshift.insert v3, v0, s21  }
0xb0: {  	s0 =	simm.s32 $0x30  }
0xb1: {  	[tilespmem:s0+$0x0] =	vst.msk $0x1, v3  }
0xb2: {  	v3 =	vsel vm4, $0x1, v1;
	[tilespmem:$0x90] =	vst v6  }
0xb3: {  	s0 =	sadd.s32 @!p1 $0xFAFF, s29;
	[tilespmem:$0xA0] =	vst v3  }
0xb4: {  	[spmem:s14] =	stream.linear.scatter @!p1 [tilespmem:s0], [sflag:$0x1], $0x1, $0x38;
	[tilespmem:$0x11A60] =	vst v63  }
0xb5: {  	s0 =	simm.s32 @!p1 $0x1  }
0xb6: {  	v3 =	vmctz.xlane @!p1 vm4;
	_ =	swait.ge @!p1 [sflag:s0], $0x1  }
0xb7: {  	(v2sf) =	vpush @!p1 v4, $0x0  }
0xb8: {  	(v2sf) =	vpush @!p1 v3, $0x0;
	_ =	sdelay $0xd  }
0xb9: {  	s2 =	spop @!p1 (v2sf)  }
0xba: {  	s22 =	spop @!p1 (v2sf)  }
0xbb: {  	p2 =	sne.s32 @!p1 s28, s2;
	p3 =	slt.s32 @!p1 s22, $0xF  }
0xbc: {  	[sflag:s0] =	ssyncset.done @!p1 $0x0;
	p2 =	por p2, p1;
	p3 =	por !p3, p1  }
0xbd: {  	[sflag:s0] =	ssyncadd.s32 @!p1 $0xFFFFFFFF;
	v3 =	vimm.s32 @!p2 $0xFFFFFFFF;
	s22 =	simm.s32 @p3 $0xF  }
0xbe: {  	[tilespmem:$0x80] =	vst @!p2 v3;
	s2 =	sadd.s32 @!p1 $0x90, s22  }
0xbf: {  	[spmem:s10] =	stream.linear.scatter @!p1 [tilespmem:s2], [sflag:$0x1], $0x1, $0x38;
	[tilespmem:$0x11A60] =	vst v63  }
0xc0: {  	_ =	swait.ge @!p1 [sflag:s0], $0x1  }
0xc1: {  	[sflag:s0] =	ssyncset.done @!p1 $0x0  }
0xc2: {  	s2 =	simm.s32 @!p1 $0x80;
	[sflag:s0] =	ssyncadd.s32 @!p1 $0xFFFFFFFF  }
0xc3: {  	[spmem:s15] =	stream.linear.scatter @!p1 [tilespmem:s2], [sflag:$0x1], $0x1, $0x38;
	[tilespmem:$0x11A60] =	vst v63  }
0xc4: {  	_ =	swait.ge @!p1 [sflag:s0], $0x1  }
0xc5: {  	[sflag:s0] =	ssyncset.done @!p1 $0x0  }
0xc6: {  	[sflag:s0] =	ssyncadd.s32 @!p1 $0xFFFFFFFF;
	(ifvalue) =	ssetifvalue $0xFFFFFFFF;
	v3 =	vld [tilespmem:s25+$0x10];
	_ =	sdelay $0x3  }
.Ltmp6:
0xc7: {  	_ = 	snop;
	(pc) =	sbr.rel .LBB2_9-.Ltmp6, $3  }
0xc8: {  	_ =	sdelay $0x1  }
0xc9: {  	(ifvalue) =	ssetifvalue $0xFFFFFFFF  }
0xca: {  	[hbm4b:s1+s16] =	stream.indirect_vreg.scatter [tilespmem:s26], [sflag:$0x9], $0x1, v3, vm0, $0x4038;
	[tilespmem:$0x11A60] =	vst v63  }
.LBB2_10:
0xcb: {  	_ =	sfence.sel $0x180000  }
0xcc: {  	s0 =	simm.s32 $0x7;
	[bflag:$0x0] =	sbarrier.arrive $0xFFFF  }
0xcd: {  	s26 =	simm.s32 $0x8;
	[sflag:s0] =	ssyncpa.u1 $0x1  }
0xce: {  	s28 =	simm.s32 $0x9;
	[sflag:s26] =	ssyncpa.u1 $0x1  }
0xcf: {  	[sflag:s28] =	ssyncpa.u1 $0x1  }
0xd0: {  	_ =	sfence.stream.spmem  }
0xd1: {  	s29 =	simm.s32 $0x3;
	[bflag:$0x0] =	sbarrier.arrive $0xFFFF  }
0xd2: {  	s30 =	simm.s32 $0x4;
	[sflag:s29] =	ssyncpa.u1 $0x1  }
0xd3: {  	s31 =	simm.s32 $0x3C;
	s2 =	stileid.u32;
	[sflag:s30] =	ssyncpa.u1 $0x1  }
0xd4: {  	p0 =	sne.s32 s2, $0x0;
	[sflag:s31] =	ssyncpa.u1 $0x1  }
0xd5: {  	s0 =	simm.s32 @p0 $0x1;
	_ =	sfence @p0  }
0xd6: {  	[sflag:s0] =	ssyncpa.u1 @p0 $0x1;
	s0 =	simm.s32 @p0 $0x2  }
0xd7: {  	[sflag:s0] =	ssyncpa.u1 @p0 $0x1  }
0xd8: {  	_ =	strace @p0 $0x9000005F  }
0xd9: {  	[bflag:$0x2] =	sbarrier.arrive @p0 $0xFFFF  }
0xda: {  	_ =	shalt @p0  }
.LBB2_11:
0xdb: {  	_ =	sfence.stream.spmem;
	s0 =	simm.s32 $0x5  }
0xdc: {  	s2 =	simm.s32 $0x80;
	s3 =	simm.s32 $0xC0;
	[sflag:s0] =	ssyncpa.u1 $0x0  }
0xdd: {  	[tilespmem:s3], [sflag:$0x5] =	stream.linear.gather [spmem:s2], $0x20, $0x38;
	[tilespmem:$0x11A60] =	vst v63  }
0xde: {  	s2 =	simm.s32 $0x0;
	s3 =	simm.s32 $0xE0  }
0xdf: {  	[tilespmem:s3], [sflag:$0x5] =	stream.linear.gather [spmem:s2], $0x20, $0x38;
	[tilespmem:$0x11A60] =	vst v63  }
.Ltmp7:
0xe0: {  	_ = 	snop;
	(pc) =	sbr.rel .LBB2_12-.Ltmp7, $4  }
0xe1: {  	_ =	swait.ge [sflag:s0], $0x40  }
0xe2: {  	[sflag:s0] =	ssyncset.done $0x0  }
0xe3: {  	s31 =	simm.s32 $0x6;
	[sflag:s0] =	ssyncadd.s32 $0xFFFFFFC0  }
0xe4: {  	s4 =	simm.s32 $0x0;
	[sflag:s31] =	ssyncpa.u1 $0x0  }
.LBB2_17:
0xe5: {  	p0 =	sgt.u32 s5, $0x27FF  }
0xe6: {  	s0 =	sshrl.u32 @!p0 s5, $0x3  }
0xe7: {  	s5 =	sand.u32 @!p0 $0x7, s5;
	s6 =	simm.s32 @!p0 $0xB0;
	s0 =	sadd.s32 @!p0 s1, s0  }
0xe8: {  	[tilespmem:s6], [sflag:$0x6] =	stream.linear.gather @!p0 [hbm4b:s0+s5], $0x1, $0x38;
	[tilespmem:$0x11A60] =	vst v63  }
0xe9: {  	s0 =	simm.s32 @!p0 $0x6  }
0xea: {  	_ =	swait.ge @!p0 [sflag:s0], $0x1  }
0xeb: {  	[sflag:s0] =	ssyncset.done @!p0 $0x0  }
0xec: {  	[sflag:s0] =	ssyncadd.s32 @!p0 $0xFFFFFFFF  }
0xed: {  	v2 =	vmov @!p0 s4;
	v1 =	vld.msk @!p0 [tilespmem:$0xB0], $0x1;
	_ =	sdelay $0x3  }
0xee: {  	s0 =	simm.s32 @!p0 $0xE0  }
0xef: {  	[tilespmem:v2+s0+$0x0], v1 =	vst.idx.ret.add.f32.msk @!p0 $0x1, v1  }
0xf0: {  	[tilespmem:s2+$0xC0] =	vst.msk $0x1, v0  }
0xf1: {  	v0 =	vld.msk [tilespmem:s4+$0xE0], $0x1;
	_ =	sdelay $0x4  }
0xf2: {  	[tilespmem:s2+$0xE0] =	vst.msk $0x1, v0;
	s2 =	sadd.s32 $0x1, s2  }
.LBB2_19:
0xf3: {  	s4 =	sadd.s32 $0x1, s4  }
0xf4: {  	p0 =	sne.s32 s4, $0x20  }
.Ltmp8:
0xf5: {  	_ = 	snop;
	(pc) =	sbr.rel @!p0 .LBB2_20-.Ltmp8, $1  }
0xf6: {  	_ =	sdelay $0x3  }
.LBB2_12:
0xf7: {  	v0 =	vld.msk [tilespmem:s4+$0xC0], $0x1;
	_ =	sdelay $0x4  }
0xf8: {  	(v2sf) =	vpush v0, $0x0;
	_ =	sdelay $0xe  }
0xf9: {  	s5 =	spop (v2sf)  }
0xfa: {  	p0 =	seq.s32 s5, $0xFFFFFFFF  }
.Ltmp9:
0xfb: {  	_ = 	snop;
	(pc) =	sbr.rel @p0 .LBB2_19-.Ltmp9, $1  }
0xfc: {  	_ =	sdelay $0x3  }
0xfd: {  	p0 =	slt.s32 s2, $0x1  }
.Ltmp10:
0xfe: {  	_ = 	snop;
	(pc) =	sbr.rel @p0 .LBB2_17-.Ltmp10, $1  }
0xff: {  	_ =	sdelay $0x3  }
0x100: {  	s0 =	simm.s32 $0xC0;
	p0 =	por $0x0, $0x0  }
0x101: {  	v1 =	vld.msk @!p0 [tilespmem:s0+$0x0], $0x1;
	_ =	sdelay $0x4  }
0x102: {  	(v2sf) =	vpush @!p0 v1, $0x0;
	_ =	sdelay $0xd  }
0x103: {  	p2 =	sne.s32 s2, $0x1  }
.Ltmp11:
0x104: {  	s6 =	spop @!p0 (v2sf);
	(pc) =	sbr.rel @!p2 .LBB2_16-.Ltmp11, $4  }
0x105: {  	p1 =	seq.s32 @!p0 s5, s6  }
0x106: {  	s6 =	simm.s32 $0x0;
	p1 =	por !p1, p0  }
0x107: {  	s8 =	simm.s32 $0xFFFFFFFF;
	s6 =	simm.s32 @p1 $0xFFFFFFFF  }
0x108: {  	s7 =	simm.s32 $0x1;
	s6 =	smov.u32 @p0 s8  }
.LBB2_15:
0x109: {  	s8 =	smov.u32 s6;
	p0 =	sne.s32 s6, $0xFFFFFFFF  }
0x10a: {  	s0 =	sadd.s32 $0x1, s0;
	s6 =	smov.u32 s7;
	s7 =	sadd.s32 $0x1, s7  }
0x10b: {  	p1 =	sne.s32 s2, s7;
	v1 =	vld.msk @!p0 [tilespmem:s0+$0x0], $0x1;
	_ =	sdelay $0x4  }
0x10c: {  	(v2sf) =	vpush @!p0 v1, $0x0;
	_ =	sdelay $0xe  }
.Ltmp12:
0x10d: {  	s9 =	spop @!p0 (v2sf);
	(pc) =	sbr.rel @p1 .LBB2_15-.Ltmp12, $4  }
0x10e: {  	p2 =	seq.s32 @!p0 s5, s9  }
0x10f: {  	p2 =	por !p2, p0  }
0x110: {  	s6 =	simm.s32 @p2 $0xFFFFFFFF  }
0x111: {  	s6 =	smov.u32 @p0 s8  }
.LBB2_16:
0x112: {  	p0 =	sne.s32 s6, $0xFFFFFFFF  }
.Ltmp13:
0x113: {  	_ = 	snop;
	(pc) =	sbr.rel @!p0 .LBB2_17-.Ltmp13, $1  }
0x114: {  	_ =	sdelay $0x3  }
0x115: {  	v0 =	vld.msk [tilespmem:s4+$0xE0], $0x1;
	v1 =	vmov s6  }
.Ltmp14:
0x116: {  	_ = 	snop;
	(pc) =	sbr.rel .LBB2_19-.Ltmp14, $2  }
0x117: {  	_ =	sdelay $0x2  }
0x118: {  	[tilespmem:v1+s3+$0x0], v0 =	vst.idx.ret.add.f32.msk $0x1, v0  }
.LBB2_20:
0x119: {  	p0 =	slt.s32 s2, $0x1  }
.Ltmp15:
0x11a: {  	_ = 	snop;
	(pc) =	sbr.rel @p0 .LBB2_24-.Ltmp15, $3  }
0x11b: {  	_ =	sdelay $0x1  }
0x11c: {  	s0 =	simm.s32 $0x6  }
0x11d: {  	s3 =	simm.s32 $0x0;
	[sflag:s0] =	ssyncpa.u1 $0x1  }
0x11e: {  	s0 =	simm.s32 $0xC0  }
0x11f: {  	v0 =	vld.msk [tilespmem:s0+$0x0], $0x1;
	_ =	sdelay $0x4  }
0x120: {  	(v2sf) =	vpush v0, $0x0;
	_ =	sdelay $0xe  }
0x121: {  	s2 =	sadd.s32 $0xFFFFFFFF, s2;
	s4 =	spop (v2sf)  }
0x122: {  	p1 =	sne.s32 s2, $0x0;
	p0 =	sgt.u32 s4, $0x27FF  }
.Ltmp16:
0x123: {  	s5 =	sshrl.u32 @!p0 s4, $0x3;
	(pc) =	sbr.rel @!p1 .LBB2_23-.Ltmp16, $4  }
0x124: {  	s0 =	simm.s32 $0xE0;
	s4 =	sand.u32 @!p0 $0x7, s4;
	s5 =	sadd.s32 @!p0 s1, s5  }
0x125: {  	[hbm4b:s5+s4] =	stream.linear.scatter @!p0 [tilespmem:s0], [sflag:$0x5], $0x1, $0x38;
	[tilespmem:$0x11A60] =	vst v63  }
0x126: {  	s5 =	simm.s32 $0x0  }
0x127: {  	s4 =	simm.s32 $0xC1;
	s5 =	simm.s32 @!p0 $0x4  }
.LBB2_22:
0x128: {  	v0 =	vld.msk [tilespmem:s4+$0x0], $0x1;
	s2 =	sadd.s32 $0xFFFFFFFF, s2;
	s3 =	sadd.s32 s3, s5  }
0x129: {  	p0 =	sne.s32 s2, $0x0;
	_ =	sdelay $0x3  }
0x12a: {  	(v2sf) =	vpush v0, $0x0;
	_ =	sdelay $0xe  }
.Ltmp17:
0x12b: {  	s6 =	spop (v2sf);
	(pc) =	sbr.rel @p0 .LBB2_22-.Ltmp17, $4  }
0x12c: {  	s5 =	simm.s32 $0x0;
	p1 =	sgt.u32 s6, $0x27FF  }
0x12d: {  	s0 =	sadd.s32 $0x1, s0;
	s5 =	simm.s32 @!p1 $0x4;
	s7 =	sshrl.u32 @!p1 s6, $0x3  }
0x12e: {  	s4 =	sadd.s32 $0x1, s4;
	s6 =	sand.u32 @!p1 $0x7, s6;
	s7 =	sadd.s32 @!p1 s1, s7  }
0x12f: {  	[hbm4b:s7+s6] =	stream.linear.scatter @!p1 [tilespmem:s0], [sflag:$0x5], $0x1, $0x38;
	[tilespmem:$0x11A60] =	vst v63  }
.LBB2_23:
0x130: {  	s0 =	sadd.s32 s3, s5  }
0x131: {  	s3 =	sshrl.u32 s0, $0x2  }
.LBB2_24:
0x132: {  	s0 =	simm.s32 $0x5  }
0x133: {  	_ =	swait.ge [sflag:s0], s3  }
0x134: {  	s1 =	ssub.s32 $0x0, s3;
	[sflag:s0] =	ssyncset.done $0x0  }
0x135: {  	[sflag:s0] =	ssyncadd.s32 s1  }
0x136: {  	[sflag:s0] =	ssyncpa.u1 $0x1  }
0x137: {  	s29 =	simm.s32 $0x1;
	_ =	sfence  }
0x138: {  	s30 =	simm.s32 $0x2;
	[sflag:s29] =	ssyncpa.u1 $0x1  }
0x139: {  	[sflag:s30] =	ssyncpa.u1 $0x1  }
0x13a: {  	_ =	strace $0x9000005F  }
0x13b: {  	[bflag:$0x2] =	sbarrier.arrive $0xFFFF  }
0x13c: {  	s31 =	rddreg [dreg:$0x1]  }
0x13d: {  	s0 =	sadd.s32 $0x100000, s31  }
0x13e: {  	[sflag:s0] =	ssyncadd.tile.s32 $0x1;
	_ =	shalt  }
.Lfunc_end2:
_tile_overlayer_lowered:
.L_overlay_start_2:
0x13f: {  	(tag) =	ssettag $0x2  }
0x140: {  	s0 =	rddreg [dreg:$0x0];
	s2 =	stileid.u32  }
0x141: {  	s1 =	rddreg [dreg:$0x1];
	p0 =	sne.s32 s2, $0x0  }
0x142: {  	s3 =	rddreg [dreg:$0x2];
	[bflag:$0x3] =	sbarrier.arrive $0xFFFF;
	s2 =	simm.s32 @!p0 $0x1C01  }
0x143: {  	[timem:s3], [sflag:s2] =	dma.local @!p0 [hbm:s0], s1  }
0x144: {  	s0 =	simm.s32 @!p0 $0x1  }
0x145: {  	_ =	swait.ge @!p0 [sflag:s0], s1  }
0x146: {  	s1 =	ssub.s32 @!p0 $0x0, s1;
	[sflag:s0] =	ssyncset.done @!p0 $0x0  }
0x147: {  	[sflag:s0] =	ssyncadd.s32 @!p0 s1  }
0x148: {  	[bflag:$0x3] =	sbarrier.arrive $0xFFFF  }
0x149: {  	_ =	shalt  }

// kernel: scatter_offload_async_start.5
scs
__scs_entry_jumppad:
0x0: {  	(pc) =	sbr.rel $0x88, $3  }
0x1: {  	(tag) =	ssettag $0x0;
	lr =	simm.s32 $0x1  }
0x2: {  	[smem:$0x3F89] =	sst lr;
	_ =	strace $0xD0000000  }
0x3: {  	_ = 	snop  }
0x4: {  	_ = 	snop  }
0x5: {  	_ = 	snop  }
0x6: {  	_ = 	snop  }
0x7: {  	_ = 	snop  }
__scs_overlays_trampoline_lowered:
0x8: {  	[smem:$0x3F98] =	sst s0  }
0x9: {  	[smem:$0x3F99] =	sst s1  }
0xa: {  	[smem:$0x3F9A] =	sst s2  }
0xb: {  	[smem:$0x3F9B] =	sst s3  }
0xc: {  	[smem:$0x3F9C] =	sst s4  }
0xd: {  	[smem:$0x3F9D] =	sst s5  }
0xe: {  	[smem:$0x3F9E] =	sst s6  }
0xf: {  	[smem:$0x3F9F] =	sst s7  }
0x10: {  	[smem:$0x3FA0] =	sst s8  }
0x11: {  	[smem:$0x3FA1] =	sst s9;
	s0 =	simm.s32 @!p0 $0x0  }
0x12: {  	s1 =	sld [smem:$0x3F87];
	s0 =	simm.s32 @p0 $0x1  }
0x13: {  	[smem:$0x3FA2] =	sst s0;
	s0 =	simm.s32 @!p1 $0x0  }
0x14: {  	s2 =	sld [smem:$0x3F86];
	s0 =	simm.s32 @p1 $0x1  }
0x15: {  	[smem:$0x3FA3] =	sst s0;
	s0 =	simm.s32 @!p2 $0x0  }
0x16: {  	s3 =	sld [smem:$0x3FDB];
	s0 =	simm.s32 @p2 $0x1  }
0x17: {  	s4 =	simm.s32 $0x1BF5;
	[smem:$0x3FA5] =	sst s0  }
0x18: {  	s0 =	sld [smem:$0x3F88];
	_ =	swait.ge [sflag:s4], $0x0  }
0x19: {  	s7 =	sld [smem:$0x3F89]  }
0x1a: {  	s8 =	sadd.s32 $0xFFFFE003, lr  }
0x1b: {  	s9 =	sadd.s32 $0xFFFFFEF7, lr;
	s5 =	simm.s32 $0xFFFFFFFF;
	p2 =	slt.u32 s8, $0xFFFFF086  }
0x1c: {  	p1 =	slt.u32 s9, $0xF7A;
	s5 =	simm.s32 @!p2 $0x0  }
0x1d: {  	s5 =	simm.s32 @p1 $0x1;
	p0 =	seq.s32 s7, s2  }
0x1e: {  	s7 =	smul.u32 @!p0 $0xF7A, s2;
	p2 =	seq.s32 @!p0 s5, $0x0  }
0x1f: {  	s9 =	smul.u32 $0xF7A, s1;
	s8 =	simm.s32 @!p0 $0x1BF5;
	p2 =	por !p2, p0  }
0x20: {  	[sflag:s8] =	ssyncset.s32 @!p0 $0xFFFFF086;
	s6 =	sadd.s32 @!p0 s3, s7;
	s7 =	simm.s32 @!p0 $0x108  }
0x21: {  	s3 =	sadd.s32 s3, s9;
	s6 =	sadd.s32 @!p0 $0x88, s6;
	s7 =	simm.s32 @p2 $0x1082  }
0x22: {  	[simem:s7], [sflag:s8] =	dma.local @!p0 [hbm:s6], $0xF7A  }
0x23: {  	s9 =	sor.u32 $0xD0000000, s2;
	s6 =	simm.s32 $0x108;
	_ =	swait.ge @!p0 [sflag:s8], $0x0  }
0x24: {  	s3 =	sadd.s32 $0x88, s3;
	s6 =	simm.s32 @!p1 $0x1082;
	[sflag:s4] =	ssyncset.s32 $0xFFFFF086  }
0x25: {  	[simem:s6], [sflag:s4] =	dma.local [hbm:s3], $0xF7A  }
0x26: {  	[smem:$0x3F89] =	sst s1;
	(tag) =	ssettag s2;
	_ =	strace s9  }
0x27: {  	s1 =	sld [smem:$0x3F99]  }
0x28: {  	s2 =	sld [smem:$0x3F9A]  }
0x29: {  	s4 =	sld [smem:$0x3F9C]  }
0x2a: {  	p0 =	seq.s32 s5, $0x0;
	s5 =	sld [smem:$0x3F9D]  }
0x2b: {  	s6 =	sld [smem:$0x3F9E]  }
0x2c: {  	s7 =	sld [smem:$0x3F9F]  }
0x2d: {  	s3 =	simm.s32 $0x108;
	s8 =	sld [smem:$0x3FA0]  }
0x2e: {  	s3 =	simm.s32 @!p0 $0x1082;
	s9 =	sld [smem:$0x3FA1]  }
0x2f: {  	lr =	sadd.s32 s0, s3;
	s0 =	sld [smem:$0x3F98]  }
0x30: {  	s3 =	sld [smem:$0x3F9B]  }
0x31: {  	[smem:$0x3FA4] =	sst s10  }
0x32: {  	s10 =	sld [smem:$0x3FA2];
	_ =	sdelay $0x3  }
0x33: {  	p0 =	seq.s32 s10, $0x1;
	s10 =	sld [smem:$0x3FA4];
	_ =	sdelay $0x3  }
0x34: {  	[smem:$0x3FA4] =	sst s10  }
0x35: {  	s10 =	sld [smem:$0x3FA3];
	_ =	sdelay $0x3  }
0x36: {  	p1 =	seq.s32 s10, $0x1;
	s10 =	sld [smem:$0x3FA4];
	_ =	sdelay $0x3  }
0x37: {  	[smem:$0x3FA4] =	sst s10  }
0x38: {  	s10 =	sld [smem:$0x3FA5]  }
0x39: {  	_ = 	snop;
	(pc) =	sbr.ind lr, $3  }
0x3a: {  	_ = 	snop  }
0x3b: {  	_ = 	snop  }
0x3c: {  	p2 =	seq.s32 s10, $0x1;
	s10 =	sld [smem:$0x3FA4]  }
0x3d: {  	_ =	shalt  }
0x3e: {  	_ =	shalt  }
0x3f: {  	_ =	shalt  }
0x40: {  	_ =	shalt  }
0x41: {  	_ =	shalt  }
0x42: {  	_ =	shalt  }
0x43: {  	_ =	shalt  }
0x44: {  	_ =	shalt  }
0x45: {  	_ =	shalt  }
0x46: {  	_ =	shalt  }
0x47: {  	_ =	shalt  }
0x48: {  	_ =	shalt  }
0x49: {  	_ =	shalt  }
0x4a: {  	_ =	shalt  }
0x4b: {  	_ =	shalt  }
0x4c: {  	_ =	shalt  }
0x4d: {  	_ =	shalt  }
0x4e: {  	_ =	shalt  }
0x4f: {  	_ =	shalt  }
0x50: {  	_ =	shalt  }
0x51: {  	_ =	shalt  }
0x52: {  	_ =	shalt  }
0x53: {  	_ =	shalt  }
0x54: {  	_ =	shalt  }
0x55: {  	_ =	shalt  }
0x56: {  	_ =	shalt  }
0x57: {  	_ =	shalt  }
0x58: {  	_ =	shalt  }
0x59: {  	_ =	shalt  }
0x5a: {  	_ =	shalt  }
0x5b: {  	_ =	shalt  }
0x5c: {  	_ =	shalt  }
0x5d: {  	_ =	shalt  }
0x5e: {  	_ =	shalt  }
0x5f: {  	_ =	shalt  }
0x60: {  	_ =	shalt  }
0x61: {  	_ =	shalt  }
0x62: {  	_ =	shalt  }
0x63: {  	_ =	shalt  }
0x64: {  	_ =	shalt  }
0x65: {  	_ =	shalt  }
0x66: {  	_ =	shalt  }
0x67: {  	_ =	shalt  }
0x68: {  	_ =	shalt  }
0x69: {  	_ =	shalt  }
0x6a: {  	_ =	shalt  }
0x6b: {  	_ =	shalt  }
0x6c: {  	_ =	shalt  }
0x6d: {  	_ =	shalt  }
0x6e: {  	_ =	shalt  }
0x6f: {  	_ =	shalt  }
0x70: {  	_ =	shalt  }
0x71: {  	_ =	shalt  }
0x72: {  	_ =	shalt  }
0x73: {  	_ =	shalt  }
0x74: {  	_ =	shalt  }
0x75: {  	_ =	shalt  }
0x76: {  	_ =	shalt  }
0x77: {  	_ =	shalt  }
0x78: {  	_ =	shalt  }
0x79: {  	_ =	shalt  }
0x7a: {  	_ =	shalt  }
0x7b: {  	_ =	shalt  }
0x7c: {  	_ =	shalt  }
0x7d: {  	_ =	shalt  }
0x7e: {  	_ =	shalt  }
0x7f: {  	_ =	shalt  }
0x80: {  	_ =	shalt  }
0x81: {  	_ =	shalt  }
0x82: {  	_ =	shalt  }
0x83: {  	_ =	shalt  }
0x84: {  	_ =	shalt  }
0x85: {  	_ =	shalt  }
0x86: {  	_ =	shalt  }
0x87: {  	_ =	shalt  }
.Lfunc_end0:
.L_simem_size_0:
called_computation.5_lowered:
.L_overlay_start_0:
0x88: {  	s2 =	sld [smem:$0x3FD9]  }
0x89: {  	s3 =	sld [smem:$0x3FFE];
	_ =	sdelay $0x1  }
0x8a: {  	s1 =	srdreg.scid  }
0x8b: {  	s0 =	sand.u32 $0x1, s1  }
0x8c: {  	s17 =	sshll.u32 s0, $0xA;
	s2 =	sadd.s32 s3, s2  }
0x8d: {  	s2 =	sadd.s32 s2, s17  }
0x8e: {  	[smem:$0x3FB0] =	sst s2  }
0x8f: {  	_ = 	snop  }
0x90: {  	(tm) =	ssettm $0x1  }
0x91: {  	s18 =	sld [smem:$0x3FFB];
	_ =	sdelay $0x3  }
0x92: {  	_ =	strace s18  }
0x93: {  	s2 =	sld [smem:$0x3FFC];
	_ =	sdelay $0x3  }
0x94: {  	_ =	strace s2  }
0x95: {  	s2 =	sld [smem:$0x3FFD];
	_ =	sdelay $0x3  }
0x96: {  	_ =	strace s2  }
0x97: {  	_ =	strace $0x8FFFFFFF  }
0x98: {  	s19 =	sld [smem:$0x3FDB];
	_ =	sdelay $0x1  }
0x99: {  	s20 =	simm.s32 $_scs_section_size  }
0x9a: {  	s4 =	simm.s32 $_size__tile_overlayer_lowered;
	s5 =	simm.s32 $_tile_overlayer_lowered  }
0x9b: {  	s6 =	simm.s32 $0x1BFF;
	s21 =	sshll.u32 s5, $0x1;
	s3 =	sadd.s32 s20, s19  }
0x9c: {  	s22 =	simm.s32 $0x0;
	s4 =	sshll.u32 s4, $0x1;
	s5 =	sadd.s32 s21, s3  }
0x9d: {  	[timem:s22], [sflag:s6] =	dma.local [hbm:s5], s4  }
0x9e: {  	_ =	swait.ge [sflag:s6], s4  }
0x9f: {  	s4 =	ssub.s32 $0x0, s4;
	[sflag:s6] =	ssyncset.done $0x0  }
0xa0: {  	[sflag:s6] =	ssyncadd.s32 s4;
	_ =	sdelay $0x1  }
0xa1: {  	s23 =	simm.s32 $0x1B8B  }
0xa2: {  	_ =	swait.ge [sflag:s23], $0x1  }
0xa3: {  	[sflag:s23] =	ssyncset.done $0x0  }
0xa4: {  	[sflag:s23] =	ssyncadd.s32 $0xFFFFFFFF  }
0xa5: {  	s4 =	sld [smem:$0x0]  }
0xa6: {  	s5 =	sand.u32 $0xFFFFFFFE, s1  }
0xa7: {  	p0 =	sne.s32 s1, s5  }
0xa8: {  	s5 =	sshll.u32 @p0 s5, $0xE  }
0xa9: {  	s5 =	sadd.s32 @p0 $0x11B8D, s5;
	s6 =	sshll.u32 @p0 s4, $0x11  }
0xaa: {  	s5 =	sor.u32 @p0 s6, s5  }
0xab: {  	[sflag:s5] =	ssyncadd.remote.s32 @p0 $0x1;
	_ =	sdelay $0x1  }
0xac: {  	s5 =	simm.s32 @p0 $0x1B8D  }
0xad: {  	_ =	swait.eq @p0 [sflag:s5], $0x1  }
0xae: {  	[sflag:s5] =	ssyncadd.s32 @p0 $0xFFFFFFFF  }
0xaf: {  	s6 =	sshll.u32 @!p0 s1, $0xE  }
0xb0: {  	s6 =	sor.u32 @!p0 $0x4000, s6;
	s5 =	simm.s32 @!p0 $0x1B8D  }
0xb1: {  	s7 =	sshll.u32 @!p0 s4, $0x11;
	s6 =	sadd.s32 @!p0 $0x11B8D, s6;
	_ =	swait.eq @!p0 [sflag:s5], $0x1  }
0xb2: {  	[sflag:s5] =	ssyncadd.s32 @!p0 $0xFFFFFFFF;
	s5 =	sor.u32 @!p0 s7, s6  }
0xb3: {  	s25 =	simm.s32 $0x1B8E;
	s24 =	sld [smem:$0x3FFE];
	[sflag:s5] =	ssyncadd.remote.s32 @!p0 $0x1  }
0xb4: {  	s26 =	simm.s32 $execute0_lowered;
	[smem:$0x3FD2] =	sst s25  }
0xb5: {  	s6 =	sshll.u32 s26, $0x1;
	_ =	strace $0x8000006A;
	[dreg:$0x1] =	wrdreg $0xFFFFFFFF  }
0xb6: {  	s28 =	simm.s32 $_size_execute0_lowered;
	s3 =	sadd.s32 s3, s6;
	[dreg:$0x0] =	wrdreg $0x0  }
0xb7: {  	s6 =	sshll.u32 s28, $0x1;
	[dreg:$0x2] =	wrdreg s3  }
0xb8: {  	[dreg:$0x3] =	wrdreg s6  }
0xb9: {  	[dreg:$0x4] =	wrdreg $0xC0  }
0xba: {  	_ =	task [dreg:s22], $0x5FFFF  }
0xbb: {  	[dreg:$0x1] =	wrdreg $0xFFFFFFFF  }
0xbc: {  	[dreg:$0x0] =	wrdreg $0x60  }
0xbd: {  	[dreg:$0x2] =	wrdreg s24  }
0xbe: {  	[dreg:$0x3] =	wrdreg s1  }
0xbf: {  	[dreg:$0x4] =	wrdreg s4  }
0xc0: {  	[dreg:$0x5] =	wrdreg $0x9  }
0xc1: {  	_ =	task.clear_ibuf [dreg:s22], $0x6FFFF;
	_ =	strace $0x9000006A  }
0xc2: {  	s29 =	simm.s32 $0x9;
	_ =	strace $0x8000006C  }
0xc3: {  	_ =	swait.ge [sflag:s29], $0x1  }
0xc4: {  	[sflag:s29] =	ssyncadd.s32 $0xFFFFFFFF  }
0xc5: {  	_ =	strace $0x9000006C  }
0xc6: {  	_ =	sfence  }
0xc7: {  	s30 =	sld [smem:$0x0];
	_ =	sdelay $0x2  }
0xc8: {  	s31 =	sshll.u32 s1, $0xD;
	s1 =	sshrl.u32 s1, $0x2  }
0xc9: {  	s4 =	sand.u32 $0x4000, s31;
	s1 =	sadd.s32 s1, s30  }
0xca: {  	s0 =	sor.u32 s4, s0;
	s1 =	sshll.u32 s1, $0x11  }
0xcb: {  	s0 =	sor.u32 s1, s0  }
0xcc: {  	s0 =	sadd.s32 $0x8F2B, s0  }
0xcd: {  	[sflag:s0] =	ssyncadd.remote.s32 $0x1  }
0xce: {  	_ =	sfence.sel $0xFFFF  }
0xcf: {  	[dreg:$0x0] =	wrdreg $0xFFFFFFFF;
	(pc) =	sbr.abs _section_cstart, $3  }
0xd0: {  	[dreg:$0x1] =	wrdreg $0xFFFFFFFF  }
0xd1: {  	_ =	task.clear_ibuf [dreg:s22], $0x2FFFF;
	_ =	strace $0x9FFFFFFF  }
0xd2: {  	(tm) =	ssettm $0x7FFFFFFF  }
0xd3: {  	_ =	shalt  }
tec
execute0_lowered:
.L_overlay_start_1:
0x0: {  	(tag) =	ssettag $0x1  }
0x1: {  	s2 =	rddreg [dreg:$0x0]  }
0x2: {  	s3 =	rddreg [dreg:$0x1];
	_ =	strace $0x8000006B;
	s0 =	simm.s32 $0x1  }
0x3: {  	v0 =	vimm.s32 $0x0;
	[sflag:s0] =	ssyncpa.u1 $0x0;
	s0 =	simm.s32 $0x108  }
0x4: {  	[tilespmem:s0+$0x70] =	vst v0  }
0x5: {  	[tilespmem:s0+$0x60] =	vst v0  }
0x6: {  	[tilespmem:s0+$0x50] =	vst v0  }
0x7: {  	[tilespmem:s0+$0x40] =	vst v0  }
0x8: {  	[tilespmem:s0+$0x30] =	vst v0  }
0x9: {  	s1 =	sadd.s32 $0x23000, s2;
	s15 =	sadd.s32 $0x19000, s2;
	s6 =	sadd.s32 $0x76E00, s2;
	[tilespmem:s0+$0x20] =	vst v0  }
0xa: {  	s14 =	sadd.s32 $0x1E000, s2;
	s5 =	sand.u32 $0x1, s3;
	s3 =	simm.s32 $0x40;
	[tilespmem:s0+$0x10] =	vst v0  }
.LBB2_1:
0xb: {  	s3 =	sadd.s32 $0x40, s3;
	[tilespmem:s0+$0x0] =	vst v0;
	s0 =	sadd.s32 $0x80, s0  }
0xc: {  	p0 =	slt.u32 s3, $0x3C40;
	[tilespmem:s0+$0x70] =	vst v0  }
0xd: {  	[tilespmem:s0+$0x60] =	vst v0  }
.Ltmp0:
0xe: {  	[tilespmem:s0+$0x50] =	vst v0;
	(pc) =	sbr.rel @p0 .LBB2_1-.Ltmp0, $4  }
0xf: {  	[tilespmem:s0+$0x40] =	vst v0  }
0x10: {  	[tilespmem:s0+$0x30] =	vst v0  }
0x11: {  	[tilespmem:s0+$0x20] =	vst v0  }
0x12: {  	[tilespmem:s0+$0x10] =	vst v0  }
0x13: {  	s9 =	stileid.u32  }
0x14: {  	s2 =	smul.u32 $0x14, s9  }
0x15: {  	s3 =	smin.u32 s9, $0xE  }
0x16: {  	s2 =	sadd.s32 s3, s2  }
0x17: {  	p0 =	slt.u32 s9, $0xE;
	s7 =	smul.u32 $0xF0, s2;
	s2 =	simm.s32 $0x13B0  }
0x18: {  	s2 =	simm.s32 @!p0 $0x12C0  }
0x19: {  	s2 =	sadd.s32 s2, s7  }
0x1a: {  	s8 =	smin.u32 s2, $0x13880  }
0x1b: {  	s2 =	ssub.s32 s8, s7  }
0x1c: {  	p0 =	sgt.s32 s2, $0x0  }
0x1d: {  	s29 =	simm.s32 $0x2;
	s10 =	simm.s32 $0x9;
	s2 =	simm.s32 @!p0 $0x0  }
0x1e: {  	s4 =	simm.s32 $0xA;
	s11 =	simm.s32 $0xB;
	s28 =	smulhi.u32 $0x88888889, s2  }
0x1f: {  	[dreg:$0x4] =	wrdreg s5;
	s31 =	smul.u32 $0x2710, s5;
	s12 =	simm.s32 $0x1  }
0x20: {  	s22 =	simm.s32 $0x0;
	s18 =	simm.s32 $0xC;
	s30 =	sshrl.u32 s28, $0x7  }
0x21: {  	s20 =	simm.s32 $0x0;
	s21 =	simm.s32 $0x0;
	s3 =	smul.u32 $0xF0, s30  }
.Ltmp1:
0x22: {  	[tilespmem:s0+$0x0] =	vst v0;
	v0 =	vimm.s32 $0xFFFFFFFF;
	[sflag:s29] =	ssyncpa.u1 $0x0;
	s16 =	sshll.u32 s9, $0x8;
	(pc) =	sbr.rel .LBB2_3-.Ltmp1, $4  }
0x23: {  	[tilespmem:$0xF208] =	vst v0;
	[sflag:s10] =	ssyncpa.u1 $0x0;
	p0 =	sne.s32 s2, s3;
	s2 =	simm.s32 $0x1  }
0x24: {  	s14 =	sadd.s32 s31, s14;
	[sflag:s4] =	ssyncpa.u1 $0x0;
	s2 =	simm.s32 @!p0 $0x0  }
0x25: {  	s15 =	sadd.s32 s31, s15;
	[sflag:s11] =	ssyncpa.u1 $0x0;
	s13 =	sadd.s32 s2, s30  }
0x26: {  	v0 =	vlaneseq.u32;
	s19 =	smov.u32 s7;
	p0 =	por $0x0, $0x0;
	s17 =	sadd.s32 $0x1, s13  }
.LBB2_18:
0x27: {  	s0 =	sshrl.u32 s31, $0x2  }
.LBB2_20:
0x28: {  	_ =	swait.ge [sflag:s18], s0  }
0x29: {  	s31 =	ssub.s32 $0x0, s0;
	v1 =	vmov s24;
	vm0 =	veq.s32 v0, $0x0;
	[sflag:s18] =	ssyncset.done $0x0  }
0x2a: {  	vm15 =	veq.s32 v0, $0x2;
	v1 =	vsel vm0, s30, v1;
	[sflag:s18] =	ssyncadd.s32 s31  }
0x2b: {  	v1 =	vsel vm15, s22, v1;
	[sflag:s18] =	ssyncpa.u1 $0x1  }
0x2c: {  	[tilespmem:$0xF208] =	vst v1  }
.LBB2_21:
0x2d: {  	s0 =	sadd.s32 $0xF0, s19  }
0x2e: {  	s2 =	smov.u32 s7;
	p1 =	slt.s32 s0, s8  }
0x2f: {  	s2 =	smov.u32 @p1 s0;
	p1 =	sne.s32 s21, s17  }
.Ltmp2:
0x30: {  	_ = 	snop;
	(pc) =	sbr.rel @!p1 .LBB2_22-.Ltmp2, $3  }
0x31: {  	_ =	sdelay $0x1  }
0x32: {  	s22 =	smov.u32 s20;
	s31 =	sadd.s32 $0x1, s21;
	s20 =	smov.u32 s19  }
0x33: {  	p0 =	por !p0, !p0;
	s21 =	smov.u32 s31;
	s19 =	smov.u32 s2  }
.LBB2_3:
0x34: {  	p1 =	sge.u32 s21, s13  }
0x35: {  	s0 =	smulhi.u32 @!p1 $0xAAAAAAAB, s21  }
0x36: {  	s2 =	smov.u32 s19;
	p2 =	sgt.s32 @!p1 s19, $0x13790  }
0x37: {  	s3 =	sshra.s32 @!p1 s19, $0x1F;
	p2 =	por !p2, p1;
	s0 =	sshrl.u32 @!p1 s0, $0x1  }
0x38: {  	s3 =	sand.u32 @!p1 s3, s19;
	s2 =	simm.s32 @p2 $0x13790;
	s0 =	smul.u32 @!p1 $0x3, s0  }
0x39: {  	s2 =	ssub.s32 @!p1 s2, s3  }
0x3a: {  	s2 =	sadd.s32 @!p1 $0xFFFEC870, s2;
	s0 =	ssub.s32 @!p1 s21, s0  }
0x3b: {  	s3 =	sshll.u32 @!p1 s2, $0x2;
	p2 =	sgt.s32 @!p1 s2, $0xEF;
	s0 =	smul.u32 @!p1 $0x3C0, s0  }
0x3c: {  	s4 =	sand.u32 @!p1 $0x7, s19;
	s2 =	ssub.s32 @!p1 $0x3C0, s3;
	p2 =	por !p2, p1  }
0x3d: {  	s3 =	sshrl.u32 @!p1 s19, $0x3;
	s2 =	sshrl.u32 @!p1 s2, $0x2;
	s0 =	sshrl.u32 @!p1 s0, $0x2  }
0x3e: {  	s3 =	sadd.s32 @!p1 s3, s14;
	s2 =	simm.s32 @!p2 $0x0;
	s0 =	sadd.s32 @!p1 $0x10248, s0  }
0x3f: {  	[tilespmem:s0], [sflag:$0xA] =	stream.linear.gather @!p1 [hbm4b:s3+s4], s2, $0x38;
	[tilespmem:$0x1F6F8] =	vst v63  }
0x40: {  	s0 =	sadd.s32 $0xFFFFFFFF, s21  }
0x41: {  	p1 =	sge.u32 s0, s13  }
0x42: {  	p2 =	sgt.s32 @!p1 s20, $0x13790  }
0x43: {  	s2 =	smov.u32 s20;
	s3 =	sshra.s32 @!p1 s20, $0x1F;
	p2 =	por !p2, p1  }
0x44: {  	s3 =	sand.u32 @!p1 s3, s20;
	s2 =	simm.s32 @p2 $0x13790  }
0x45: {  	s2 =	ssub.s32 @!p1 s2, s3  }
0x46: {  	s2 =	sadd.s32 @!p1 $0xFFFEC870, s2  }
0x47: {  	s4 =	sand.u32 @!p1 $0x1, s0;
	s3 =	sshll.u32 @!p1 s2, $0x2  }
0x48: {  	p2 =	sgt.s32 @!p1 s2, $0xEF;
	s2 =	ssub.s32 @!p1 $0x3C0, s3;
	s3 =	smulhi.u32 @!p1 $0xAAAAAAAB, s0  }
0x49: {  	s23 =	smul.u32 @!p1 $0x3C0, s4;
	p2 =	por !p2, p1;
	s2 =	sshrl.u32 @!p1 s2, $0x2  }
0x4a: {  	s5 =	simm.s32 @!p1 $0xA;
	s2 =	simm.s32 @!p2 $0x0;
	s3 =	sshrl.u32 @!p1 s3, $0x1  }
0x4b: {  	s23 =	sshrl.u32 @!p1 s23, $0x2;
	_ =	swait.ge @!p1 [sflag:s5], s2;
	s3 =	smul.u32 @!p1 $0x3, s3  }
0x4c: {  	s23 =	sadd.s32 @!p1 $0x10518, s23;
	s24 =	ssub.s32 @!p1 $0x0, s2;
	[sflag:s5] =	ssyncset.done @!p1 $0x0  }
0x4d: {  	[sflag:s5] =	ssyncadd.s32 @!p1 s24;
	s5 =	sshrl.u32 @!p1 s20, $0x3;
	s0 =	ssub.s32 @!p1 s0, s3  }
0x4e: {  	s24 =	sand.u32 @!p1 $0x7, s20;
	s5 =	sadd.s32 @!p1 s5, s15;
	s0 =	smul.u32 @!p1 $0x3C0, s0  }
0x4f: {  	[tilespmem:s23], [sflag:$0xB] =	stream.linear.gather @!p1 [hbm4b:s5+s24], s2, $0x38;
	[tilespmem:$0x1F6F8] =	vst v63  }
0x50: {  	s3 =	ssub.s32 @!p1 $0x13880, s20;
	s2 =	smul.u32 @!p1 $0x1E000, s4  }
0x51: {  	p2 =	slt.s32 @!p1 s3, $0xF0  }
0x52: {  	p2 =	por !p2, p1;
	s0 =	sshrl.u32 @!p1 s0, $0x2;
	s2 =	sshrl.u32 @!p1 s2, $0x2  }
0x53: {  	s3 =	simm.s32 @p2 $0xF0;
	s0 =	sadd.s32 @!p1 $0x10248, s0;
	s2 =	sor.u32 @!p1 $0x106F8, s2  }
0x54: {  	[tilespmem:s2], [sflag:$0x9] =	stream.indirect.gather @!p1 [hbm4b:s6+s3], $0x80, s0, s3, $0xb8;
	[tilespmem:$0x1F6F8] =	vst v63  }
0x55: {  	p1 =	slt.u32 s21, $0x2  }
.Ltmp3:
0x56: {  	_ = 	snop;
	(pc) =	sbr.rel @p1 .LBB2_21-.Ltmp3, $1  }
0x57: {  	_ =	sdelay $0x3  }
0x58: {  	p1 =	sgt.s32 s22, $0x13790  }
0x59: {  	s0 =	smov.u32 s22;
	s2 =	sshra.s32 s22, $0x1F;
	s3 =	ssub.s32 $0x13880, s22  }
0x5a: {  	s0 =	simm.s32 @!p1 $0x13790;
	s2 =	sand.u32 s2, s22;
	p1 =	slt.s32 s3, $0xF0  }
0x5b: {  	s0 =	ssub.s32 s0, s2;
	s3 =	simm.s32 @!p1 $0xF0  }
0x5c: {  	s0 =	sadd.s32 $0xFFFEC870, s0;
	s25 =	sshll.u32 s3, $0x7  }
0x5d: {  	s26 =	sshll.u32 s0, $0x2;
	s2 =	sand.u32 $0x3FFFFF80, s25  }
0x5e: {  	p1 =	sgt.s32 s0, $0xEF;
	s29 =	ssub.s32 $0x3C0, s26;
	_ =	swait.ge [sflag:s10], s2  }
0x5f: {  	s2 =	ssub.s32 $0x0, s2;
	[sflag:s10] =	ssyncset.done $0x0;
	s0 =	sshrl.u32 s29, $0x2  }
0x60: {  	[sflag:s10] =	ssyncadd.s32 s2;
	s0 =	simm.s32 @p1 $0x0  }
0x61: {  	_ =	swait.ge [sflag:s11], s0  }
0x62: {  	s0 =	ssub.s32 $0x0, s0;
	[sflag:s11] =	ssyncset.done $0x0  }
0x63: {  	[sflag:s11] =	ssyncadd.s32 s0  }
0x64: {  	v1 =	vld [tilespmem:$0xF208];
	_ =	sdelay $0x4  }
0x65: {  	(v2sf) =	vpush v1, $0x0  }
0x66: {  	(v2sf) =	vpush v1, $0x1  }
0x67: {  	(v2sf) =	vpush v1, $0x2;
	_ =	sdelay $0x3  }
0x68: {  	s0 =	sadd.s32 $0xF0, s22  }
0x69: {  	s2 =	ssub.s32 $0x27100, s22;
	p1 =	slt.s32 s8, s0  }
0x6a: {  	s0 =	smov.u32 @p1 s8;
	p1 =	sgt.s32 s2, $0x0  }
0x6b: {  	s26 =	ssub.s32 s0, s22;
	s2 =	simm.s32 @!p1 $0x0  }
0x6c: {  	p1 =	slt.s32 s2, s26  }
0x6d: {  	s26 =	smov.u32 @p1 s2  }
0x6e: {  	s25 =	simm.s32 $0x1;
	p1 =	slt.s32 s26, $0x1  }
.Ltmp4:
0x6f: {  	s25 =	simm.s32 @!p0 $0x0;
	(pc) =	sbr.rel @p1 .LBB2_8-.Ltmp4, $4  }
0x70: {  	s31 =	smul.u32 $0x3C0, s25  }
0x71: {  	s28 =	spop (v2sf)  }
0x72: {  	s0 =	sshrl.u32 s31, $0x2;
	s30 =	spop (v2sf)  }
0x73: {  	s23 =	sadd.s32 $0x10518, s0;
	s22 =	spop (v2sf)  }
0x74: {  	s0 =	smin.u32 s26, $0x10  }
0x75: {  	v1 =	vmov s0  }
0x76: {  	p2 =	sgt.s32 s26, $0x10;
	vm1 =	vgt.u32 v1, v0  }
.Ltmp5:
0x77: {  	_ = 	snop;
	(pc) =	sbr.rel @!p2 .LBB2_7-.Ltmp5, $2  }
0x78: {  	_ =	sdelay $0x2  }
0x79: {  	s4 =	simm.s32 $0x10;
	s24 =	sadd.s32 $0xFFFFFFF0, s26;
	s0 =	smov.u32 s23;
	vm0 =	vmmov vm1  }
.LBB2_6:
0x7a: {  	s2 =	smin.u32 s24, $0x10;
	s4 =	sadd.s32 $0x10, s4;
	v1 =	vld.msk [tilespmem:s0+$0x0 ss:$0x1], vm1  }
0x7b: {  	v2 =	vmov s2;
	p2 =	slt.s32 s4, s26  }
0x7c: {  	vm1 =	vgt.u32 v2, v0  }
.Ltmp6:
0x7d: {  	(pc) =	sbr.rel @p2 .LBB2_6-.Ltmp6, $3  }
0x7e: {  	_ =	sdelay $0x1  }
0x7f: {  	v1 =	vshll.u32 v1, $0x4  }
0x80: {  	s24 =	sadd.s32 $0xFFFFFFF0, s24;
	[tilespmem:s0+$0x0] =	vst.msk vm0, v1;
	s0 =	sadd.s32 $0x10, s0;
	vm0 =	vmmov vm1  }
.LBB2_7:
0x81: {  	_ =	sdelay $0x4  }
0x82: {  	v1 =	vld.msk [tilespmem:s0+$0x0 ss:$0x1], vm1;
	_ =	sdelay $0x4  }
0x83: {  	v1 =	vshll.u32 v1, $0x4  }
0x84: {  	[tilespmem:s0+$0x0] =	vst.msk vm0, v1  }
.LBB2_8:
0x85: {  	s0 =	sand.u32 $0x1, s21  }
0x86: {  	s0 =	smul.u32 $0xF0, s0  }
0x87: {  	p2 =	sne.s32 s30, $0xFFFFFFFF  }
0x88: {  	v1 =	vld.msk @!p2 [tilespmem:s0+$0x10518], $0x1;
	_ =	sdelay $0x4  }
0x89: {  	(v2sf) =	vpush @!p2 v1, $0x0;
	_ =	sdelay $0xc  }
.Ltmp7:
0x8a: {  	_ = 	snop;
	(pc) =	sbr.rel @p1 .LBB2_19-.Ltmp7, $4  }
0x8b: {  	_ = 	snop  }
0x8c: {  	s29 =	spop @!p2 (v2sf)  }
0x8d: {  	s22 =	simm.s32 @!p2 $0x0;
	s24 =	smov.u32 s29  }
0x8e: {  	[sflag:s18] =	ssyncpa.u1 $0x0;
	s29 =	smov.u32 @p2 s28;
	s24 =	smov.u32 @p2 s30  }
0x8f: {  	v1 =	vld.msk [tilespmem:s23+$0x0], $0x1;
	_ =	sdelay $0x4  }
0x90: {  	(v2sf) =	vpush v1, $0x0;
	_ =	sdelay $0xe  }
0x91: {  	s2 =	smul.u32 $0x1E000, s25;
	s0 =	spop (v2sf)  }
0x92: {  	s26 =	ssub.s32 $0x0, s26;
	p1 =	seq.s32 s29, s0  }
0x93: {  	s30 =	sadd.s32 $0x1, s26;
	s2 =	sshrl.u32 s2, $0x2;
	p2 =	sgt.s32 @!p1 s29, $0x0  }
0x94: {  	s25 =	sor.u32 $0x10738, s2;
	s2 =	smov.u32 s29;
	p2 =	por !p2, p1  }
0x95: {  	s2 =	simm.s32 @p2 $0x0;
	p2 =	seq.s32 s30, $0x0  }
.Ltmp8:
0x96: {  	_ = 	snop;
	(pc) =	sbr.rel @p2 .LBB2_11-.Ltmp8, $4  }
0x97: {  	_ = 	snop  }
0x98: {  	s28 =	simm.s32 $0x0;
	s31 =	sadd.s32 $0x1, s23;
	s2 =	smin.u32 @!p1 s2, $0x270F0  }
0x99: {  	s4 =	simm.s32 @!p1 $0x1;
	s5 =	simm.s32 @!p1 $0x7988;
	s3 =	sand.u32 @!p1 $0x3FFF8, s2  }
0x9a: {  	s4 =	smov.u32 @p1 s28;
	s2 =	sand.u32 @!p1 $0x7, s2;
	s3 =	sadd.s32 @!p1 s1, s3  }
.LBB2_10:
0x9b: {  	s9 =	smov.u32 s4  }
0x9c: {  	[tilespmem:s5], [sflag:$0x2] =	stream.linear.gather @!p1 [hbm4b:s3+s2], $0x80, $0x38;
	[tilespmem:$0x1F6F8] =	vst v63  }
0x9d: {  	s30 =	sadd.s32 $0x1, s30;
	s2 =	smov.u32 s0;
	v1 =	vld.msk [tilespmem:s31+$0x0], $0x1  }
0x9e: {  	p2 =	seq.s32 s30, $0x0;
	_ =	sdelay $0x3  }
0x9f: {  	(v2sf) =	vpush v1, $0x0;
	_ =	sdelay $0xe  }
0xa0: {  	s0 =	spop (v2sf)  }
0xa1: {  	p1 =	seq.s32 s2, s0  }
0xa2: {  	p3 =	sgt.s32 @!p1 s2, $0x0;
	s3 =	sshll.u32 @!p1 s4, $0x9;
	s4 =	sadd.s32 @!p1 $0x1, s4  }
.Ltmp9:
0xa3: {  	p3 =	por !p3, p1;
	s3 =	sshra.s32 @!p1 s3, $0x2;
	(pc) =	sbr.rel @!p2 .LBB2_10-.Ltmp9, $4  }
0xa4: {  	s4 =	smov.u32 @p1 s9;
	s2 =	simm.s32 @p3 $0x0;
	s5 =	sadd.s32 @!p1 $0x7988, s3  }
0xa5: {  	s2 =	smin.u32 @!p1 s2, $0x270F0  }
0xa6: {  	s3 =	sand.u32 @!p1 $0x3FFF8, s2;
	s2 =	sand.u32 @!p1 $0x7, s2  }
0xa7: {  	s31 =	sadd.s32 $0x1, s31;
	s3 =	sadd.s32 @!p1 s1, s3  }
.LBB2_11:
0xa8: {  	[tilespmem:s5], [sflag:$0x2] =	stream.linear.gather @!p1 [hbm4b:s3+s2], $0x80, $0x38;
	[tilespmem:$0x1F6F8] =	vst v63  }
.Ltmp10:
0xa9: {  	s0 =	sshll.u32 s4, $0x7;
	(pc) =	sbr.rel .LBB2_12-.Ltmp10, $4  }
0xaa: {  	s30 =	simm.s32 $0x2;
	s0 =	sand.u32 $0x3FFFFF80, s0  }
0xab: {  	_ =	swait.ge [sflag:s30], s0  }
0xac: {  	s0 =	ssub.s32 $0x0, s0;
	[sflag:s30] =	ssyncset.done $0x0  }
0xad: {  	s31 =	simm.s32 $0x0;
	[sflag:s30] =	ssyncadd.s32 s0  }
.LBB2_13:
0xae: {  	v1 =	vld [tilespmem:s25+$0xFFFFFFC0];
	_ =	sdelay $0x3  }
0xaf: {  	s0 =	sshra.s32 s0, $0x2  }
0xb0: {  	[tilespmem:s0+$0x108] =	vst.add.f32.msk $0xffff, v1  }
0xb1: {  	v1 =	vld [tilespmem:s25+$0xFFFFFFD0];
	_ =	sdelay $0x4  }
0xb2: {  	[tilespmem:s0+$0x118] =	vst.add.f32.msk $0xffff, v1  }
0xb3: {  	v1 =	vld [tilespmem:s25+$0xFFFFFFE0];
	_ =	sdelay $0x4  }
0xb4: {  	[tilespmem:s0+$0x128] =	vst.add.f32.msk $0xffff, v1  }
0xb5: {  	v1 =	vld [tilespmem:s25+$0xFFFFFFF0];
	_ =	sdelay $0x4  }
0xb6: {  	[tilespmem:s0+$0x138] =	vst.add.f32.msk $0xffff, v1  }
0xb7: {  	v1 =	vld [tilespmem:s25+$0x0];
	_ =	sdelay $0x4  }
0xb8: {  	[tilespmem:s0+$0x148] =	vst.add.f32.msk $0xffff, v1  }
0xb9: {  	v1 =	vld [tilespmem:s25+$0x10];
	_ =	sdelay $0x4  }
0xba: {  	[tilespmem:s0+$0x158] =	vst.add.f32.msk $0xffff, v1  }
0xbb: {  	v1 =	vld [tilespmem:s25+$0x20];
	_ =	sdelay $0x4  }
0xbc: {  	[tilespmem:s0+$0x168] =	vst.add.f32.msk $0xffff, v1  }
0xbd: {  	v1 =	vld [tilespmem:s25+$0x30];
	_ =	sdelay $0x4  }
0xbe: {  	[tilespmem:s0+$0x178] =	vst.add.f32.msk $0xffff, v1  }
.LBB2_17:
0xbf: {  	s26 =	sadd.s32 $0x1, s26  }
0xc0: {  	p1 =	seq.s32 s26, $0x0  }
.Ltmp11:
0xc1: {  	_ = 	snop;
	(pc) =	sbr.rel @p1 .LBB2_18-.Ltmp11, $2  }
0xc2: {  	_ =	sdelay $0x2  }
0xc3: {  	s23 =	sadd.s32 $0x1, s23;
	s25 =	sadd.s32 $0x80, s25;
	s29 =	smov.u32 s30  }
.LBB2_12:
0xc4: {  	v1 =	vld.msk [tilespmem:s23+$0x0], $0x1;
	_ =	sdelay $0x4  }
0xc5: {  	(v2sf) =	vpush v1, $0x0;
	_ =	sdelay $0xe  }
0xc6: {  	s30 =	spop (v2sf)  }
0xc7: {  	p1 =	sne.s32 s29, s30  }
.Ltmp12:
0xc8: {  	_ = 	snop;
	(pc) =	sbr.rel @!p1 .LBB2_13-.Ltmp12, $2  }
0xc9: {  	_ =	sdelay $0x2  }
0xca: {  	s0 =	sshll.u32 s22, $0x9  }
0xcb: {  	p1 =	seq.s32 s29, s24  }
.Ltmp13:
0xcc: {  	_ = 	snop;
	(pc) =	sbr.rel @!p1 .LBB2_15-.Ltmp13, $1  }
0xcd: {  	_ =	sdelay $0x3  }
0xce: {  	s0 =	sshra.s32 s0, $0x2  }
.Ltmp14:
0xcf: {  	s0 =	sadd.s32 $0x108, s0;
	(pc) =	sbr.rel .LBB2_16-.Ltmp14, $4  }
0xd0: {  	[spmem:s16] =	stream.linear.scatter [tilespmem:s0], [sflag:$0x1], $0x80, $0x38;
	[tilespmem:$0x1F6F8] =	vst v63  }
0xd1: {  	_ =	swait.ge [sflag:s12], $0x80  }
0xd2: {  	[sflag:s12] =	ssyncset.done $0x0  }
0xd3: {  	[sflag:s12] =	ssyncadd.s32 $0xFFFFFF80  }
.LBB2_15:
0xd4: {  	s2 =	sshll.u32 s28, $0x9  }
0xd5: {  	s2 =	sshra.s32 s2, $0x2  }
0xd6: {  	v1 =	vld [tilespmem:s2+$0x7988];
	_ =	sdelay $0x3  }
0xd7: {  	s0 =	sshra.s32 s0, $0x2  }
0xd8: {  	[tilespmem:s0+$0x108] =	vst.add.f32.msk $0xffff, v1  }
0xd9: {  	v1 =	vld [tilespmem:s2+$0x7998];
	_ =	sdelay $0x4  }
0xda: {  	[tilespmem:s0+$0x118] =	vst.add.f32.msk $0xffff, v1  }
0xdb: {  	v1 =	vld [tilespmem:s2+$0x79A8];
	_ =	sdelay $0x4  }
0xdc: {  	[tilespmem:s0+$0x128] =	vst.add.f32.msk $0xffff, v1  }
0xdd: {  	v1 =	vld [tilespmem:s2+$0x79B8];
	_ =	sdelay $0x4  }
0xde: {  	[tilespmem:s0+$0x138] =	vst.add.f32.msk $0xffff, v1  }
0xdf: {  	v1 =	vld [tilespmem:s2+$0x79C8];
	_ =	sdelay $0x4  }
0xe0: {  	[tilespmem:s0+$0x148] =	vst.add.f32.msk $0xffff, v1  }
0xe1: {  	v1 =	vld [tilespmem:s2+$0x79D8];
	_ =	sdelay $0x4  }
0xe2: {  	[tilespmem:s0+$0x158] =	vst.add.f32.msk $0xffff, v1  }
0xe3: {  	v1 =	vld [tilespmem:s2+$0x79E8];
	_ =	sdelay $0x4  }
0xe4: {  	[tilespmem:s0+$0x168] =	vst.add.f32.msk $0xffff, v1  }
0xe5: {  	v1 =	vld [tilespmem:s2+$0x79F8];
	_ =	sdelay $0x2  }
0xe6: {  	p1 =	sgt.u32 s29, $0x270F0  }
0xe7: {  	s2 =	sand.u32 @!p1 $0x3FFF8, s29  }
0xe8: {  	s3 =	sadd.s32 $0x108, s0;
	[tilespmem:s0+$0x178] =	vst.add.f32.msk $0xffff, v1;
	s0 =	sadd.s32 @!p1 s1, s2;
	s2 =	sand.u32 @!p1 $0x7, s29  }
0xe9: {  	[hbm4b:s0+s2] =	stream.linear.scatter @!p1 [tilespmem:s3], [sflag:$0xC], $0x80, $0x38;
	[tilespmem:$0x1F6F8] =	vst v63  }
0xea: {  	s0 =	simm.s32 $0x0  }
0xeb: {  	s0 =	simm.s32 @!p1 $0x200  }
0xec: {  	s31 =	sadd.s32 s0, s31  }
.LBB2_16:
0xed: {  	s0 =	sadd.s32 $0x1, s22  }
0xee: {  	s2 =	smulhi.u32 $0x88888889, s0;
	_ =	sdelay $0x1  }
0xef: {  	v1 =	vld [tilespmem:s25+$0xFFFFFFC0];
	s2 =	sshrl.u32 s2, $0x7  }
0xf0: {  	s2 =	smul.u32 $0xF0, s2;
	_ =	sdelay $0x1  }
0xf1: {  	s22 =	ssub.s32 s0, s2  }
0xf2: {  	s0 =	sshll.u32 s22, $0x7  }
0xf3: {  	[tilespmem:s0+$0x108] =	vst v1  }
0xf4: {  	v1 =	vld [tilespmem:s25+$0xFFFFFFD0];
	_ =	sdelay $0x4  }
0xf5: {  	[tilespmem:s0+$0x118] =	vst v1  }
0xf6: {  	v1 =	vld [tilespmem:s25+$0xFFFFFFE0];
	_ =	sdelay $0x4  }
0xf7: {  	[tilespmem:s0+$0x128] =	vst v1  }
0xf8: {  	v1 =	vld [tilespmem:s25+$0xFFFFFFF0];
	_ =	sdelay $0x4  }
0xf9: {  	[tilespmem:s0+$0x138] =	vst v1  }
0xfa: {  	v1 =	vld [tilespmem:s25+$0x0];
	_ =	sdelay $0x4  }
0xfb: {  	[tilespmem:s0+$0x148] =	vst v1  }
0xfc: {  	v1 =	vld [tilespmem:s25+$0x10];
	_ =	sdelay $0x4  }
0xfd: {  	[tilespmem:s0+$0x158] =	vst v1  }
0xfe: {  	v1 =	vld [tilespmem:s25+$0x20];
	_ =	sdelay $0x4  }
0xff: {  	[tilespmem:s0+$0x168] =	vst v1  }
0x100: {  	v1 =	vld [tilespmem:s25+$0x30]  }
.Ltmp15:
0x101: {  	_ = 	snop;
	(pc) =	sbr.rel .LBB2_17-.Ltmp15, $2  }
0x102: {  	_ =	sdelay $0x2  }
0x103: {  	s28 =	sadd.s32 $0x1, s28;
	[tilespmem:s0+$0x178] =	vst v1  }
.LBB2_19:
.Ltmp16:
0x104: {  	(pc) =	sbr.rel .LBB2_20-.Ltmp16, $4  }
0x105: {  	_ = 	snop  }
0x106: {  	s0 =	simm.s32 $0x2  }
0x107: {  	_ =	swait.ge [sflag:s0], $0x0  }
0x108: {  	s30 =	smov.u32 s29;
	[sflag:s0] =	ssyncset.done $0x0;
	s0 =	simm.s32 $0x0  }
.LBB2_22:
0x109: {  	_ =	sfence.sel $0x180000  }
0x10a: {  	s0 =	simm.s32 $0x9;
	[bflag:$0x0] =	sbarrier.arrive $0xFFFF  }
0x10b: {  	s24 =	simm.s32 $0xA;
	[sflag:s0] =	ssyncpa.u1 $0x1  }
0x10c: {  	s25 =	simm.s32 $0xB;
	[sflag:s24] =	ssyncpa.u1 $0x1  }
0x10d: {  	s26 =	simm.s32 $0x2;
	[sflag:s25] =	ssyncpa.u1 $0x1  }
0x10e: {  	[sflag:s26] =	ssyncpa.u1 $0x1  }
0x10f: {  	v0 =	vld [tilespmem:$0xF208];
	_ =	sdelay $0x4  }
0x110: {  	(v2sf) =	vpush v0, $0x0  }
0x111: {  	(v2sf) =	vpush v0, $0x1;
	_ =	sdelay $0x1  }
0x112: {  	(v2sf) =	vpush v0, $0x2;
	_ =	sdelay $0xb  }
0x113: {  	s0 =	spop (v2sf)  }
0x114: {  	s2 =	spop (v2sf)  }
0x115: {  	s3 =	smov.u32 s0;
	p0 =	sne.s32 s0, s2  }
0x116: {  	s4 =	spop (v2sf);
	s3 =	simm.s32 @!p0 $0xFFFFFFFF  }
0x117: {  	v2 =	vimm.s32 $0x1;
	v3 =	vlaneseq.u32;
	p0 =	seq.s32 s4, $0xFFFFFFFF;
	v1 =	vmov s3  }
0x118: {  	s16 =	stileid.u32;
	v0 =	vperm.xlane v0, v2;
	p1 =	sne.s32 @!p0 s0, s2;
	v1 =	vperm.xlane v1, v3  }
0x119: {  	vm0 =	vcmask $0x3F04;
	s6 =	simm.s32 $0xF208;
	s0 =	simm.s32 @!p0 $0x1;
	p1 =	por !p1, p0  }
0x11a: {  	s3 =	sshll.u32 s16, $0x1;
	s2 =	sshll.u32 @!p0 s4, $0x9;
	s0 =	simm.s32 @p1 $0x0;
	v0 =	vsel vm0, v1, v0  }
0x11b: {  	s5 =	sor.u32 $0x1000, s3;
	s2 =	sshra.s32 @!p0 s2, $0x2;
	s0 =	sor.u32 @!p0 s0, s3;
	[tilespmem:$0xF208] =	vst v0  }
0x11c: {  	[spmem:s5] =	stream.linear.scatter [tilespmem:s6], [sflag:$0x1], $0x2, $0x38;
	[tilespmem:$0x1F6F8] =	vst v63  }
0x11d: {  	s2 =	sadd.s32 @!p0 $0x108, s2;
	s0 =	sshll.u32 @!p0 s0, $0x7  }
0x11e: {  	[spmem:s0] =	stream.linear.scatter @!p0 [tilespmem:s2], [sflag:$0x1], $0x80, $0x38;
	[tilespmem:$0x1F6F8] =	vst v63  }
0x11f: {  	s0 =	simm.s32 @!p0 $0x82  }
0x120: {  	s28 =	simm.s32 $0x1;
	s0 =	simm.s32 @p0 $0x2  }
0x121: {  	_ =	swait.ge [sflag:s28], s0  }
0x122: {  	s0 =	ssub.s32 $0x0, s0;
	[sflag:s28] =	ssyncset.done $0x0  }
0x123: {  	p0 =	sne.s32 s16, $0x0;
	[sflag:s28] =	ssyncadd.s32 s0  }
.Ltmp17:
0x124: {  	_ =	sfence.stream.spmem;
	(pc) =	sbr.rel @p0 .LBB2_39-.Ltmp17, $4  }
0x125: {  	s29 =	simm.s32 $0x3;
	[bflag:$0x0] =	sbarrier.arrive $0xFFFF  }
0x126: {  	s30 =	simm.s32 $0x4;
	[sflag:s29] =	ssyncpa.u1 $0x1  }
0x127: {  	s31 =	simm.s32 $0x3C;
	[sflag:s30] =	ssyncpa.u1 $0x1  }
0x128: {  	s15 =	rddreg [dreg:$0x4];
	[sflag:s31] =	ssyncpa.u1 $0x1  }
0x129: {  	_ =	sfence.stream.spmem;
	s0 =	simm.s32 $0x5  }
0x12a: {  	s2 =	simm.s32 $0x1000;
	s3 =	simm.s32 $0xF218;
	[sflag:s0] =	ssyncpa.u1 $0x0  }
0x12b: {  	[tilespmem:s3], [sflag:$0x5] =	stream.linear.gather [spmem:s2], $0x20, $0x38;
	[tilespmem:$0x1F6F8] =	vst v63  }
0x12c: {  	s26 =	simm.s32 $0x0;
	s28 =	simm.s32 $0xF238  }
0x12d: {  	[tilespmem:s28], [sflag:$0x5] =	stream.linear.gather [spmem:s26], $0x1000, $0x38;
	[tilespmem:$0x1F6F8] =	vst v63  }
0x12e: {  	_ =	swait.ge [sflag:s0], $0x1020  }
0x12f: {  	[sflag:s0] =	ssyncset.done $0x0  }
0x130: {  	s29 =	simm.s32 $0x0;
	[sflag:s0] =	ssyncadd.s32 $0xFFFFEFE0  }
0x131: {  	v0 =	vld.msk [tilespmem:s29+$0xF218], $0x1;
	_ =	sdelay $0x1  }
0x132: {  	s30 =	simm.s32 $0x1  }
0x133: {  	v1 =	vld.msk [tilespmem:s30+$0xF218], $0x1;
	_ =	sdelay $0x1  }
0x134: {  	(v2sf) =	vpush v0, $0x0;
	_ =	sdelay $0x2  }
0x135: {  	(v2sf) =	vpush v1, $0x0;
	_ =	sdelay $0x2  }
0x136: {  	s31 =	simm.s32 $0x2  }
0x137: {  	v0 =	vld.msk [tilespmem:s31+$0xF218], $0x1;
	_ =	sdelay $0x2  }
0x138: {  	s4 =	simm.s32 $0xFFFFFFFF;
	s5 =	simm.s32 $0xFFFFFFFF;
	s0 =	simm.s32 $0xC  }
.LBB2_24:
0x139: {  	s2 =	smov.u32 s5;
	s3 =	smov.u32 s4  }
0x13a: {  	s4 =	sshra.s32 s0, $0x2;
	p1 =	sne.s32 s0, $0x7C;
	s0 =	sadd.s32 $0x4, s0;
	(v2sf) =	vpush v0, $0x0  }
0x13b: {  	v0 =	vld.msk [tilespmem:s4+$0xF218], $0x1  }
.Ltmp18:
0x13c: {  	(pc) =	sbr.rel @p1 .LBB2_24-.Ltmp18, $4  }
0x13d: {  	s5 =	spop (v2sf)  }
0x13e: {  	p2 =	sne.s32 s3, $0xFFFFFFFF;
	s4 =	smov.u32 s5  }
0x13f: {  	p3 =	seq.s32 s5, $0xFFFFFFFF;
	s4 =	smov.u32 @p2 s3  }
0x140: {  	s5 =	smov.u32 @p3 s2;
	s4 =	smov.u32 @p3 s3  }
0x141: {  	(v2sf) =	vpush v0, $0x0;
	_ =	sdelay $0x8  }
0x142: {  	s0 =	spop (v2sf)  }
0x143: {  	p1 =	sne.s32 s4, $0xFFFFFFFF;
	s2 =	smov.u32 s0  }
0x144: {  	s9 =	simm.s32 $0x6;
	p2 =	seq.s32 s0, $0xFFFFFFFF;
	s2 =	smov.u32 @p1 s4  }
0x145: {  	s6 =	simm.s32 $0x0;
	s2 =	smov.u32 @p2 s4;
	s3 =	spop (v2sf)  }
0x146: {  	s0 =	smov.u32 @p2 s5;
	p1 =	sne.s32 s2, $0xFFFFFFFF;
	s4 =	smov.u32 s3  }
.Ltmp19:
0x147: {  	p2 =	seq.s32 s3, $0xFFFFFFFF;
	s4 =	smov.u32 @p1 s2;
	(pc) =	sbr.rel .LBB2_26-.Ltmp19, $4  }
0x148: {  	s10 =	simm.s32 $0xF188;
	s4 =	smov.u32 @p2 s2;
	s7 =	spop (v2sf)  }
0x149: {  	s11 =	simm.s32 $0x0;
	p1 =	sne.s32 s4, $0xFFFFFFFF;
	s8 =	smov.u32 s7  }
0x14a: {  	s3 =	smov.u32 @p2 s0;
	p2 =	seq.s32 s7, $0xFFFFFFFF;
	s8 =	smov.u32 @p1 s4  }
0x14b: {  	[sflag:s9] =	ssyncpa.u1 $0x0;
	s7 =	smov.u32 @p2 s3;
	s8 =	smov.u32 @p2 s4  }
.LBB2_32:
0x14c: {  	p1 =	sgt.u32 s12, $0x270F0  }
0x14d: {  	p2 =	seq.s32 @!p1 s12, s8  }
0x14e: {  	p1 =	por p1, p2  }
0x14f: {  	p2 =	sne.s32 @!p1 s12, s7  }
0x150: {  	p1 =	por p1, !p2  }
0x151: {  	s0 =	sshll.u32 @p1 s11, $0x9  }
0x152: {  	s0 =	sand.u32 @!p1 $0x3FFF8, s12  }
0x153: {  	s2 =	sand.u32 @!p1 $0x7, s12;
	s0 =	sadd.s32 @!p1 s1, s0  }
0x154: {  	[tilespmem:s10], [sflag:$0x6] =	stream.linear.gather @!p1 [hbm4b:s0+s2], $0x80, $0x38;
	[tilespmem:$0x1F6F8] =	vst v63  }
0x155: {  	_ =	swait.ge @!p1 [sflag:s9], $0x80  }
0x156: {  	[sflag:s9] =	ssyncset.done @!p1 $0x0  }
0x157: {  	[sflag:s9] =	ssyncadd.s32 @!p1 $0xFFFFFF80  }
0x158: {  	v1 =	vld @!p1 [tilespmem:$0xF188];
	_ =	sdelay $0x2  }
0x159: {  	s0 =	sshll.u32 @!p1 s11, $0x9  }
0x15a: {  	s2 =	sshrl.u32 @!p1 s0, $0x2  }
0x15b: {  	[tilespmem:s2+$0xF238] =	vst.add.f32.msk @!p1 $0xffff, v1  }
0x15c: {  	v1 =	vld @!p1 [tilespmem:$0xF198];
	_ =	sdelay $0x4  }
0x15d: {  	[tilespmem:s2+$0xF248] =	vst.add.f32.msk @!p1 $0xffff, v1  }
0x15e: {  	v1 =	vld @!p1 [tilespmem:$0xF1A8];
	_ =	sdelay $0x4  }
0x15f: {  	[tilespmem:s2+$0xF258] =	vst.add.f32.msk @!p1 $0xffff, v1  }
0x160: {  	v1 =	vld @!p1 [tilespmem:$0xF1B8];
	_ =	sdelay $0x4  }
0x161: {  	[tilespmem:s2+$0xF268] =	vst.add.f32.msk @!p1 $0xffff, v1  }
0x162: {  	v1 =	vld @!p1 [tilespmem:$0xF1C8];
	_ =	sdelay $0x4  }
0x163: {  	[tilespmem:s2+$0xF278] =	vst.add.f32.msk @!p1 $0xffff, v1  }
0x164: {  	v1 =	vld @!p1 [tilespmem:$0xF1D8];
	_ =	sdelay $0x4  }
0x165: {  	[tilespmem:s2+$0xF288] =	vst.add.f32.msk @!p1 $0xffff, v1  }
0x166: {  	v1 =	vld @!p1 [tilespmem:$0xF1E8];
	_ =	sdelay $0x4  }
0x167: {  	[tilespmem:s2+$0xF298] =	vst.add.f32.msk @!p1 $0xffff, v1  }
0x168: {  	v1 =	vld @!p1 [tilespmem:$0xF1F8];
	_ =	sdelay $0x4  }
0x169: {  	[tilespmem:s2+$0xF2A8] =	vst.add.f32.msk @!p1 $0xffff, v1  }
0x16a: {  	s0 =	sshrl.u32 s0, $0x2;
	[tilespmem:s6+$0xF218] =	vst.msk $0x1, v0  }
0x16b: {  	v0 =	vld [tilespmem:s0+$0xF238];
	_ =	sdelay $0x2  }
0x16c: {  	s31 =	sshll.u32 s6, $0x9  }
0x16d: {  	s2 =	sshra.s32 s31, $0x2  }
0x16e: {  	[tilespmem:s2+$0xF238] =	vst v0  }
0x16f: {  	v0 =	vld [tilespmem:s0+$0xF248];
	_ =	sdelay $0x4  }
0x170: {  	[tilespmem:s2+$0xF248] =	vst v0  }
0x171: {  	v0 =	vld [tilespmem:s0+$0xF258];
	_ =	sdelay $0x4  }
0x172: {  	[tilespmem:s2+$0xF258] =	vst v0  }
0x173: {  	v0 =	vld [tilespmem:s0+$0xF268];
	_ =	sdelay $0x4  }
0x174: {  	[tilespmem:s2+$0xF268] =	vst v0  }
0x175: {  	v0 =	vld [tilespmem:s0+$0xF278];
	_ =	sdelay $0x4  }
0x176: {  	[tilespmem:s2+$0xF278] =	vst v0  }
0x177: {  	v0 =	vld [tilespmem:s0+$0xF288];
	_ =	sdelay $0x4  }
0x178: {  	[tilespmem:s2+$0xF288] =	vst v0  }
0x179: {  	v0 =	vld [tilespmem:s0+$0xF298];
	_ =	sdelay $0x4  }
0x17a: {  	[tilespmem:s2+$0xF298] =	vst v0  }
0x17b: {  	v0 =	vld [tilespmem:s0+$0xF2A8];
	_ =	sdelay $0x4  }
0x17c: {  	s6 =	sadd.s32 $0x1, s6;
	[tilespmem:s2+$0xF2A8] =	vst v0  }
.LBB2_33:
0x17d: {  	s11 =	sadd.s32 $0x1, s11  }
0x17e: {  	p1 =	sne.s32 s11, $0x20  }
.Ltmp20:
0x17f: {  	_ = 	snop;
	(pc) =	sbr.rel @!p1 .LBB2_34-.Ltmp20, $1  }
0x180: {  	_ =	sdelay $0x3  }
.LBB2_26:
0x181: {  	v0 =	vld.msk [tilespmem:s11+$0xF218], $0x1;
	_ =	sdelay $0x4  }
0x182: {  	(v2sf) =	vpush v0, $0x0;
	_ =	sdelay $0xe  }
0x183: {  	s12 =	spop (v2sf)  }
0x184: {  	p1 =	seq.s32 s12, $0xFFFFFFFF  }
.Ltmp21:
0x185: {  	_ = 	snop;
	(pc) =	sbr.rel @p1 .LBB2_33-.Ltmp21, $1  }
0x186: {  	_ =	sdelay $0x3  }
0x187: {  	p1 =	slt.s32 s6, $0x1  }
.Ltmp22:
0x188: {  	_ = 	snop;
	(pc) =	sbr.rel @p1 .LBB2_32-.Ltmp22, $1  }
0x189: {  	_ =	sdelay $0x3  }
0x18a: {  	s13 =	simm.s32 $0xF218;
	p1 =	por $0x0, $0x0  }
0x18b: {  	v1 =	vld.msk @!p1 [tilespmem:s13+$0x0], $0x1;
	_ =	sdelay $0x4  }
0x18c: {  	(v2sf) =	vpush @!p1 v1, $0x0;
	_ =	sdelay $0xd  }
0x18d: {  	p3 =	sne.s32 s6, $0x1  }
.Ltmp23:
0x18e: {  	s0 =	spop @!p1 (v2sf);
	(pc) =	sbr.rel @!p3 .LBB2_30-.Ltmp23, $4  }
0x18f: {  	p2 =	seq.s32 @!p1 s12, s0  }
0x190: {  	s14 =	simm.s32 $0x0;
	p2 =	por !p2, p1  }
0x191: {  	s2 =	simm.s32 $0xFFFFFFFF;
	s14 =	simm.s32 @p2 $0xFFFFFFFF  }
0x192: {  	s0 =	simm.s32 $0x1;
	s14 =	smov.u32 @p1 s2  }
.LBB2_29:
0x193: {  	s2 =	smov.u32 s14;
	p1 =	sne.s32 s14, $0xFFFFFFFF  }
0x194: {  	s13 =	sadd.s32 $0x1, s13;
	s14 =	smov.u32 s0;
	s0 =	sadd.s32 $0x1, s0  }
0x195: {  	p2 =	sne.s32 s6, s0;
	v1 =	vld.msk @!p1 [tilespmem:s13+$0x0], $0x1;
	_ =	sdelay $0x4  }
0x196: {  	(v2sf) =	vpush @!p1 v1, $0x0;
	_ =	sdelay $0xe  }
.Ltmp24:
0x197: {  	s3 =	spop @!p1 (v2sf);
	(pc) =	sbr.rel @p2 .LBB2_29-.Ltmp24, $4  }
0x198: {  	p3 =	seq.s32 @!p1 s12, s3  }
0x199: {  	p3 =	por !p3, p1  }
0x19a: {  	s14 =	simm.s32 @p3 $0xFFFFFFFF  }
0x19b: {  	s14 =	smov.u32 @p1 s2  }
.LBB2_30:
0x19c: {  	p1 =	seq.s32 s14, $0xFFFFFFFF  }
.Ltmp25:
0x19d: {  	_ = 	snop;
	(pc) =	sbr.rel @p1 .LBB2_32-.Ltmp25, $1  }
0x19e: {  	_ =	sdelay $0x3  }
0x19f: {  	s0 =	sshll.u32 s11, $0x7  }
0x1a0: {  	s0 =	sand.u32 $0x3FFFFF80, s0  }
0x1a1: {  	v0 =	vld [tilespmem:s0+$0xF238];
	_ =	sdelay $0x2  }
0x1a2: {  	s2 =	sshll.u32 s14, $0x9  }
0x1a3: {  	s2 =	sshra.s32 s2, $0x2  }
0x1a4: {  	[tilespmem:s2+$0xF238] =	vst.add.f32.msk $0xffff, v0  }
0x1a5: {  	v0 =	vld [tilespmem:s0+$0xF248];
	_ =	sdelay $0x4  }
0x1a6: {  	[tilespmem:s2+$0xF248] =	vst.add.f32.msk $0xffff, v0  }
0x1a7: {  	v0 =	vld [tilespmem:s0+$0xF258];
	_ =	sdelay $0x4  }
0x1a8: {  	[tilespmem:s2+$0xF258] =	vst.add.f32.msk $0xffff, v0  }
0x1a9: {  	v0 =	vld [tilespmem:s0+$0xF268];
	_ =	sdelay $0x4  }
0x1aa: {  	[tilespmem:s2+$0xF268] =	vst.add.f32.msk $0xffff, v0  }
0x1ab: {  	v0 =	vld [tilespmem:s0+$0xF278];
	_ =	sdelay $0x4  }
0x1ac: {  	[tilespmem:s2+$0xF278] =	vst.add.f32.msk $0xffff, v0  }
0x1ad: {  	v0 =	vld [tilespmem:s0+$0xF288];
	_ =	sdelay $0x4  }
0x1ae: {  	[tilespmem:s2+$0xF288] =	vst.add.f32.msk $0xffff, v0  }
0x1af: {  	v0 =	vld [tilespmem:s0+$0xF298];
	_ =	sdelay $0x4  }
0x1b0: {  	[tilespmem:s2+$0xF298] =	vst.add.f32.msk $0xffff, v0  }
0x1b1: {  	v0 =	vld [tilespmem:s0+$0xF2A8]  }
.Ltmp26:
0x1b2: {  	_ = 	snop;
	(pc) =	sbr.rel .LBB2_33-.Ltmp26, $2  }
0x1b3: {  	_ =	sdelay $0x2  }
0x1b4: {  	[tilespmem:s2+$0xF2A8] =	vst.add.f32.msk $0xffff, v0  }
.LBB2_34:
0x1b5: {  	s0 =	simm.s32 $0x6;
	p1 =	seq.s32 s6, $0x0  }
0x1b6: {  	[sflag:s0] =	ssyncpa.u1 $0x1;
	v0 =	vimm.s32 @p1 $0xFFFFFFFF  }
0x1b7: {  	s9 =	sadd.s32 $0xFFFFFFFF, s6;
	[tilespmem:$0x10238] =	vst @p1 v0  }
0x1b8: {  	v0 =	vld.msk @!p1 [tilespmem:s9+$0xF218], $0x1;
	_ =	sdelay $0x1  }
0x1b9: {  	v1 =	vld.msk @!p1 [tilespmem:$0xF218], $0x1;
	_ =	sdelay $0x2  }
0x1ba: {  	p2 =	seq.s32 @!p1 s9, $0x0;
	v0 =	vbroadcast @!p1 v0, $0x0  }
0x1bb: {  	vm0 =	vmmov @!p1 $0x1;
	p2 =	por !p2, p1  }
0x1bc: {  	v1 =	vnsel @!p1 vm0, $0xFFFFFFFF, v1;
	vm0 =	vcmask @!p1 $0x308;
	v0 =	vpsel !p2, $0xFFFFFFFF, v0  }
0x1bd: {  	p2 =	sne.s32 @!p1 s8, s7;
	v0 =	vsel @!p1 vm0, v1, v0  }
0x1be: {  	s0 =	simm.s32 @!p1 $0xF238;
	s2 =	simm.s32 @!p1 $0x0;
	p3 =	por !p2, p1;
	[tilespmem:$0x10238] =	vst @!p1 v0  }
0x1bf: {  	[spmem:s2] =	stream.linear.scatter @!p1 [tilespmem:s0], [sflag:$0x1], $0x80, $0x38;
	[tilespmem:$0x1F6F8] =	vst v63  }
0x1c0: {  	s0 =	sshll.u32 @!p3 s9, $0x9  }
0x1c1: {  	s0 =	sshra.s32 @!p3 s0, $0x2  }
0x1c2: {  	s2 =	simm.s32 @!p3 $0x80;
	s0 =	sadd.s32 @!p3 $0xF238, s0  }
0x1c3: {  	[spmem:s2] =	stream.linear.scatter @!p3 [tilespmem:s0], [sflag:$0x1], $0x80, $0x38;
	[tilespmem:$0x1F6F8] =	vst v63  }
0x1c4: {  	s0 =	simm.s32 @!p3 $0x1  }
0x1c5: {  	_ =	swait.ge @!p3 [sflag:s0], $0x100  }
0x1c6: {  	p1 =	por p2, p1;
	[sflag:s0] =	ssyncset.done @!p3 $0x0  }
0x1c7: {  	[sflag:s0] =	ssyncadd.s32 @!p3 $0xFFFFFF00;
	s0 =	simm.s32 @!p1 $0x1  }
0x1c8: {  	_ =	swait.ge @!p1 [sflag:s0], $0x80  }
0x1c9: {  	s29 =	simm.s32 $0x10238;
	[sflag:s0] =	ssyncset.done @!p1 $0x0  }
0x1ca: {  	s30 =	simm.s32 $0x1000;
	s31 =	simm.s32 $0x1;
	[sflag:s0] =	ssyncadd.s32 @!p1 $0xFFFFFF80  }
0x1cb: {  	[spmem:s30] =	stream.linear.scatter [tilespmem:s29], [sflag:$0x1], $0x10, $0x38;
	[tilespmem:$0x1F6F8] =	vst v63  }
0x1cc: {  	_ =	swait.ge [sflag:s31], $0x10  }
0x1cd: {  	[sflag:s31] =	ssyncset.done $0x0  }
0x1ce: {  	p1 =	seq.s32 s15, $0x0;
	s8 =	rddreg [dreg:$0x1];
	[sflag:s31] =	ssyncadd.s32 $0xFFFFFFF0  }
0x1cf: {  	s2 =	sshll.u32 @p1 s8, $0xE;
	s7 =	rddreg [dreg:$0x2]  }
0x1d0: {  	s0 =	sadd.s32 @p1 $0x15C3C, s2;
	s2 =	sshll.u32 @p1 s7, $0x11  }
0x1d1: {  	_ =	sfence.stream.spmem;
	s0 =	sor.u32 @p1 s2, s0  }
0x1d2: {  	[sflag:s0] =	ssyncadd.remote.s32 @p1 $0x1;
	s0 =	simm.s32 @p1 $0x4  }
0x1d3: {  	s3 =	simm.s32 @!p1 $0x3C;
	s2 =	sand.u32 $0xFFFFFFFE, s8;
	_ =	swait.ge @p1 [sflag:s0], $0x22  }
0x1d4: {  	s4 =	simm.s32 @!p1 $0x0;
	s2 =	sadd.s32 @!p1 $0x4, s2;
	[sflag:s0] =	ssyncset.done @p1 $0x0  }
0x1d5: {  	s5 =	simm.s32 @!p1 $0x100;
	[sflag:s0] =	ssyncadd.s32 @p1 $0xFFFFFFDE;
	s0 =	sshll.u32 @!p1 s2, $0x1A  }
0x1d6: {  	s2 =	sshll.u32 @!p1 s2, $0xD;
	s0 =	sor.u32 @!p1 s0, s7;
	_ =	swait.eq @!p1 [sflag:s3], $0x1  }
0x1d7: {  	s2 =	sor.u32 @!p1 $0x1C04, s2;
	s3 =	simm.s32 @!p1 $0x1C03;
	s0 =	sor.u32 @!p1 $0x80004000, s0  }
0x1d8: {  	[spmem:s5], [sflag:s2] =	dma.general @!p1 [spmem:s4], [sflag:s3], length:$0x20, [dreg:$0x0], stride_count:$0x0, ici_dest:s0, dma_misc:DstOpCode:WRITE  }
0x1d9: {  	p2 =	slt.s32 s9, $0x2;
	s4 =	simm.s32 @!p1 $0x200;
	s5 =	simm.s32 @!p1 $0x202  }
0x1da: {  	[spmem:s5], [sflag:s2] =	dma.general @!p1 [spmem:s4], [sflag:s3], length:$0x2, [dreg:$0x0], stride_count:$0x0, ici_dest:s0, dma_misc:DstOpCode:WRITE  }
.Ltmp27:
0x1db: {  	s0 =	simm.s32 @!p1 $0x3;
	(pc) =	sbr.rel @p2 .LBB2_38-.Ltmp27, $4  }
0x1dc: {  	s2 =	sshll.u32 @!p1 s8, $0xE;
	_ =	swait.ge @!p1 [sflag:s0], $0x22  }
0x1dd: {  	s3 =	sshll.u32 @!p1 s7, $0x11;
	s2 =	sadd.s32 @!p1 $0x11C3C, s2;
	[sflag:s0] =	ssyncset.done @!p1 $0x0  }
0x1de: {  	[sflag:s0] =	ssyncadd.s32 @!p1 $0xFFFFFFDE;
	s0 =	sor.u32 @!p1 s3, s2  }
0x1df: {  	[sflag:s0] =	ssyncadd.remote.s32 @!p1 $0xFFFFFFFF;
	s0 =	simm.s32 $0x0  }
0x1e0: {  	s0 =	simm.s32 $0xF219  }
0x1e1: {  	v0 =	vld.msk [tilespmem:s0+$0x0], $0x1;
	_ =	sdelay $0x4  }
0x1e2: {  	(v2sf) =	vpush v0, $0x0;
	_ =	sdelay $0xb  }
0x1e3: {  	s31 =	sadd.s32 $0xFFFFFFFE, s6  }
0x1e4: {  	s0 =	sadd.s32 $0xFFFFFFFF, s31  }
0x1e5: {  	p2 =	sne.s32 s0, $0x0  }
.Ltmp28:
0x1e6: {  	s2 =	spop (v2sf);
	(pc) =	sbr.rel @!p2 .LBB2_37-.Ltmp28, $4  }
0x1e7: {  	s4 =	simm.s32 $0xF2B8;
	s7 =	simm.s32 $0x0;
	p1 =	sgt.u32 s2, $0x270F0  }
0x1e8: {  	s5 =	simm.s32 $0x0;
	s6 =	simm.s32 $0xF21A;
	s3 =	sand.u32 @!p1 $0x3FFF8, s2  }
0x1e9: {  	s2 =	sand.u32 @!p1 $0x7, s2;
	s7 =	simm.s32 @!p1 $0x200;
	s3 =	sadd.s32 @!p1 s1, s3  }
0x1ea: {  	[hbm4b:s3+s2] =	stream.linear.scatter @!p1 [tilespmem:s4], [sflag:$0x5], $0x80, $0x38;
	[tilespmem:$0x1F6F8] =	vst v63  }
.LBB2_36:
0x1eb: {  	v0 =	vld.msk [tilespmem:s6+$0x0], $0x1;
	s0 =	sadd.s32 $0xFFFFFFFF, s0;
	s5 =	sadd.s32 s5, s7  }
0x1ec: {  	p1 =	sne.s32 s0, $0x0;
	_ =	sdelay $0x3  }
0x1ed: {  	(v2sf) =	vpush v0, $0x0;
	_ =	sdelay $0xe  }
.Ltmp29:
0x1ee: {  	s2 =	spop (v2sf);
	(pc) =	sbr.rel @p1 .LBB2_36-.Ltmp29, $4  }
0x1ef: {  	s7 =	simm.s32 $0x0;
	p2 =	sgt.u32 s2, $0x270F0  }
0x1f0: {  	s4 =	sadd.s32 $0x80, s4;
	s7 =	simm.s32 @!p2 $0x200;
	s3 =	sand.u32 @!p2 $0x3FFF8, s2  }
0x1f1: {  	s6 =	sadd.s32 $0x1, s6;
	s2 =	sand.u32 @!p2 $0x7, s2;
	s3 =	sadd.s32 @!p2 s1, s3  }
0x1f2: {  	[hbm4b:s3+s2] =	stream.linear.scatter @!p2 [tilespmem:s4], [sflag:$0x5], $0x80, $0x38;
	[tilespmem:$0x1F6F8] =	vst v63  }
.LBB2_37:
0x1f3: {  	s0 =	sadd.s32 s5, s7  }
0x1f4: {  	s0 =	sshrl.u32 s0, $0x2  }
.LBB2_38:
0x1f5: {  	s2 =	simm.s32 $0x5  }
0x1f6: {  	_ =	swait.ge [sflag:s2], s0  }
0x1f7: {  	s31 =	ssub.s32 $0x0, s0;
	[sflag:s2] =	ssyncset.done $0x0  }
0x1f8: {  	[sflag:s2] =	ssyncadd.s32 s31  }
0x1f9: {  	[sflag:s2] =	ssyncpa.u1 $0x1  }
.LBB2_39:
0x1fa: {  	s0 =	sor.u32 s15, s16  }
0x1fb: {  	p1 =	sne.s32 s0, $0x0  }
.Ltmp30:
0x1fc: {  	_ = 	snop;
	(pc) =	sbr.rel @p1 .LBB2_54-.Ltmp30, $3  }
0x1fd: {  	_ =	sdelay $0x1  }
0x1fe: {  	[bflag:$0x0] =	sbarrier.arrive $0xFFFF  }
0x1ff: {  	_ =	sfence  }
0x200: {  	s0 =	simm.s32 $0x7  }
0x201: {  	s2 =	simm.s32 $0x1000;
	s3 =	simm.s32 $0xF218;
	[sflag:s0] =	ssyncpa.u1 $0x0  }
0x202: {  	[tilespmem:s3], [sflag:$0x7] =	stream.linear.gather [spmem:s2], $0x20, $0x38;
	[tilespmem:$0x1F6F8] =	vst v63  }
0x203: {  	s30 =	simm.s32 $0xF238;
	s2 =	simm.s32 $0x0  }
0x204: {  	[tilespmem:s30], [sflag:$0x7] =	stream.linear.gather [spmem:s2], $0x1000, $0x38;
	[tilespmem:$0x1F6F8] =	vst v63  }
.Ltmp31:
0x205: {  	_ = 	snop;
	(pc) =	sbr.rel .LBB2_41-.Ltmp31, $4  }
0x206: {  	_ =	swait.ge [sflag:s0], $0x1020  }
0x207: {  	[sflag:s0] =	ssyncset.done $0x0  }
0x208: {  	s31 =	simm.s32 $0x8;
	[sflag:s0] =	ssyncadd.s32 $0xFFFFEFE0  }
0x209: {  	s3 =	simm.s32 $0x0;
	[sflag:s31] =	ssyncpa.u1 $0x0  }
.LBB2_47:
0x20a: {  	p1 =	slt.u32 s4, $0x270F1  }
0x20b: {  	s0 =	sand.u32 @p1 $0x3FFF8, s4  }
0x20c: {  	s4 =	sand.u32 @p1 $0x7, s4;
	s5 =	simm.s32 @p1 $0xF188;
	s0 =	sadd.s32 @p1 s1, s0  }
0x20d: {  	[tilespmem:s5], [sflag:$0x8] =	stream.linear.gather @p1 [hbm4b:s0+s4], $0x80, $0x38;
	[tilespmem:$0x1F6F8] =	vst v63  }
0x20e: {  	s0 =	simm.s32 @p1 $0x8  }
0x20f: {  	_ =	swait.ge @p1 [sflag:s0], $0x80  }
0x210: {  	[sflag:s0] =	ssyncset.done @p1 $0x0  }
0x211: {  	[sflag:s0] =	ssyncadd.s32 @p1 $0xFFFFFF80  }
0x212: {  	v1 =	vld @p1 [tilespmem:$0xF188];
	_ =	sdelay $0x2  }
0x213: {  	s0 =	sshll.u32 @p1 s3, $0x9  }
0x214: {  	s4 =	sshrl.u32 @p1 s0, $0x2  }
0x215: {  	[tilespmem:s4+$0xF238] =	vst.add.f32.msk @p1 $0xffff, v1  }
0x216: {  	v1 =	vld @p1 [tilespmem:$0xF198];
	_ =	sdelay $0x4  }
0x217: {  	[tilespmem:s4+$0xF248] =	vst.add.f32.msk @p1 $0xffff, v1  }
0x218: {  	v1 =	vld @p1 [tilespmem:$0xF1A8];
	_ =	sdelay $0x4  }
0x219: {  	[tilespmem:s4+$0xF258] =	vst.add.f32.msk @p1 $0xffff, v1  }
0x21a: {  	v1 =	vld @p1 [tilespmem:$0xF1B8];
	_ =	sdelay $0x4  }
0x21b: {  	[tilespmem:s4+$0xF268] =	vst.add.f32.msk @p1 $0xffff, v1  }
0x21c: {  	v1 =	vld @p1 [tilespmem:$0xF1C8];
	_ =	sdelay $0x4  }
0x21d: {  	[tilespmem:s4+$0xF278] =	vst.add.f32.msk @p1 $0xffff, v1  }
0x21e: {  	v1 =	vld @p1 [tilespmem:$0xF1D8];
	_ =	sdelay $0x4  }
0x21f: {  	[tilespmem:s4+$0xF288] =	vst.add.f32.msk @p1 $0xffff, v1  }
0x220: {  	v1 =	vld @p1 [tilespmem:$0xF1E8];
	_ =	sdelay $0x4  }
0x221: {  	[tilespmem:s4+$0xF298] =	vst.add.f32.msk @p1 $0xffff, v1  }
0x222: {  	v1 =	vld @p1 [tilespmem:$0xF1F8];
	_ =	sdelay $0x3  }
0x223: {  	s5 =	sshll.u32 @!p1 s3, $0x9  }
0x224: {  	s5 =	smov.u32 @p1 s0;
	[tilespmem:s4+$0xF2A8] =	vst.add.f32.msk @p1 $0xffff, v1  }
0x225: {  	s0 =	sshrl.u32 s5, $0x2;
	[tilespmem:s2+$0xF218] =	vst.msk $0x1, v0  }
0x226: {  	v0 =	vld [tilespmem:s0+$0xF238];
	_ =	sdelay $0x2  }
0x227: {  	s31 =	sshll.u32 s2, $0x9  }
0x228: {  	s4 =	sshra.s32 s31, $0x2  }
0x229: {  	[tilespmem:s4+$0xF238] =	vst v0  }
0x22a: {  	v0 =	vld [tilespmem:s0+$0xF248];
	_ =	sdelay $0x4  }
0x22b: {  	[tilespmem:s4+$0xF248] =	vst v0  }
0x22c: {  	v0 =	vld [tilespmem:s0+$0xF258];
	_ =	sdelay $0x4  }
0x22d: {  	[tilespmem:s4+$0xF258] =	vst v0  }
0x22e: {  	v0 =	vld [tilespmem:s0+$0xF268];
	_ =	sdelay $0x4  }
0x22f: {  	[tilespmem:s4+$0xF268] =	vst v0  }
0x230: {  	v0 =	vld [tilespmem:s0+$0xF278];
	_ =	sdelay $0x4  }
0x231: {  	[tilespmem:s4+$0xF278] =	vst v0  }
0x232: {  	v0 =	vld [tilespmem:s0+$0xF288];
	_ =	sdelay $0x4  }
0x233: {  	[tilespmem:s4+$0xF288] =	vst v0  }
0x234: {  	v0 =	vld [tilespmem:s0+$0xF298];
	_ =	sdelay $0x4  }
0x235: {  	[tilespmem:s4+$0xF298] =	vst v0  }
0x236: {  	v0 =	vld [tilespmem:s0+$0xF2A8];
	_ =	sdelay $0x4  }
0x237: {  	s2 =	sadd.s32 $0x1, s2;
	[tilespmem:s4+$0xF2A8] =	vst v0  }
.LBB2_48:
0x238: {  	s3 =	sadd.s32 $0x1, s3  }
0x239: {  	p1 =	sne.s32 s3, $0x20  }
.Ltmp32:
0x23a: {  	_ = 	snop;
	(pc) =	sbr.rel @!p1 .LBB2_49-.Ltmp32, $1  }
0x23b: {  	_ =	sdelay $0x3  }
.LBB2_41:
0x23c: {  	v0 =	vld.msk [tilespmem:s3+$0xF218], $0x1;
	_ =	sdelay $0x4  }
0x23d: {  	(v2sf) =	vpush v0, $0x0;
	_ =	sdelay $0xe  }
0x23e: {  	s4 =	spop (v2sf)  }
0x23f: {  	p1 =	seq.s32 s4, $0xFFFFFFFF  }
.Ltmp33:
0x240: {  	_ = 	snop;
	(pc) =	sbr.rel @p1 .LBB2_48-.Ltmp33, $1  }
0x241: {  	_ =	sdelay $0x3  }
0x242: {  	p1 =	slt.s32 s2, $0x1  }
.Ltmp34:
0x243: {  	_ = 	snop;
	(pc) =	sbr.rel @p1 .LBB2_47-.Ltmp34, $1  }
0x244: {  	_ =	sdelay $0x3  }
0x245: {  	s5 =	simm.s32 $0xF218;
	p1 =	por $0x0, $0x0  }
0x246: {  	v1 =	vld.msk @!p1 [tilespmem:s5+$0x0], $0x1;
	_ =	sdelay $0x4  }
0x247: {  	(v2sf) =	vpush @!p1 v1, $0x0;
	_ =	sdelay $0xd  }
0x248: {  	p3 =	sne.s32 s2, $0x1  }
.Ltmp35:
0x249: {  	s0 =	spop @!p1 (v2sf);
	(pc) =	sbr.rel @!p3 .LBB2_45-.Ltmp35, $4  }
0x24a: {  	p2 =	seq.s32 @!p1 s4, s0  }
0x24b: {  	s6 =	simm.s32 $0x0;
	p2 =	por !p2, p1  }
0x24c: {  	s7 =	simm.s32 $0xFFFFFFFF;
	s6 =	simm.s32 @p2 $0xFFFFFFFF  }
0x24d: {  	s0 =	simm.s32 $0x1;
	s6 =	smov.u32 @p1 s7  }
.LBB2_44:
0x24e: {  	s7 =	smov.u32 s6;
	p1 =	sne.s32 s6, $0xFFFFFFFF  }
0x24f: {  	s5 =	sadd.s32 $0x1, s5;
	s6 =	smov.u32 s0;
	s0 =	sadd.s32 $0x1, s0  }
0x250: {  	p2 =	sne.s32 s2, s0;
	v1 =	vld.msk @!p1 [tilespmem:s5+$0x0], $0x1;
	_ =	sdelay $0x4  }
0x251: {  	(v2sf) =	vpush @!p1 v1, $0x0;
	_ =	sdelay $0xe  }
.Ltmp36:
0x252: {  	s8 =	spop @!p1 (v2sf);
	(pc) =	sbr.rel @p2 .LBB2_44-.Ltmp36, $4  }
0x253: {  	p3 =	seq.s32 @!p1 s4, s8  }
0x254: {  	p3 =	por !p3, p1  }
0x255: {  	s6 =	simm.s32 @p3 $0xFFFFFFFF  }
0x256: {  	s6 =	smov.u32 @p1 s7  }
.LBB2_45:
0x257: {  	p1 =	seq.s32 s6, $0xFFFFFFFF  }
.Ltmp37:
0x258: {  	_ = 	snop;
	(pc) =	sbr.rel @p1 .LBB2_47-.Ltmp37, $1  }
0x259: {  	_ =	sdelay $0x3  }
0x25a: {  	s0 =	sshll.u32 s3, $0x7  }
0x25b: {  	s0 =	sand.u32 $0x3FFFFF80, s0  }
0x25c: {  	v0 =	vld [tilespmem:s0+$0xF238];
	_ =	sdelay $0x2  }
0x25d: {  	s4 =	sshll.u32 s6, $0x9  }
0x25e: {  	s4 =	sshra.s32 s4, $0x2  }
0x25f: {  	[tilespmem:s4+$0xF238] =	vst.add.f32.msk $0xffff, v0  }
0x260: {  	v0 =	vld [tilespmem:s0+$0xF248];
	_ =	sdelay $0x4  }
0x261: {  	[tilespmem:s4+$0xF248] =	vst.add.f32.msk $0xffff, v0  }
0x262: {  	v0 =	vld [tilespmem:s0+$0xF258];
	_ =	sdelay $0x4  }
0x263: {  	[tilespmem:s4+$0xF258] =	vst.add.f32.msk $0xffff, v0  }
0x264: {  	v0 =	vld [tilespmem:s0+$0xF268];
	_ =	sdelay $0x4  }
0x265: {  	[tilespmem:s4+$0xF268] =	vst.add.f32.msk $0xffff, v0  }
0x266: {  	v0 =	vld [tilespmem:s0+$0xF278];
	_ =	sdelay $0x4  }
0x267: {  	[tilespmem:s4+$0xF278] =	vst.add.f32.msk $0xffff, v0  }
0x268: {  	v0 =	vld [tilespmem:s0+$0xF288];
	_ =	sdelay $0x4  }
0x269: {  	[tilespmem:s4+$0xF288] =	vst.add.f32.msk $0xffff, v0  }
0x26a: {  	v0 =	vld [tilespmem:s0+$0xF298];
	_ =	sdelay $0x4  }
0x26b: {  	[tilespmem:s4+$0xF298] =	vst.add.f32.msk $0xffff, v0  }
0x26c: {  	v0 =	vld [tilespmem:s0+$0xF2A8]  }
.Ltmp38:
0x26d: {  	_ = 	snop;
	(pc) =	sbr.rel .LBB2_48-.Ltmp38, $2  }
0x26e: {  	_ =	sdelay $0x2  }
0x26f: {  	[tilespmem:s4+$0xF2A8] =	vst.add.f32.msk $0xffff, v0  }
.LBB2_49:
0x270: {  	p1 =	slt.s32 s2, $0x1  }
.Ltmp39:
0x271: {  	_ = 	snop;
	(pc) =	sbr.rel @p1 .LBB2_53-.Ltmp39, $3  }
0x272: {  	_ =	sdelay $0x1  }
0x273: {  	s0 =	simm.s32 $0x8  }
0x274: {  	s3 =	simm.s32 $0x0;
	[sflag:s0] =	ssyncpa.u1 $0x1  }
0x275: {  	s0 =	simm.s32 $0xF218  }
0x276: {  	v0 =	vld.msk [tilespmem:s0+$0x0], $0x1;
	_ =	sdelay $0x4  }
0x277: {  	(v2sf) =	vpush v0, $0x0;
	_ =	sdelay $0xe  }
0x278: {  	s0 =	sadd.s32 $0xFFFFFFFF, s2;
	s5 =	spop (v2sf)  }
0x279: {  	p2 =	sne.s32 s0, $0x0;
	p1 =	sgt.u32 s5, $0x270F0  }
.Ltmp40:
0x27a: {  	s6 =	sand.u32 @!p1 $0x3FFF8, s5;
	(pc) =	sbr.rel @!p2 .LBB2_52-.Ltmp40, $4  }
0x27b: {  	s4 =	simm.s32 $0xF238;
	s5 =	sand.u32 @!p1 $0x7, s5;
	s2 =	sadd.s32 @!p1 s1, s6  }
0x27c: {  	[hbm4b:s2+s5] =	stream.linear.scatter @!p1 [tilespmem:s4], [sflag:$0x7], $0x80, $0x38;
	[tilespmem:$0x1F6F8] =	vst v63  }
0x27d: {  	s5 =	simm.s32 $0x0  }
0x27e: {  	s2 =	simm.s32 $0xF219;
	s5 =	simm.s32 @!p1 $0x200  }
.LBB2_51:
0x27f: {  	v0 =	vld.msk [tilespmem:s2+$0x0], $0x1;
	s0 =	sadd.s32 $0xFFFFFFFF, s0;
	s3 =	sadd.s32 s3, s5  }
0x280: {  	p1 =	sne.s32 s0, $0x0;
	_ =	sdelay $0x3  }
0x281: {  	(v2sf) =	vpush v0, $0x0;
	_ =	sdelay $0xe  }
.Ltmp41:
0x282: {  	s6 =	spop (v2sf);
	(pc) =	sbr.rel @p1 .LBB2_51-.Ltmp41, $4  }
0x283: {  	s5 =	simm.s32 $0x0;
	p2 =	sgt.u32 s6, $0x270F0  }
0x284: {  	s4 =	sadd.s32 $0x80, s4;
	s5 =	simm.s32 @!p2 $0x200;
	s7 =	sand.u32 @!p2 $0x3FFF8, s6  }
0x285: {  	s2 =	sadd.s32 $0x1, s2;
	s6 =	sand.u32 @!p2 $0x7, s6;
	s7 =	sadd.s32 @!p2 s1, s7  }
0x286: {  	[hbm4b:s7+s6] =	stream.linear.scatter @!p2 [tilespmem:s4], [sflag:$0x7], $0x80, $0x38;
	[tilespmem:$0x1F6F8] =	vst v63  }
.LBB2_52:
0x287: {  	s0 =	sadd.s32 s3, s5  }
0x288: {  	s3 =	sshrl.u32 s0, $0x2  }
.LBB2_53:
0x289: {  	s0 =	simm.s32 $0x7  }
0x28a: {  	_ =	swait.ge [sflag:s0], s3  }
0x28b: {  	s1 =	ssub.s32 $0x0, s3;
	[sflag:s0] =	ssyncset.done $0x0  }
0x28c: {  	[sflag:s0] =	ssyncadd.s32 s1  }
0x28d: {  	[sflag:s0] =	ssyncpa.u1 $0x1  }
.LBB2_54:
0x28e: {  	_ =	sfence;
	s0 =	simm.s32 $0x1  }
0x28f: {  	[sflag:s0] =	ssyncpa.u1 $0x1  }
0x290: {  	_ =	strace $0x9000006B  }
0x291: {  	[bflag:$0x2] =	sbarrier.arrive $0xFFFF  }
0x292: {  	s0 =	rddreg [dreg:$0x3]  }
0x293: {  	s0 =	sadd.s32 @!p0 $0x100000, s0  }
0x294: {  	[sflag:s0] =	ssyncadd.tile.s32 @!p0 $0x1;
	_ =	shalt  }
.Lfunc_end2:
_tile_overlayer_lowered:
.L_overlay_start_2:
0x295: {  	(tag) =	ssettag $0x2  }
0x296: {  	s0 =	rddreg [dreg:$0x0];
	s2 =	stileid.u32  }
0x297: {  	s1 =	rddreg [dreg:$0x1];
	p0 =	sne.s32 s2, $0x0  }
0x298: {  	s3 =	rddreg [dreg:$0x2];
	[bflag:$0x3] =	sbarrier.arrive $0xFFFF;
	s2 =	simm.s32 @!p0 $0x1C01  }
0x299: {  	[timem:s3], [sflag:s2] =	dma.local @!p0 [hbm:s0], s1  }
0x29a: {  	s0 =	simm.s32 @!p0 $0x1  }
0x29b: {  	_ =	swait.ge @!p0 [sflag:s0], s1  }
0x29c: {  	s1 =	ssub.s32 @!p0 $0x0, s1;
	[sflag:s0] =	ssyncset.done @!p0 $0x0  }
0x29d: {  	[sflag:s0] =	ssyncadd.s32 @!p0 s1  }
0x29e: {  	[bflag:$0x3] =	sbarrier.arrive $0xFFFF  }
0x29f: {  	_ =	shalt  }

// kernel: scatter_offload_async_start.6
scs
__scs_entry_jumppad:
0x0: {  	(pc) =	sbr.rel $0x88, $3  }
0x1: {  	(tag) =	ssettag $0x0;
	lr =	simm.s32 $0x1  }
0x2: {  	[smem:$0x3F89] =	sst lr;
	_ =	strace $0xD0000000  }
0x3: {  	_ = 	snop  }
0x4: {  	_ = 	snop  }
0x5: {  	_ = 	snop  }
0x6: {  	_ = 	snop  }
0x7: {  	_ = 	snop  }
__scs_overlays_trampoline_lowered:
0x8: {  	[smem:$0x3F98] =	sst s0  }
0x9: {  	[smem:$0x3F99] =	sst s1  }
0xa: {  	[smem:$0x3F9A] =	sst s2  }
0xb: {  	[smem:$0x3F9B] =	sst s3  }
0xc: {  	[smem:$0x3F9C] =	sst s4  }
0xd: {  	[smem:$0x3F9D] =	sst s5  }
0xe: {  	[smem:$0x3F9E] =	sst s6  }
0xf: {  	[smem:$0x3F9F] =	sst s7  }
0x10: {  	[smem:$0x3FA0] =	sst s8  }
0x11: {  	[smem:$0x3FA1] =	sst s9;
	s0 =	simm.s32 @!p0 $0x0  }
0x12: {  	s1 =	sld [smem:$0x3F87];
	s0 =	simm.s32 @p0 $0x1  }
0x13: {  	[smem:$0x3FA2] =	sst s0;
	s0 =	simm.s32 @!p1 $0x0  }
0x14: {  	s2 =	sld [smem:$0x3F86];
	s0 =	simm.s32 @p1 $0x1  }
0x15: {  	[smem:$0x3FA3] =	sst s0;
	s0 =	simm.s32 @!p2 $0x0  }
0x16: {  	s3 =	sld [smem:$0x3FDB];
	s0 =	simm.s32 @p2 $0x1  }
0x17: {  	s4 =	simm.s32 $0x1BF5;
	[smem:$0x3FA5] =	sst s0  }
0x18: {  	s0 =	sld [smem:$0x3F88];
	_ =	swait.ge [sflag:s4], $0x0  }
0x19: {  	s7 =	sld [smem:$0x3F89]  }
0x1a: {  	s8 =	sadd.s32 $0xFFFFE003, lr  }
0x1b: {  	s9 =	sadd.s32 $0xFFFFFEF7, lr;
	s5 =	simm.s32 $0xFFFFFFFF;
	p2 =	slt.u32 s8, $0xFFFFF086  }
0x1c: {  	p1 =	slt.u32 s9, $0xF7A;
	s5 =	simm.s32 @!p2 $0x0  }
0x1d: {  	s5 =	simm.s32 @p1 $0x1;
	p0 =	seq.s32 s7, s2  }
0x1e: {  	s7 =	smul.u32 @!p0 $0xF7A, s2;
	p2 =	seq.s32 @!p0 s5, $0x0  }
0x1f: {  	s9 =	smul.u32 $0xF7A, s1;
	s8 =	simm.s32 @!p0 $0x1BF5;
	p2 =	por !p2, p0  }
0x20: {  	[sflag:s8] =	ssyncset.s32 @!p0 $0xFFFFF086;
	s6 =	sadd.s32 @!p0 s3, s7;
	s7 =	simm.s32 @!p0 $0x108  }
0x21: {  	s3 =	sadd.s32 s3, s9;
	s6 =	sadd.s32 @!p0 $0x88, s6;
	s7 =	simm.s32 @p2 $0x1082  }
0x22: {  	[simem:s7], [sflag:s8] =	dma.local @!p0 [hbm:s6], $0xF7A  }
0x23: {  	s9 =	sor.u32 $0xD0000000, s2;
	s6 =	simm.s32 $0x108;
	_ =	swait.ge @!p0 [sflag:s8], $0x0  }
0x24: {  	s3 =	sadd.s32 $0x88, s3;
	s6 =	simm.s32 @!p1 $0x1082;
	[sflag:s4] =	ssyncset.s32 $0xFFFFF086  }
0x25: {  	[simem:s6], [sflag:s4] =	dma.local [hbm:s3], $0xF7A  }
0x26: {  	[smem:$0x3F89] =	sst s1;
	(tag) =	ssettag s2;
	_ =	strace s9  }
0x27: {  	s1 =	sld [smem:$0x3F99]  }
0x28: {  	s2 =	sld [smem:$0x3F9A]  }
0x29: {  	s4 =	sld [smem:$0x3F9C]  }
0x2a: {  	p0 =	seq.s32 s5, $0x0;
	s5 =	sld [smem:$0x3F9D]  }
0x2b: {  	s6 =	sld [smem:$0x3F9E]  }
0x2c: {  	s7 =	sld [smem:$0x3F9F]  }
0x2d: {  	s3 =	simm.s32 $0x108;
	s8 =	sld [smem:$0x3FA0]  }
0x2e: {  	s3 =	simm.s32 @!p0 $0x1082;
	s9 =	sld [smem:$0x3FA1]  }
0x2f: {  	lr =	sadd.s32 s0, s3;
	s0 =	sld [smem:$0x3F98]  }
0x30: {  	s3 =	sld [smem:$0x3F9B]  }
0x31: {  	[smem:$0x3FA4] =	sst s10  }
0x32: {  	s10 =	sld [smem:$0x3FA2];
	_ =	sdelay $0x3  }
0x33: {  	p0 =	seq.s32 s10, $0x1;
	s10 =	sld [smem:$0x3FA4];
	_ =	sdelay $0x3  }
0x34: {  	[smem:$0x3FA4] =	sst s10  }
0x35: {  	s10 =	sld [smem:$0x3FA3];
	_ =	sdelay $0x3  }
0x36: {  	p1 =	seq.s32 s10, $0x1;
	s10 =	sld [smem:$0x3FA4];
	_ =	sdelay $0x3  }
0x37: {  	[smem:$0x3FA4] =	sst s10  }
0x38: {  	s10 =	sld [smem:$0x3FA5]  }
0x39: {  	_ = 	snop;
	(pc) =	sbr.ind lr, $3  }
0x3a: {  	_ = 	snop  }
0x3b: {  	_ = 	snop  }
0x3c: {  	p2 =	seq.s32 s10, $0x1;
	s10 =	sld [smem:$0x3FA4]  }
0x3d: {  	_ =	shalt  }
0x3e: {  	_ =	shalt  }
0x3f: {  	_ =	shalt  }
0x40: {  	_ =	shalt  }
0x41: {  	_ =	shalt  }
0x42: {  	_ =	shalt  }
0x43: {  	_ =	shalt  }
0x44: {  	_ =	shalt  }
0x45: {  	_ =	shalt  }
0x46: {  	_ =	shalt  }
0x47: {  	_ =	shalt  }
0x48: {  	_ =	shalt  }
0x49: {  	_ =	shalt  }
0x4a: {  	_ =	shalt  }
0x4b: {  	_ =	shalt  }
0x4c: {  	_ =	shalt  }
0x4d: {  	_ =	shalt  }
0x4e: {  	_ =	shalt  }
0x4f: {  	_ =	shalt  }
0x50: {  	_ =	shalt  }
0x51: {  	_ =	shalt  }
0x52: {  	_ =	shalt  }
0x53: {  	_ =	shalt  }
0x54: {  	_ =	shalt  }
0x55: {  	_ =	shalt  }
0x56: {  	_ =	shalt  }
0x57: {  	_ =	shalt  }
0x58: {  	_ =	shalt  }
0x59: {  	_ =	shalt  }
0x5a: {  	_ =	shalt  }
0x5b: {  	_ =	shalt  }
0x5c: {  	_ =	shalt  }
0x5d: {  	_ =	shalt  }
0x5e: {  	_ =	shalt  }
0x5f: {  	_ =	shalt  }
0x60: {  	_ =	shalt  }
0x61: {  	_ =	shalt  }
0x62: {  	_ =	shalt  }
0x63: {  	_ =	shalt  }
0x64: {  	_ =	shalt  }
0x65: {  	_ =	shalt  }
0x66: {  	_ =	shalt  }
0x67: {  	_ =	shalt  }
0x68: {  	_ =	shalt  }
0x69: {  	_ =	shalt  }
0x6a: {  	_ =	shalt  }
0x6b: {  	_ =	shalt  }
0x6c: {  	_ =	shalt  }
0x6d: {  	_ =	shalt  }
0x6e: {  	_ =	shalt  }
0x6f: {  	_ =	shalt  }
0x70: {  	_ =	shalt  }
0x71: {  	_ =	shalt  }
0x72: {  	_ =	shalt  }
0x73: {  	_ =	shalt  }
0x74: {  	_ =	shalt  }
0x75: {  	_ =	shalt  }
0x76: {  	_ =	shalt  }
0x77: {  	_ =	shalt  }
0x78: {  	_ =	shalt  }
0x79: {  	_ =	shalt  }
0x7a: {  	_ =	shalt  }
0x7b: {  	_ =	shalt  }
0x7c: {  	_ =	shalt  }
0x7d: {  	_ =	shalt  }
0x7e: {  	_ =	shalt  }
0x7f: {  	_ =	shalt  }
0x80: {  	_ =	shalt  }
0x81: {  	_ =	shalt  }
0x82: {  	_ =	shalt  }
0x83: {  	_ =	shalt  }
0x84: {  	_ =	shalt  }
0x85: {  	_ =	shalt  }
0x86: {  	_ =	shalt  }
0x87: {  	_ =	shalt  }
.Lfunc_end0:
.L_simem_size_0:
called_computation.6_lowered:
.L_overlay_start_0:
0x88: {  	s0 =	sld [smem:$0x3FD9]  }
0x89: {  	s1 =	sld [smem:$0x3FFE];
	_ =	sdelay $0x3  }
0x8a: {  	s0 =	sadd.s32 s1, s0  }
0x8b: {  	[smem:$0x3FB0] =	sst s0  }
0x8c: {  	_ = 	snop  }
0x8d: {  	s0 =	sld [smem:$0x3FD0];
	_ =	sdelay $0x2  }
0x8e: {  	s13 =	simm.s32 $0xD;
	s2 =	simm.s32 $0x10  }
0x8f: {  	[smem:s2], [sflag:s13] =	dma.local [hbm:s0], $0x1  }
0x90: {  	_ =	swait.eq [sflag:s13], $0x1  }
0x91: {  	[sflag:s13] =	ssyncset.done $0x0  }
0x92: {  	[sflag:s13] =	ssyncadd.s32 $0xFFFFFFFF  }
0x93: {  	s14 =	sld [smem:$0x12];
	(tm) =	ssettm $0x1  }
0x94: {  	s15 =	sld [smem:$0x3FFB];
	_ =	sdelay $0x3  }
0x95: {  	_ =	strace s15  }
0x96: {  	s1 =	sld [smem:$0x3FFC];
	_ =	sdelay $0x3  }
0x97: {  	_ =	strace s1  }
0x98: {  	s1 =	sld [smem:$0x3FFD];
	_ =	sdelay $0x3  }
0x99: {  	_ =	strace s1  }
0x9a: {  	_ =	strace $0x8FFFFFFF  }
0x9b: {  	s16 =	sld [smem:$0x3FDB];
	_ =	sdelay $0x1  }
0x9c: {  	s17 =	simm.s32 $_scs_section_size  }
0x9d: {  	s3 =	simm.s32 $_size__tile_overlayer_lowered;
	s4 =	simm.s32 $_tile_overlayer_lowered  }
0x9e: {  	s20 =	simm.s32 $0x1BFF;
	s19 =	sshll.u32 s4, $0x1;
	s1 =	sadd.s32 s17, s16  }
0x9f: {  	s5 =	simm.s32 $0x0;
	s18 =	sshll.u32 s3, $0x1;
	s3 =	sadd.s32 s19, s1  }
0xa0: {  	[timem:s5], [sflag:s20] =	dma.local [hbm:s3], s18  }
0xa1: {  	_ =	swait.ge [sflag:s20], s18  }
0xa2: {  	s2 =	ssub.s32 $0x0, s18;
	[sflag:s20] =	ssyncset.done $0x0  }
0xa3: {  	[sflag:s20] =	ssyncadd.s32 s2;
	_ =	sdelay $0x1  }
0xa4: {  	s21 =	simm.s32 $0x1B8B  }
0xa5: {  	_ =	swait.ge [sflag:s21], $0x1  }
0xa6: {  	[sflag:s21] =	ssyncset.done $0x0  }
0xa7: {  	s23 =	simm.s32 $0x1B8E;
	s22 =	sld [smem:$0x3FFE];
	[sflag:s21] =	ssyncadd.s32 $0xFFFFFFFF  }
0xa8: {  	s24 =	simm.s32 $execute0_lowered;
	[smem:$0x3FD2] =	sst s23  }
0xa9: {  	s3 =	sshll.u32 s24, $0x1;
	_ =	strace $0x80000067;
	[dreg:$0x1] =	wrdreg $0xFFFFFFFF  }
0xaa: {  	s25 =	simm.s32 $_size_execute0_lowered;
	s1 =	sadd.s32 s1, s3;
	[dreg:$0x0] =	wrdreg $0x0  }
0xab: {  	s3 =	sshll.u32 s25, $0x1;
	[dreg:$0x2] =	wrdreg s1  }
0xac: {  	[dreg:$0x3] =	wrdreg s3  }
0xad: {  	[dreg:$0x4] =	wrdreg $0xC0  }
0xae: {  	_ =	task [dreg:s5], $0x5FFFF  }
0xaf: {  	[dreg:$0x1] =	wrdreg $0xFFFFFFFF  }
0xb0: {  	[dreg:$0x0] =	wrdreg $0x60  }
0xb1: {  	[dreg:$0x2] =	wrdreg s14  }
0xb2: {  	[dreg:$0x3] =	wrdreg s22  }
0xb3: {  	[dreg:$0x4] =	wrdreg $0xA  }
0xb4: {  	_ =	task.clear_ibuf [dreg:s5], $0x5FFFF;
	_ =	strace $0x90000067  }
0xb5: {  	s26 =	simm.s32 $0xA;
	_ =	strace $0x80000069  }
0xb6: {  	_ =	swait.ge [sflag:s26], $0x1  }
0xb7: {  	[sflag:s26] =	ssyncadd.s32 $0xFFFFFFFF  }
0xb8: {  	_ =	strace $0x90000069  }
0xb9: {  	_ =	sfence  }
0xba: {  	s28 =	sld [smem:$0x0];
	_ =	sdelay $0x1  }
0xbb: {  	s29 =	srdreg.scid  }
0xbc: {  	s30 =	sshll.u32 s29, $0xD;
	s31 =	sshrl.u32 s29, $0x2  }
0xbd: {  	s2 =	sand.u32 $0x4000, s30;
	s1 =	sand.u32 $0x1, s29;
	s0 =	sadd.s32 s31, s28  }
0xbe: {  	s1 =	sor.u32 s2, s1;
	s0 =	sshll.u32 s0, $0x11  }
0xbf: {  	s0 =	sor.u32 s0, s1  }
0xc0: {  	s0 =	sadd.s32 $0x8F2B, s0  }
0xc1: {  	[sflag:s0] =	ssyncadd.remote.s32 $0x1  }
0xc2: {  	_ =	sfence.sel $0xFFFF  }
0xc3: {  	[dreg:$0x0] =	wrdreg $0xFFFFFFFF;
	(pc) =	sbr.abs _section_cstart, $3  }
0xc4: {  	[dreg:$0x1] =	wrdreg $0xFFFFFFFF  }
0xc5: {  	_ =	task.clear_ibuf [dreg:s5], $0x2FFFF;
	_ =	strace $0x9FFFFFFF  }
0xc6: {  	(tm) =	ssettm $0x7FFFFFFF  }
0xc7: {  	_ =	shalt  }
tec
execute0_lowered:
.L_overlay_start_1:
0x0: {  	(tag) =	ssettag $0x1  }
0x1: {  	s1 =	rddreg [dreg:$0x0]  }
0x2: {  	s0 =	rddreg [dreg:$0x1];
	s14 =	stileid.u32  }
0x3: {  	_ =	strace $0x80000068;
	s2 =	simm.s32 $0x1;
	s3 =	smin.u32 s14, $0x4  }
0x4: {  	v1 =	vimm.s32 $0xFFFFFFFF;
	[sflag:s2] =	ssyncpa.u1 $0x0;
	s3 =	sadd.s32 s14, s3  }
0x5: {  	s4 =	simm.s32 $0x3E80;
	p0 =	slt.u32 s14, $0x4;
	[tilespmem:$0x10] =	vst v1;
	s3 =	smul.u32 $0x1F40, s3  }
0x6: {  	v0 =	vimm.f32 $0.0e+00;
	[tilespmem:$0x20] =	vst v1;
	s4 =	simm.s32 @!p0 $0x1F40  }
0x7: {  	[tilespmem:$0x30] =	vst v0;
	s4 =	sadd.s32 s4, s3  }
0x8: {  	[tilespmem:$0x40] =	vst v0;
	s4 =	smin.u32 s4, $0x27100  }
0x9: {  	[tilespmem:$0x50] =	vst v0;
	s9 =	ssub.s32 s4, s3  }
0xa: {  	s7 =	simm.s32 $0x2;
	[tilespmem:$0x60] =	vst v1;
	p0 =	sgt.s32 s9, $0x0  }
0xb: {  	s8 =	simm.s32 $0x8;
	s31 =	simm.s32 $0x9;
	[tilespmem:$0x70] =	vst v1;
	s9 =	simm.s32 @!p0 $0x0  }
0xc: {  	s16 =	simm.s32 $0x0;
	s17 =	simm.s32 $0xF0;
	[tilespmem:$0x80] =	vst v1;
	s5 =	smulhi.u32 $0x10624DD3, s9  }
0xd: {  	s18 =	simm.s32 $0xFFFFFFFF;
	s19 =	simm.s32 $0xFFFFC280;
	s20 =	simm.s32 $0xFFFFFFFE;
	v1 =	vimm.s32 $0x0;
	[tilespmem:$0xB0] =	vst v0  }
0xe: {  	s21 =	simm.s32 $0xF;
	s25 =	simm.s32 $0x0;
	[tilespmem:$0x90] =	vst v1;
	s10 =	sshrl.u32 s5, $0x9  }
0xf: {  	[tilespmem:$0xA0] =	vst v1;
	[sflag:s7] =	ssyncpa.u1 $0x0;
	s7 =	simm.s32 $0x7;
	s11 =	smul.u32 $0x1F40, s10  }
0x10: {  	s24 =	simm.s32 $0x0;
	s6 =	sadd.s32 $0x2E7E00, s0;
	[sflag:s7] =	ssyncpa.u1 $0x0  }
.Ltmp0:
0x11: {  	[sflag:s8] =	ssyncpa.u1 $0x0;
	p0 =	sne.s32 s9, s11;
	(pc) =	sbr.rel .LBB2_1-.Ltmp0, $4  }
0x12: {  	s23 =	smov.u32 s3;
	[sflag:s31] =	ssyncpa.u1 $0x0;
	s2 =	simm.s32 @!p0 $0x0  }
0x13: {  	s5 =	sadd.s32 $0x5000, s0;
	p0 =	por $0x0, $0x0;
	s9 =	sadd.s32 s2, s10  }
0x14: {  	vm0 =	vmmov $0xffff;
	v2 =	vlaneseq.u32;
	s10 =	sshll.u32 s14, $0x1;
	s14 =	sshllo.u32 s14, $0x1;
	s11 =	sadd.s32 $0x1, s9  }
0x15: {  	vm1 =	vmxor vm1, vm1;
	vm2 =	vmmov $0x1;
	vm3 =	vcmask $0x3F3C;
	s12 =	sadd.s32 $0x2, s9;
	s13 =	sor.u32 $0x81, s10;
	s15 =	sor.u32 $0x80, s10  }
.LBB2_9:
0x16: {  	p1 =	slt.u32 s24, $0x3  }
0x17: {  	s0 =	simm.s32 @!p1 $0x2  }
0x18: {  	_ =	swait.ge @!p1 [sflag:s0], $0x1F40  }
0x19: {  	[sflag:s0] =	ssyncset.done @!p1 $0x0  }
0x1a: {  	[sflag:s0] =	ssyncadd.s32 @!p1 $0xFFFFE0C0;
	s0 =	simm.s32 @!p1 $0x9  }
0x1b: {  	_ =	swait.ge @!p1 [sflag:s0], $0x10  }
0x1c: {  	[sflag:s0] =	ssyncset.done @!p1 $0x0  }
0x1d: {  	[sflag:s0] =	ssyncadd.s32 @!p1 $0xFFFFFFF0;
	p1 =	sne.s32 s24, s12  }
.Ltmp1:
0x1e: {  	s2 =	sadd.s32 $0x1F40, s23;
	(pc) =	sbr.rel @!p1 .LBB2_10-.Ltmp1, $4  }
0x1f: {  	s22 =	smov.u32 s3;
	s31 =	sadd.s32 $0x1, s24;
	s17 =	sadd.s32 $0x1F40, s17  }
0x20: {  	s18 =	sadd.s32 $0x1, s18;
	s25 =	smov.u32 s23;
	p2 =	slt.s32 s2, s4  }
0x21: {  	p0 =	por !p0, !p0;
	s19 =	sadd.s32 $0x1F40, s19;
	s22 =	smov.u32 @p2 s2  }
0x22: {  	s20 =	sadd.s32 $0x1, s20;
	s23 =	smov.u32 s22;
	s24 =	smov.u32 s31  }
.LBB2_1:
0x23: {  	p1 =	sge.u32 s24, s9  }
0x24: {  	s0 =	smulhi.u32 @!p1 $0xAAAAAAAB, s24;
	_ =	sdelay $0x1  }
0x25: {  	s0 =	sshrl.u32 @!p1 s0, $0x1  }
0x26: {  	s0 =	smul.u32 @!p1 $0x3, s0;
	_ =	sdelay $0x1  }
0x27: {  	s0 =	ssub.s32 @!p1 s24, s0  }
0x28: {  	s0 =	smul.u32 @!p1 $0x7D00, s0;
	_ =	sdelay $0x1  }
0x29: {  	s2 =	sshrl.u32 @!p1 s23, $0x3;
	s0 =	sshrl.u32 @!p1 s0, $0x2  }
0x2a: {  	s22 =	sand.u32 @!p1 $0x7, s23;
	s2 =	sadd.s32 @!p1 s5, s2;
	s0 =	sadd.s32 @!p1 $0x100, s0  }
0x2b: {  	[tilespmem:s0], [sflag:$0x7] =	stream.linear.gather @!p1 [hbm4b:s2+s22], $0x1F40, $0x38;
	[tilespmem:$0x11A60] =	vst v63  }
0x2c: {  	s0 =	sadd.s32 $0xFFFFFFFF, s24  }
0x2d: {  	p1 =	sge.u32 s0, s9  }
.Ltmp2:
0x2e: {  	_ = 	snop;
	(pc) =	sbr.rel @p1 .LBB2_5-.Ltmp2, $1  }
0x2f: {  	_ =	sdelay $0x3  }
0x30: {  	s2 =	smulhi.u32 $0xAAAAAAAB, s0;
	_ =	sdelay $0x1  }
0x31: {  	s2 =	sshrl.u32 s2, $0x1  }
0x32: {  	s2 =	smul.u32 $0x3, s2;
	_ =	sdelay $0x1  }
0x33: {  	s2 =	ssub.s32 s0, s2  }
0x34: {  	s2 =	smul.u32 $0x7D00, s2  }
0x35: {  	_ =	swait.ge [sflag:s7], $0x1F40  }
0x36: {  	[sflag:s7] =	ssyncset.done $0x0;
	s2 =	sshrl.u32 s2, $0x2  }
0x37: {  	[sflag:s7] =	ssyncadd.s32 $0xFFFFE0C0;
	(ifvalue) =	ssetifvalue $0xFFFFFFFF;
	v3 =	vld.msk [tilespmem:s2+$0x100 ss:$0x1], $0xffff;
	_ =	sdelay $0x2  }
0x38: {  	s30 =	smulhi.u32 $0xAAAAAAAB, s18;
	p1 =	sne.s32 s24, $0x1  }
0x39: {  	v4 =	vimm.s32 @!p1 $0x0  }
0x3a: {  	s2 =	sshrl.u32 s30, $0x1;
	v4 =	vperm.xlane @!p1 v3, v4  }
0x3b: {  	s22 =	sshll.u32 s24, $0x4;
	s2 =	smul.u32 $0xFFFE8900, s2;
	vm4 =	vlt.u32 v3, $0x5F5E400  }
0x3c: {  	s22 =	sand.u32 $0x10, s22;
	v3 =	vnsel vm4, $0xFFFFFFFE, v3;
	vm4 =	vlt.u32 @!p1 v4, $0x5F5E400  }
0x3d: {  	s2 =	sshra.s32 s2, $0x2;
	[tilespmem:s22+$0x60] =	vst v3;
	v3 =	vnsel @!p1 vm4, $0xFFFFFFFE, v4  }
0x3e: {  	s28 =	sadd.s32 s2, s17;
	[tilespmem:$0x80] =	vst @!p1 v3  }
0x3f: {  	v3 =	vld.msk [tilespmem:s28+$0x0 ss:$0x1], $0xffff;
	_ =	sdelay $0x4  }
0x40: {  	(xrf1) =	vunique.msk.u32 $0xffff, v3;
	_ =	sdelay $0xd  }
0x41: {  	v4 =	vimm.s32 $0xFFFFFFFF;
	v5, _, _ =	vpop (xrf1)  }
0x42: {  	vm5 =	vne.s32 v3, v4;
	vm4 =	veq.s32 v5, v2  }
0x43: {  	vm6 =	vlt.u32 v3, $0x5F5E400;
	vm4 =	vmand vm5, vm4  }
0x44: {  	vm4 =	vmand vm6, vm4  }
0x45: {  	v4 =	vnsel vm4, $0xFFFFFFFF, v3  }
0x46: {  	s31 =	sand.u32 $0x1, s0  }
0x47: {  	s0 =	simm.s32 $0x1F40;
	p1 =	seq.s32 s31, $0x1  }
0x48: {  	s0 =	simm.s32 @!p1 $0x0  }
0x49: {  	s26 =	sadd.s32 $0x7DF0, s0;
	(ifvalue) =	ssetifvalue $0xFFFFFFFF  }
0x4a: {  	v3 =	vperm.xlane v3, v1;
	[tilespmem:s26], [sflag:$0x8] =	stream.indirect_vreg.gather [hbm4b:s1+s16], $0x1, v4, vm0, $0x4038;
	v4 =	vnsel vm6, $0xFFFFFFFE, v4;
	[tilespmem:$0x11A60] =	vst v63  }
0x4b: {  	s2 =	simm.s32 $0x0;
	s22 =	sadd.s32 $0xFFFFFFF0, s28;
	[tilespmem:s28+$0x0] =	vst v4  }
.LBB2_3:
0x4c: {  	v4 =	vld.msk [tilespmem:s22+$0x0 ss:$0x1], $0xffff;
	s2 =	sadd.s32 $0x10, s2;
	v5 =	vmov v3;
	s28 =	smov.u32 s22  }
0x4d: {  	p1 =	slt.u32 s2, $0x1F30;
	_ =	sdelay $0x4  }
0x4e: {  	v3 =	vperm.xlane v4, v1;
	(xrf1) =	vunique.msk.u32 $0xffff, v4;
	_ =	sdelay $0xd  }
0x4f: {  	v6, _, _ =	vpop (xrf1)  }
0x50: {  	vm5 =	vne.s32 v4, v5;
	vm4 =	veq.s32 v6, v2  }
0x51: {  	vm6 =	vlt.u32 v4, $0x5F5E400;
	vm4 =	vmand vm5, vm4  }
0x52: {  	vm4 =	vmand vm6, vm4  }
0x53: {  	v4 =	vnsel vm4, $0xFFFFFFFF, v4  }
.Ltmp3:
0x54: {  	v5 =	vnsel vm6, $0xFFFFFFFE, v4;
	(pc) =	sbr.rel @p1 .LBB2_3-.Ltmp3, $3  }
0x55: {  	_ =	sdelay $0x1  }
0x56: {  	s22 =	sadd.s32 $0xFFFFFFF0, s22;
	s26 =	sadd.s32 $0xFFFFFFF0, s26;
	(ifvalue) =	ssetifvalue $0xFFFFFFFF  }
0x57: {  	[tilespmem:s26], [sflag:$0x8] =	stream.indirect_vreg.gather [hbm4b:s1+s16], $0x1, v4, vm0, $0x4038;
	[tilespmem:s28+$0x0] =	vst v5  }
0x58: {  	s2 =	sshrl.u32 s25, $0x3  }
0x59: {  	s0 =	sadd.s32 $0x9D40, s0;
	s2 =	sadd.s32 s6, s2  }
0x5a: {  	[tilespmem:s0], [sflag:$0x8] =	stream.linear.gather [hbm:s2], $0x1F40, $0x38;
	[tilespmem:$0x11A60] =	vst v63  }
.LBB2_5:
0x5b: {  	p1 =	slt.u32 s24, $0x2  }
0x5c: {  	p2 =	sge.u32 @!p1 s24, s12  }
0x5d: {  	p1 =	por p1, p2  }
.Ltmp4:
0x5e: {  	_ = 	snop;
	(pc) =	sbr.rel @p1 .LBB2_9-.Ltmp4, $1  }
0x5f: {  	_ =	sdelay $0x3  }
0x60: {  	s0 =	sadd.s32 $0xFFFFFFFE, s24  }
0x61: {  	s2 =	smulhi.u32 $0xAAAAAAAB, s0;
	_ =	sdelay $0x1  }
0x62: {  	s2 =	sshrl.u32 s2, $0x1  }
0x63: {  	s2 =	smul.u32 $0x3, s2;
	_ =	sdelay $0x1  }
0x64: {  	s0 =	ssub.s32 s0, s2  }
0x65: {  	_ =	swait.ge [sflag:s8], $0x3E80;
	s0 =	smul.u32 $0x1F40, s0  }
0x66: {  	p1 =	sne.s32 s24, s11;
	[sflag:s8] =	ssyncset.done $0x0  }
0x67: {  	[sflag:s8] =	ssyncadd.s32 $0xFFFFC180;
	s2 =	sadd.s32 @!p1 $0x203F, s0  }
0x68: {  	[spmem:s13] =	stream.linear.scatter @!p1 [tilespmem:s2], [sflag:$0x1], $0x1, $0x38;
	[tilespmem:$0x11A60] =	vst v63  }
0x69: {  	s2 =	simm.s32 @!p1 $0x1  }
0x6a: {  	_ =	swait.ge @!p1 [sflag:s2], $0x1  }
0x6b: {  	s22 =	sshll.u32 s24, $0x4;
	[sflag:s2] =	ssyncset.done @!p1 $0x0  }
0x6c: {  	s25 =	sand.u32 $0x10, s22;
	[sflag:s2] =	ssyncadd.s32 @!p1 $0xFFFFFFFF  }
0x6d: {  	s2 =	sxor.u32 $0x10, s25;
	v4 =	vld [tilespmem:s25+$0x10]  }
0x6e: {  	v5 =	vld [tilespmem:s2+$0x60]  }
0x6f: {  	v3 =	vld [tilespmem:$0x80];
	_ =	sdelay $0x2  }
0x70: {  	(v2sf) =	vpush v4, $0x0  }
0x71: {  	(v2sf) =	vpush v5, $0x0  }
0x72: {  	(v2sf) =	vpush v3, $0x0;
	_ =	sdelay $0xc  }
0x73: {  	s22 =	spop (v2sf)  }
0x74: {  	s26 =	spop (v2sf)  }
0x75: {  	s28 =	spop (v2sf)  }
0x76: {  	p2 =	seq.s32 s22, s26;
	p3 =	seq.s32 s28, s22  }
0x77: {  	p3 =	por p2, p3  }
0x78: {  	s26 =	sand.u32 $0x1, s24;
	v4 =	vpsel p3, $0xFFFFFFFF, v4  }
0x79: {  	s29 =	smul.u32 $0x1F40, s26;
	[tilespmem:s25+$0x10] =	vst.msk $0x1, v4  }
0x7a: {  	v4 =	vld [tilespmem:$0x30]  }
0x7b: {  	v5 =	vld [tilespmem:s29+$0x9D40]  }
0x7c: {  	v6 =	vld [tilespmem:s25+$0x40];
	_ =	sdelay $0x3  }
0x7d: {  	vm4 =	vmmov vm1;
	v5 =	vadd.f32 v5, v4  }
0x7e: {  	vm5 =	vmmov vm2;
	vm4 =	vmmov @p2 vm2;
	s22 =	sshll.u32 s26, $0x4;
	v4 =	vadd.f32 v6, v4  }
0x7f: {  	s26 =	sor.u32 $0x11A40, s22;
	vm5 =	vmmov @p3 vm1;
	[tilespmem:s29+$0x9D40] =	vst.msk vm4, v5  }
0x80: {  	[tilespmem:s26+$0x0] =	vst.msk vm5, v4  }
0x81: {  	v4 =	vld [tilespmem:s29+$0x7DF0];
	_ =	sdelay $0x3  }
0x82: {  	v5 =	vimm.f32 $0.0e+00  }
0x83: {  	v4 =	vshift.insert v4, v5, s21  }
0x84: {  	s22 =	sor.u32 $0x40, s2  }
0x85: {  	[tilespmem:s22+$0x0] =	vst.msk $0x1, v4  }
0x86: {  	[tilespmem:s29+$0x7DFF] =	vst.msk $0x1, v5  }
0x87: {  	v4 =	vld [tilespmem:s0+$0x2030];
	_ =	sdelay $0x1  }
0x88: {  	s22 =	smulhi.u32 $0xAAAAAAAB, s20;
	s0 =	simm.s32 $0x1  }
0x89: {  	s0 =	simm.s32 @!p0 $0x0  }
0x8a: {  	s22 =	sshrl.u32 s22, $0x1;
	s0 =	smul.u32 $0x7D00, s0  }
0x8b: {  	s22 =	smul.u32 $0xFFFE8900, s22;
	v4 =	vshift.insert v4, v1, s21  }
0x8c: {  	s0 =	sshrl.u32 s0, $0x2  }
0x8d: {  	s22 =	sshra.s32 s22, $0x2;
	s30 =	sadd.s32 $0x9D40, s0;
	[tilespmem:s2+$0x10] =	vst.msk $0x1, v4  }
0x8e: {  	s22 =	sadd.s32 s22, s19;
	v6 =	vld [tilespmem:s30+$0x0]  }
0x8f: {  	v7 =	vld [tilespmem:s22+$0x0];
	_ =	sdelay $0x3  }
0x90: {  	v5 =	vadd.f32 v6, v5  }
0x91: {  	vm4 =	vne.s32 v7, $0xFFFFFFFF  }
0x92: {  	(xrf2) =	vadd.seg.scan.f32 vm4, v5;
	_ =	sdelay $0x3  }
0x93: {  	s31 =	sadd.s32 $0x5EC0, s0;
	v5 =	vperm.xlane v4, v1  }
0x94: {  	v6 =	vld [tilespmem:s31+$0x0]  }
0x95: {  	vm5 =	veq.s32 v7, v3;
	vm6 =	veq.s32 v7, v5  }
0x96: {  	vm7 =	vgt.u32 v7, $0xFFFFFFFD;
	vm6 =	vmor vm6, vm5  }
0x97: {  	vm6 =	vmor vm6, vm7  }
0x98: {  	v9 =	vld [tilespmem:$0xA0];
	v7 =	vsel vm6, $0xFFFFFFFF, v7  }
0x99: {  	v10 =	vld [tilespmem:$0x90];
	v6 =	vsel vm5, $0x0, v6;
	v8, _, _ =	vpop (xrf2)  }
0x9a: {  	v6 =	vadd.f32 v8, v6  }
0x9b: {  	s0 =	sadd.s32 $0xDBC0, s0  }
0x9c: {  	vm4 =	vmand vm4, vm3;
	[tilespmem:s0+$0x0] =	vst v6;
	(ifvalue) =	ssetifvalue $0xFFFFFFFF  }
0x9d: {  	vm6 =	veq.s32 v9, $0x1;
	[hbm4b:s1+s16] =	stream.indirect_vreg.scatter [tilespmem:s0], [sflag:$0x2], $0x1, v7, vm0, $0x4038;
	v7 =	vsel vm4, $0x0, v8;
	[tilespmem:$0x11A60] =	vst v63  }
0x9e: {  	s2 =	simm.s32 $0x0;
	s22 =	sadd.s32 $0x10, s22;
	vm4 =	vmor vm6, vm5;
	v6 =	vsel vm5, v8, v10;
	v7 =	vshift.insert v7, v0, s21  }
.LBB2_7:
0x9f: {  	v8 =	vld [tilespmem:s22+$0x0];
	s30 =	sadd.s32 $0x10, s30  }
0xa0: {  	s31 =	sadd.s32 $0x10, s31;
	v9 =	vld [tilespmem:s30+$0x0]  }
0xa1: {  	s2 =	sadd.s32 $0x10, s2;
	v10 =	vld [tilespmem:s31+$0x0]  }
0xa2: {  	p2 =	slt.u32 s2, $0x1F30;
	_ =	sdelay $0x2  }
0xa3: {  	v7 =	vadd.f32 v9, v7  }
0xa4: {  	vm5 =	vne.s32 v8, $0xFFFFFFFF  }
0xa5: {  	vm6 =	vmand vm5, vm3;
	(xrf2) =	vadd.seg.scan.f32 vm5, v7;
	_ =	sdelay $0x5  }
0xa6: {  	vm7 =	veq.s32 v8, v5;
	vm5 =	veq.s32 v8, v3  }
0xa7: {  	vm8 =	vgt.u32 v8, $0xFFFFFFFD;
	vm4 =	vmor vm4, vm5;
	vm7 =	vmor vm7, vm5  }
0xa8: {  	vm7 =	vmor vm7, vm8  }
0xa9: {  	v8 =	vsel vm7, $0xFFFFFFFF, v8  }
.Ltmp5:
0xaa: {  	v7 =	vsel vm5, $0x0, v10;
	v9, _, _ =	vpop (xrf2);
	(pc) =	sbr.rel @p2 .LBB2_7-.Ltmp5, $4  }
0xab: {  	v6 =	vsel vm5, v9, v6;
	v10 =	vadd.f32 v9, v7;
	v7 =	vsel vm6, $0x0, v9  }
0xac: {  	s0 =	sadd.s32 $0x10, s0;
	v7 =	vshift.insert v7, v0, s21  }
0xad: {  	s22 =	sadd.s32 $0x10, s22;
	[tilespmem:s0+$0x0] =	vst v10;
	(ifvalue) =	ssetifvalue $0xFFFFFFFF  }
0xae: {  	[hbm4b:s1+s16] =	stream.indirect_vreg.scatter [tilespmem:s0], [sflag:$0x2], $0x1, v8, vm0, $0x4038;
	[tilespmem:$0x11A60] =	vst v63  }
0xaf: {  	v3 =	vld [tilespmem:s29+$0xFAF0];
	_ =	sdelay $0x4  }
0xb0: {  	v3 =	vshift.insert v3, v0, s21  }
0xb1: {  	s0 =	simm.s32 $0x30  }
0xb2: {  	[tilespmem:s0+$0x0] =	vst.msk $0x1, v3  }
0xb3: {  	v3 =	vsel vm4, $0x1, v1;
	[tilespmem:$0x90] =	vst v6  }
0xb4: {  	s0 =	sadd.s32 @!p1 $0xFAFF, s29;
	[tilespmem:$0xA0] =	vst v3  }
0xb5: {  	[spmem:s14] =	stream.linear.scatter @!p1 [tilespmem:s0], [sflag:$0x1], $0x1, $0x38;
	[tilespmem:$0x11A60] =	vst v63  }
0xb6: {  	s0 =	simm.s32 @!p1 $0x1  }
0xb7: {  	v3 =	vmctz.xlane @!p1 vm4;
	_ =	swait.ge @!p1 [sflag:s0], $0x1  }
0xb8: {  	(v2sf) =	vpush @!p1 v4, $0x0  }
0xb9: {  	(v2sf) =	vpush @!p1 v3, $0x0;
	_ =	sdelay $0xd  }
0xba: {  	s2 =	spop @!p1 (v2sf)  }
0xbb: {  	s22 =	spop @!p1 (v2sf)  }
0xbc: {  	p2 =	sne.s32 @!p1 s28, s2;
	p3 =	slt.s32 @!p1 s22, $0xF  }
0xbd: {  	[sflag:s0] =	ssyncset.done @!p1 $0x0;
	p2 =	por p2, p1;
	p3 =	por !p3, p1  }
0xbe: {  	[sflag:s0] =	ssyncadd.s32 @!p1 $0xFFFFFFFF;
	v3 =	vimm.s32 @!p2 $0xFFFFFFFF;
	s22 =	simm.s32 @p3 $0xF  }
0xbf: {  	[tilespmem:$0x80] =	vst @!p2 v3;
	s2 =	sadd.s32 @!p1 $0x90, s22  }
0xc0: {  	[spmem:s10] =	stream.linear.scatter @!p1 [tilespmem:s2], [sflag:$0x1], $0x1, $0x38;
	[tilespmem:$0x11A60] =	vst v63  }
0xc1: {  	_ =	swait.ge @!p1 [sflag:s0], $0x1  }
0xc2: {  	[sflag:s0] =	ssyncset.done @!p1 $0x0  }
0xc3: {  	s2 =	simm.s32 @!p1 $0x80;
	[sflag:s0] =	ssyncadd.s32 @!p1 $0xFFFFFFFF  }
0xc4: {  	[spmem:s15] =	stream.linear.scatter @!p1 [tilespmem:s2], [sflag:$0x1], $0x1, $0x38;
	[tilespmem:$0x11A60] =	vst v63  }
0xc5: {  	_ =	swait.ge @!p1 [sflag:s0], $0x1  }
0xc6: {  	[sflag:s0] =	ssyncset.done @!p1 $0x0  }
0xc7: {  	[sflag:s0] =	ssyncadd.s32 @!p1 $0xFFFFFFFF;
	(ifvalue) =	ssetifvalue $0xFFFFFFFF;
	v3 =	vld [tilespmem:s25+$0x10];
	_ =	sdelay $0x3  }
.Ltmp6:
0xc8: {  	_ = 	snop;
	(pc) =	sbr.rel .LBB2_9-.Ltmp6, $3  }
0xc9: {  	_ =	sdelay $0x1  }
0xca: {  	(ifvalue) =	ssetifvalue $0xFFFFFFFF  }
0xcb: {  	[hbm4b:s1+s16] =	stream.indirect_vreg.scatter [tilespmem:s26], [sflag:$0x9], $0x1, v3, vm0, $0x4038;
	[tilespmem:$0x11A60] =	vst v63  }
.LBB2_10:
0xcc: {  	_ =	sfence.sel $0x180000  }
0xcd: {  	s0 =	simm.s32 $0x7;
	[bflag:$0x0] =	sbarrier.arrive $0xFFFF  }
0xce: {  	s26 =	simm.s32 $0x8;
	[sflag:s0] =	ssyncpa.u1 $0x1  }
0xcf: {  	s28 =	simm.s32 $0x9;
	[sflag:s26] =	ssyncpa.u1 $0x1  }
0xd0: {  	[sflag:s28] =	ssyncpa.u1 $0x1  }
0xd1: {  	_ =	sfence.stream.spmem  }
0xd2: {  	s29 =	simm.s32 $0x3;
	[bflag:$0x0] =	sbarrier.arrive $0xFFFF  }
0xd3: {  	s30 =	simm.s32 $0x4;
	[sflag:s29] =	ssyncpa.u1 $0x1  }
0xd4: {  	s31 =	simm.s32 $0x3C;
	s2 =	stileid.u32;
	[sflag:s30] =	ssyncpa.u1 $0x1  }
0xd5: {  	p0 =	sne.s32 s2, $0x0;
	[sflag:s31] =	ssyncpa.u1 $0x1  }
0xd6: {  	s0 =	simm.s32 @p0 $0x1;
	_ =	sfence @p0  }
0xd7: {  	[sflag:s0] =	ssyncpa.u1 @p0 $0x1;
	s0 =	simm.s32 @p0 $0x2  }
0xd8: {  	[sflag:s0] =	ssyncpa.u1 @p0 $0x1  }
0xd9: {  	_ =	strace @p0 $0x90000068  }
0xda: {  	[bflag:$0x2] =	sbarrier.arrive @p0 $0xFFFF  }
0xdb: {  	_ =	shalt @p0  }
.LBB2_11:
0xdc: {  	_ =	sfence.stream.spmem;
	s0 =	simm.s32 $0x5  }
0xdd: {  	s2 =	simm.s32 $0x80;
	s3 =	simm.s32 $0xC0;
	[sflag:s0] =	ssyncpa.u1 $0x0  }
0xde: {  	[tilespmem:s3], [sflag:$0x5] =	stream.linear.gather [spmem:s2], $0x20, $0x38;
	[tilespmem:$0x11A60] =	vst v63  }
0xdf: {  	s2 =	simm.s32 $0x0;
	s3 =	simm.s32 $0xE0  }
0xe0: {  	[tilespmem:s3], [sflag:$0x5] =	stream.linear.gather [spmem:s2], $0x20, $0x38;
	[tilespmem:$0x11A60] =	vst v63  }
.Ltmp7:
0xe1: {  	_ = 	snop;
	(pc) =	sbr.rel .LBB2_12-.Ltmp7, $4  }
0xe2: {  	_ =	swait.ge [sflag:s0], $0x40  }
0xe3: {  	[sflag:s0] =	ssyncset.done $0x0  }
0xe4: {  	s31 =	simm.s32 $0x6;
	[sflag:s0] =	ssyncadd.s32 $0xFFFFFFC0  }
0xe5: {  	s4 =	simm.s32 $0x0;
	[sflag:s31] =	ssyncpa.u1 $0x0  }
.LBB2_17:
0xe6: {  	p0 =	sgt.u32 s5, $0x5F5E3FF  }
0xe7: {  	s0 =	sshrl.u32 @!p0 s5, $0x3  }
0xe8: {  	s5 =	sand.u32 @!p0 $0x7, s5;
	s6 =	simm.s32 @!p0 $0xB0;
	s0 =	sadd.s32 @!p0 s1, s0  }
0xe9: {  	[tilespmem:s6], [sflag:$0x6] =	stream.linear.gather @!p0 [hbm4b:s0+s5], $0x1, $0x38;
	[tilespmem:$0x11A60] =	vst v63  }
0xea: {  	s0 =	simm.s32 @!p0 $0x6  }
0xeb: {  	_ =	swait.ge @!p0 [sflag:s0], $0x1  }
0xec: {  	[sflag:s0] =	ssyncset.done @!p0 $0x0  }
0xed: {  	[sflag:s0] =	ssyncadd.s32 @!p0 $0xFFFFFFFF  }
0xee: {  	v2 =	vmov @!p0 s4;
	v1 =	vld.msk @!p0 [tilespmem:$0xB0], $0x1;
	_ =	sdelay $0x3  }
0xef: {  	s0 =	simm.s32 @!p0 $0xE0  }
0xf0: {  	[tilespmem:v2+s0+$0x0], v1 =	vst.idx.ret.add.f32.msk @!p0 $0x1, v1  }
0xf1: {  	[tilespmem:s2+$0xC0] =	vst.msk $0x1, v0  }
0xf2: {  	v0 =	vld.msk [tilespmem:s4+$0xE0], $0x1;
	_ =	sdelay $0x4  }
0xf3: {  	[tilespmem:s2+$0xE0] =	vst.msk $0x1, v0;
	s2 =	sadd.s32 $0x1, s2  }
.LBB2_19:
0xf4: {  	s4 =	sadd.s32 $0x1, s4  }
0xf5: {  	p0 =	sne.s32 s4, $0x20  }
.Ltmp8:
0xf6: {  	_ = 	snop;
	(pc) =	sbr.rel @!p0 .LBB2_20-.Ltmp8, $1  }
0xf7: {  	_ =	sdelay $0x3  }
.LBB2_12:
0xf8: {  	v0 =	vld.msk [tilespmem:s4+$0xC0], $0x1;
	_ =	sdelay $0x4  }
0xf9: {  	(v2sf) =	vpush v0, $0x0;
	_ =	sdelay $0xe  }
0xfa: {  	s5 =	spop (v2sf)  }
0xfb: {  	p0 =	seq.s32 s5, $0xFFFFFFFF  }
.Ltmp9:
0xfc: {  	_ = 	snop;
	(pc) =	sbr.rel @p0 .LBB2_19-.Ltmp9, $1  }
0xfd: {  	_ =	sdelay $0x3  }
0xfe: {  	p0 =	slt.s32 s2, $0x1  }
.Ltmp10:
0xff: {  	_ = 	snop;
	(pc) =	sbr.rel @p0 .LBB2_17-.Ltmp10, $1  }
0x100: {  	_ =	sdelay $0x3  }
0x101: {  	s0 =	simm.s32 $0xC0;
	p0 =	por $0x0, $0x0  }
0x102: {  	v1 =	vld.msk @!p0 [tilespmem:s0+$0x0], $0x1;
	_ =	sdelay $0x4  }
0x103: {  	(v2sf) =	vpush @!p0 v1, $0x0;
	_ =	sdelay $0xd  }
0x104: {  	p2 =	sne.s32 s2, $0x1  }
.Ltmp11:
0x105: {  	s6 =	spop @!p0 (v2sf);
	(pc) =	sbr.rel @!p2 .LBB2_16-.Ltmp11, $4  }
0x106: {  	p1 =	seq.s32 @!p0 s5, s6  }
0x107: {  	s6 =	simm.s32 $0x0;
	p1 =	por !p1, p0  }
0x108: {  	s8 =	simm.s32 $0xFFFFFFFF;
	s6 =	simm.s32 @p1 $0xFFFFFFFF  }
0x109: {  	s7 =	simm.s32 $0x1;
	s6 =	smov.u32 @p0 s8  }
.LBB2_15:
0x10a: {  	s8 =	smov.u32 s6;
	p0 =	sne.s32 s6, $0xFFFFFFFF  }
0x10b: {  	s0 =	sadd.s32 $0x1, s0;
	s6 =	smov.u32 s7;
	s7 =	sadd.s32 $0x1, s7  }
0x10c: {  	p1 =	sne.s32 s2, s7;
	v1 =	vld.msk @!p0 [tilespmem:s0+$0x0], $0x1;
	_ =	sdelay $0x4  }
0x10d: {  	(v2sf) =	vpush @!p0 v1, $0x0;
	_ =	sdelay $0xe  }
.Ltmp12:
0x10e: {  	s9 =	spop @!p0 (v2sf);
	(pc) =	sbr.rel @p1 .LBB2_15-.Ltmp12, $4  }
0x10f: {  	p2 =	seq.s32 @!p0 s5, s9  }
0x110: {  	p2 =	por !p2, p0  }
0x111: {  	s6 =	simm.s32 @p2 $0xFFFFFFFF  }
0x112: {  	s6 =	smov.u32 @p0 s8  }
.LBB2_16:
0x113: {  	p0 =	sne.s32 s6, $0xFFFFFFFF  }
.Ltmp13:
0x114: {  	_ = 	snop;
	(pc) =	sbr.rel @!p0 .LBB2_17-.Ltmp13, $1  }
0x115: {  	_ =	sdelay $0x3  }
0x116: {  	v0 =	vld.msk [tilespmem:s4+$0xE0], $0x1;
	v1 =	vmov s6  }
.Ltmp14:
0x117: {  	_ = 	snop;
	(pc) =	sbr.rel .LBB2_19-.Ltmp14, $2  }
0x118: {  	_ =	sdelay $0x2  }
0x119: {  	[tilespmem:v1+s3+$0x0], v0 =	vst.idx.ret.add.f32.msk $0x1, v0  }
.LBB2_20:
0x11a: {  	p0 =	slt.s32 s2, $0x1  }
.Ltmp15:
0x11b: {  	_ = 	snop;
	(pc) =	sbr.rel @p0 .LBB2_24-.Ltmp15, $3  }
0x11c: {  	_ =	sdelay $0x1  }
0x11d: {  	s0 =	simm.s32 $0x6  }
0x11e: {  	s3 =	simm.s32 $0x0;
	[sflag:s0] =	ssyncpa.u1 $0x1  }
0x11f: {  	s0 =	simm.s32 $0xC0  }
0x120: {  	v0 =	vld.msk [tilespmem:s0+$0x0], $0x1;
	_ =	sdelay $0x4  }
0x121: {  	(v2sf) =	vpush v0, $0x0;
	_ =	sdelay $0xe  }
0x122: {  	s2 =	sadd.s32 $0xFFFFFFFF, s2;
	s4 =	spop (v2sf)  }
0x123: {  	p1 =	sne.s32 s2, $0x0;
	p0 =	sgt.u32 s4, $0x5F5E3FF  }
.Ltmp16:
0x124: {  	s5 =	sshrl.u32 @!p0 s4, $0x3;
	(pc) =	sbr.rel @!p1 .LBB2_23-.Ltmp16, $4  }
0x125: {  	s0 =	simm.s32 $0xE0;
	s4 =	sand.u32 @!p0 $0x7, s4;
	s5 =	sadd.s32 @!p0 s1, s5  }
0x126: {  	[hbm4b:s5+s4] =	stream.linear.scatter @!p0 [tilespmem:s0], [sflag:$0x5], $0x1, $0x38;
	[tilespmem:$0x11A60] =	vst v63  }
0x127: {  	s5 =	simm.s32 $0x0  }
0x128: {  	s4 =	simm.s32 $0xC1;
	s5 =	simm.s32 @!p0 $0x4  }
.LBB2_22:
0x129: {  	v0 =	vld.msk [tilespmem:s4+$0x0], $0x1;
	s2 =	sadd.s32 $0xFFFFFFFF, s2;
	s3 =	sadd.s32 s3, s5  }
0x12a: {  	p0 =	sne.s32 s2, $0x0;
	_ =	sdelay $0x3  }
0x12b: {  	(v2sf) =	vpush v0, $0x0;
	_ =	sdelay $0xe  }
.Ltmp17:
0x12c: {  	s6 =	spop (v2sf);
	(pc) =	sbr.rel @p0 .LBB2_22-.Ltmp17, $4  }
0x12d: {  	s5 =	simm.s32 $0x0;
	p1 =	sgt.u32 s6, $0x5F5E3FF  }
0x12e: {  	s0 =	sadd.s32 $0x1, s0;
	s5 =	simm.s32 @!p1 $0x4;
	s7 =	sshrl.u32 @!p1 s6, $0x3  }
0x12f: {  	s4 =	sadd.s32 $0x1, s4;
	s6 =	sand.u32 @!p1 $0x7, s6;
	s7 =	sadd.s32 @!p1 s1, s7  }
0x130: {  	[hbm4b:s7+s6] =	stream.linear.scatter @!p1 [tilespmem:s0], [sflag:$0x5], $0x1, $0x38;
	[tilespmem:$0x11A60] =	vst v63  }
.LBB2_23:
0x131: {  	s0 =	sadd.s32 s3, s5  }
0x132: {  	s3 =	sshrl.u32 s0, $0x2  }
.LBB2_24:
0x133: {  	s0 =	simm.s32 $0x5  }
0x134: {  	_ =	swait.ge [sflag:s0], s3  }
0x135: {  	s1 =	ssub.s32 $0x0, s3;
	[sflag:s0] =	ssyncset.done $0x0  }
0x136: {  	[sflag:s0] =	ssyncadd.s32 s1  }
0x137: {  	[sflag:s0] =	ssyncpa.u1 $0x1  }
0x138: {  	s29 =	simm.s32 $0x1;
	_ =	sfence  }
0x139: {  	s30 =	simm.s32 $0x2;
	[sflag:s29] =	ssyncpa.u1 $0x1  }
0x13a: {  	[sflag:s30] =	ssyncpa.u1 $0x1  }
0x13b: {  	_ =	strace $0x90000068  }
0x13c: {  	[bflag:$0x2] =	sbarrier.arrive $0xFFFF  }
0x13d: {  	s31 =	rddreg [dreg:$0x2]  }
0x13e: {  	s0 =	sadd.s32 $0x100000, s31  }
0x13f: {  	[sflag:s0] =	ssyncadd.tile.s32 $0x1;
	_ =	shalt  }
.Lfunc_end2:
_tile_overlayer_lowered:
.L_overlay_start_2:
0x140: {  	(tag) =	ssettag $0x2  }
0x141: {  	s0 =	rddreg [dreg:$0x0];
	s2 =	stileid.u32  }
0x142: {  	s1 =	rddreg [dreg:$0x1];
	p0 =	sne.s32 s2, $0x0  }
0x143: {  	s3 =	rddreg [dreg:$0x2];
	[bflag:$0x3] =	sbarrier.arrive $0xFFFF;
	s2 =	simm.s32 @!p0 $0x1C01  }
0x144: {  	[timem:s3], [sflag:s2] =	dma.local @!p0 [hbm:s0], s1  }
0x145: {  	s0 =	simm.s32 @!p0 $0x1  }
0x146: {  	_ =	swait.ge @!p0 [sflag:s0], s1  }
0x147: {  	s1 =	ssub.s32 @!p0 $0x0, s1;
	[sflag:s0] =	ssyncset.done @!p0 $0x0  }
0x148: {  	[sflag:s0] =	ssyncadd.s32 @!p0 s1  }
0x149: {  	[bflag:$0x3] =	sbarrier.arrive $0xFFFF  }
0x14a: {  	_ =	shalt  }

// kernel: scatter_offload_async_start
scs
__scs_entry_jumppad:
0x0: {  	(pc) =	sbr.rel $0x88, $3  }
0x1: {  	(tag) =	ssettag $0x0;
	lr =	simm.s32 $0x1  }
0x2: {  	[smem:$0x3F89] =	sst lr;
	_ =	strace $0xD0000000  }
0x3: {  	_ = 	snop  }
0x4: {  	_ = 	snop  }
0x5: {  	_ = 	snop  }
0x6: {  	_ = 	snop  }
0x7: {  	_ = 	snop  }
__scs_overlays_trampoline_lowered:
0x8: {  	[smem:$0x3F98] =	sst s0  }
0x9: {  	[smem:$0x3F99] =	sst s1  }
0xa: {  	[smem:$0x3F9A] =	sst s2  }
0xb: {  	[smem:$0x3F9B] =	sst s3  }
0xc: {  	[smem:$0x3F9C] =	sst s4  }
0xd: {  	[smem:$0x3F9D] =	sst s5  }
0xe: {  	[smem:$0x3F9E] =	sst s6  }
0xf: {  	[smem:$0x3F9F] =	sst s7  }
0x10: {  	[smem:$0x3FA0] =	sst s8  }
0x11: {  	[smem:$0x3FA1] =	sst s9;
	s0 =	simm.s32 @!p0 $0x0  }
0x12: {  	s1 =	sld [smem:$0x3F87];
	s0 =	simm.s32 @p0 $0x1  }
0x13: {  	[smem:$0x3FA2] =	sst s0;
	s0 =	simm.s32 @!p1 $0x0  }
0x14: {  	s2 =	sld [smem:$0x3F86];
	s0 =	simm.s32 @p1 $0x1  }
0x15: {  	[smem:$0x3FA3] =	sst s0;
	s0 =	simm.s32 @!p2 $0x0  }
0x16: {  	s3 =	sld [smem:$0x3FDB];
	s0 =	simm.s32 @p2 $0x1  }
0x17: {  	s4 =	simm.s32 $0x1BF5;
	[smem:$0x3FA5] =	sst s0  }
0x18: {  	s0 =	sld [smem:$0x3F88];
	_ =	swait.ge [sflag:s4], $0x0  }
0x19: {  	s7 =	sld [smem:$0x3F89]  }
0x1a: {  	s8 =	sadd.s32 $0xFFFFE003, lr  }
0x1b: {  	s9 =	sadd.s32 $0xFFFFFEF7, lr;
	s5 =	simm.s32 $0xFFFFFFFF;
	p2 =	slt.u32 s8, $0xFFFFF086  }
0x1c: {  	p1 =	slt.u32 s9, $0xF7A;
	s5 =	simm.s32 @!p2 $0x0  }
0x1d: {  	s5 =	simm.s32 @p1 $0x1;
	p0 =	seq.s32 s7, s2  }
0x1e: {  	s7 =	smul.u32 @!p0 $0xF7A, s2;
	p2 =	seq.s32 @!p0 s5, $0x0  }
0x1f: {  	s9 =	smul.u32 $0xF7A, s1;
	s8 =	simm.s32 @!p0 $0x1BF5;
	p2 =	por !p2, p0  }
0x20: {  	[sflag:s8] =	ssyncset.s32 @!p0 $0xFFFFF086;
	s6 =	sadd.s32 @!p0 s3, s7;
	s7 =	simm.s32 @!p0 $0x108  }
0x21: {  	s3 =	sadd.s32 s3, s9;
	s6 =	sadd.s32 @!p0 $0x88, s6;
	s7 =	simm.s32 @p2 $0x1082  }
0x22: {  	[simem:s7], [sflag:s8] =	dma.local @!p0 [hbm:s6], $0xF7A  }
0x23: {  	s9 =	sor.u32 $0xD0000000, s2;
	s6 =	simm.s32 $0x108;
	_ =	swait.ge @!p0 [sflag:s8], $0x0  }
0x24: {  	s3 =	sadd.s32 $0x88, s3;
	s6 =	simm.s32 @!p1 $0x1082;
	[sflag:s4] =	ssyncset.s32 $0xFFFFF086  }
0x25: {  	[simem:s6], [sflag:s4] =	dma.local [hbm:s3], $0xF7A  }
0x26: {  	[smem:$0x3F89] =	sst s1;
	(tag) =	ssettag s2;
	_ =	strace s9  }
0x27: {  	s1 =	sld [smem:$0x3F99]  }
0x28: {  	s2 =	sld [smem:$0x3F9A]  }
0x29: {  	s4 =	sld [smem:$0x3F9C]  }
0x2a: {  	p0 =	seq.s32 s5, $0x0;
	s5 =	sld [smem:$0x3F9D]  }
0x2b: {  	s6 =	sld [smem:$0x3F9E]  }
0x2c: {  	s7 =	sld [smem:$0x3F9F]  }
0x2d: {  	s3 =	simm.s32 $0x108;
	s8 =	sld [smem:$0x3FA0]  }
0x2e: {  	s3 =	simm.s32 @!p0 $0x1082;
	s9 =	sld [smem:$0x3FA1]  }
0x2f: {  	lr =	sadd.s32 s0, s3;
	s0 =	sld [smem:$0x3F98]  }
0x30: {  	s3 =	sld [smem:$0x3F9B]  }
0x31: {  	[smem:$0x3FA4] =	sst s10  }
0x32: {  	s10 =	sld [smem:$0x3FA2];
	_ =	sdelay $0x3  }
0x33: {  	p0 =	seq.s32 s10, $0x1;
	s10 =	sld [smem:$0x3FA4];
	_ =	sdelay $0x3  }
0x34: {  	[smem:$0x3FA4] =	sst s10  }
0x35: {  	s10 =	sld [smem:$0x3FA3];
	_ =	sdelay $0x3  }
0x36: {  	p1 =	seq.s32 s10, $0x1;
	s10 =	sld [smem:$0x3FA4];
	_ =	sdelay $0x3  }
0x37: {  	[smem:$0x3FA4] =	sst s10  }
0x38: {  	s10 =	sld [smem:$0x3FA5]  }
0x39: {  	_ = 	snop;
	(pc) =	sbr.ind lr, $3  }
0x3a: {  	_ = 	snop  }
0x3b: {  	_ = 	snop  }
0x3c: {  	p2 =	seq.s32 s10, $0x1;
	s10 =	sld [smem:$0x3FA4]  }
0x3d: {  	_ =	shalt  }
0x3e: {  	_ =	shalt  }
0x3f: {  	_ =	shalt  }
0x40: {  	_ =	shalt  }
0x41: {  	_ =	shalt  }
0x42: {  	_ =	shalt  }
0x43: {  	_ =	shalt  }
0x44: {  	_ =	shalt  }
0x45: {  	_ =	shalt  }
0x46: {  	_ =	shalt  }
0x47: {  	_ =	shalt  }
0x48: {  	_ =	shalt  }
0x49: {  	_ =	shalt  }
0x4a: {  	_ =	shalt  }
0x4b: {  	_ =	shalt  }
0x4c: {  	_ =	shalt  }
0x4d: {  	_ =	shalt  }
0x4e: {  	_ =	shalt  }
0x4f: {  	_ =	shalt  }
0x50: {  	_ =	shalt  }
0x51: {  	_ =	shalt  }
0x52: {  	_ =	shalt  }
0x53: {  	_ =	shalt  }
0x54: {  	_ =	shalt  }
0x55: {  	_ =	shalt  }
0x56: {  	_ =	shalt  }
0x57: {  	_ =	shalt  }
0x58: {  	_ =	shalt  }
0x59: {  	_ =	shalt  }
0x5a: {  	_ =	shalt  }
0x5b: {  	_ =	shalt  }
0x5c: {  	_ =	shalt  }
0x5d: {  	_ =	shalt  }
0x5e: {  	_ =	shalt  }
0x5f: {  	_ =	shalt  }
0x60: {  	_ =	shalt  }
0x61: {  	_ =	shalt  }
0x62: {  	_ =	shalt  }
0x63: {  	_ =	shalt  }
0x64: {  	_ =	shalt  }
0x65: {  	_ =	shalt  }
0x66: {  	_ =	shalt  }
0x67: {  	_ =	shalt  }
0x68: {  	_ =	shalt  }
0x69: {  	_ =	shalt  }
0x6a: {  	_ =	shalt  }
0x6b: {  	_ =	shalt  }
0x6c: {  	_ =	shalt  }
0x6d: {  	_ =	shalt  }
0x6e: {  	_ =	shalt  }
0x6f: {  	_ =	shalt  }
0x70: {  	_ =	shalt  }
0x71: {  	_ =	shalt  }
0x72: {  	_ =	shalt  }
0x73: {  	_ =	shalt  }
0x74: {  	_ =	shalt  }
0x75: {  	_ =	shalt  }
0x76: {  	_ =	shalt  }
0x77: {  	_ =	shalt  }
0x78: {  	_ =	shalt  }
0x79: {  	_ =	shalt  }
0x7a: {  	_ =	shalt  }
0x7b: {  	_ =	shalt  }
0x7c: {  	_ =	shalt  }
0x7d: {  	_ =	shalt  }
0x7e: {  	_ =	shalt  }
0x7f: {  	_ =	shalt  }
0x80: {  	_ =	shalt  }
0x81: {  	_ =	shalt  }
0x82: {  	_ =	shalt  }
0x83: {  	_ =	shalt  }
0x84: {  	_ =	shalt  }
0x85: {  	_ =	shalt  }
0x86: {  	_ =	shalt  }
0x87: {  	_ =	shalt  }
.Lfunc_end0:
.L_simem_size_0:
called_computation_lowered:
.L_overlay_start_0:
0x88: {  	s0 =	sld [smem:$0x3FD9]  }
0x89: {  	s1 =	sld [smem:$0x3FFE];
	_ =	sdelay $0x3  }
0x8a: {  	s0 =	sadd.s32 s1, s0  }
0x8b: {  	[smem:$0x3FB0] =	sst s0  }
0x8c: {  	_ = 	snop  }
0x8d: {  	(tm) =	ssettm $0x1  }
0x8e: {  	s14 =	sld [smem:$0x3FFB];
	_ =	sdelay $0x3  }
0x8f: {  	_ =	strace s14  }
0x90: {  	s0 =	sld [smem:$0x3FFC];
	_ =	sdelay $0x3  }
0x91: {  	_ =	strace s0  }
0x92: {  	s0 =	sld [smem:$0x3FFD];
	_ =	sdelay $0x3  }
0x93: {  	_ =	strace s0  }
0x94: {  	_ =	strace $0x8FFFFFFF  }
0x95: {  	s15 =	sld [smem:$0x3FDB];
	_ =	sdelay $0x1  }
0x96: {  	s16 =	simm.s32 $_scs_section_size  }
0x97: {  	s2 =	simm.s32 $_size__tile_overlayer_lowered;
	s3 =	simm.s32 $_tile_overlayer_lowered  }
0x98: {  	s4 =	simm.s32 $0x1BFF;
	s17 =	sshll.u32 s3, $0x1;
	s1 =	sadd.s32 s16, s15  }
0x99: {  	s18 =	simm.s32 $0x0;
	s2 =	sshll.u32 s2, $0x1;
	s3 =	sadd.s32 s17, s1  }
0x9a: {  	[timem:s18], [sflag:s4] =	dma.local [hbm:s3], s2  }
0x9b: {  	_ =	swait.ge [sflag:s4], s2  }
0x9c: {  	s2 =	ssub.s32 $0x0, s2;
	[sflag:s4] =	ssyncset.done $0x0  }
0x9d: {  	[sflag:s4] =	ssyncadd.s32 s2;
	_ =	sdelay $0x1  }
0x9e: {  	s19 =	simm.s32 $0x1B8B  }
0x9f: {  	_ =	swait.ge [sflag:s19], $0x1  }
0xa0: {  	[sflag:s19] =	ssyncset.done $0x0  }
0xa1: {  	s21 =	simm.s32 $0x1B8E;
	s20 =	sld [smem:$0x3FFE];
	[sflag:s19] =	ssyncadd.s32 $0xFFFFFFFF  }
0xa2: {  	s22 =	simm.s32 $execute0_lowered;
	[smem:$0x3FD2] =	sst s21  }
0xa3: {  	s3 =	sshll.u32 s22, $0x1;
	_ =	strace $0x80000046;
	[dreg:$0x1] =	wrdreg $0xFFFFFFFF  }
0xa4: {  	s23 =	simm.s32 $_size_execute0_lowered;
	s3 =	sadd.s32 s1, s3;
	[dreg:$0x0] =	wrdreg $0x0  }
0xa5: {  	s4 =	sshll.u32 s23, $0x1;
	[dreg:$0x2] =	wrdreg s3  }
0xa6: {  	[dreg:$0x3] =	wrdreg s4  }
0xa7: {  	[dreg:$0x4] =	wrdreg $0xC0  }
0xa8: {  	s24 =	simm.s32 $execute1_lowered;
	_ =	task [dreg:s18], $0x5FFFF  }
0xa9: {  	s3 =	sshll.u32 s24, $0x1;
	[dreg:$0x1] =	wrdreg $0xFFFFFFFF  }
0xaa: {  	s1 =	sadd.s32 s1, s3;
	[dreg:$0x0] =	wrdreg $0x60  }
0xab: {  	[dreg:$0x2] =	wrdreg s1  }
0xac: {  	[dreg:$0x3] =	wrdreg s20  }
0xad: {  	[dreg:$0x4] =	wrdreg $0x9  }
0xae: {  	_ =	task.clear_ibuf [dreg:s18], $0x5FFFF;
	_ =	strace $0x90000046  }
0xaf: {  	s25 =	simm.s32 $0x9;
	_ =	strace $0x80000048  }
0xb0: {  	_ =	swait.ge [sflag:s25], $0x1  }
0xb1: {  	[sflag:s25] =	ssyncadd.s32 $0xFFFFFFFF  }
0xb2: {  	_ =	strace $0x90000048  }
0xb3: {  	_ =	strace $0x80000049;
	[dreg:$0x1] =	wrdreg $0xFFFFFFFF  }
0xb4: {  	[dreg:$0x0] =	wrdreg $0x2030  }
0xb5: {  	[dreg:$0x2] =	wrdreg s20  }
0xb6: {  	[dreg:$0x3] =	wrdreg $0xA  }
0xb7: {  	_ =	task.clear_ibuf [dreg:s18], $0x4FFFF;
	_ =	strace $0x90000049  }
0xb8: {  	s26 =	simm.s32 $0xA;
	_ =	strace $0x8000004B  }
0xb9: {  	_ =	swait.ge [sflag:s26], $0x1  }
0xba: {  	[sflag:s26] =	ssyncadd.s32 $0xFFFFFFFF  }
0xbb: {  	_ =	strace $0x9000004B  }
0xbc: {  	_ =	sfence  }
0xbd: {  	s28 =	sld [smem:$0x0];
	_ =	sdelay $0x1  }
0xbe: {  	s29 =	srdreg.scid  }
0xbf: {  	s30 =	sshll.u32 s29, $0xD;
	s31 =	sshrl.u32 s29, $0x2  }
0xc0: {  	s2 =	sand.u32 $0x1, s29;
	s3 =	sand.u32 $0x4000, s30;
	s1 =	sadd.s32 s31, s28  }
0xc1: {  	s2 =	sor.u32 s3, s2;
	s1 =	sshll.u32 s1, $0x11  }
0xc2: {  	s1 =	sor.u32 s1, s2  }
0xc3: {  	s1 =	sadd.s32 $0x8F2B, s1  }
0xc4: {  	[sflag:s1] =	ssyncadd.remote.s32 $0x1  }
0xc5: {  	_ =	sfence.sel $0xFFFF  }
0xc6: {  	[dreg:$0x0] =	wrdreg $0xFFFFFFFF;
	(pc) =	sbr.abs _section_cstart, $3  }
0xc7: {  	[dreg:$0x1] =	wrdreg $0xFFFFFFFF  }
0xc8: {  	_ =	task.clear_ibuf [dreg:s18], $0x2FFFF;
	_ =	strace $0x9FFFFFFF  }
0xc9: {  	(tm) =	ssettm $0x7FFFFFFF  }
tec
execute0_lowered:
.L_overlay_start_1:
0x0: {  	(tag) =	ssettag $0x1  }
0x1: {  	s2 =	rddreg [dreg:$0x0]  }
0x2: {  	s4 =	rddreg [dreg:$0x1]  }
0x3: {  	s0 =	rddreg [dreg:$0x2];
	s3 =	stileid.u32  }
0x4: {  	[bflag:$0x3] =	sbarrier.arrive $0xFFFF;
	s1 =	simm.s32 $_size_execute1_lowered;
	p0 =	sne.s32 s3, $0x0  }
0x5: {  	s1 =	sshll.u32 s1, $0x1;
	s5 =	simm.s32 @!p0 $0x1C3F;
	s6 =	simm.s32 @!p0 $0x4060  }
0x6: {  	[timem:s6], [sflag:s5] =	dma.local @!p0 [hbm:s2], s1  }
0x7: {  	s2 =	smul.u32 $0x280, s3  }
.Ltmp0:
0x8: {  	s31 =	simm.s32 $0x2;
	s7 =	simm.s32 $0x280;
	(pc) =	sbr.rel .LBB2_1-.Ltmp0, $4  }
0x9: {  	s8 =	simm.s32 $0x780;
	s10 =	simm.s32 $0x0;
	s9 =	simm.s32 $0x0  }
0xa: {  	s3 =	simm.s32 $0x1;
	_ =	strace $0x80000047;
	s30 =	sshrl.u32 s2, $0x3  }
0xb: {  	s6 =	simm.s32 $0x0;
	[sflag:s3] =	ssyncpa.u1 $0x0;
	s5 =	sadd.s32 s30, s4  }
0xc: {  	s4 =	sadd.s32 $0x28600, s4;
	[sflag:s31] =	ssyncpa.u1 $0x0;
	s5 =	sadd.s32 $0x28000, s5  }
.LBB2_8:
0xd: {  	p1 =	seq.s32 s9, $0x2  }
.Ltmp1:
0xe: {  	_ = 	snop;
	(pc) =	sbr.rel @p1 .LBB2_10-.Ltmp1, $1  }
0xf: {  	_ =	sdelay $0x3  }
.LBB2_9:
0x10: {  	s9 =	sadd.s32 $0x1, s9;
	s10 =	smov.u32 s2  }
.LBB2_1:
0x11: {  	p1 =	sne.s32 s9, $0x0  }
.Ltmp2:
0x12: {  	_ = 	snop;
	(pc) =	sbr.rel @!p1 .LBB2_2-.Ltmp2, $1  }
0x13: {  	_ =	sdelay $0x3  }
0x14: {  	s11 =	sand.u32 $0x1, s9  }
0x15: {  	p1 =	seq.s32 s11, $0x0  }
.Ltmp3:
0x16: {  	_ = 	snop;
	(pc) =	sbr.rel @p1 .LBB2_8-.Ltmp3, $1  }
0x17: {  	_ =	sdelay $0x3  }
0x18: {  	_ =	swait.ge [sflag:s3], $0x280  }
0x19: {  	[sflag:s3] =	ssyncset.done $0x0  }
0x1a: {  	s11 =	simm.s32 $0x0;
	p1 =	por $0x1, $0x1;
	[sflag:s3] =	ssyncadd.s32 $0xFFFFFD80  }
.LBB2_5:
0x1b: {  	v0 =	vld [tilespmem:s11+$0x280]  }
0x1c: {  	v1 =	vld [tilespmem:s11+$0x290]  }
0x1d: {  	v2 =	vld [tilespmem:s11+$0x2A0]  }
0x1e: {  	v3 =	vld [tilespmem:s11+$0x2B0]  }
0x1f: {  	v4 =	vld [tilespmem:s11+$0x2C0]  }
0x20: {  	v53 =	vld [tilespmem:s11+$0x2D0];
	[tilespmem:s11+$0x780] =	vst v0  }
0x21: {  	v54 =	vld [tilespmem:s11+$0x2E0];
	[tilespmem:s11+$0x790] =	vst v1  }
0x22: {  	v55 =	vld [tilespmem:s11+$0x2F0];
	[tilespmem:s11+$0x7A0] =	vst v2  }
0x23: {  	v56 =	vld [tilespmem:s11+$0x300];
	[tilespmem:s11+$0x7B0] =	vst v3  }
0x24: {  	v57 =	vld [tilespmem:s11+$0x310];
	[tilespmem:s11+$0x7C0] =	vst v4  }
0x25: {  	v58 =	vld [tilespmem:s11+$0x320];
	[tilespmem:s11+$0x7D0] =	vst v53  }
0x26: {  	v59 =	vld [tilespmem:s11+$0x330];
	[tilespmem:s11+$0x7E0] =	vst v54  }
0x27: {  	v60 =	vld [tilespmem:s11+$0x340];
	[tilespmem:s11+$0x7F0] =	vst v55  }
0x28: {  	v61 =	vld [tilespmem:s11+$0x350];
	[tilespmem:s11+$0x800] =	vst v56  }
0x29: {  	v62 =	vld [tilespmem:s11+$0x360];
	[tilespmem:s11+$0x810] =	vst v57  }
0x2a: {  	v63 =	vld [tilespmem:s11+$0x370];
	p2 =	por p1, p1;
	[tilespmem:s11+$0x820] =	vst v58  }
.Ltmp4:
0x2b: {  	[tilespmem:s11+$0x830] =	vst v59;
	(pc) =	sbr.rel @p2 .LBB2_5-.Ltmp4, $4  }
0x2c: {  	[tilespmem:s11+$0x840] =	vst v60  }
0x2d: {  	[tilespmem:s11+$0x850] =	vst v61  }
0x2e: {  	s12 =	simm.s32 $0x1F0;
	s13 =	simm.s32 $0x980;
	[tilespmem:s11+$0x860] =	vst v62  }
0x2f: {  	s14 =	simm.s32 $0x480;
	p1 =	por $0x0, $0x0;
	[tilespmem:s11+$0x870] =	vst v63;
	s11 =	simm.s32 $0x100  }
.LBB2_6:
0x30: {  	s12 =	sadd.s32 $0x10, s12  }
0x31: {  	v0 =	vld [tilespmem:s14+$0x0];
	p1 =	slt.u32 s12, $0x270  }
.Ltmp5:
0x32: {  	_ = 	snop;
	(pc) =	sbr.rel @p1 .LBB2_6-.Ltmp5, $2  }
0x33: {  	_ =	sdelay $0x2  }
0x34: {  	s14 =	sadd.s32 $0x10, s14;
	[tilespmem:s13+$0x0] =	vst v0;
	s13 =	sadd.s32 $0x10, s13  }
.Ltmp6:
0x35: {  	(pc) =	sbr.rel .LBB2_8-.Ltmp6, $4  }
0x36: {  	_ = 	snop  }
0x37: {  	s10 =	sshrl.u32 s10, $0x3  }
0x38: {  	s10 =	sadd.s32 s4, s10  }
0x39: {  	[hbm4b:s10+s6] =	stream.linear.scatter [tilespmem:s8], [sflag:$0x2], $0x280, $0x38;
	[tilespmem:$0xA00] =	vst v63  }
.LBB2_2:
.Ltmp7:
0x3a: {  	(pc) =	sbr.rel .LBB2_9-.Ltmp7, $2  }
0x3b: {  	_ =	sdelay $0x2  }
0x3c: {  	[tilespmem:s7], [sflag:$0x1] =	stream.linear.gather [hbm4b:s5+s6], $0x280, $0x38;
	[tilespmem:$0xA00] =	vst v63  }
.LBB2_10:
0x3d: {  	s2 =	simm.s32 $0x2  }
0x3e: {  	_ =	swait.ge [sflag:s2], $0x280  }
0x3f: {  	[sflag:s2] =	ssyncset.done $0x0  }
0x40: {  	[sflag:s2] =	ssyncadd.s32 $0xFFFFFD80  }
0x41: {  	_ =	sfence.sel $0x180000  }
0x42: {  	s3 =	simm.s32 $0x1;
	[bflag:$0x0] =	sbarrier.arrive $0xFFFF  }
0x43: {  	[sflag:s3] =	ssyncpa.u1 $0x1  }
0x44: {  	[sflag:s2] =	ssyncpa.u1 $0x1  }
0x45: {  	_ =	strace $0x90000047  }
0x46: {  	s0 =	sadd.s32 @!p0 $0x100000, s0;
	[bflag:$0x2] =	sbarrier.arrive $0xFFFF  }
0x47: {  	[sflag:s0] =	ssyncadd.tile.s32 @!p0 $0x1;
	s0 =	simm.s32 @!p0 $0x3F  }
0x48: {  	_ =	swait.ge @!p0 [sflag:s0], s1  }
0x49: {  	s1 =	ssub.s32 @!p0 $0x0, s1;
	[sflag:s0] =	ssyncset.done @!p0 $0x0  }
0x4a: {  	[sflag:s0] =	ssyncadd.s32 @!p0 s1  }
0x4b: {  	[bflag:$0x3] =	sbarrier.arrive $0xFFFF  }
0x4c: {  	_ =	shalt  }
.Lfunc_end2:
execute1_lowered:
.L_overlay_start_2:
0x4d: {  	(tag) =	ssettag $0x2  }
0x4e: {  	s0 =	rddreg [dreg:$0x0]  }
0x4f: {  	s11 =	stileid.u32;
	_ =	strace $0x8000004A;
	s2 =	simm.s32 $0x1  }
0x50: {  	v1 =	vimm.s32 $0xFFFFFFFF;
	s1 =	smin.u32 s11, $0x4;
	[sflag:s2] =	ssyncpa.u1 $0x0  }
0x51: {  	s1 =	sadd.s32 s11, s1;
	[tilespmem:$0x10] =	vst v1  }
0x52: {  	v0 =	vimm.f32 $-Inf;
	p0 =	slt.u32 s11, $0x4;
	[tilespmem:$0x20] =	vst v1;
	s3 =	smul.u32 $0x1F40, s1;
	s1 =	simm.s32 $0x3E80  }
0x53: {  	[tilespmem:$0x30] =	vst v0;
	s1 =	simm.s32 @!p0 $0x1F40  }
0x54: {  	[tilespmem:$0x40] =	vst v0;
	s1 =	sadd.s32 s1, s3  }
0x55: {  	[tilespmem:$0x50] =	vst v0;
	s4 =	smin.u32 s1, $0x27100  }
0x56: {  	s7 =	simm.s32 $0x2;
	s8 =	simm.s32 $0x8;
	[tilespmem:$0x60] =	vst v1;
	s6 =	ssub.s32 s4, s3  }
0x57: {  	s30 =	simm.s32 $0x9;
	s16 =	simm.s32 $0x0;
	[tilespmem:$0x70] =	vst v1;
	p0 =	sgt.s32 s6, $0x0  }
0x58: {  	s17 =	simm.s32 $0xF0;
	s18 =	simm.s32 $0xFFFFFFFF;
	[tilespmem:$0x80] =	vst v1;
	s6 =	simm.s32 @!p0 $0x0  }
0x59: {  	s19 =	simm.s32 $0xFFFFC280;
	s20 =	simm.s32 $0xFFFFFFFE;
	v1 =	vimm.s32 $0x0;
	[tilespmem:$0xB0] =	vst v0;
	s5 =	smulhi.u32 $0x10624DD3, s6  }
0x5a: {  	s21 =	simm.s32 $0xF;
	s25 =	simm.s32 $0x0;
	s24 =	simm.s32 $0x0;
	[tilespmem:$0x90] =	vst v1  }
0x5b: {  	[tilespmem:$0xA0] =	vst v1;
	[sflag:s7] =	ssyncpa.u1 $0x0;
	s7 =	simm.s32 $0x7;
	s9 =	sshrl.u32 s5, $0x9  }
0x5c: {  	s14 =	sshllo.u32 s11, $0x1;
	[sflag:s7] =	ssyncpa.u1 $0x0;
	s10 =	smul.u32 $0x1F40, s9  }
0x5d: {  	[sflag:s8] =	ssyncpa.u1 $0x0;
	s23 =	smov.u32 s3;
	s1 =	sadd.s32 $0x28600, s0  }
.Ltmp8:
0x5e: {  	[sflag:s30] =	ssyncpa.u1 $0x0;
	p0 =	sne.s32 s6, s10;
	(pc) =	sbr.rel .LBB3_1-.Ltmp8, $4  }
0x5f: {  	s5 =	sadd.s32 $0x1E000, s0;
	s0 =	sadd.s32 $0x23000, s0;
	s2 =	simm.s32 @!p0 $0x0  }
0x60: {  	[dreg:$0x2] =	wrdreg s0;
	s10 =	sshll.u32 s11, $0x1;
	s9 =	sadd.s32 s2, s9  }
0x61: {  	vm0 =	vmmov $0xffff;
	v2 =	vlaneseq.u32;
	vm1 =	vmxor vm1, vm1;
	s13 =	sor.u32 $0x81, s10;
	s15 =	sor.u32 $0x80, s10;
	s31 =	sadd.s32 $0x1, s9  }
0x62: {  	vm2 =	vmmov $0x1;
	v3 =	vimm.f32 $0.0e+00;
	vm3 =	vcmask $0x3F3C;
	p0 =	por $0x0, $0x0;
	s12 =	sadd.s32 $0x2, s9;
	[dreg:$0x3] =	wrdreg s31  }
.LBB3_9:
0x63: {  	p1 =	slt.u32 s24, $0x3  }
0x64: {  	s0 =	simm.s32 @!p1 $0x2  }
0x65: {  	_ =	swait.ge @!p1 [sflag:s0], $0x1F40  }
0x66: {  	[sflag:s0] =	ssyncset.done @!p1 $0x0  }
0x67: {  	[sflag:s0] =	ssyncadd.s32 @!p1 $0xFFFFE0C0;
	s0 =	simm.s32 @!p1 $0x9  }
0x68: {  	_ =	swait.ge @!p1 [sflag:s0], $0x10  }
0x69: {  	[sflag:s0] =	ssyncset.done @!p1 $0x0  }
0x6a: {  	[sflag:s0] =	ssyncadd.s32 @!p1 $0xFFFFFFF0;
	p1 =	sne.s32 s24, s12  }
.Ltmp9:
0x6b: {  	s2 =	sadd.s32 $0x1F40, s23;
	(pc) =	sbr.rel @!p1 .LBB3_10-.Ltmp9, $4  }
0x6c: {  	s6 =	smov.u32 s3;
	s31 =	sadd.s32 $0x1, s24;
	s17 =	sadd.s32 $0x1F40, s17  }
0x6d: {  	s18 =	sadd.s32 $0x1, s18;
	s25 =	smov.u32 s23;
	p2 =	slt.s32 s2, s4  }
0x6e: {  	p0 =	por !p0, !p0;
	s19 =	sadd.s32 $0x1F40, s19;
	s6 =	smov.u32 @p2 s2  }
0x6f: {  	s20 =	sadd.s32 $0x1, s20;
	s23 =	smov.u32 s6;
	s24 =	smov.u32 s31  }
.LBB3_1:
0x70: {  	p1 =	sge.u32 s24, s9  }
0x71: {  	s0 =	smulhi.u32 @!p1 $0xAAAAAAAB, s24;
	_ =	sdelay $0x1  }
0x72: {  	s0 =	sshrl.u32 @!p1 s0, $0x1  }
0x73: {  	s0 =	smul.u32 @!p1 $0x3, s0;
	_ =	sdelay $0x1  }
0x74: {  	s0 =	ssub.s32 @!p1 s24, s0  }
0x75: {  	s0 =	smul.u32 @!p1 $0x7D00, s0;
	_ =	sdelay $0x1  }
0x76: {  	s2 =	sshrl.u32 @!p1 s23, $0x3;
	s0 =	sshrl.u32 @!p1 s0, $0x2  }
0x77: {  	s6 =	sand.u32 @!p1 $0x7, s23;
	s2 =	sadd.s32 @!p1 s5, s2;
	s0 =	sadd.s32 @!p1 $0x100, s0  }
0x78: {  	[tilespmem:s0], [sflag:$0x7] =	stream.linear.gather @!p1 [hbm4b:s2+s6], $0x1F40, $0x38;
	[tilespmem:$0x11A60] =	vst v63  }
0x79: {  	s0 =	sadd.s32 $0xFFFFFFFF, s24  }
0x7a: {  	p1 =	sge.u32 s0, s9  }
.Ltmp10:
0x7b: {  	_ = 	snop;
	(pc) =	sbr.rel @p1 .LBB3_5-.Ltmp10, $1  }
0x7c: {  	_ =	sdelay $0x3  }
0x7d: {  	s2 =	smulhi.u32 $0xAAAAAAAB, s0;
	_ =	sdelay $0x1  }
0x7e: {  	s2 =	sshrl.u32 s2, $0x1  }
0x7f: {  	s2 =	smul.u32 $0x3, s2;
	_ =	sdelay $0x1  }
0x80: {  	s2 =	ssub.s32 s0, s2  }
0x81: {  	s2 =	smul.u32 $0x7D00, s2  }
0x82: {  	_ =	swait.ge [sflag:s7], $0x1F40  }
0x83: {  	[sflag:s7] =	ssyncset.done $0x0;
	s2 =	sshrl.u32 s2, $0x2  }
0x84: {  	[sflag:s7] =	ssyncadd.s32 $0xFFFFE0C0;
	(ifvalue) =	ssetifvalue $0xFFFFFFFF;
	v4 =	vld.msk [tilespmem:s2+$0x100 ss:$0x1], $0xffff;
	_ =	sdelay $0x2  }
0x85: {  	s29 =	smulhi.u32 $0xAAAAAAAB, s18;
	p1 =	sne.s32 s24, $0x1  }
0x86: {  	v5 =	vimm.s32 @!p1 $0x0  }
0x87: {  	s2 =	sshrl.u32 s29, $0x1;
	v5 =	vperm.xlane @!p1 v4, v5  }
0x88: {  	s6 =	sshll.u32 s24, $0x4;
	s2 =	smul.u32 $0xFFFE8900, s2;
	vm4 =	vlt.u32 v4, $0x2800  }
0x89: {  	s6 =	sand.u32 $0x10, s6;
	v4 =	vnsel vm4, $0xFFFFFFFE, v4;
	vm4 =	vlt.u32 @!p1 v5, $0x2800  }
0x8a: {  	s2 =	sshra.s32 s2, $0x2;
	[tilespmem:s6+$0x60] =	vst v4;
	v4 =	vnsel @!p1 vm4, $0xFFFFFFFE, v5  }
0x8b: {  	s30 =	sadd.s32 s2, s17;
	[tilespmem:$0x80] =	vst @!p1 v4  }
0x8c: {  	v4 =	vld.msk [tilespmem:s30+$0x0 ss:$0x1], $0xffff;
	_ =	sdelay $0x4  }
0x8d: {  	(xrf1) =	vunique.msk.u32 $0xffff, v4;
	_ =	sdelay $0xd  }
0x8e: {  	v5 =	vimm.s32 $0xFFFFFFFF;
	v6, _, _ =	vpop (xrf1)  }
0x8f: {  	vm5 =	vne.s32 v4, v5;
	vm4 =	veq.s32 v6, v2  }
0x90: {  	vm6 =	vlt.u32 v4, $0x2800;
	vm4 =	vmand vm5, vm4  }
0x91: {  	vm4 =	vmand vm6, vm4  }
0x92: {  	v5 =	vnsel vm4, $0xFFFFFFFF, v4  }
0x93: {  	s31 =	sand.u32 $0x1, s0  }
0x94: {  	s26 =	simm.s32 $0x1F40;
	p1 =	seq.s32 s31, $0x1  }
0x95: {  	s26 =	simm.s32 @!p1 $0x0  }
0x96: {  	s28 =	sadd.s32 $0x7DF0, s26;
	(ifvalue) =	ssetifvalue $0xFFFFFFFF  }
0x97: {  	v4 =	vperm.xlane v4, v1;
	[tilespmem:s28], [sflag:$0x8] =	stream.indirect_vreg.gather [hbm4b:s1+s16], $0x1, v5, vm0, $0x4038;
	v5 =	vnsel vm6, $0xFFFFFFFE, v5;
	[tilespmem:$0x11A60] =	vst v63  }
0x98: {  	s0 =	simm.s32 $0x0;
	s2 =	sadd.s32 $0xFFFFFFF0, s30;
	[tilespmem:s30+$0x0] =	vst v5  }
.LBB3_3:
0x99: {  	v5 =	vld.msk [tilespmem:s2+$0x0 ss:$0x1], $0xffff;
	s0 =	sadd.s32 $0x10, s0;
	v6 =	vmov v4;
	s6 =	smov.u32 s2  }
0x9a: {  	p1 =	slt.u32 s0, $0x1F30;
	_ =	sdelay $0x4  }
0x9b: {  	v4 =	vperm.xlane v5, v1;
	(xrf1) =	vunique.msk.u32 $0xffff, v5;
	_ =	sdelay $0xd  }
0x9c: {  	v7, _, _ =	vpop (xrf1)  }
0x9d: {  	vm5 =	vne.s32 v5, v6;
	vm4 =	veq.s32 v7, v2  }
0x9e: {  	vm6 =	vlt.u32 v5, $0x2800;
	vm4 =	vmand vm5, vm4  }
0x9f: {  	vm4 =	vmand vm6, vm4  }
0xa0: {  	v5 =	vnsel vm4, $0xFFFFFFFF, v5  }
.Ltmp11:
0xa1: {  	v6 =	vnsel vm6, $0xFFFFFFFE, v5;
	(pc) =	sbr.rel @p1 .LBB3_3-.Ltmp11, $3  }
0xa2: {  	_ =	sdelay $0x1  }
0xa3: {  	s2 =	sadd.s32 $0xFFFFFFF0, s2;
	s28 =	sadd.s32 $0xFFFFFFF0, s28;
	(ifvalue) =	ssetifvalue $0xFFFFFFFF  }
0xa4: {  	[tilespmem:s28], [sflag:$0x8] =	stream.indirect_vreg.gather [hbm4b:s1+s16], $0x1, v5, vm0, $0x4038;
	[tilespmem:s6+$0x0] =	vst v6  }
0xa5: {  	s0 =	sshrl.u32 s25, $0x3;
	s2 =	rddreg [dreg:$0x2]  }
0xa6: {  	s31 =	sadd.s32 $0x9D40, s26;
	s0 =	sadd.s32 s2, s0  }
0xa7: {  	[tilespmem:s31], [sflag:$0x8] =	stream.linear.gather [hbm:s0], $0x1F40, $0x38;
	[tilespmem:$0x11A60] =	vst v63  }
.LBB3_5:
0xa8: {  	p1 =	slt.u32 s24, $0x2  }
0xa9: {  	p2 =	sge.u32 @!p1 s24, s12  }
0xaa: {  	p1 =	por p1, p2  }
.Ltmp12:
0xab: {  	_ = 	snop;
	(pc) =	sbr.rel @p1 .LBB3_9-.Ltmp12, $1  }
0xac: {  	_ =	sdelay $0x3  }
0xad: {  	s0 =	sadd.s32 $0xFFFFFFFE, s24  }
0xae: {  	s2 =	smulhi.u32 $0xAAAAAAAB, s0;
	_ =	sdelay $0x1  }
0xaf: {  	s2 =	sshrl.u32 s2, $0x1  }
0xb0: {  	s2 =	smul.u32 $0x3, s2;
	_ =	sdelay $0x1  }
0xb1: {  	_ =	swait.ge [sflag:s8], $0x3E80;
	s0 =	ssub.s32 s0, s2  }
0xb2: {  	s6 =	rddreg [dreg:$0x3];
	s0 =	smul.u32 $0x1F40, s0  }
0xb3: {  	[sflag:s8] =	ssyncset.done $0x0;
	p1 =	sne.s32 s24, s6  }
0xb4: {  	[sflag:s8] =	ssyncadd.s32 $0xFFFFC180;
	s2 =	sadd.s32 @!p1 $0x203F, s0  }
0xb5: {  	[spmem:s13] =	stream.linear.scatter @!p1 [tilespmem:s2], [sflag:$0x1], $0x1, $0x38;
	[tilespmem:$0x11A60] =	vst v63  }
0xb6: {  	s2 =	simm.s32 @!p1 $0x1  }
0xb7: {  	_ =	swait.ge @!p1 [sflag:s2], $0x1  }
0xb8: {  	s6 =	sshll.u32 s24, $0x4;
	[sflag:s2] =	ssyncset.done @!p1 $0x0  }
0xb9: {  	s25 =	sand.u32 $0x10, s6;
	[sflag:s2] =	ssyncadd.s32 @!p1 $0xFFFFFFFF  }
0xba: {  	s2 =	sxor.u32 $0x10, s25;
	v5 =	vld [tilespmem:s25+$0x10]  }
0xbb: {  	v6 =	vld [tilespmem:s2+$0x60]  }
0xbc: {  	v4 =	vld [tilespmem:$0x80];
	_ =	sdelay $0x2  }
0xbd: {  	(v2sf) =	vpush v5, $0x0  }
0xbe: {  	(v2sf) =	vpush v6, $0x0  }
0xbf: {  	(v2sf) =	vpush v4, $0x0;
	_ =	sdelay $0xc  }
0xc0: {  	s11 =	spop (v2sf)  }
0xc1: {  	s22 =	spop (v2sf)  }
0xc2: {  	s28 =	spop (v2sf)  }
0xc3: {  	p2 =	seq.s32 s11, s22;
	p3 =	seq.s32 s28, s11  }
0xc4: {  	p3 =	por p2, p3  }
0xc5: {  	s26 =	sand.u32 $0x1, s24;
	v5 =	vpsel p3, $0xFFFFFFFF, v5  }
0xc6: {  	s29 =	smul.u32 $0x1F40, s26;
	[tilespmem:s25+$0x10] =	vst.msk $0x1, v5  }
0xc7: {  	v5 =	vld [tilespmem:$0x30]  }
0xc8: {  	v6 =	vld [tilespmem:s29+$0x9D40]  }
0xc9: {  	v7 =	vld [tilespmem:s25+$0x40];
	_ =	sdelay $0x2  }
0xca: {  	vm4 =	vmmov vm1  }
0xcb: {  	vm5 =	vmmov vm2;
	s6 =	sshll.u32 s26, $0x4;
	vm4 =	vmmov @p2 vm2;
	v6 =	vmax.f32 v5, v6  }
0xcc: {  	s26 =	sor.u32 $0x11A40, s6;
	vm5 =	vmmov @p3 vm1;
	v5 =	vmax.f32 v5, v7;
	[tilespmem:s29+$0x9D40] =	vst.msk vm4, v6  }
0xcd: {  	[tilespmem:s26+$0x0] =	vst.msk vm5, v5  }
0xce: {  	v5 =	vld [tilespmem:s29+$0x7DF0];
	_ =	sdelay $0x4  }
0xcf: {  	v5 =	vshift.insert v5, v3, s21  }
0xd0: {  	s11 =	sor.u32 $0x40, s2  }
0xd1: {  	v6 =	vimm.f32 $-Inf;
	[tilespmem:s11+$0x0] =	vst.msk $0x1, v5  }
0xd2: {  	[tilespmem:s29+$0x7DFF] =	vst.msk $0x1, v6  }
0xd3: {  	v5 =	vld [tilespmem:s0+$0x2030]  }
0xd4: {  	s22 =	smulhi.u32 $0xAAAAAAAB, s20;
	_ =	sdelay $0x1  }
0xd5: {  	s6 =	simm.s32 $0x1;
	s0 =	sshrl.u32 s22, $0x1  }
0xd6: {  	s6 =	simm.s32 @!p0 $0x0;
	s0 =	smul.u32 $0xFFFE8900, s0  }
0xd7: {  	s6 =	smul.u32 $0x7D00, s6;
	v5 =	vshift.insert v5, v1, s21  }
0xd8: {  	s0 =	sshra.s32 s0, $0x2  }
0xd9: {  	s6 =	sshrl.u32 s6, $0x2;
	s22 =	sadd.s32 s0, s19;
	[tilespmem:s2+$0x10] =	vst.msk $0x1, v5  }
0xda: {  	s2 =	sadd.s32 $0x9D40, s6;
	v7 =	vld [tilespmem:s22+$0x0]  }
0xdb: {  	v8 =	vld [tilespmem:s2+$0x0];
	_ =	sdelay $0x4  }
0xdc: {  	vm4 =	vne.s32 v7, $0xFFFFFFFF;
	v6 =	vmax.f32 v8, v6  }
0xdd: {  	(xrf0) =	vmax.seg.scan.f32 vm4, v6  }
0xde: {  	s11 =	sadd.s32 $0x5EC0, s6;
	v8 =	vld [tilespmem:$0xA0]  }
0xdf: {  	v9 =	vld [tilespmem:s11+$0x0];
	_ =	sdelay $0x1  }
0xe0: {  	v6 =	vperm.xlane v5, v1;
	_ =	sdelay $0x1  }
0xe1: {  	vm6 =	veq.s32 v7, v4;
	vm7 =	veq.s32 v7, v6;
	vm5 =	veq.s32 v8, $0x1;
	v8, _, _ =	vpop (xrf0)  }
0xe2: {  	vm8 =	vgt.u32 v7, $0xFFFFFFFD;
	vm7 =	vmor vm7, vm6;
	v9 =	vmax.f32 v8, v9  }
0xe3: {  	s30 =	sadd.s32 $0xDBC0, s6;
	v10 =	vld [tilespmem:$0x90];
	vm7 =	vmor vm7, vm8;
	v9 =	vsel vm6, v8, v9  }
0xe4: {  	[tilespmem:s30+$0x0] =	vst v9;
	v9 =	vsel vm7, $0xFFFFFFFF, v7;
	_ =	sdelay $0x1  }
0xe5: {  	vm9 =	vmand vm4, vm3  }
0xe6: {  	s31 =	simm.s32 $0x0;
	s6 =	sadd.s32 $0x10, s11;
	s0 =	sadd.s32 $0x10, s2;
	v11 =	vsel vm9, $0xFF800000, v8  }
0xe7: {  	s2 =	sadd.s32 $0x10, s22;
	s22 =	sadd.s32 $0x10, s30;
	vm4 =	vmor vm5, vm6;
	v7 =	vsel vm6, v8, v10;
	v8 =	vshift.insert v11, v0, s21;
	(ifvalue) =	ssetifvalue $0xFFFFFFFF  }
.LBB3_7:
0xe8: {  	[hbm4b:s1+s16] =	stream.indirect_vreg.scatter [tilespmem:s30], [sflag:$0x2], $0x1, v9, vm0, $0x4038;
	[tilespmem:$0x11A60] =	vst v63  }
0xe9: {  	s31 =	sadd.s32 $0x10, s31;
	s30 =	smov.u32 s22;
	v9 =	vld [tilespmem:s2+$0x0]  }
0xea: {  	p2 =	slt.u32 s31, $0x1F30;
	v10 =	vld [tilespmem:s0+$0x0];
	_ =	sdelay $0x4  }
0xeb: {  	vm5 =	vne.s32 v9, $0xFFFFFFFF;
	v8 =	vmax.f32 v10, v8  }
0xec: {  	(xrf0) =	vmax.seg.scan.f32 vm5, v8;
	_ =	sdelay $0x1  }
0xed: {  	v8 =	vld [tilespmem:s6+$0x0]  }
0xee: {  	vm6 =	veq.s32 v9, v4;
	vm7 =	veq.s32 v9, v6  }
0xef: {  	vm8 =	vgt.u32 v9, $0xFFFFFFFD;
	vm4 =	vmor vm4, vm6;
	vm7 =	vmor vm7, vm6  }
0xf0: {  	vm7 =	vmor vm7, vm8  }
.Ltmp13:
0xf1: {  	vm5 =	vmand vm5, vm3;
	v9 =	vsel vm7, $0xFFFFFFFF, v9;
	v10, _, _ =	vpop (xrf0);
	(pc) =	sbr.rel @p2 .LBB3_7-.Ltmp13, $4  }
0xf2: {  	v7 =	vsel vm6, v10, v7;
	v8 =	vmax.f32 v10, v8;
	v11 =	vsel vm5, $0xFF800000, v10  }
0xf3: {  	v10 =	vsel vm6, v10, v8;
	v8 =	vshift.insert v11, v0, s21  }
0xf4: {  	s2 =	sadd.s32 $0x10, s2;
	s0 =	sadd.s32 $0x10, s0;
	[tilespmem:s22+$0x0] =	vst v10  }
0xf5: {  	s6 =	sadd.s32 $0x10, s6;
	s22 =	sadd.s32 $0x10, s22;
	(ifvalue) =	ssetifvalue $0xFFFFFFFF  }
0xf6: {  	_ =	sdelay $0x3  }
0xf7: {  	[hbm4b:s1+s16] =	stream.indirect_vreg.scatter [tilespmem:s30], [sflag:$0x2], $0x1, v9, vm0, $0x4038;
	[tilespmem:$0x11A60] =	vst v63  }
0xf8: {  	v4 =	vld [tilespmem:s29+$0xFAF0];
	_ =	sdelay $0x4  }
0xf9: {  	v4 =	vshift.insert v4, v3, s21  }
0xfa: {  	s0 =	simm.s32 $0x30  }
0xfb: {  	[tilespmem:s0+$0x0] =	vst.msk $0x1, v4  }
0xfc: {  	v4 =	vsel vm4, $0x1, v1;
	[tilespmem:$0x90] =	vst v7  }
0xfd: {  	s0 =	sadd.s32 @!p1 $0xFAFF, s29;
	[tilespmem:$0xA0] =	vst v4  }
0xfe: {  	[spmem:s14] =	stream.linear.scatter @!p1 [tilespmem:s0], [sflag:$0x1], $0x1, $0x38;
	[tilespmem:$0x11A60] =	vst v63  }
0xff: {  	s0 =	simm.s32 @!p1 $0x1  }
0x100: {  	v4 =	vmctz.xlane @!p1 vm4;
	_ =	swait.ge @!p1 [sflag:s0], $0x1  }
0x101: {  	(v2sf) =	vpush @!p1 v5, $0x0  }
0x102: {  	(v2sf) =	vpush @!p1 v4, $0x0;
	_ =	sdelay $0xd  }
0x103: {  	s2 =	spop @!p1 (v2sf)  }
0x104: {  	s6 =	spop @!p1 (v2sf)  }
0x105: {  	p2 =	sne.s32 @!p1 s28, s2;
	p3 =	slt.s32 @!p1 s6, $0xF  }
0x106: {  	[sflag:s0] =	ssyncset.done @!p1 $0x0;
	p2 =	por p2, p1;
	p3 =	por !p3, p1  }
0x107: {  	[sflag:s0] =	ssyncadd.s32 @!p1 $0xFFFFFFFF;
	v4 =	vimm.s32 @!p2 $0xFFFFFFFF;
	s6 =	simm.s32 @p3 $0xF  }
0x108: {  	[tilespmem:$0x80] =	vst @!p2 v4;
	s2 =	sadd.s32 @!p1 $0x90, s6  }
0x109: {  	[spmem:s10] =	stream.linear.scatter @!p1 [tilespmem:s2], [sflag:$0x1], $0x1, $0x38;
	[tilespmem:$0x11A60] =	vst v63  }
0x10a: {  	_ =	swait.ge @!p1 [sflag:s0], $0x1  }
0x10b: {  	[sflag:s0] =	ssyncset.done @!p1 $0x0  }
0x10c: {  	s2 =	simm.s32 @!p1 $0x80;
	[sflag:s0] =	ssyncadd.s32 @!p1 $0xFFFFFFFF  }
0x10d: {  	[spmem:s15] =	stream.linear.scatter @!p1 [tilespmem:s2], [sflag:$0x1], $0x1, $0x38;
	[tilespmem:$0x11A60] =	vst v63  }
0x10e: {  	_ =	swait.ge @!p1 [sflag:s0], $0x1  }
0x10f: {  	[sflag:s0] =	ssyncset.done @!p1 $0x0  }
0x110: {  	[sflag:s0] =	ssyncadd.s32 @!p1 $0xFFFFFFFF;
	(ifvalue) =	ssetifvalue $0xFFFFFFFF;
	v4 =	vld [tilespmem:s25+$0x10];
	_ =	sdelay $0x3  }
.Ltmp14:
0x111: {  	_ = 	snop;
	(pc) =	sbr.rel .LBB3_9-.Ltmp14, $3  }
0x112: {  	_ =	sdelay $0x1  }
0x113: {  	(ifvalue) =	ssetifvalue $0xFFFFFFFF  }
0x114: {  	[hbm4b:s1+s16] =	stream.indirect_vreg.scatter [tilespmem:s26], [sflag:$0x9], $0x1, v4, vm0, $0x4038;
	[tilespmem:$0x11A60] =	vst v63  }
.LBB3_10:
0x115: {  	_ =	sfence.sel $0x180000  }
0x116: {  	s0 =	simm.s32 $0x7;
	[bflag:$0x0] =	sbarrier.arrive $0xFFFF  }
0x117: {  	s26 =	simm.s32 $0x8;
	[sflag:s0] =	ssyncpa.u1 $0x1  }
0x118: {  	s28 =	simm.s32 $0x9;
	[sflag:s26] =	ssyncpa.u1 $0x1  }
0x119: {  	[sflag:s28] =	ssyncpa.u1 $0x1  }
0x11a: {  	_ =	sfence.stream.spmem  }
0x11b: {  	s29 =	simm.s32 $0x3;
	[bflag:$0x0] =	sbarrier.arrive $0xFFFF  }
0x11c: {  	s30 =	simm.s32 $0x4;
	[sflag:s29] =	ssyncpa.u1 $0x1  }
0x11d: {  	s31 =	simm.s32 $0x3C;
	s2 =	stileid.u32;
	[sflag:s30] =	ssyncpa.u1 $0x1  }
0x11e: {  	p0 =	sne.s32 s2, $0x0;
	[sflag:s31] =	ssyncpa.u1 $0x1  }
0x11f: {  	s0 =	simm.s32 @p0 $0x1;
	_ =	sfence @p0  }
0x120: {  	[sflag:s0] =	ssyncpa.u1 @p0 $0x1;
	s0 =	simm.s32 @p0 $0x2  }
0x121: {  	[sflag:s0] =	ssyncpa.u1 @p0 $0x1  }
0x122: {  	_ =	strace @p0 $0x9000004A  }
0x123: {  	[bflag:$0x2] =	sbarrier.arrive @p0 $0xFFFF  }
0x124: {  	_ =	shalt @p0  }
.LBB3_11:
0x125: {  	_ =	sfence.stream.spmem;
	s0 =	simm.s32 $0x5  }
0x126: {  	s2 =	simm.s32 $0x80;
	s3 =	simm.s32 $0xC0;
	[sflag:s0] =	ssyncpa.u1 $0x0  }
0x127: {  	[tilespmem:s3], [sflag:$0x5] =	stream.linear.gather [spmem:s2], $0x20, $0x38;
	[tilespmem:$0x11A60] =	vst v63  }
0x128: {  	s30 =	simm.s32 $0xE0;
	s2 =	simm.s32 $0x0  }
0x129: {  	[tilespmem:s30], [sflag:$0x5] =	stream.linear.gather [spmem:s2], $0x20, $0x38;
	[tilespmem:$0x11A60] =	vst v63  }
.Ltmp15:
0x12a: {  	_ = 	snop;
	(pc) =	sbr.rel .LBB3_12-.Ltmp15, $4  }
0x12b: {  	_ =	swait.ge [sflag:s0], $0x40  }
0x12c: {  	[sflag:s0] =	ssyncset.done $0x0  }
0x12d: {  	s31 =	simm.s32 $0x6;
	[sflag:s0] =	ssyncadd.s32 $0xFFFFFFC0  }
0x12e: {  	s3 =	simm.s32 $0x0;
	[sflag:s31] =	ssyncpa.u1 $0x0  }
.LBB3_17:
0x12f: {  	p0 =	sgt.u32 s4, $0x27FF  }
0x130: {  	s0 =	sshrl.u32 @!p0 s4, $0x3  }
0x131: {  	s4 =	sand.u32 @!p0 $0x7, s4;
	s5 =	simm.s32 @!p0 $0xB0;
	s0 =	sadd.s32 @!p0 s1, s0  }
0x132: {  	[tilespmem:s5], [sflag:$0x6] =	stream.linear.gather @!p0 [hbm4b:s0+s4], $0x1, $0x38;
	[tilespmem:$0x11A60] =	vst v63  }
0x133: {  	s0 =	simm.s32 @!p0 $0x6  }
0x134: {  	_ =	swait.ge @!p0 [sflag:s0], $0x1  }
0x135: {  	[sflag:s0] =	ssyncset.done @!p0 $0x0  }
0x136: {  	[sflag:s0] =	ssyncadd.s32 @!p0 $0xFFFFFFFF  }
0x137: {  	v1 =	vld.msk @!p0 [tilespmem:$0xB0], $0x1  }
0x138: {  	v2 =	vld.msk @!p0 [tilespmem:s3+$0xE0], $0x1;
	_ =	sdelay $0x4  }
0x139: {  	v1 =	vmax.f32 @!p0 v2, v1  }
0x13a: {  	[tilespmem:s3+$0xE0] =	vst.msk @!p0 $0x1, v1  }
0x13b: {  	[tilespmem:s2+$0xC0] =	vst.msk $0x1, v0  }
0x13c: {  	v0 =	vld.msk [tilespmem:s3+$0xE0], $0x1;
	_ =	sdelay $0x4  }
0x13d: {  	[tilespmem:s2+$0xE0] =	vst.msk $0x1, v0;
	s2 =	sadd.s32 $0x1, s2  }
.LBB3_19:
0x13e: {  	s3 =	sadd.s32 $0x1, s3  }
0x13f: {  	p0 =	sne.s32 s3, $0x20  }
.Ltmp16:
0x140: {  	_ = 	snop;
	(pc) =	sbr.rel @!p0 .LBB3_20-.Ltmp16, $1  }
0x141: {  	_ =	sdelay $0x3  }
.LBB3_12:
0x142: {  	v0 =	vld.msk [tilespmem:s3+$0xC0], $0x1;
	_ =	sdelay $0x4  }
0x143: {  	(v2sf) =	vpush v0, $0x0;
	_ =	sdelay $0xe  }
0x144: {  	s4 =	spop (v2sf)  }
0x145: {  	p0 =	seq.s32 s4, $0xFFFFFFFF  }
.Ltmp17:
0x146: {  	_ = 	snop;
	(pc) =	sbr.rel @p0 .LBB3_19-.Ltmp17, $1  }
0x147: {  	_ =	sdelay $0x3  }
0x148: {  	p0 =	slt.s32 s2, $0x1  }
.Ltmp18:
0x149: {  	_ = 	snop;
	(pc) =	sbr.rel @p0 .LBB3_17-.Ltmp18, $1  }
0x14a: {  	_ =	sdelay $0x3  }
0x14b: {  	s0 =	simm.s32 $0xC0;
	p0 =	por $0x0, $0x0  }
0x14c: {  	v1 =	vld.msk @!p0 [tilespmem:s0+$0x0], $0x1;
	_ =	sdelay $0x4  }
0x14d: {  	(v2sf) =	vpush @!p0 v1, $0x0;
	_ =	sdelay $0xd  }
0x14e: {  	p2 =	sne.s32 s2, $0x1  }
.Ltmp19:
0x14f: {  	s5 =	spop @!p0 (v2sf);
	(pc) =	sbr.rel @!p2 .LBB3_16-.Ltmp19, $4  }
0x150: {  	p1 =	seq.s32 @!p0 s4, s5  }
0x151: {  	s5 =	simm.s32 $0x0;
	p1 =	por !p1, p0  }
0x152: {  	s7 =	simm.s32 $0xFFFFFFFF;
	s5 =	simm.s32 @p1 $0xFFFFFFFF  }
0x153: {  	s6 =	simm.s32 $0x1;
	s5 =	smov.u32 @p0 s7  }
.LBB3_15:
0x154: {  	s7 =	smov.u32 s5;
	p0 =	sne.s32 s5, $0xFFFFFFFF  }
0x155: {  	s0 =	sadd.s32 $0x1, s0;
	s5 =	smov.u32 s6;
	s6 =	sadd.s32 $0x1, s6  }
0x156: {  	p1 =	sne.s32 s2, s6;
	v1 =	vld.msk @!p0 [tilespmem:s0+$0x0], $0x1;
	_ =	sdelay $0x4  }
0x157: {  	(v2sf) =	vpush @!p0 v1, $0x0;
	_ =	sdelay $0xe  }
.Ltmp20:
0x158: {  	s8 =	spop @!p0 (v2sf);
	(pc) =	sbr.rel @p1 .LBB3_15-.Ltmp20, $4  }
0x159: {  	p2 =	seq.s32 @!p0 s4, s8  }
0x15a: {  	p2 =	por !p2, p0  }
0x15b: {  	s5 =	simm.s32 @p2 $0xFFFFFFFF  }
0x15c: {  	s5 =	smov.u32 @p0 s7  }
.LBB3_16:
0x15d: {  	p0 =	sne.s32 s5, $0xFFFFFFFF  }
.Ltmp21:
0x15e: {  	_ = 	snop;
	(pc) =	sbr.rel @!p0 .LBB3_17-.Ltmp21, $1  }
0x15f: {  	_ =	sdelay $0x3  }
0x160: {  	v0 =	vld.msk [tilespmem:s3+$0xE0], $0x1  }
0x161: {  	v1 =	vld.msk [tilespmem:s5+$0xE0], $0x1;
	_ =	sdelay $0x1  }
.Ltmp22:
0x162: {  	_ = 	snop;
	(pc) =	sbr.rel .LBB3_19-.Ltmp22, $3  }
0x163: {  	_ =	sdelay $0x1  }
0x164: {  	v0 =	vmax.f32 v1, v0  }
0x165: {  	[tilespmem:s5+$0xE0] =	vst.msk $0x1, v0  }
.LBB3_20:
0x166: {  	p0 =	slt.s32 s2, $0x1  }
.Ltmp23:
0x167: {  	_ = 	snop;
	(pc) =	sbr.rel @p0 .LBB3_24-.Ltmp23, $3  }
0x168: {  	_ =	sdelay $0x1  }
0x169: {  	s0 =	simm.s32 $0x6  }
0x16a: {  	s3 =	simm.s32 $0x0;
	[sflag:s0] =	ssyncpa.u1 $0x1  }
0x16b: {  	s0 =	simm.s32 $0xC0  }
0x16c: {  	v0 =	vld.msk [tilespmem:s0+$0x0], $0x1;
	_ =	sdelay $0x4  }
0x16d: {  	(v2sf) =	vpush v0, $0x0;
	_ =	sdelay $0xe  }
0x16e: {  	s2 =	sadd.s32 $0xFFFFFFFF, s2;
	s4 =	spop (v2sf)  }
0x16f: {  	p1 =	sne.s32 s2, $0x0;
	p0 =	sgt.u32 s4, $0x27FF  }
.Ltmp24:
0x170: {  	s5 =	sshrl.u32 @!p0 s4, $0x3;
	(pc) =	sbr.rel @!p1 .LBB3_23-.Ltmp24, $4  }
0x171: {  	s0 =	simm.s32 $0xE0;
	s4 =	sand.u32 @!p0 $0x7, s4;
	s5 =	sadd.s32 @!p0 s1, s5  }
0x172: {  	[hbm4b:s5+s4] =	stream.linear.scatter @!p0 [tilespmem:s0], [sflag:$0x5], $0x1, $0x38;
	[tilespmem:$0x11A60] =	vst v63  }
0x173: {  	s5 =	simm.s32 $0x0  }
0x174: {  	s4 =	simm.s32 $0xC1;
	s5 =	simm.s32 @!p0 $0x4  }
.LBB3_22:
0x175: {  	v0 =	vld.msk [tilespmem:s4+$0x0], $0x1;
	s2 =	sadd.s32 $0xFFFFFFFF, s2;
	s3 =	sadd.s32 s3, s5  }
0x176: {  	p0 =	sne.s32 s2, $0x0;
	_ =	sdelay $0x3  }
0x177: {  	(v2sf) =	vpush v0, $0x0;
	_ =	sdelay $0xe  }
.Ltmp25:
0x178: {  	s6 =	spop (v2sf);
	(pc) =	sbr.rel @p0 .LBB3_22-.Ltmp25, $4  }
0x179: {  	s5 =	simm.s32 $0x0;
	p1 =	sgt.u32 s6, $0x27FF  }
0x17a: {  	s0 =	sadd.s32 $0x1, s0;
	s5 =	simm.s32 @!p1 $0x4;
	s7 =	sshrl.u32 @!p1 s6, $0x3  }
0x17b: {  	s4 =	sadd.s32 $0x1, s4;
	s6 =	sand.u32 @!p1 $0x7, s6;
	s7 =	sadd.s32 @!p1 s1, s7  }
0x17c: {  	[hbm4b:s7+s6] =	stream.linear.scatter @!p1 [tilespmem:s0], [sflag:$0x5], $0x1, $0x38;
	[tilespmem:$0x11A60] =	vst v63  }
.LBB3_23:
0x17d: {  	s0 =	sadd.s32 s3, s5  }
0x17e: {  	s3 =	sshrl.u32 s0, $0x2  }
.LBB3_24:
0x17f: {  	s0 =	simm.s32 $0x5  }
0x180: {  	_ =	swait.ge [sflag:s0], s3  }
0x181: {  	s1 =	ssub.s32 $0x0, s3;
	[sflag:s0] =	ssyncset.done $0x0  }
0x182: {  	[sflag:s0] =	ssyncadd.s32 s1  }
0x183: {  	[sflag:s0] =	ssyncpa.u1 $0x1  }
0x184: {  	s29 =	simm.s32 $0x1;
	_ =	sfence  }
0x185: {  	s30 =	simm.s32 $0x2;
	[sflag:s29] =	ssyncpa.u1 $0x1  }
0x186: {  	[sflag:s30] =	ssyncpa.u1 $0x1  }
0x187: {  	_ =	strace $0x9000004A  }
0x188: {  	[bflag:$0x2] =	sbarrier.arrive $0xFFFF  }
0x189: {  	s31 =	rddreg [dreg:$0x1]  }
0x18a: {  	s0 =	sadd.s32 $0x100000, s31  }
0x18b: {  	[sflag:s0] =	ssyncadd.tile.s32 $0x1;
	_ =	shalt  }
.Lfunc_end3:
_tile_overlayer_lowered:
.L_overlay_start_3:
0x18c: {  	(tag) =	ssettag $0x3  }
0x18d: {  	s0 =	rddreg [dreg:$0x0];
	s2 =	stileid.u32  }
0x18e: {  	s1 =	rddreg [dreg:$0x1];
	p0 =	sne.s32 s2, $0x0  }
0x18f: {  	s3 =	rddreg [dreg:$0x2];
	[bflag:$0x3] =	sbarrier.arrive $0xFFFF;
	s2 =	simm.s32 @!p0 $0x1C01  }
0x190: {  	[timem:s3], [sflag:s2] =	dma.local @!p0 [hbm:s0], s1  }
0x191: {  	s0 =	simm.s32 @!p0 $0x1  }
0x192: {  	_ =	swait.ge @!p0 [sflag:s0], s1  }
0x193: {  	s1 =	ssub.s32 @!p0 $0x0, s1;
	[sflag:s0] =	ssyncset.done @!p0 $0x0  }
0x194: {  	[sflag:s0] =	ssyncadd.s32 @!p0 s1  }
0x195: {  	[bflag:$0x3] =	sbarrier.arrive $0xFFFF  }
0x196: {  	_ =	shalt  }

// kernel: sparse-core-data-format-call.1.cloned.1.call-start
scs
called_computation.8_lowered:
.L_overlay_start_0:
0x0: {  	s2 =	sld [smem:$0x3FD9]  }
0x1: {  	s3 =	sld [smem:$0x3FFE];
	_ =	sdelay $0x1  }
0x2: {  	s1 =	srdreg.scid  }
0x3: {  	s0 =	sand.u32 $0x1, s1  }
0x4: {  	s16 =	sshll.u32 s0, $0xA;
	s2 =	sadd.s32 s3, s2  }
0x5: {  	s2 =	sadd.s32 s2, s16  }
0x6: {  	[smem:$0x3FB0] =	sst s2  }
0x7: {  	_ = 	snop  }
0x8: {  	s2 =	sld [smem:$0x3FD0];
	_ =	sdelay $0x2  }
0x9: {  	s17 =	simm.s32 $0xD;
	s4 =	simm.s32 $0x10  }
0xa: {  	[smem:s4], [sflag:s17] =	dma.local [hbm:s2], $0x1  }
0xb: {  	_ =	swait.eq [sflag:s17], $0x1  }
0xc: {  	[sflag:s17] =	ssyncset.done $0x0  }
0xd: {  	[sflag:s17] =	ssyncadd.s32 $0xFFFFFFFF  }
0xe: {  	s18 =	sld [smem:$0x15];
	(tm) =	ssettm $0x1  }
0xf: {  	s19 =	sld [smem:$0x3FFB];
	_ =	sdelay $0x3  }
0x10: {  	_ =	strace s19  }
0x11: {  	s2 =	sld [smem:$0x3FFC];
	_ =	sdelay $0x3  }
0x12: {  	_ =	strace s2  }
0x13: {  	s2 =	sld [smem:$0x3FFD];
	_ =	sdelay $0x3  }
0x14: {  	_ =	strace s2  }
0x15: {  	_ =	strace $0x8FFFFFFF  }
0x16: {  	s20 =	sld [smem:$0x3FDB];
	_ =	sdelay $0x1  }
0x17: {  	s21 =	simm.s32 $_scs_section_size  }
0x18: {  	s5 =	simm.s32 $_size__tile_overlayer_lowered;
	s6 =	simm.s32 $_tile_overlayer_lowered  }
0x19: {  	s7 =	simm.s32 $0x1BFF;
	s22 =	sshll.u32 s6, $0x1;
	s4 =	sadd.s32 s21, s20  }
0x1a: {  	s23 =	simm.s32 $0x0;
	s5 =	sshll.u32 s5, $0x1;
	s6 =	sadd.s32 s22, s4  }
0x1b: {  	[timem:s23], [sflag:s7] =	dma.local [hbm:s6], s5  }
0x1c: {  	_ =	swait.ge [sflag:s7], s5  }
0x1d: {  	s5 =	ssub.s32 $0x0, s5;
	[sflag:s7] =	ssyncset.done $0x0  }
0x1e: {  	[sflag:s7] =	ssyncadd.s32 s5;
	_ =	sdelay $0x1  }
0x1f: {  	s24 =	simm.s32 $0x1B8B  }
0x20: {  	_ =	swait.ge [sflag:s24], $0x1  }
0x21: {  	[sflag:s24] =	ssyncset.done $0x0  }
0x22: {  	[sflag:s24] =	ssyncadd.s32 $0xFFFFFFFF  }
0x23: {  	s5 =	sld [smem:$0x0]  }
0x24: {  	s6 =	sand.u32 $0xFFFFFFFE, s1  }
0x25: {  	p0 =	sne.s32 s1, s6  }
0x26: {  	s6 =	sshll.u32 @p0 s6, $0xE  }
0x27: {  	s6 =	sadd.s32 @p0 $0x11B8D, s6;
	s7 =	sshll.u32 @p0 s5, $0x11  }
0x28: {  	s6 =	sor.u32 @p0 s7, s6  }
0x29: {  	[sflag:s6] =	ssyncadd.remote.s32 @p0 $0x1;
	_ =	sdelay $0x1  }
0x2a: {  	s6 =	simm.s32 @p0 $0x1B8D  }
0x2b: {  	_ =	swait.eq @p0 [sflag:s6], $0x1  }
0x2c: {  	[sflag:s6] =	ssyncadd.s32 @p0 $0xFFFFFFFF  }
0x2d: {  	s7 =	sshll.u32 @!p0 s1, $0xE  }
0x2e: {  	s7 =	sor.u32 @!p0 $0x4000, s7;
	s6 =	simm.s32 @!p0 $0x1B8D  }
0x2f: {  	s5 =	sshll.u32 @!p0 s5, $0x11;
	s7 =	sadd.s32 @!p0 $0x11B8D, s7;
	_ =	swait.eq @!p0 [sflag:s6], $0x1  }
0x30: {  	s5 =	sor.u32 @!p0 s5, s7;
	[sflag:s6] =	ssyncadd.s32 @!p0 $0xFFFFFFFF  }
0x31: {  	s26 =	simm.s32 $0x1B8E;
	s25 =	sld [smem:$0x3FFE];
	[sflag:s5] =	ssyncadd.remote.s32 @!p0 $0x1  }
0x32: {  	s27 =	simm.s32 $execute0_lowered;
	[smem:$0x3FD2] =	sst s26  }
0x33: {  	s6 =	sshll.u32 s27, $0x1;
	_ =	strace $0x80000052;
	[dreg:$0x1] =	wrdreg $0xFFFFFFFF  }
0x34: {  	s28 =	simm.s32 $_size_execute0_lowered;
	s4 =	sadd.s32 s4, s6;
	[dreg:$0x0] =	wrdreg $0x0  }
0x35: {  	s6 =	sshll.u32 s28, $0x1;
	[dreg:$0x2] =	wrdreg s4  }
0x36: {  	[dreg:$0x3] =	wrdreg s6  }
0x37: {  	[dreg:$0x4] =	wrdreg $0xC0  }
0x38: {  	_ =	task [dreg:s23], $0x5FFFF  }
0x39: {  	[dreg:$0x1] =	wrdreg $0xFFFFFFFF  }
0x3a: {  	[dreg:$0x0] =	wrdreg $0x60  }
0x3b: {  	[dreg:$0x2] =	wrdreg s18  }
0x3c: {  	[dreg:$0x3] =	wrdreg s25  }
0x3d: {  	[dreg:$0x4] =	wrdreg $0xB  }
0x3e: {  	_ =	task.clear_ibuf [dreg:s23], $0x5FFFF;
	_ =	strace $0x90000052  }
0x3f: {  	s29 =	simm.s32 $0xB;
	_ =	strace $0x80000054  }
0x40: {  	_ =	swait.ge [sflag:s29], $0x1  }
0x41: {  	[sflag:s29] =	ssyncadd.s32 $0xFFFFFFFF  }
0x42: {  	_ =	strace $0x90000054  }
0x43: {  	_ =	sfence  }
0x44: {  	s30 =	sld [smem:$0x0];
	_ =	sdelay $0x2  }
0x45: {  	s31 =	sshll.u32 s1, $0xD;
	s1 =	sshrl.u32 s1, $0x2  }
0x46: {  	s4 =	sand.u32 $0x4000, s31;
	s1 =	sadd.s32 s1, s30  }
0x47: {  	s0 =	sor.u32 s4, s0;
	s1 =	sshll.u32 s1, $0x11  }
0x48: {  	s0 =	sor.u32 s1, s0  }
0x49: {  	s0 =	sadd.s32 $0x8F2B, s0  }
0x4a: {  	[sflag:s0] =	ssyncadd.remote.s32 $0x1  }
0x4b: {  	_ =	sfence.sel $0xFFFF  }
0x4c: {  	[dreg:$0x0] =	wrdreg $0xFFFFFFFF;
	(pc) =	sbr.abs _section_cstart, $3  }
0x4d: {  	[dreg:$0x1] =	wrdreg $0xFFFFFFFF  }
0x4e: {  	_ =	task.clear_ibuf [dreg:s23], $0x2FFFF;
	_ =	strace $0x9FFFFFFF  }
0x4f: {  	(tm) =	ssettm $0x7FFFFFFF  }
tec
execute0_lowered:
.L_overlay_start_1:
0x0: {  	(tag) =	ssettag $0x1  }
0x1: {  	s2 =	rddreg [dreg:$0x0]  }
0x2: {  	s7 =	rddreg [dreg:$0x1];
	s1 =	stileid.u32  }
0x3: {  	s4 =	srdreg.scid;
	s0 =	rddreg [dreg:$0x2];
	_ =	strace $0x80000053  }
0x4: {  	s9 =	simm.s32 $0x1;
	s31 =	simm.s32 $0x2;
	s14 =	simm.s32 $0x0  }
0x5: {  	s13 =	simm.s32 $0x0;
	s3 =	sshll.u32 s1, $0x7;
	s4 =	sshll.u32 s4, $0x7  }
0x6: {  	s12 =	simm.s32 $0x0;
	s4 =	sand.u32 $0x80, s4;
	s5 =	ssub.s32 $0x27100, s3  }
0x7: {  	s6 =	sshrl.u32 s5, $0xB;
	s5 =	sand.u32 $0x780, s5;
	s8 =	ssub.s32 $0x100, s4  }
0x8: {  	p0 =	sne.s32 s5, $0x0;
	s30 =	sshrl.u32 s8, $0x7;
	s8 =	sshrl.u32 s8, $0x8  }
.Ltmp0:
0x9: {  	s9 =	simm.s32 @!p0 $0x0;
	s10 =	sand.u32 $0x1, s30;
	(pc) =	sbr.rel .LBB1_1-.Ltmp0, $4  }
0xa: {  	s5 =	simm.s32 $0x1;
	s6 =	sadd.s32 s9, s6;
	s8 =	sadd.s32 s8, s10  }
0xb: {  	s7 =	sadd.s32 $0x29200, s7;
	[sflag:s5] =	ssyncpa.u1 $0x0;
	s6 =	smul.u32 s6, s8  }
0xc: {  	s11 =	smov.u32 s3;
	p0 =	por $0x0, $0x0;
	[sflag:s31] =	ssyncpa.u1 $0x0  }
0xd: {  	s10 =	simm.s32 $0x138800;
	s8 =	sshll.u32 s4, $0x3;
	s9 =	sadd.s32 $0x1, s6  }
.LBB1_4:
0xe: {  	s14 =	sshrl.u32 s14, $0x3  }
0xf: {  	s20 =	sshll.u32 s13, $0x3;
	s14 =	smul.u32 $0x138800, s14  }
0x10: {  	v5 =	vld [tilespmem:s18+$0xFFFFFFD0];
	[tilespmem:s17+$0x2040 ss:$0x81] =	vst.msk $0xffff, v4;
	s20 =	sand.u32 $0xFFFFFC00, s20  }
0x11: {  	v58 =	vld [tilespmem:s18+$0xFFFFFFE0];
	[tilespmem:s17+$0x2850 ss:$0x81] =	vst.msk $0xffff, v3;
	s30 =	sand.u32 $0x7F, s13;
	s14 =	sadd.s32 s20, s14  }
0x12: {  	s19 =	sshra.s32 s19, $0x2;
	v59 =	vld [tilespmem:s18+$0xFFFFFFF0];
	[tilespmem:s17+$0x3060 ss:$0x81] =	vst.msk $0xffff, v2;
	s13 =	sor.u32 s30, s14  }
0x13: {  	v60 =	vld [tilespmem:s18+$0x0];
	[tilespmem:s17+$0x0 ss:$0x81] =	vst.msk $0xffff, v0;
	s16 =	sadd.s32 s19, s16;
	s31 =	smulhi.u32 $0xD1B71759, s13  }
0x14: {  	v61 =	vld [tilespmem:s18+$0x10];
	[tilespmem:s16+$0x3870 ss:$0x81] =	vst.msk $0xffff, v1  }
0x15: {  	v62 =	vld [tilespmem:s18+$0x20];
	s14 =	smulhi.u32 $0xD1B71759, s14;
	[tilespmem:s16+$0x810 ss:$0x81] =	vst.msk $0xffff, v5;
	s17 =	sshrl.u32 s31, $0x11  }
0x16: {  	v63 =	vld [tilespmem:s18+$0xFFFFFFC0];
	[tilespmem:s16+$0x1020 ss:$0x81] =	vst.msk $0xffff, v58;
	s17 =	smul.u32 $0x27100, s17  }
0x17: {  	[tilespmem:s16+$0x1830 ss:$0x81] =	vst.msk $0xffff, v59;
	s14 =	sshrl.u32 s14, $0x11  }
0x18: {  	[tilespmem:s16+$0x2040 ss:$0x81] =	vst.msk $0xffff, v60;
	s14 =	sand.u32 $0xFF, s14;
	s13 =	ssub.s32 s13, s17  }
0x19: {  	[tilespmem:s16+$0x2850 ss:$0x81] =	vst.msk $0xffff, v61;
	s14 =	smul.u32 $0x4E20, s14;
	s17 =	sshrl.u32 s13, $0x3;
	s13 =	sand.u32 $0x7, s13  }
0x1a: {  	[tilespmem:s16+$0x3060 ss:$0x81] =	vst.msk $0xffff, v62;
	s17 =	sadd.s32 s7, s17;
	s13 =	sshll.u32 s13, $0x12  }
0x1b: {  	[tilespmem:s16+$0x0 ss:$0x81] =	vst.msk $0xffff, v63;
	s14 =	sadd.s32 s14, s17;
	s13 =	sor.u32 $0x400, s13  }
0x1c: {  	[hbm4b:s14+s13] =	stream.strided.scatter [tilespmem:s15], [sflag:$0x2], $0x4000, s10, s13, $0x20;
	[tilespmem:$0x10100] =	vst v63  }
.LBB1_5:
0x1d: {  	s15 =	sadd.s32 $0x800, s11  }
0x1e: {  	p2 =	sgt.s32 s15, $0x270FF  }
0x1f: {  	s15 =	smov.u32 @p2 s3;
	p2 =	sne.s32 s12, s9  }
.Ltmp1:
0x20: {  	p1 =	slt.u32 s12, $0x2;
	(pc) =	sbr.rel @!p2 .LBB1_6-.Ltmp1, $4  }
0x21: {  	s14 =	simm.s32 @!p1 $0x2  }
0x22: {  	s16 =	sadd.s32 $0x1, s12;
	s13 =	smov.u32 s11;
	_ =	swait.ge @!p1 [sflag:s14], $0x4000  }
0x23: {  	p0 =	por !p0, !p0;
	s12 =	smov.u32 s16;
	[sflag:s14] =	ssyncset.done @!p1 $0x0  }
0x24: {  	s11 =	smov.u32 s15;
	[sflag:s14] =	ssyncadd.s32 @!p1 $0xFFFFC000;
	s14 =	smov.u32 s4  }
.LBB1_1:
0x25: {  	p1 =	sge.u32 s12, s6  }
0x26: {  	s15 =	sshll.u32 @!p1 s11, $0x8  }
0x27: {  	s16 =	sshll.u32 @!p1 s11, $0x7;
	s15 =	sand.u32 @!p1 $0xFFFFF800, s15  }
0x28: {  	s16 =	sand.u32 @!p1 $0x300, s16;
	s15 =	sor.u32 @!p1 s8, s15  }
0x29: {  	s15 =	sor.u32 @!p1 s16, s15  }
0x2a: {  	s15 =	sshrl.u32 @!p1 s15, $0x8  }
0x2b: {  	s16 =	smulhi.u32 @!p1 $0x1A36E3, s15;
	_ =	sdelay $0x1  }
0x2c: {  	s16 =	sshrl.u32 @!p1 s16, $0x6  }
0x2d: {  	s16 =	smul.u32 @!p1 $0x27100, s16  }
0x2e: {  	s31 =	sadd.s32 $0xFFFFFFFF, s12;
	s17 =	sxor.u32 @!p1 $0xFFFFFFFF, s12;
	s18 =	sshll.u32 @!p1 s11, $0x4  }
0x2f: {  	s17 =	sshll.u32 @!p1 s17, $0xE;
	s15 =	ssub.s32 @!p1 s15, s16;
	s16 =	sand.u32 @!p1 $0x10, s18  }
0x30: {  	s17 =	sand.u32 @!p1 $0x4000, s17;
	s15 =	sshll.u32 @!p1 s15, $0x5;
	s16 =	sadd.s32 @!p1 s2, s16  }
0x31: {  	s18 =	simm.s32 @!p1 $0x800;
	s15 =	sadd.s32 @!p1 s15, s16;
	s16 =	simm.s32 @!p1 $0x400  }
0x32: {  	[tilespmem:s17], [sflag:$0x1] =	stream.strided.gather @!p1 [hbm4b:s15+s16], $0x4000, s18, s16, $0x38;
	[tilespmem:$0x10100] =	vst v63  }
0x33: {  	p1 =	sge.u32 s31, s6  }
.Ltmp2:
0x34: {  	_ = 	snop;
	(pc) =	sbr.rel @p1 .LBB1_5-.Ltmp2, $1  }
0x35: {  	_ =	sdelay $0x3  }
0x36: {  	s15 =	simm.s32 $0x1  }
0x37: {  	_ =	swait.ge [sflag:s5], $0x4000;
	s15 =	simm.s32 @!p0 $0x0  }
0x38: {  	[sflag:s5] =	ssyncset.done $0x0;
	s16 =	sshll.u32 s15, $0xE  }
0x39: {  	[sflag:s5] =	ssyncadd.s32 $0xFFFFC000;
	s18 =	sor.u32 $0x40, s16  }
0x3a: {  	s15 =	smul.u32 $0x10200, s15;
	v0 =	vld [tilespmem:s18+$0x30]  }
0x3b: {  	v1 =	vld [tilespmem:s18+$0xFFFFFFD0]  }
0x3c: {  	s15 =	sshrl.u32 s15, $0x2;
	v5 =	vld [tilespmem:s18+$0xFFFFFFE0]  }
0x3d: {  	v6 =	vld [tilespmem:s18+$0xFFFFFFF0];
	s16 =	sor.u32 $0x8000, s15  }
0x3e: {  	s31 =	sand.u32 $0x1, s12;
	v4 =	vld [tilespmem:s18+$0x0];
	s17 =	sadd.s32 $0x0, s16  }
0x3f: {  	v3 =	vld [tilespmem:s18+$0x10];
	s15 =	smul.u32 $0x10200, s31;
	[tilespmem:s17+$0x3870 ss:$0x81] =	vst.msk $0xffff, v0  }
0x40: {  	v2 =	vld [tilespmem:s18+$0x20];
	[tilespmem:s17+$0x810 ss:$0x81] =	vst.msk $0xffff, v1  }
0x41: {  	s15 =	sshrl.u32 s15, $0x2;
	v0 =	vld [tilespmem:s18+$0xFFFFFFC0];
	[tilespmem:s17+$0x1020 ss:$0x81] =	vst.msk $0xffff, v5;
	s18 =	sadd.s32 $0x80, s18  }
0x42: {  	s19 =	simm.s32 $0x4;
	s20 =	simm.s32 $0x8;
	s15 =	sor.u32 $0x8000, s15;
	[tilespmem:s17+$0x1830 ss:$0x81] =	vst.msk $0xffff, v6;
	v1 =	vld [tilespmem:s18+$0x30]  }
.LBB1_3:
0x43: {  	p1 =	sne.s32 s20, $0x1FC;
	v5 =	vld [tilespmem:s18+$0xFFFFFFD0];
	[tilespmem:s17+$0x2040 ss:$0x81] =	vst.msk $0xffff, v4  }
0x44: {  	v6 =	vld [tilespmem:s18+$0xFFFFFFE0];
	[tilespmem:s17+$0x2850 ss:$0x81] =	vst.msk $0xffff, v3  }
0x45: {  	s21 =	sshra.s32 s19, $0x2;
	s19 =	smov.u32 s20;
	v7 =	vld [tilespmem:s18+$0xFFFFFFF0];
	[tilespmem:s17+$0x3060 ss:$0x81] =	vst.msk $0xffff, v2  }
.Ltmp3:
0x46: {  	v4 =	vld [tilespmem:s18+$0x0];
	[tilespmem:s17+$0x0 ss:$0x81] =	vst.msk $0xffff, v0;
	s17 =	sadd.s32 s21, s16;
	(pc) =	sbr.rel @p1 .LBB1_3-.Ltmp3, $4  }
0x47: {  	v3 =	vld [tilespmem:s18+$0x10];
	[tilespmem:s17+$0x3870 ss:$0x81] =	vst.msk $0xffff, v1  }
0x48: {  	[tilespmem:s17+$0x810 ss:$0x81] =	vst.msk $0xffff, v5;
	v2 =	vld [tilespmem:s18+$0x20]  }
0x49: {  	v0 =	vld [tilespmem:s18+$0xFFFFFFC0];
	[tilespmem:s17+$0x1020 ss:$0x81] =	vst.msk $0xffff, v6;
	s18 =	sadd.s32 $0x80, s18  }
0x4a: {  	s20 =	sadd.s32 $0x4, s20;
	v1 =	vld [tilespmem:s18+$0x30];
	[tilespmem:s17+$0x1830 ss:$0x81] =	vst.msk $0xffff, v7  }
.Ltmp4:
0x4b: {  	_ = 	snop;
	(pc) =	sbr.rel .LBB1_4-.Ltmp4, $1  }
0x4c: {  	_ =	sdelay $0x3  }
.LBB1_6:
0x4d: {  	_ =	sfence.sel $0x180000  }
0x4e: {  	s2 =	simm.s32 $0x1;
	[bflag:$0x0] =	sbarrier.arrive $0xFFFF  }
0x4f: {  	s31 =	simm.s32 $0x2;
	[sflag:s2] =	ssyncpa.u1 $0x1  }
0x50: {  	[sflag:s31] =	ssyncpa.u1 $0x1  }
0x51: {  	p0 =	sne.s32 s1, $0x0;
	_ =	strace $0x90000053  }
0x52: {  	s0 =	sadd.s32 @!p0 $0x100000, s0;
	[bflag:$0x2] =	sbarrier.arrive $0xFFFF  }
0x53: {  	[sflag:s0] =	ssyncadd.tile.s32 @!p0 $0x1;
	_ =	shalt  }
.Lfunc_end1:
_tile_overlayer_lowered:
.L_overlay_start_2:
0x54: {  	(tag) =	ssettag $0x2  }
0x55: {  	s0 =	rddreg [dreg:$0x0];
	s2 =	stileid.u32  }
0x56: {  	s1 =	rddreg [dreg:$0x1];
	p0 =	sne.s32 s2, $0x0  }
0x57: {  	s3 =	rddreg [dreg:$0x2];
	[bflag:$0x3] =	sbarrier.arrive $0xFFFF;
	s2 =	simm.s32 @!p0 $0x1C01  }
0x58: {  	[timem:s3], [sflag:s2] =	dma.local @!p0 [hbm:s0], s1  }
0x59: {  	s0 =	simm.s32 @!p0 $0x1  }
0x5a: {  	_ =	swait.ge @!p0 [sflag:s0], s1  }
0x5b: {  	s1 =	ssub.s32 @!p0 $0x0, s1;
	[sflag:s0] =	ssyncset.done @!p0 $0x0  }
0x5c: {  	[sflag:s0] =	ssyncadd.s32 @!p0 s1  }
0x5d: {  	[bflag:$0x3] =	sbarrier.arrive $0xFFFF  }
0x5e: {  	_ =	shalt  }

// kernel: sparse-core-data-format-call.cloned.1.call-start
scs
called_computation.7_lowered:
.L_overlay_start_0:
0x0: {  	s2 =	sld [smem:$0x3FD9]  }
0x1: {  	s3 =	sld [smem:$0x3FFE];
	_ =	sdelay $0x1  }
0x2: {  	s1 =	srdreg.scid  }
0x3: {  	s0 =	sand.u32 $0x1, s1  }
0x4: {  	s16 =	sshll.u32 s0, $0xA;
	s2 =	sadd.s32 s3, s2  }
0x5: {  	s2 =	sadd.s32 s2, s16  }
0x6: {  	[smem:$0x3FB0] =	sst s2  }
0x7: {  	_ = 	snop  }
0x8: {  	s2 =	sld [smem:$0x3FD0];
	_ =	sdelay $0x2  }
0x9: {  	s17 =	simm.s32 $0xD;
	s4 =	simm.s32 $0x10  }
0xa: {  	[smem:s4], [sflag:s17] =	dma.local [hbm:s2], $0x1  }
0xb: {  	_ =	swait.eq [sflag:s17], $0x1  }
0xc: {  	[sflag:s17] =	ssyncset.done $0x0  }
0xd: {  	s18 =	sld [smem:$0x12];
	[sflag:s17] =	ssyncadd.s32 $0xFFFFFFFF  }
0xe: {  	s19 =	sld [smem:$0x15];
	(tm) =	ssettm $0x1  }
0xf: {  	s20 =	sld [smem:$0x3FFB];
	_ =	sdelay $0x3  }
0x10: {  	_ =	strace s20  }
0x11: {  	s4 =	sld [smem:$0x3FFC];
	_ =	sdelay $0x3  }
0x12: {  	_ =	strace s4  }
0x13: {  	s4 =	sld [smem:$0x3FFD];
	_ =	sdelay $0x3  }
0x14: {  	_ =	strace s4  }
0x15: {  	_ =	strace $0x8FFFFFFF  }
0x16: {  	s21 =	sld [smem:$0x3FDB];
	_ =	sdelay $0x1  }
0x17: {  	s5 =	simm.s32 $_scs_section_size  }
0x18: {  	s6 =	simm.s32 $_size__tile_overlayer_lowered;
	s7 =	simm.s32 $_tile_overlayer_lowered  }
0x19: {  	s24 =	simm.s32 $0x1BFF;
	s23 =	sshll.u32 s7, $0x1;
	s4 =	sadd.s32 s5, s21  }
0x1a: {  	s8 =	simm.s32 $0x0;
	s22 =	sshll.u32 s6, $0x1;
	s6 =	sadd.s32 s23, s4  }
0x1b: {  	[timem:s8], [sflag:s24] =	dma.local [hbm:s6], s22  }
0x1c: {  	_ =	swait.ge [sflag:s24], s22  }
0x1d: {  	s5 =	ssub.s32 $0x0, s22;
	[sflag:s24] =	ssyncset.done $0x0  }
0x1e: {  	[sflag:s24] =	ssyncadd.s32 s5;
	_ =	sdelay $0x1  }
0x1f: {  	s25 =	simm.s32 $0x1B8B  }
0x20: {  	_ =	swait.ge [sflag:s25], $0x1  }
0x21: {  	[sflag:s25] =	ssyncset.done $0x0  }
0x22: {  	s26 =	simm.s32 $0x1B8E;
	[sflag:s25] =	ssyncadd.s32 $0xFFFFFFFF  }
0x23: {  	s27 =	simm.s32 $execute0_lowered;
	[smem:$0x3FD2] =	sst s26  }
0x24: {  	s5 =	sshll.u32 s27, $0x1;
	_ =	strace $0x80000055;
	[dreg:$0x1] =	wrdreg $0xFFFFFFFF  }
0x25: {  	s28 =	simm.s32 $_size_execute0_lowered;
	s4 =	sadd.s32 s4, s5;
	[dreg:$0x0] =	wrdreg $0x0  }
0x26: {  	s5 =	sshll.u32 s28, $0x1;
	[dreg:$0x2] =	wrdreg s4  }
0x27: {  	[dreg:$0x3] =	wrdreg s5  }
0x28: {  	[dreg:$0x4] =	wrdreg $0xC0  }
0x29: {  	_ =	task [dreg:s8], $0x5FFFF  }
0x2a: {  	[dreg:$0x1] =	wrdreg $0xFFFFFFFF  }
0x2b: {  	[dreg:$0x0] =	wrdreg $0x60  }
0x2c: {  	[dreg:$0x2] =	wrdreg s18  }
0x2d: {  	[dreg:$0x3] =	wrdreg s19  }
0x2e: {  	[dreg:$0x4] =	wrdreg $0x9  }
0x2f: {  	_ =	task.clear_ibuf [dreg:s8], $0x5FFFF;
	_ =	strace $0x90000055  }
0x30: {  	s29 =	simm.s32 $0x9;
	_ =	strace $0x80000057  }
0x31: {  	_ =	swait.ge [sflag:s29], $0x1  }
0x32: {  	[sflag:s29] =	ssyncadd.s32 $0xFFFFFFFF  }
0x33: {  	_ =	strace $0x90000057  }
0x34: {  	_ =	sfence  }
0x35: {  	s30 =	sld [smem:$0x0];
	_ =	sdelay $0x2  }
0x36: {  	s31 =	sshll.u32 s1, $0xD;
	s1 =	sshrl.u32 s1, $0x2  }
0x37: {  	s3 =	sand.u32 $0x4000, s31;
	s1 =	sadd.s32 s1, s30  }
0x38: {  	s0 =	sor.u32 s3, s0;
	s1 =	sshll.u32 s1, $0x11  }
0x39: {  	s0 =	sor.u32 s1, s0  }
0x3a: {  	s0 =	sadd.s32 $0x8F2B, s0  }
0x3b: {  	[sflag:s0] =	ssyncadd.remote.s32 $0x1  }
0x3c: {  	_ =	sfence.sel $0xFFFF  }
0x3d: {  	[dreg:$0x0] =	wrdreg $0xFFFFFFFF;
	(pc) =	sbr.abs _section_cstart, $3  }
0x3e: {  	[dreg:$0x1] =	wrdreg $0xFFFFFFFF  }
0x3f: {  	_ =	task.clear_ibuf [dreg:s8], $0x2FFFF;
	_ =	strace $0x9FFFFFFF  }
0x40: {  	(tm) =	ssettm $0x7FFFFFFF  }
0x41: {  	_ =	shalt  }
tec
execute0_lowered:
.L_overlay_start_1:
0x0: {  	(tag) =	ssettag $0x1  }
0x1: {  	s0 =	stileid.u32;
	s1 =	srdreg.scid  }
0x2: {  	s2 =	rddreg [dreg:$0x0];
	s31 =	simm.s32 $0x2;
	s14 =	simm.s32 $0x0  }
0x3: {  	s13 =	simm.s32 $0x0;
	s3 =	sshll.u32 s0, $0x6;
	s1 =	sshll.u32 s1, $0xA  }
0x4: {  	s4 =	sshll.u32 s0, $0x7;
	s1 =	sor.u32 s3, s1;
	s3 =	rddreg [dreg:$0x1]  }
0x5: {  	s4 =	sand.u32 $0x80, s4;
	s5 =	sand.u32 $0x780, s1;
	s1 =	rddreg [dreg:$0x2]  }
0x6: {  	s6 =	ssub.s32 $0x100, s4;
	_ =	strace $0x80000056;
	s7 =	ssub.s32 $0x27100, s5  }
0x7: {  	s8 =	sshrl.u32 s6, $0x8;
	s6 =	sshrl.u32 s6, $0x7;
	s9 =	sand.u32 $0x780, s7  }
0x8: {  	s10 =	sand.u32 $0x1, s6;
	p0 =	sne.s32 s9, $0x0;
	s9 =	simm.s32 $0x1  }
.Ltmp0:
0x9: {  	s7 =	sshrl.u32 s7, $0xB;
	s9 =	simm.s32 @!p0 $0x0;
	(pc) =	sbr.rel .LBB1_1-.Ltmp0, $4  }
0xa: {  	s6 =	simm.s32 $0x1;
	s8 =	sadd.s32 s8, s10;
	s7 =	sadd.s32 s9, s7  }
0xb: {  	s12 =	simm.s32 $0x0;
	[sflag:s6] =	ssyncpa.u1 $0x0;
	s7 =	smul.u32 s8, s7  }
0xc: {  	s11 =	smov.u32 s4;
	s10 =	smov.u32 s5;
	[sflag:s31] =	ssyncpa.u1 $0x0  }
0xd: {  	p0 =	por $0x0, $0x0;
	s9 =	simm.s32 $0x800;
	s8 =	sadd.s32 $0x1, s7  }
.LBB1_4:
0xe: {  	s20 =	sshll.u32 s14, $0x8;
	s21 =	sshll.u32 s13, $0x3  }
0xf: {  	v5 =	vld [tilespmem:s18+$0xFFFFFFD0];
	[tilespmem:s17+$0x2040 ss:$0x81] =	vst.msk $0xffff, v4;
	s25 =	sshll.u32 s14, $0x7;
	s20 =	sand.u32 $0xFFFFF800, s20;
	s21 =	sand.u32 $0xFFFFFC00, s21  }
0x10: {  	v58 =	vld [tilespmem:s18+$0xFFFFFFE0];
	[tilespmem:s17+$0x2850 ss:$0x81] =	vst.msk $0xffff, v3;
	s26 =	sand.u32 $0x300, s25;
	s20 =	sadd.s32 s21, s20  }
0x11: {  	s19 =	sshra.s32 s19, $0x2;
	v59 =	vld [tilespmem:s18+$0xFFFFFFF0];
	[tilespmem:s17+$0x3060 ss:$0x81] =	vst.msk $0xffff, v2;
	s20 =	sor.u32 s26, s20  }
0x12: {  	v60 =	vld [tilespmem:s18+$0x0];
	[tilespmem:s17+$0x0 ss:$0x81] =	vst.msk $0xffff, v0;
	s16 =	sadd.s32 s19, s16;
	s27 =	sshrl.u32 s20, $0x8  }
0x13: {  	v61 =	vld [tilespmem:s18+$0x10];
	[tilespmem:s16+$0x3870 ss:$0x81] =	vst.msk $0xffff, v1;
	s28 =	smulhi.u32 $0x1A36E3, s27  }
0x14: {  	v62 =	vld [tilespmem:s18+$0x20];
	[tilespmem:s16+$0x810 ss:$0x81] =	vst.msk $0xffff, v5  }
0x15: {  	v63 =	vld [tilespmem:s18+$0xFFFFFFC0];
	[tilespmem:s16+$0x1020 ss:$0x81] =	vst.msk $0xffff, v58;
	s29 =	sshrl.u32 s28, $0x6  }
0x16: {  	s30 =	sand.u32 $0x78, s13;
	s14 =	sand.u32 $0x80, s25;
	[tilespmem:s16+$0x1830 ss:$0x81] =	vst.msk $0xffff, v59;
	s18 =	smul.u32 $0x27100, s29  }
0x17: {  	s14 =	sor.u32 s30, s14;
	[tilespmem:s16+$0x2040 ss:$0x81] =	vst.msk $0xffff, v60  }
0x18: {  	s31 =	sand.u32 $0x7, s13;
	s14 =	sshrl.u32 s14, $0x3;
	[tilespmem:s16+$0x2850 ss:$0x81] =	vst.msk $0xffff, v61;
	s17 =	ssub.s32 s27, s18  }
0x19: {  	s13 =	sshll.u32 s31, $0x12;
	s14 =	sadd.s32 s3, s14;
	[tilespmem:s16+$0x3060 ss:$0x81] =	vst.msk $0xffff, v62;
	s17 =	sshll.u32 s17, $0x5  }
0x1a: {  	s13 =	sor.u32 $0x400, s13;
	[tilespmem:s16+$0x0 ss:$0x81] =	vst.msk $0xffff, v63;
	s14 =	sadd.s32 s17, s14  }
0x1b: {  	[hbm4b:s14+s13] =	stream.strided.scatter [tilespmem:s15], [sflag:$0x2], $0x4000, s9, s13, $0x20;
	[tilespmem:$0x10100] =	vst v63  }
.LBB1_5:
0x1c: {  	s15 =	sadd.s32 $0x800, s10  }
0x1d: {  	s13 =	sadd.s32 $0x100, s11;
	s17 =	smov.u32 s11;
	p2 =	sgt.s32 s15, $0x270FF  }
0x1e: {  	s17 =	smov.u32 @p2 s13  }
0x1f: {  	s15 =	smov.u32 @p2 s5;
	p2 =	sgt.s32 s17, $0xFF  }
0x20: {  	s17 =	smov.u32 @p2 s4;
	p2 =	sne.s32 s12, s8  }
.Ltmp1:
0x21: {  	p1 =	slt.u32 s12, $0x2;
	(pc) =	sbr.rel @!p2 .LBB1_6-.Ltmp1, $4  }
0x22: {  	s16 =	simm.s32 @!p1 $0x2  }
0x23: {  	s14 =	smov.u32 s10;
	p0 =	por !p0, !p0;
	_ =	swait.ge @!p1 [sflag:s16], $0x4000  }
0x24: {  	s13 =	smov.u32 s11;
	[sflag:s16] =	ssyncset.done @!p1 $0x0;
	s10 =	smov.u32 s15  }
0x25: {  	s12 =	sadd.s32 $0x1, s12;
	[sflag:s16] =	ssyncadd.s32 @!p1 $0xFFFFC000;
	s11 =	smov.u32 s17  }
.LBB1_1:
0x26: {  	p1 =	sge.u32 s12, s7  }
0x27: {  	s15 =	sshrl.u32 @!p1 s11, $0x3  }
0x28: {  	s16 =	sshll.u32 @!p1 s10, $0x3;
	s15 =	smul.u32 @!p1 $0x138800, s15  }
0x29: {  	s17 =	sshll.u32 @!p1 s11, $0x7;
	s16 =	sand.u32 @!p1 $0xFFFFFC00, s16  }
0x2a: {  	s15 =	sadd.s32 @!p1 s15, s16;
	s16 =	sand.u32 @!p1 $0x380, s17  }
0x2b: {  	s17 =	sand.u32 @!p1 $0x7F, s10;
	s15 =	sor.u32 @!p1 s16, s15  }
0x2c: {  	s16 =	sor.u32 @!p1 s17, s15  }
0x2d: {  	s17 =	smulhi.u32 @!p1 $0xD1B71759, s16;
	_ =	sdelay $0x1  }
0x2e: {  	s15 =	smulhi.u32 @!p1 $0xD1B71759, s15;
	s17 =	sshrl.u32 @!p1 s17, $0x11  }
0x2f: {  	s17 =	smul.u32 @!p1 $0x27100, s17  }
0x30: {  	s31 =	sadd.s32 $0xFFFFFFFF, s12;
	s18 =	sxor.u32 @!p1 $0xFFFFFFFF, s12;
	s15 =	sshrl.u32 @!p1 s15, $0x11  }
0x31: {  	s18 =	sshll.u32 @!p1 s18, $0xE;
	s15 =	sand.u32 @!p1 $0xFF, s15;
	s16 =	ssub.s32 @!p1 s16, s17  }
0x32: {  	s15 =	smul.u32 @!p1 $0x4E20, s15;
	s17 =	sshrl.u32 @!p1 s16, $0x3;
	s16 =	sand.u32 @!p1 $0x7, s16  }
0x33: {  	s18 =	sand.u32 @!p1 $0x4000, s18;
	s17 =	sadd.s32 @!p1 s2, s17;
	s16 =	sshll.u32 @!p1 s16, $0x12  }
0x34: {  	s15 =	sadd.s32 @!p1 s15, s17;
	s16 =	sor.u32 @!p1 $0x400, s16;
	s17 =	simm.s32 @!p1 $0x138800  }
0x35: {  	[tilespmem:s18], [sflag:$0x1] =	stream.strided.gather @!p1 [hbm4b:s15+s16], $0x4000, s17, s16, $0x38;
	[tilespmem:$0x10100] =	vst v63  }
0x36: {  	p1 =	sge.u32 s31, s7  }
.Ltmp2:
0x37: {  	_ = 	snop;
	(pc) =	sbr.rel @p1 .LBB1_5-.Ltmp2, $1  }
0x38: {  	_ =	sdelay $0x3  }
0x39: {  	s15 =	simm.s32 $0x1  }
0x3a: {  	_ =	swait.ge [sflag:s6], $0x4000;
	s15 =	simm.s32 @!p0 $0x0  }
0x3b: {  	[sflag:s6] =	ssyncset.done $0x0;
	s16 =	sshll.u32 s15, $0xE  }
0x3c: {  	[sflag:s6] =	ssyncadd.s32 $0xFFFFC000;
	s18 =	sor.u32 $0x40, s16  }
0x3d: {  	s15 =	smul.u32 $0x10200, s15;
	v0 =	vld [tilespmem:s18+$0x30]  }
0x3e: {  	v1 =	vld [tilespmem:s18+$0xFFFFFFD0]  }
0x3f: {  	s15 =	sshrl.u32 s15, $0x2;
	v5 =	vld [tilespmem:s18+$0xFFFFFFE0]  }
0x40: {  	v6 =	vld [tilespmem:s18+$0xFFFFFFF0];
	s16 =	sor.u32 $0x8000, s15  }
0x41: {  	s31 =	sand.u32 $0x1, s12;
	v4 =	vld [tilespmem:s18+$0x0];
	s17 =	sadd.s32 $0x0, s16  }
0x42: {  	v3 =	vld [tilespmem:s18+$0x10];
	s15 =	smul.u32 $0x10200, s31;
	[tilespmem:s17+$0x3870 ss:$0x81] =	vst.msk $0xffff, v0  }
0x43: {  	v2 =	vld [tilespmem:s18+$0x20];
	[tilespmem:s17+$0x810 ss:$0x81] =	vst.msk $0xffff, v1  }
0x44: {  	s15 =	sshrl.u32 s15, $0x2;
	v0 =	vld [tilespmem:s18+$0xFFFFFFC0];
	[tilespmem:s17+$0x1020 ss:$0x81] =	vst.msk $0xffff, v5;
	s18 =	sadd.s32 $0x80, s18  }
0x45: {  	s19 =	simm.s32 $0x4;
	s20 =	simm.s32 $0x8;
	s15 =	sor.u32 $0x8000, s15;
	[tilespmem:s17+$0x1830 ss:$0x81] =	vst.msk $0xffff, v6;
	v1 =	vld [tilespmem:s18+$0x30]  }
.LBB1_3:
0x46: {  	p1 =	sne.s32 s20, $0x1FC;
	v5 =	vld [tilespmem:s18+$0xFFFFFFD0];
	[tilespmem:s17+$0x2040 ss:$0x81] =	vst.msk $0xffff, v4  }
0x47: {  	v6 =	vld [tilespmem:s18+$0xFFFFFFE0];
	[tilespmem:s17+$0x2850 ss:$0x81] =	vst.msk $0xffff, v3  }
0x48: {  	s21 =	sshra.s32 s19, $0x2;
	s19 =	smov.u32 s20;
	v7 =	vld [tilespmem:s18+$0xFFFFFFF0];
	[tilespmem:s17+$0x3060 ss:$0x81] =	vst.msk $0xffff, v2  }
.Ltmp3:
0x49: {  	v4 =	vld [tilespmem:s18+$0x0];
	[tilespmem:s17+$0x0 ss:$0x81] =	vst.msk $0xffff, v0;
	s17 =	sadd.s32 s21, s16;
	(pc) =	sbr.rel @p1 .LBB1_3-.Ltmp3, $4  }
0x4a: {  	v3 =	vld [tilespmem:s18+$0x10];
	[tilespmem:s17+$0x3870 ss:$0x81] =	vst.msk $0xffff, v1  }
0x4b: {  	[tilespmem:s17+$0x810 ss:$0x81] =	vst.msk $0xffff, v5;
	v2 =	vld [tilespmem:s18+$0x20]  }
0x4c: {  	v0 =	vld [tilespmem:s18+$0xFFFFFFC0];
	[tilespmem:s17+$0x1020 ss:$0x81] =	vst.msk $0xffff, v6;
	s18 =	sadd.s32 $0x80, s18  }
0x4d: {  	s20 =	sadd.s32 $0x4, s20;
	v1 =	vld [tilespmem:s18+$0x30];
	[tilespmem:s17+$0x1830 ss:$0x81] =	vst.msk $0xffff, v7  }
.Ltmp4:
0x4e: {  	_ = 	snop;
	(pc) =	sbr.rel .LBB1_4-.Ltmp4, $1  }
0x4f: {  	_ =	sdelay $0x3  }
.LBB1_6:
0x50: {  	_ =	sfence.sel $0x180000  }
0x51: {  	s2 =	simm.s32 $0x1;
	[bflag:$0x0] =	sbarrier.arrive $0xFFFF  }
0x52: {  	s31 =	simm.s32 $0x2;
	[sflag:s2] =	ssyncpa.u1 $0x1  }
0x53: {  	[sflag:s31] =	ssyncpa.u1 $0x1  }
0x54: {  	p0 =	sne.s32 s0, $0x0;
	_ =	strace $0x90000056  }
0x55: {  	s0 =	sadd.s32 @!p0 $0x100000, s1;
	[bflag:$0x2] =	sbarrier.arrive $0xFFFF  }
0x56: {  	[sflag:s0] =	ssyncadd.tile.s32 @!p0 $0x1;
	_ =	shalt  }
.Lfunc_end1:
_tile_overlayer_lowered:
.L_overlay_start_2:
0x57: {  	(tag) =	ssettag $0x2  }
0x58: {  	s0 =	rddreg [dreg:$0x0];
	s2 =	stileid.u32  }
0x59: {  	s1 =	rddreg [dreg:$0x1];
	p0 =	sne.s32 s2, $0x0  }
0x5a: {  	s3 =	rddreg [dreg:$0x2];
	[bflag:$0x3] =	sbarrier.arrive $0xFFFF;
	s2 =	simm.s32 @!p0 $0x1C01  }
0x5b: {  	[timem:s3], [sflag:s2] =	dma.local @!p0 [hbm:s0], s1  }
0x5c: {  	s0 =	simm.s32 @!p0 $0x1  }
0x5d: {  	_ =	swait.ge @!p0 [sflag:s0], s1  }
0x5e: {  	s1 =	ssub.s32 @!p0 $0x0, s1;
	[sflag:s0] =	ssyncset.done @!p0 $0x0  }
0x5f: {  	[sflag:s0] =	ssyncadd.s32 @!p0 s1  }
0x60: {  	[bflag:$0x3] =	sbarrier.arrive $0xFFFF  }
0x61: {  	_ =	shalt  }

</sc_bundles>
